<compile_context>
chip_gen: v7x
topology: tpu7x:2x2x1
jax: 0.10.2.dev20260603
libtpu: 0.0.44.dev20260713+nightly
codegen_flags: <defaults>
</compile_context>

<pallas_src>
import functools
import math

import jax
import jax.numpy as jnp
import ml_dtypes
import numpy as np
from jax import lax
from jax.experimental import pallas as pl
from jax.experimental.pallas import tpu as pltpu
from jax.experimental.pallas import tpu_sc as plsc

VOCAB = 100000
D_MODEL = 128
SEQ = 2048
BATCH = 32
SCALE = math.sqrt(float(D_MODEL))

_NC = 2
_NS = 16
_NW = _NC * _NS
_LANES = 16

_NSW = 16
_SL = SEQ // _NSW
_NBH = 2
_BH = BATCH // _NBH
_NBUF = 3
_PW = D_MODEL // 32

_GROUPS = [(0, 2), (2, 2), (4, 2), (6, 2), (8, 2), (10, 2), (12, 2),
           (14, 1), (15, 1)]
_GMAX = 2


def _positional_encoding(length, depth):
    depth = depth / 2
    positions = np.arange(length)[:, np.newaxis]
    depths = np.arange(depth)[np.newaxis, :] / depth
    angle_rates = 1 / 10000 ** depths
    angle_rads = positions * angle_rates
    return np.concatenate(
        [np.sin(angle_rads), np.cos(angle_rads)], axis=-1
    ).astype(np.float32)


def _packed_pos():
    pos = _positional_encoding(SEQ, D_MODEL)
    b = pos.astype(ml_dtypes.bfloat16).view(np.uint16).astype(np.uint32)
    b = b.reshape(SEQ, _PW, 2, _LANES)
    words = b[:, :, 0, :] | (b[:, :, 1, :] << 16)
    return words.reshape(SEQ, _PW * _LANES).astype(np.int32)


_POS_PACKED = _packed_pos()


@functools.partial(
    pl.kernel,
    out_type=jax.ShapeDtypeStruct((BATCH, SEQ, D_MODEL), jnp.float32),
    mesh=plsc.VectorSubcoreMesh(core_axis_name="c", subcore_axis_name="s"),
    scratch_types=[
        pltpu.VMEM((_BH, _SL), jnp.int32),
        pltpu.VMEM((_SL, _PW * _LANES), jnp.int32),
        pltpu.VMEM((_NBUF, _GMAX, _SL, D_MODEL), jnp.float32),
        [pltpu.SemaphoreType.DMA] * _NBUF,
        [pltpu.SemaphoreType.DMA] * _NBUF,
        pltpu.SemaphoreType.DMA,
        pltpu.SemaphoreType.DMA,
    ],
)
def _sc_embed(x_hbm, pos_hbm, table_hbm, out_hbm,
              idx_v, pos_v, rows_v, gsems, wsems, isem, psem):
    wid = lax.axis_index("s") * _NC + lax.axis_index("c")
    ws = wid % _NSW
    bh = wid // _NSW
    s0 = ws * _SL
    b0 = bh * _BH

    _BH0 = 8
    idx_c1 = pltpu.async_copy(
        x_hbm.at[pl.ds(b0, _BH0), pl.ds(s0, _SL)],
        idx_v.at[pl.ds(0, _BH0)], isem)
    idx_c2 = pltpu.async_copy(
        x_hbm.at[pl.ds(b0 + _BH0, _BH - _BH0), pl.ds(s0, _SL)],
        idx_v.at[pl.ds(_BH0, _BH - _BH0)], isem)
    pos_c = pltpu.async_copy(pos_hbm.at[pl.ds(s0, _SL), :], pos_v, psem)

    def start_gather(g, buf):
        boff, size = _GROUPS[g]
        return [
            pltpu.async_copy(
                table_hbm.at[idx_v.at[boff + j]], rows_v.at[buf, j],
                gsems[buf])
            for j in range(size)
        ]

    def start_write(g, buf):
        boff, size = _GROUPS[g]
        return pltpu.async_copy(
            rows_v.at[buf, pl.ds(0, size)],
            out_hbm.at[pl.ds(b0 + boff, size), pl.ds(s0, _SL), :],
            wsems[buf])

    def compute(g, buf):
        size = _GROUPS[g][1]

        def s_body(s, carry):
            shift16 = jnp.full((_LANES,), 16, jnp.int32)
            mask_hi = jnp.full((_LANES,), -65536, jnp.int32)
            for c in range(_PW):
                v = pos_v[s, pl.ds(c * _LANES, _LANES)]
                plo = lax.bitcast_convert_type(
                    lax.shift_left(v, shift16), jnp.float32)
                phi = lax.bitcast_convert_type(
                    lax.bitwise_and(v, mask_hi), jnp.float32)
                for h, p in ((0, plo), (1, phi)):
                    sl = pl.ds(c * 32 + h * _LANES, _LANES)
                    for j in range(size):
                        rows_v[buf, j, s, sl] = (
                            rows_v[buf, j, s, sl] * SCALE + p)
            return carry

        lax.fori_loop(0, _SL, s_body, 0)

    writes = [None] * _NBUF
    gathers = [None] * _NBUF
    idx_c1.wait()
    for g in range(_NBUF - 1):
        gathers[g] = start_gather(g, g)
    idx_c2.wait()
    pos_c.wait()
    for g in range(len(_GROUPS)):
        cur = g % _NBUF
        pre = g + _NBUF - 1
        if pre < len(_GROUPS):
            pbuf = pre % _NBUF
            if writes[pbuf] is not None:
                writes[pbuf].wait()
                writes[pbuf] = None
            gathers[pbuf] = start_gather(pre, pbuf)
        for c in gathers[cur]:
            c.wait()
        compute(g, cur)
        writes[cur] = start_write(g, cur)
    for w in writes:
        if w is not None:
            w.wait()


def kernel(x, table):
    if x.dtype != jnp.int32:
        x = x.astype(jnp.int32)
    return _sc_embed(x, jnp.asarray(_POS_PACKED), table)

# --- scband reference (transcript-rebuilt; emitter-appended) ---
"""Pipeline reference for scband-positional-embedding-395136991864 (READ-ONLY COPY).

The authoritative reference and input builder live on the scoring server;
editing this copy changes nothing except your own understanding.
"""

import jax, jax.numpy as jnp
import numpy as np

VOCAB = 100000
D_MODEL = 128
SEQ = 2048
BATCH = 32


def positional_encoding(length, depth):
    depth = depth / 2
    positions = np.arange(length)[:, np.newaxis]
    depths = np.arange(depth)[np.newaxis, :] / depth
    angle_rates = 1 / 10000 ** depths
    angle_rads = positions * angle_rates
    pos = np.concatenate([np.sin(angle_rads), np.cos(angle_rads)], axis=-1)
    return jnp.asarray(pos, dtype=jnp.float32)


POS_ENCODING = positional_encoding(2048, D_MODEL)


def setup_inputs(seed: int = 0) -> dict:
    key = jax.random.key(seed)
    k1, k2 = jax.random.split(key)
    x = jax.random.randint(k1, (BATCH, SEQ), 0, VOCAB)
    table = jax.random.normal(k2, (VOCAB, D_MODEL), dtype=jnp.float32) * 0.02
    return {"x": x, "table": table}


def reference(x, table):
    # Faithful translation of PositionalEmbedding.call:
    #   emb = Embedding(vocab, d_model)(x)
    #   emb *= sqrt(d_model)
    #   emb += pos_encoding[None, :length, :]
    # (mask_zero only affects mask propagation in keras, not the forward values)
    length = x.shape[1]
    emb = jnp.take(table, x, axis=0)
    emb = emb * jnp.sqrt(jnp.asarray(D_MODEL, dtype=jnp.float32))
    out = emb + POS_ENCODING[jnp.newaxis, :length, :]
    return out

if __name__ == "__main__":
    import jax
    _d = setup_inputs()
    print(jax.jit(kernel)(*tuple(_d.values())))

</pallas_src>

<mosaic_0001>
#map = affine_map<(d0, d1) -> (0, 0)>
#map1 = affine_map<(d0, d1) -> (0, 0, 0)>
module attributes {stable_mosaic.version = 14 : i64} {
  func.func @_sc_embed(%arg0: i32, %arg1: i32, %arg2: memref<32x2048xi32, #tpu.memory_space<hbm>>, %arg3: memref<2048x64xi32, #tpu.memory_space<hbm>>, %arg4: memref<100000x128xf32, #tpu.memory_space<hbm>>, %arg5: memref<32x2048x128xf32, #tpu.memory_space<hbm>>, %arg6: memref<16x128xi32, #tpu.memory_space<vmem>>, %arg7: memref<128x64xi32, #tpu.memory_space<vmem>>, %arg8: memref<3x2x128x128xf32, #tpu.memory_space<vmem>>, %arg9: memref<!tpu.dma_semaphore, #tpu.memory_space<semaphore_mem>>, %arg10: memref<!tpu.dma_semaphore, #tpu.memory_space<semaphore_mem>>, %arg11: memref<!tpu.dma_semaphore, #tpu.memory_space<semaphore_mem>>, %arg12: memref<!tpu.dma_semaphore, #tpu.memory_space<semaphore_mem>>, %arg13: memref<!tpu.dma_semaphore, #tpu.memory_space<semaphore_mem>>, %arg14: memref<!tpu.dma_semaphore, #tpu.memory_space<semaphore_mem>>, %arg15: memref<!tpu.dma_semaphore, #tpu.memory_space<semaphore_mem>>, %arg16: memref<!tpu.dma_semaphore, #tpu.memory_space<semaphore_mem>>) attributes {dimension_semantics = [#tpu.dimension_semantics<core_parallel>, #tpu.dimension_semantics<subcore_parallel>], iteration_bounds = array<i64: 2, 16>, scalar_prefetch = 0 : i64, scratch_operands = 11 : i64, tpu.core_type = #tpu.core_type<sc_vector_subcore>, window_params = [{transform_indices = #map}, {transform_indices = #map}, {transform_indices = #map}, {transform_indices = #map1}]} {
    %mul3A = arith.constant 2 : i32
    %mul3A_0 = arith.muli %arg1, %mul3A : i32
    %add3A = arith.addi %mul3A_0, %arg0 : i32
    %jit3A = arith.constant 16 : i32
    %eq3A = arith.constant 0 : i32
    %eq3A_1 = arith.cmpi eq, %jit3A, %eq3A : i32
    %jit3A_2 = arith.constant 1 : i32
    %select_n3A = arith.select %eq3A_1, %jit3A_2, %jit3A : i32
    %rem3A = arith.remsi %add3A, %select_n3A : i32
    %ne3A = arith.constant 0 : i32
    %ne3A_3 = arith.cmpi ne, %rem3A, %ne3A : i32
    %lt3A = arith.constant 0 : i32
    %lt3A_4 = arith.cmpi slt, %rem3A, %lt3A : i32
    %lt3A_5 = arith.constant 0 : i32
    %lt3A_6 = arith.cmpi slt, %select_n3A, %lt3A_5 : i32
    %ne3A_7 = arith.xori %lt3A_4, %lt3A_6 : i1
    %and3A = arith.andi %ne3A_7, %ne3A_3 : i1
    %add3A_8 = arith.addi %rem3A, %select_n3A : i32
    %select_n3A_9 = arith.select %and3A, %add3A_8, %rem3A : i32
    %jit3A_10 = arith.constant 16 : i32
    %div3A = arith.divsi %add3A, %jit3A_10 : i32
    %sign3A = arith.constant 0 : i32
    %sign3A_11 = arith.cmpi sgt, %add3A, %sign3A : i32
    %sign3A_12 = arith.extui %sign3A_11 : i1 to i32
    %sign3A_13 = arith.constant 0 : i32
    %sign3A_14 = arith.cmpi slt, %add3A, %sign3A_13 : i32
    %sign3A_15 = arith.extui %sign3A_14 : i1 to i32
    %sign3A_16 = arith.subi %sign3A_12, %sign3A_15 : i32
    %sign3A_17 = arith.constant 0 : i32
    %sign3A_18 = arith.cmpi sgt, %jit3A_10, %sign3A_17 : i32
    %sign3A_19 = arith.extui %sign3A_18 : i1 to i32
    %sign3A_20 = arith.constant 0 : i32
    %sign3A_21 = arith.cmpi slt, %jit3A_10, %sign3A_20 : i32
    %sign3A_22 = arith.extui %sign3A_21 : i1 to i32
    %sign3A_23 = arith.subi %sign3A_19, %sign3A_22 : i32
    %ne3A_24 = arith.cmpi ne, %sign3A_16, %sign3A_23 : i32
    %rem3A_25 = arith.remsi %add3A, %jit3A_10 : i32
    %ne3A_26 = arith.constant 0 : i32
    %ne3A_27 = arith.cmpi ne, %rem3A_25, %ne3A_26 : i32
    %and3A_28 = arith.andi %ne3A_24, %ne3A_27 : i1
    %sub3A = arith.constant 1 : i32
    %sub3A_29 = arith.subi %div3A, %sub3A : i32
    %select_n3A_30 = arith.select %and3A_28, %sub3A_29, %div3A : i32
    %mul3A_31 = arith.constant 128 : i32
    %mul3A_32 = arith.muli %select_n3A_9, %mul3A_31 : i32
    %mul3A_33 = arith.constant 16 : i32
    %mul3A_34 = arith.muli %select_n3A_30, %mul3A_33 : i32
    %dma_start3A = arith.constant 0 : i32
    %dma_start3A_35 = arith.constant 0 : i32
    %dma_start3A_36 = tpu.memref_slice %arg6[%dma_start3A, %dma_start3A_35] : memref<16x128xi32, #tpu.memory_space<vmem>> -> memref<8x128xi32, #tpu.memory_space<vmem>>
    %dma_start3A_37 = tpu.memref_slice %arg2[%mul3A_34, %mul3A_32] : memref<32x2048xi32, #tpu.memory_space<hbm>> -> memref<8x128xi32, #tpu.memory_space<hbm>>
    %dma_start3A_38 = arith.constant 0 : i32
    %dma_start3A_39 = arith.constant 0 : i32
    %dma_start3A_40 = tpu.memref_slice %arg6[%dma_start3A_38, %dma_start3A_39] : memref<16x128xi32, #tpu.memory_space<vmem>> -> memref<8x128xi32, #tpu.memory_space<vmem>>
    %dma_start3A_41 = tpu.memref_slice %arg2[%mul3A_34, %mul3A_32] : memref<32x2048xi32, #tpu.memory_space<hbm>> -> memref<8x128xi32, #tpu.memory_space<hbm>>
    tpu.enqueue_dma source(%dma_start3A_41 : memref<8x128xi32, #tpu.memory_space<hbm>>) target(%dma_start3A_40 : memref<8x128xi32, #tpu.memory_space<vmem>>) target_semaphore(%arg15 : memref<!tpu.dma_semaphore, #tpu.memory_space<semaphore_mem>>)
    %add3A_42 = arith.constant 8 : i32
    %add3A_43 = arith.addi %mul3A_34, %add3A_42 : i32
    %dma_start3A_44 = arith.constant 8 : i32
    %dma_start3A_45 = arith.constant 0 : i32
    %dma_start3A_46 = tpu.memref_slice %arg6[%dma_start3A_44, %dma_start3A_45] : memref<16x128xi32, #tpu.memory_space<vmem>> -> memref<8x128xi32, #tpu.memory_space<vmem>>
    %dma_start3A_47 = tpu.memref_slice %arg2[%add3A_43, %mul3A_32] : memref<32x2048xi32, #tpu.memory_space<hbm>> -> memref<8x128xi32, #tpu.memory_space<hbm>>
    %dma_start3A_48 = arith.constant 8 : i32
    %dma_start3A_49 = arith.constant 0 : i32
    %dma_start3A_50 = tpu.memref_slice %arg6[%dma_start3A_48, %dma_start3A_49] : memref<16x128xi32, #tpu.memory_space<vmem>> -> memref<8x128xi32, #tpu.memory_space<vmem>>
    %dma_start3A_51 = tpu.memref_slice %arg2[%add3A_43, %mul3A_32] : memref<32x2048xi32, #tpu.memory_space<hbm>> -> memref<8x128xi32, #tpu.memory_space<hbm>>
    tpu.enqueue_dma source(%dma_start3A_51 : memref<8x128xi32, #tpu.memory_space<hbm>>) target(%dma_start3A_50 : memref<8x128xi32, #tpu.memory_space<vmem>>) target_semaphore(%arg15 : memref<!tpu.dma_semaphore, #tpu.memory_space<semaphore_mem>>)
    %dma_start3A_52 = arith.constant 0 : i32
    %dma_start3A_53 = tpu.memref_slice %arg3[%mul3A_32, %dma_start3A_52] : memref<2048x64xi32, #tpu.memory_space<hbm>> -> memref<128x64xi32, #tpu.memory_space<hbm>>
    %dma_start3A_54 = arith.constant 0 : i32
    %dma_start3A_55 = tpu.memref_slice %arg3[%mul3A_32, %dma_start3A_54] : memref<2048x64xi32, #tpu.memory_space<hbm>> -> memref<128x64xi32, #tpu.memory_space<hbm>>
    tpu.enqueue_dma source(%dma_start3A_55 : memref<128x64xi32, #tpu.memory_space<hbm>>) target(%arg7 : memref<128x64xi32, #tpu.memory_space<vmem>>) target_semaphore(%arg16 : memref<!tpu.dma_semaphore, #tpu.memory_space<semaphore_mem>>)
    %dma_wait3A = arith.constant 0 : i32
    %dma_wait3A_56 = arith.constant 0 : i32
    %dma_wait3A_57 = tpu.memref_slice %arg6[%dma_wait3A, %dma_wait3A_56] : memref<16x128xi32, #tpu.memory_space<vmem>> -> memref<8x128xi32, #tpu.memory_space<vmem>>
    %dma_wait3A_58 = tpu.memref_slice %arg2[%mul3A_34, %mul3A_32] : memref<32x2048xi32, #tpu.memory_space<hbm>> -> memref<8x128xi32, #tpu.memory_space<hbm>>
    %dma_wait3A_59 = arith.constant 0 : i32
    %dma_wait3A_60 = arith.constant 0 : i32
    %dma_wait3A_61 = tpu.memref_slice %arg6[%dma_wait3A_59, %dma_wait3A_60] : memref<16x128xi32, #tpu.memory_space<vmem>> -> memref<8x128xi32, #tpu.memory_space<vmem>>
    %dma_wait3A_62 = tpu.memref_slice %arg2[%mul3A_34, %mul3A_32] : memref<32x2048xi32, #tpu.memory_space<hbm>> -> memref<8x128xi32, #tpu.memory_space<hbm>>
    tpu.wait_dma2 semaphore(%arg15 : memref<!tpu.dma_semaphore, #tpu.memory_space<semaphore_mem>>) src(%dma_wait3A_62 : memref<8x128xi32, #tpu.memory_space<hbm>>) dst(%dma_wait3A_61 : memref<8x128xi32, #tpu.memory_space<vmem>>)
    %dma_start3A_63 = arith.constant 0 : i32
    %dma_start3A_64 = arith.constant 0 : i32
    %dma_start3A_65 = arith.constant 0 : i32
    %dma_start3A_66 = arith.constant 0 : i32
    %dma_start3A_67 = arith.constant 0 : i32
    %dma_start3A_68 = tpu.memref_slice %arg8[%dma_start3A_64, %dma_start3A_65, %dma_start3A_66, %dma_start3A_67] : memref<3x2x128x128xf32, #tpu.memory_space<vmem>> -> memref<1x1x128x128xf32, #tpu.memory_space<vmem>>
    %dma_start3A_69 = tpu.memref_squeeze %dma_start3A_68 : memref<1x1x128x128xf32, #tpu.memory_space<vmem>> -> memref<128x128xf32, #tpu.memory_space<vmem>>
    %dma_start3A_70 = arith.constant 0 : i32
    %dma_start3A_71 = tpu.memref_slice %arg6[%dma_start3A_63, %dma_start3A_70] : memref<16x128xi32, #tpu.memory_space<vmem>> -> memref<1x128xi32, #tpu.memory_space<vmem>>
    %dma_start3A_72 = tpu.memref_squeeze %dma_start3A_71 : memref<1x128xi32, #tpu.memory_space<vmem>> -> memref<128xi32, #tpu.memory_space<vmem>>
    %dma_start3A_73 = arith.constant 0 : i32
    %dma_start3A_74 = arith.constant 0 : i32
    %dma_start3A_75 = tpu.memref_slice %arg4[%dma_start3A_73, %dma_start3A_74] : memref<100000x128xf32, #tpu.memory_space<hbm>> -> memref<100000x128xf32, #tpu.memory_space<hbm>>
    tpu.enqueue_indirect_dma source(%dma_start3A_75 : memref<100000x128xf32, #tpu.memory_space<hbm>>) target(%dma_start3A_69 : memref<128x128xf32, #tpu.memory_space<vmem>>) offsets(%dma_start3A_72 : memref<128xi32, #tpu.memory_space<vmem>>) semaphore(%arg9 : memref<!tpu.dma_semaphore, #tpu.memory_space<semaphore_mem>>)
    %dma_start3A_76 = arith.constant 1 : i32
    %dma_start3A_77 = arith.constant 0 : i32
    %dma_start3A_78 = arith.constant 1 : i32
    %dma_start3A_79 = arith.constant 0 : i32
    %dma_start3A_80 = arith.constant 0 : i32
    %dma_start3A_81 = tpu.memref_slice %arg8[%dma_start3A_77, %dma_start3A_78, %dma_start3A_79, %dma_start3A_80] : memref<3x2x128x128xf32, #tpu.memory_space<vmem>> -> memref<1x1x128x128xf32, #tpu.memory_space<vmem>>
    %dma_start3A_82 = tpu.memref_squeeze %dma_start3A_81 : memref<1x1x128x128xf32, #tpu.memory_space<vmem>> -> memref<128x128xf32, #tpu.memory_space<vmem>>
    %dma_start3A_83 = arith.constant 0 : i32
    %dma_start3A_84 = tpu.memref_slice %arg6[%dma_start3A_76, %dma_start3A_83] : memref<16x128xi32, #tpu.memory_space<vmem>> -> memref<1x128xi32, #tpu.memory_space<vmem>>
    %dma_start3A_85 = tpu.memref_squeeze %dma_start3A_84 : memref<1x128xi32, #tpu.memory_space<vmem>> -> memref<128xi32, #tpu.memory_space<vmem>>
    %dma_start3A_86 = arith.constant 0 : i32
    %dma_start3A_87 = arith.constant 0 : i32
    %dma_start3A_88 = tpu.memref_slice %arg4[%dma_start3A_86, %dma_start3A_87] : memref<100000x128xf32, #tpu.memory_space<hbm>> -> memref<100000x128xf32, #tpu.memory_space<hbm>>
    tpu.enqueue_indirect_dma source(%dma_start3A_88 : memref<100000x128xf32, #tpu.memory_space<hbm>>) target(%dma_start3A_82 : memref<128x128xf32, #tpu.memory_space<vmem>>) offsets(%dma_start3A_85 : memref<128xi32, #tpu.memory_space<vmem>>) semaphore(%arg9 : memref<!tpu.dma_semaphore, #tpu.memory_space<semaphore_mem>>)
    %dma_start3A_89 = arith.constant 2 : i32
    %dma_start3A_90 = arith.constant 1 : i32
    %dma_start3A_91 = arith.constant 0 : i32
    %dma_start3A_92 = arith.constant 0 : i32
    %dma_start3A_93 = arith.constant 0 : i32
    %dma_start3A_94 = tpu.memref_slice %arg8[%dma_start3A_90, %dma_start3A_91, %dma_start3A_92, %dma_start3A_93] : memref<3x2x128x128xf32, #tpu.memory_space<vmem>> -> memref<1x1x128x128xf32, #tpu.memory_space<vmem>>
    %dma_start3A_95 = tpu.memref_squeeze %dma_start3A_94 : memref<1x1x128x128xf32, #tpu.memory_space<vmem>> -> memref<128x128xf32, #tpu.memory_space<vmem>>
    %dma_start3A_96 = arith.constant 0 : i32
    %dma_start3A_97 = tpu.memref_slice %arg6[%dma_start3A_89, %dma_start3A_96] : memref<16x128xi32, #tpu.memory_space<vmem>> -> memref<1x128xi32, #tpu.memory_space<vmem>>
    %dma_start3A_98 = tpu.memref_squeeze %dma_start3A_97 : memref<1x128xi32, #tpu.memory_space<vmem>> -> memref<128xi32, #tpu.memory_space<vmem>>
    %dma_start3A_99 = arith.constant 0 : i32
    %dma_start3A_100 = arith.constant 0 : i32
    %dma_start3A_101 = tpu.memref_slice %arg4[%dma_start3A_99, %dma_start3A_100] : memref<100000x128xf32, #tpu.memory_space<hbm>> -> memref<100000x128xf32, #tpu.memory_space<hbm>>
    tpu.enqueue_indirect_dma source(%dma_start3A_101 : memref<100000x128xf32, #tpu.memory_space<hbm>>) target(%dma_start3A_95 : memref<128x128xf32, #tpu.memory_space<vmem>>) offsets(%dma_start3A_98 : memref<128xi32, #tpu.memory_space<vmem>>) semaphore(%arg10 : memref<!tpu.dma_semaphore, #tpu.memory_space<semaphore_mem>>)
    %dma_start3A_102 = arith.constant 3 : i32
    %dma_start3A_103 = arith.constant 1 : i32
    %dma_start3A_104 = arith.constant 1 : i32
    %dma_start3A_105 = arith.constant 0 : i32
    %dma_start3A_106 = arith.constant 0 : i32
    %dma_start3A_107 = tpu.memref_slice %arg8[%dma_start3A_103, %dma_start3A_104, %dma_start3A_105, %dma_start3A_106] : memref<3x2x128x128xf32, #tpu.memory_space<vmem>> -> memref<1x1x128x128xf32, #tpu.memory_space<vmem>>
    %dma_start3A_108 = tpu.memref_squeeze %dma_start3A_107 : memref<1x1x128x128xf32, #tpu.memory_space<vmem>> -> memref<128x128xf32, #tpu.memory_space<vmem>>
    %dma_start3A_109 = arith.constant 0 : i32
    %dma_start3A_110 = tpu.memref_slice %arg6[%dma_start3A_102, %dma_start3A_109] : memref<16x128xi32, #tpu.memory_space<vmem>> -> memref<1x128xi32, #tpu.memory_space<vmem>>
    %dma_start3A_111 = tpu.memref_squeeze %dma_start3A_110 : memref<1x128xi32, #tpu.memory_space<vmem>> -> memref<128xi32, #tpu.memory_space<vmem>>
    %dma_start3A_112 = arith.constant 0 : i32
    %dma_start3A_113 = arith.constant 0 : i32
    %dma_start3A_114 = tpu.memref_slice %arg4[%dma_start3A_112, %dma_start3A_113] : memref<100000x128xf32, #tpu.memory_space<hbm>> -> memref<100000x128xf32, #tpu.memory_space<hbm>>
    tpu.enqueue_indirect_dma source(%dma_start3A_114 : memref<100000x128xf32, #tpu.memory_space<hbm>>) target(%dma_start3A_108 : memref<128x128xf32, #tpu.memory_space<vmem>>) offsets(%dma_start3A_111 : memref<128xi32, #tpu.memory_space<vmem>>) semaphore(%arg10 : memref<!tpu.dma_semaphore, #tpu.memory_space<semaphore_mem>>)
    %dma_wait3A_115 = arith.constant 8 : i32
    %dma_wait3A_116 = arith.constant 0 : i32
    %dma_wait3A_117 = tpu.memref_slice %arg6[%dma_wait3A_115, %dma_wait3A_116] : memref<16x128xi32, #tpu.memory_space<vmem>> -> memref<8x128xi32, #tpu.memory_space<vmem>>
    %dma_wait3A_118 = tpu.memref_slice %arg2[%add3A_43, %mul3A_32] : memref<32x2048xi32, #tpu.memory_space<hbm>> -> memref<8x128xi32, #tpu.memory_space<hbm>>
    %dma_wait3A_119 = arith.constant 8 : i32
    %dma_wait3A_120 = arith.constant 0 : i32
    %dma_wait3A_121 = tpu.memref_slice %arg6[%dma_wait3A_119, %dma_wait3A_120] : memref<16x128xi32, #tpu.memory_space<vmem>> -> memref<8x128xi32, #tpu.memory_space<vmem>>
    %dma_wait3A_122 = tpu.memref_slice %arg2[%add3A_43, %mul3A_32] : memref<32x2048xi32, #tpu.memory_space<hbm>> -> memref<8x128xi32, #tpu.memory_space<hbm>>
    tpu.wait_dma2 semaphore(%arg15 : memref<!tpu.dma_semaphore, #tpu.memory_space<semaphore_mem>>) src(%dma_wait3A_122 : memref<8x128xi32, #tpu.memory_space<hbm>>) dst(%dma_wait3A_121 : memref<8x128xi32, #tpu.memory_space<vmem>>)
    %dma_wait3A_123 = arith.constant 0 : i32
    %dma_wait3A_124 = tpu.memref_slice %arg3[%mul3A_32, %dma_wait3A_123] : memref<2048x64xi32, #tpu.memory_space<hbm>> -> memref<128x64xi32, #tpu.memory_space<hbm>>
    %dma_wait3A_125 = arith.constant 0 : i32
    %dma_wait3A_126 = tpu.memref_slice %arg3[%mul3A_32, %dma_wait3A_125] : memref<2048x64xi32, #tpu.memory_space<hbm>> -> memref<128x64xi32, #tpu.memory_space<hbm>>
    tpu.wait_dma2 semaphore(%arg16 : memref<!tpu.dma_semaphore, #tpu.memory_space<semaphore_mem>>) src(%dma_wait3A_126 : memref<128x64xi32, #tpu.memory_space<hbm>>) dst(%arg7 : memref<128x64xi32, #tpu.memory_space<vmem>>)
    %dma_start3A_127 = arith.constant 4 : i32
    %dma_start3A_128 = arith.constant 2 : i32
    %dma_start3A_129 = arith.constant 0 : i32
    %dma_start3A_130 = arith.constant 0 : i32
    %dma_start3A_131 = arith.constant 0 : i32
    %dma_start3A_132 = tpu.memref_slice %arg8[%dma_start3A_128, %dma_start3A_129, %dma_start3A_130, %dma_start3A_131] : memref<3x2x128x128xf32, #tpu.memory_space<vmem>> -> memref<1x1x128x128xf32, #tpu.memory_space<vmem>>
    %dma_start3A_133 = tpu.memref_squeeze %dma_start3A_132 : memref<1x1x128x128xf32, #tpu.memory_space<vmem>> -> memref<128x128xf32, #tpu.memory_space<vmem>>
    %dma_start3A_134 = arith.constant 0 : i32
    %dma_start3A_135 = tpu.memref_slice %arg6[%dma_start3A_127, %dma_start3A_134] : memref<16x128xi32, #tpu.memory_space<vmem>> -> memref<1x128xi32, #tpu.memory_space<vmem>>
    %dma_start3A_136 = tpu.memref_squeeze %dma_start3A_135 : memref<1x128xi32, #tpu.memory_space<vmem>> -> memref<128xi32, #tpu.memory_space<vmem>>
    %dma_start3A_137 = arith.constant 0 : i32
    %dma_start3A_138 = arith.constant 0 : i32
    %dma_start3A_139 = tpu.memref_slice %arg4[%dma_start3A_137, %dma_start3A_138] : memref<100000x128xf32, #tpu.memory_space<hbm>> -> memref<100000x128xf32, #tpu.memory_space<hbm>>
    tpu.enqueue_indirect_dma source(%dma_start3A_139 : memref<100000x128xf32, #tpu.memory_space<hbm>>) target(%dma_start3A_133 : memref<128x128xf32, #tpu.memory_space<vmem>>) offsets(%dma_start3A_136 : memref<128xi32, #tpu.memory_space<vmem>>) semaphore(%arg11 : memref<!tpu.dma_semaphore, #tpu.memory_space<semaphore_mem>>)
    %dma_start3A_140 = arith.constant 5 : i32
    %dma_start3A_141 = arith.constant 2 : i32
    %dma_start3A_142 = arith.constant 1 : i32
    %dma_start3A_143 = arith.constant 0 : i32
    %dma_start3A_144 = arith.constant 0 : i32
    %dma_start3A_145 = tpu.memref_slice %arg8[%dma_start3A_141, %dma_start3A_142, %dma_start3A_143, %dma_start3A_144] : memref<3x2x128x128xf32, #tpu.memory_space<vmem>> -> memref<1x1x128x128xf32, #tpu.memory_space<vmem>>
    %dma_start3A_146 = tpu.memref_squeeze %dma_start3A_145 : memref<1x1x128x128xf32, #tpu.memory_space<vmem>> -> memref<128x128xf32, #tpu.memory_space<vmem>>
    %dma_start3A_147 = arith.constant 0 : i32
    %dma_start3A_148 = tpu.memref_slice %arg6[%dma_start3A_140, %dma_start3A_147] : memref<16x128xi32, #tpu.memory_space<vmem>> -> memref<1x128xi32, #tpu.memory_space<vmem>>
    %dma_start3A_149 = tpu.memref_squeeze %dma_start3A_148 : memref<1x128xi32, #tpu.memory_space<vmem>> -> memref<128xi32, #tpu.memory_space<vmem>>
    %dma_start3A_150 = arith.constant 0 : i32
    %dma_start3A_151 = arith.constant 0 : i32
    %dma_start3A_152 = tpu.memref_slice %arg4[%dma_start3A_150, %dma_start3A_151] : memref<100000x128xf32, #tpu.memory_space<hbm>> -> memref<100000x128xf32, #tpu.memory_space<hbm>>
    tpu.enqueue_indirect_dma source(%dma_start3A_152 : memref<100000x128xf32, #tpu.memory_space<hbm>>) target(%dma_start3A_146 : memref<128x128xf32, #tpu.memory_space<vmem>>) offsets(%dma_start3A_149 : memref<128xi32, #tpu.memory_space<vmem>>) semaphore(%arg11 : memref<!tpu.dma_semaphore, #tpu.memory_space<semaphore_mem>>)
    %dma_wait3A_153 = arith.constant 0 : i32
    %dma_wait3A_154 = arith.constant 0 : i32
    %dma_wait3A_155 = arith.constant 0 : i32
    %dma_wait3A_156 = arith.constant 0 : i32
    %dma_wait3A_157 = arith.constant 0 : i32
    %dma_wait3A_158 = tpu.memref_slice %arg8[%dma_wait3A_154, %dma_wait3A_155, %dma_wait3A_156, %dma_wait3A_157] : memref<3x2x128x128xf32, #tpu.memory_space<vmem>> -> memref<1x1x128x128xf32, #tpu.memory_space<vmem>>
    %dma_wait3A_159 = tpu.memref_squeeze %dma_wait3A_158 : memref<1x1x128x128xf32, #tpu.memory_space<vmem>> -> memref<128x128xf32, #tpu.memory_space<vmem>>
    %dma_wait3A_160 = arith.constant 0 : i32
    %dma_wait3A_161 = tpu.memref_slice %arg6[%dma_wait3A_153, %dma_wait3A_160] : memref<16x128xi32, #tpu.memory_space<vmem>> -> memref<1x128xi32, #tpu.memory_space<vmem>>
    %dma_wait3A_162 = tpu.memref_squeeze %dma_wait3A_161 : memref<1x128xi32, #tpu.memory_space<vmem>> -> memref<128xi32, #tpu.memory_space<vmem>>
    %dma_wait3A_163 = arith.constant 0 : i32
    %dma_wait3A_164 = arith.constant 0 : i32
    %dma_wait3A_165 = tpu.memref_slice %arg4[%dma_wait3A_163, %dma_wait3A_164] : memref<100000x128xf32, #tpu.memory_space<hbm>> -> memref<100000x128xf32, #tpu.memory_space<hbm>>
    tpu.wait_indirect_dma semaphore(%arg9 : memref<!tpu.dma_semaphore, #tpu.memory_space<semaphore_mem>>) src(%dma_wait3A_165 : memref<100000x128xf32, #tpu.memory_space<hbm>>) dst(%dma_wait3A_159 : memref<128x128xf32, #tpu.memory_space<vmem>>)
    %dma_wait3A_166 = arith.constant 1 : i32
    %dma_wait3A_167 = arith.constant 0 : i32
    %dma_wait3A_168 = arith.constant 1 : i32
    %dma_wait3A_169 = arith.constant 0 : i32
    %dma_wait3A_170 = arith.constant 0 : i32
    %dma_wait3A_171 = tpu.memref_slice %arg8[%dma_wait3A_167, %dma_wait3A_168, %dma_wait3A_169, %dma_wait3A_170] : memref<3x2x128x128xf32, #tpu.memory_space<vmem>> -> memref<1x1x128x128xf32, #tpu.memory_space<vmem>>
    %dma_wait3A_172 = tpu.memref_squeeze %dma_wait3A_171 : memref<1x1x128x128xf32, #tpu.memory_space<vmem>> -> memref<128x128xf32, #tpu.memory_space<vmem>>
    %dma_wait3A_173 = arith.constant 0 : i32
    %dma_wait3A_174 = tpu.memref_slice %arg6[%dma_wait3A_166, %dma_wait3A_173] : memref<16x128xi32, #tpu.memory_space<vmem>> -> memref<1x128xi32, #tpu.memory_space<vmem>>
    %dma_wait3A_175 = tpu.memref_squeeze %dma_wait3A_174 : memref<1x128xi32, #tpu.memory_space<vmem>> -> memref<128xi32, #tpu.memory_space<vmem>>
    %dma_wait3A_176 = arith.constant 0 : i32
    %dma_wait3A_177 = arith.constant 0 : i32
    %dma_wait3A_178 = tpu.memref_slice %arg4[%dma_wait3A_176, %dma_wait3A_177] : memref<100000x128xf32, #tpu.memory_space<hbm>> -> memref<100000x128xf32, #tpu.memory_space<hbm>>
    tpu.wait_indirect_dma semaphore(%arg9 : memref<!tpu.dma_semaphore, #tpu.memory_space<semaphore_mem>>) src(%dma_wait3A_178 : memref<100000x128xf32, #tpu.memory_space<hbm>>) dst(%dma_wait3A_172 : memref<128x128xf32, #tpu.memory_space<vmem>>)
    %scan3A = arith.constant 0 : i32
    %scan3A_179 = arith.constant 0 : i32
    %scan3A_180 = arith.constant 128 : i32
    %scan3A_181 = arith.addi %scan3A_179, %scan3A_180 : i32
    %scan3A_182 = arith.constant 1 : i32
    scf.for %scan3A_832 = %scan3A_179 to %scan3A_181 step %scan3A_182  : i32 {
      %broadcast_in_dim3A = arith.constant 16 : i32
      %broadcast_in_dim3A_833 = vector.broadcast %broadcast_in_dim3A : i32 to vector<16xi32>
      %broadcast_in_dim3A_834 = arith.constant -65536 : i32
      %broadcast_in_dim3A_835 = vector.broadcast %broadcast_in_dim3A_834 : i32 to vector<16xi32>
      %get3A = arith.index_cast %scan3A_832 : i32 to index
      %get3A_836 = arith.constant 0 : index
      %get3A_837 = tpu.vector_load %arg7[%get3A, %get3A_836] {strides = array<i32>} : memref<128x64xi32, #tpu.memory_space<vmem>>, vector<1x16xi32>,
      %get3A_838 = vector.shape_cast %get3A_837 : vector<1x16xi32> to vector<16xi32>
      %shift_left3A = arith.shli %get3A_838, %broadcast_in_dim3A_833 : vector<16xi32>
      %bitcast_convert_type3A = tpu.bitcast %shift_left3A : vector<16xi32> -> vector<16xf32>
      %and3A_839 = arith.andi %get3A_838, %broadcast_in_dim3A_835 : vector<16xi32>
      %bitcast_convert_type3A_840 = tpu.bitcast %and3A_839 : vector<16xi32> -> vector<16xf32>
      %get3A_841 = arith.constant 0 : i32
      %get3A_842 = arith.constant 0 : i32
      %get3A_843 = arith.index_cast %get3A_841 : i32 to index
      %get3A_844 = arith.index_cast %get3A_842 : i32 to index
      %get3A_845 = arith.index_cast %scan3A_832 : i32 to index
      %get3A_846 = arith.constant 0 : index
      %get3A_847 = tpu.vector_load %arg8[%get3A_843, %get3A_844, %get3A_845, %get3A_846] {strides = array<i32>} : memref<3x2x128x128xf32, #tpu.memory_space<vmem>>, vector<1x1x1x16xf32>,
      %get3A_848 = vector.shape_cast %get3A_847 : vector<1x1x1x16xf32> to vector<16xf32>
      %mul3A_849 = arith.constant 11.3137083 : f32
      %mul3A_850 = vector.broadcast %mul3A_849 : f32 to vector<16xf32>
      %mul3A_851 = arith.mulf %get3A_848, %mul3A_850 : vector<16xf32>
      %add3A_852 = arith.addf %mul3A_851, %bitcast_convert_type3A : vector<16xf32>
      %swap3A = arith.constant 0 : i32
      %swap3A_853 = arith.constant 0 : i32
      %swap3A_854 = arith.index_cast %swap3A : i32 to index
      %swap3A_855 = arith.index_cast %swap3A_853 : i32 to index
      %swap3A_856 = arith.index_cast %scan3A_832 : i32 to index
      %swap3A_857 = arith.constant 0 : index
      %swap3A_858 = tpu.vector_load %arg8[%swap3A_854, %swap3A_855, %swap3A_856, %swap3A_857] {strides = array<i32>} : memref<3x2x128x128xf32, #tpu.memory_space<vmem>>, vector<1x1x1x16xf32>,
      %swap3A_859 = vector.shape_cast %swap3A_858 : vector<1x1x1x16xf32> to vector<16xf32>
      %swap3A_860 = vector.shape_cast %add3A_852 : vector<16xf32> to vector<1x1x1x16xf32>
      tpu.vector_store %arg8[%swap3A_854, %swap3A_855, %swap3A_856, %swap3A_857], %swap3A_860 {strides = array<i32>} : memref<3x2x128x128xf32, #tpu.memory_space<vmem>>, vector<1x1x1x16xf32>,
      %get3A_861 = arith.constant 0 : i32
      %get3A_862 = arith.constant 1 : i32
      %get3A_863 = arith.index_cast %get3A_861 : i32 to index
      %get3A_864 = arith.index_cast %get3A_862 : i32 to index
      %get3A_865 = arith.index_cast %scan3A_832 : i32 to index
      %get3A_866 = arith.constant 0 : index
      %get3A_867 = tpu.vector_load %arg8[%get3A_863, %get3A_864, %get3A_865, %get3A_866] {strides = array<i32>} : memref<3x2x128x128xf32, #tpu.memory_space<vmem>>, vector<1x1x1x16xf32>,
      %get3A_868 = vector.shape_cast %get3A_867 : vector<1x1x1x16xf32> to vector<16xf32>
      %mul3A_869 = arith.constant 11.3137083 : f32
      %mul3A_870 = vector.broadcast %mul3A_869 : f32 to vector<16xf32>
      %mul3A_871 = arith.mulf %get3A_868, %mul3A_870 : vector<16xf32>
      %add3A_872 = arith.addf %mul3A_871, %bitcast_convert_type3A : vector<16xf32>
      %swap3A_873 = arith.constant 0 : i32
      %swap3A_874 = arith.constant 1 : i32
      %swap3A_875 = arith.index_cast %swap3A_873 : i32 to index
      %swap3A_876 = arith.index_cast %swap3A_874 : i32 to index
      %swap3A_877 = arith.index_cast %scan3A_832 : i32 to index
      %swap3A_878 = arith.constant 0 : index
      %swap3A_879 = tpu.vector_load %arg8[%swap3A_875, %swap3A_876, %swap3A_877, %swap3A_878] {strides = array<i32>} : memref<3x2x128x128xf32, #tpu.memory_space<vmem>>, vector<1x1x1x16xf32>,
      %swap3A_880 = vector.shape_cast %swap3A_879 : vector<1x1x1x16xf32> to vector<16xf32>
      %swap3A_881 = vector.shape_cast %add3A_872 : vector<16xf32> to vector<1x1x1x16xf32>
      tpu.vector_store %arg8[%swap3A_875, %swap3A_876, %swap3A_877, %swap3A_878], %swap3A_881 {strides = array<i32>} : memref<3x2x128x128xf32, #tpu.memory_space<vmem>>, vector<1x1x1x16xf32>,
      %get3A_882 = arith.constant 0 : i32
      %get3A_883 = arith.constant 0 : i32
      %get3A_884 = arith.index_cast %get3A_882 : i32 to index
      %get3A_885 = arith.index_cast %get3A_883 : i32 to index
      %get3A_886 = arith.index_cast %scan3A_832 : i32 to index
      %get3A_887 = arith.constant 16 : index
      %get3A_888 = tpu.vector_load %arg8[%get3A_884, %get3A_885, %get3A_886, %get3A_887] {strides = array<i32>} : memref<3x2x128x128xf32, #tpu.memory_space<vmem>>, vector<1x1x1x16xf32>,
      %get3A_889 = vector.shape_cast %get3A_888 : vector<1x1x1x16xf32> to vector<16xf32>
      %mul3A_890 = arith.constant 11.3137083 : f32
      %mul3A_891 = vector.broadcast %mul3A_890 : f32 to vector<16xf32>
      %mul3A_892 = arith.mulf %get3A_889, %mul3A_891 : vector<16xf32>
      %add3A_893 = arith.addf %mul3A_892, %bitcast_convert_type3A_840 : vector<16xf32>
      %swap3A_894 = arith.constant 0 : i32
      %swap3A_895 = arith.constant 0 : i32
      %swap3A_896 = arith.index_cast %swap3A_894 : i32 to index
      %swap3A_897 = arith.index_cast %swap3A_895 : i32 to index
      %swap3A_898 = arith.index_cast %scan3A_832 : i32 to index
      %swap3A_899 = arith.constant 16 : index
      %swap3A_900 = tpu.vector_load %arg8[%swap3A_896, %swap3A_897, %swap3A_898, %swap3A_899] {strides = array<i32>} : memref<3x2x128x128xf32, #tpu.memory_space<vmem>>, vector<1x1x1x16xf32>,
      %swap3A_901 = vector.shape_cast %swap3A_900 : vector<1x1x1x16xf32> to vector<16xf32>
      %swap3A_902 = vector.shape_cast %add3A_893 : vector<16xf32> to vector<1x1x1x16xf32>
      tpu.vector_store %arg8[%swap3A_896, %swap3A_897, %swap3A_898, %swap3A_899], %swap3A_902 {strides = array<i32>} : memref<3x2x128x128xf32, #tpu.memory_space<vmem>>, vector<1x1x1x16xf32>,
      %get3A_903 = arith.constant 0 : i32
      %get3A_904 = arith.constant 1 : i32
      %get3A_905 = arith.index_cast %get3A_903 : i32 to index
      %get3A_906 = arith.index_cast %get3A_904 : i32 to index
      %get3A_907 = arith.index_cast %scan3A_832 : i32 to index
      %get3A_908 = arith.constant 16 : index
      %get3A_909 = tpu.vector_load %arg8[%get3A_905, %get3A_906, %get3A_907, %get3A_908] {strides = array<i32>} : memref<3x2x128x128xf32, #tpu.memory_space<vmem>>, vector<1x1x1x16xf32>,
      %get3A_910 = vector.shape_cast %get3A_909 : vector<1x1x1x16xf32> to vector<16xf32>
      %mul3A_911 = arith.constant 11.3137083 : f32
      %mul3A_912 = vector.broadcast %mul3A_911 : f32 to vector<16xf32>
      %mul3A_913 = arith.mulf %get3A_910, %mul3A_912 : vector<16xf32>
      %add3A_914 = arith.addf %mul3A_913, %bitcast_convert_type3A_840 : vector<16xf32>
      %swap3A_915 = arith.constant 0 : i32
      %swap3A_916 = arith.constant 1 : i32
      %swap3A_917 = arith.index_cast %swap3A_915 : i32 to index
      %swap3A_918 = arith.index_cast %swap3A_916 : i32 to index
      %swap3A_919 = arith.index_cast %scan3A_832 : i32 to index
      %swap3A_920 = arith.constant 16 : index
      %swap3A_921 = tpu.vector_load %arg8[%swap3A_917, %swap3A_918, %swap3A_919, %swap3A_920] {strides = array<i32>} : memref<3x2x128x128xf32, #tpu.memory_space<vmem>>, vector<1x1x1x16xf32>,
      %swap3A_922 = vector.shape_cast %swap3A_921 : vector<1x1x1x16xf32> to vector<16xf32>
      %swap3A_923 = vector.shape_cast %add3A_914 : vector<16xf32> to vector<1x1x1x16xf32>
      tpu.vector_store %arg8[%swap3A_917, %swap3A_918, %swap3A_919, %swap3A_920], %swap3A_923 {strides = array<i32>} : memref<3x2x128x128xf32, #tpu.memory_space<vmem>>, vector<1x1x1x16xf32>,
      %get3A_924 = arith.index_cast %scan3A_832 : i32 to index
      %get3A_925 = arith.constant 16 : index
      %get3A_926 = tpu.vector_load %arg7[%get3A_924, %get3A_925] {strides = array<i32>} : memref<128x64xi32, #tpu.memory_space<vmem>>, vector<1x16xi32>,
      %get3A_927 = vector.shape_cast %get3A_926 : vector<1x16xi32> to vector<16xi32>
      %shift_left3A_928 = arith.shli %get3A_927, %broadcast_in_dim3A_833 : vector<16xi32>
      %bitcast_convert_type3A_929 = tpu.bitcast %shift_left3A_928 : vector<16xi32> -> vector<16xf32>
      %and3A_930 = arith.andi %get3A_927, %broadcast_in_dim3A_835 : vector<16xi32>
      %bitcast_convert_type3A_931 = tpu.bitcast %and3A_930 : vector<16xi32> -> vector<16xf32>
      %get3A_932 = arith.constant 0 : i32
      %get3A_933 = arith.constant 0 : i32
      %get3A_934 = arith.index_cast %get3A_932 : i32 to index
      %get3A_935 = arith.index_cast %get3A_933 : i32 to index
      %get3A_936 = arith.index_cast %scan3A_832 : i32 to index
      %get3A_937 = arith.constant 32 : index
      %get3A_938 = tpu.vector_load %arg8[%get3A_934, %get3A_935, %get3A_936, %get3A_937] {strides = array<i32>} : memref<3x2x128x128xf32, #tpu.memory_space<vmem>>, vector<1x1x1x16xf32>,
      %get3A_939 = vector.shape_cast %get3A_938 : vector<1x1x1x16xf32> to vector<16xf32>
      %mul3A_940 = arith.constant 11.3137083 : f32
      %mul3A_941 = vector.broadcast %mul3A_940 : f32 to vector<16xf32>
      %mul3A_942 = arith.mulf %get3A_939, %mul3A_941 : vector<16xf32>
      %add3A_943 = arith.addf %mul3A_942, %bitcast_convert_type3A_929 : vector<16xf32>
      %swap3A_944 = arith.constant 0 : i32
      %swap3A_945 = arith.constant 0 : i32
      %swap3A_946 = arith.index_cast %swap3A_944 : i32 to index
      %swap3A_947 = arith.index_cast %swap3A_945 : i32 to index
      %swap3A_948 = arith.index_cast %scan3A_832 : i32 to index
      %swap3A_949 = arith.constant 32 : index
      %swap3A_950 = tpu.vector_load %arg8[%swap3A_946, %swap3A_947, %swap3A_948, %swap3A_949] {strides = array<i32>} : memref<3x2x128x128xf32, #tpu.memory_space<vmem>>, vector<1x1x1x16xf32>,
      %swap3A_951 = vector.shape_cast %swap3A_950 : vector<1x1x1x16xf32> to vector<16xf32>
      %swap3A_952 = vector.shape_cast %add3A_943 : vector<16xf32> to vector<1x1x1x16xf32>
      tpu.vector_store %arg8[%swap3A_946, %swap3A_947, %swap3A_948, %swap3A_949], %swap3A_952 {strides = array<i32>} : memref<3x2x128x128xf32, #tpu.memory_space<vmem>>, vector<1x1x1x16xf32>,
      %get3A_953 = arith.constant 0 : i32
      %get3A_954 = arith.constant 1 : i32
      %get3A_955 = arith.index_cast %get3A_953 : i32 to index
      %get3A_956 = arith.index_cast %get3A_954 : i32 to index
      %get3A_957 = arith.index_cast %scan3A_832 : i32 to index
      %get3A_958 = arith.constant 32 : index
      %get3A_959 = tpu.vector_load %arg8[%get3A_955, %get3A_956, %get3A_957, %get3A_958] {strides = array<i32>} : memref<3x2x128x128xf32, #tpu.memory_space<vmem>>, vector<1x1x1x16xf32>,
      %get3A_960 = vector.shape_cast %get3A_959 : vector<1x1x1x16xf32> to vector<16xf32>
      %mul3A_961 = arith.constant 11.3137083 : f32
      %mul3A_962 = vector.broadcast %mul3A_961 : f32 to vector<16xf32>
      %mul3A_963 = arith.mulf %get3A_960, %mul3A_962 : vector<16xf32>
      %add3A_964 = arith.addf %mul3A_963, %bitcast_convert_type3A_929 : vector<16xf32>
      %swap3A_965 = arith.constant 0 : i32
      %swap3A_966 = arith.constant 1 : i32
      %swap3A_967 = arith.index_cast %swap3A_965 : i32 to index
      %swap3A_968 = arith.index_cast %swap3A_966 : i32 to index
      %swap3A_969 = arith.index_cast %scan3A_832 : i32 to index
      %swap3A_970 = arith.constant 32 : index
      %swap3A_971 = tpu.vector_load %arg8[%swap3A_967, %swap3A_968, %swap3A_969, %swap3A_970] {strides = array<i32>} : memref<3x2x128x128xf32, #tpu.memory_space<vmem>>, vector<1x1x1x16xf32>,
      %swap3A_972 = vector.shape_cast %swap3A_971 : vector<1x1x1x16xf32> to vector<16xf32>
      %swap3A_973 = vector.shape_cast %add3A_964 : vector<16xf32> to vector<1x1x1x16xf32>
      tpu.vector_store %arg8[%swap3A_967, %swap3A_968, %swap3A_969, %swap3A_970], %swap3A_973 {strides = array<i32>} : memref<3x2x128x128xf32, #tpu.memory_space<vmem>>, vector<1x1x1x16xf32>,
      %get3A_974 = arith.constant 0 : i32
      %get3A_975 = arith.constant 0 : i32
      %get3A_976 = arith.index_cast %get3A_974 : i32 to index
      %get3A_977 = arith.index_cast %get3A_975 : i32 to index
      %get3A_978 = arith.index_cast %scan3A_832 : i32 to index
      %get3A_979 = arith.constant 48 : index
      %get3A_980 = tpu.vector_load %arg8[%get3A_976, %get3A_977, %get3A_978, %get3A_979] {strides = array<i32>} : memref<3x2x128x128xf32, #tpu.memory_space<vmem>>, vector<1x1x1x16xf32>,
      %get3A_981 = vector.shape_cast %get3A_980 : vector<1x1x1x16xf32> to vector<16xf32>
      %mul3A_982 = arith.constant 11.3137083 : f32
      %mul3A_983 = vector.broadcast %mul3A_982 : f32 to vector<16xf32>
      %mul3A_984 = arith.mulf %get3A_981, %mul3A_983 : vector<16xf32>
      %add3A_985 = arith.addf %mul3A_984, %bitcast_convert_type3A_931 : vector<16xf32>
      %swap3A_986 = arith.constant 0 : i32
      %swap3A_987 = arith.constant 0 : i32
      %swap3A_988 = arith.index_cast %swap3A_986 : i32 to index
      %swap3A_989 = arith.index_cast %swap3A_987 : i32 to index
      %swap3A_990 = arith.index_cast %scan3A_832 : i32 to index
      %swap3A_991 = arith.constant 48 : index
      %swap3A_992 = tpu.vector_load %arg8[%swap3A_988, %swap3A_989, %swap3A_990, %swap3A_991] {strides = array<i32>} : memref<3x2x128x128xf32, #tpu.memory_space<vmem>>, vector<1x1x1x16xf32>,
      %swap3A_993 = vector.shape_cast %swap3A_992 : vector<1x1x1x16xf32> to vector<16xf32>
      %swap3A_994 = vector.shape_cast %add3A_985 : vector<16xf32> to vector<1x1x1x16xf32>
      tpu.vector_store %arg8[%swap3A_988, %swap3A_989, %swap3A_990, %swap3A_991], %swap3A_994 {strides = array<i32>} : memref<3x2x128x128xf32, #tpu.memory_space<vmem>>, vector<1x1x1x16xf32>,
      %get3A_995 = arith.constant 0 : i32
      %get3A_996 = arith.constant 1 : i32
      %get3A_997 = arith.index_cast %get3A_995 : i32 to index
      %get3A_998 = arith.index_cast %get3A_996 : i32 to index
      %get3A_999 = arith.index_cast %scan3A_832 : i32 to index
      %get3A_1000 = arith.constant 48 : index
      %get3A_1001 = tpu.vector_load %arg8[%get3A_997, %get3A_998, %get3A_999, %get3A_1000] {strides = array<i32>} : memref<3x2x128x128xf32, #tpu.memory_space<vmem>>, vector<1x1x1x16xf32>,
      %get3A_1002 = vector.shape_cast %get3A_1001 : vector<1x1x1x16xf32> to vector<16xf32>
      %mul3A_1003 = arith.constant 11.3137083 : f32
      %mul3A_1004 = vector.broadcast %mul3A_1003 : f32 to vector<16xf32>
      %mul3A_1005 = arith.mulf %get3A_1002, %mul3A_1004 : vector<16xf32>
      %add3A_1006 = arith.addf %mul3A_1005, %bitcast_convert_type3A_931 : vector<16xf32>
      %swap3A_1007 = arith.constant 0 : i32
      %swap3A_1008 = arith.constant 1 : i32
      %swap3A_1009 = arith.index_cast %swap3A_1007 : i32 to index
      %swap3A_1010 = arith.index_cast %swap3A_1008 : i32 to index
      %swap3A_1011 = arith.index_cast %scan3A_832 : i32 to index
      %swap3A_1012 = arith.constant 48 : index
      %swap3A_1013 = tpu.vector_load %arg8[%swap3A_1009, %swap3A_1010, %swap3A_1011, %swap3A_1012] {strides = array<i32>} : memref<3x2x128x128xf32, #tpu.memory_space<vmem>>, vector<1x1x1x16xf32>,
      %swap3A_1014 = vector.shape_cast %swap3A_1013 : vector<1x1x1x16xf32> to vector<16xf32>
      %swap3A_1015 = vector.shape_cast %add3A_1006 : vector<16xf32> to vector<1x1x1x16xf32>
      tpu.vector_store %arg8[%swap3A_1009, %swap3A_1010, %swap3A_1011, %swap3A_1012], %swap3A_1015 {strides = array<i32>} : memref<3x2x128x128xf32, #tpu.memory_space<vmem>>, vector<1x1x1x16xf32>,
      %get3A_1016 = arith.index_cast %scan3A_832 : i32 to index
      %get3A_1017 = arith.constant 32 : index
      %get3A_1018 = tpu.vector_load %arg7[%get3A_1016, %get3A_1017] {strides = array<i32>} : memref<128x64xi32, #tpu.memory_space<vmem>>, vector<1x16xi32>,
      %get3A_1019 = vector.shape_cast %get3A_1018 : vector<1x16xi32> to vector<16xi32>
      %shift_left3A_1020 = arith.shli %get3A_1019, %broadcast_in_dim3A_833 : vector<16xi32>
      %bitcast_convert_type3A_1021 = tpu.bitcast %shift_left3A_1020 : vector<16xi32> -> vector<16xf32>
      %and3A_1022 = arith.andi %get3A_1019, %broadcast_in_dim3A_835 : vector<16xi32>
      %bitcast_convert_type3A_1023 = tpu.bitcast %and3A_1022 : vector<16xi32> -> vector<16xf32>
      %get3A_1024 = arith.constant 0 : i32
      %get3A_1025 = arith.constant 0 : i32
      %get3A_1026 = arith.index_cast %get3A_1024 : i32 to index
      %get3A_1027 = arith.index_cast %get3A_1025 : i32 to index
      %get3A_1028 = arith.index_cast %scan3A_832 : i32 to index
      %get3A_1029 = arith.constant 64 : index
      %get3A_1030 = tpu.vector_load %arg8[%get3A_1026, %get3A_1027, %get3A_1028, %get3A_1029] {strides = array<i32>} : memref<3x2x128x128xf32, #tpu.memory_space<vmem>>, vector<1x1x1x16xf32>,
      %get3A_1031 = vector.shape_cast %get3A_1030 : vector<1x1x1x16xf32> to vector<16xf32>
      %mul3A_1032 = arith.constant 11.3137083 : f32
      %mul3A_1033 = vector.broadcast %mul3A_1032 : f32 to vector<16xf32>
      %mul3A_1034 = arith.mulf %get3A_1031, %mul3A_1033 : vector<16xf32>
      %add3A_1035 = arith.addf %mul3A_1034, %bitcast_convert_type3A_1021 : vector<16xf32>
      %swap3A_1036 = arith.constant 0 : i32
      %swap3A_1037 = arith.constant 0 : i32
      %swap3A_1038 = arith.index_cast %swap3A_1036 : i32 to index
      %swap3A_1039 = arith.index_cast %swap3A_1037 : i32 to index
      %swap3A_1040 = arith.index_cast %scan3A_832 : i32 to index
      %swap3A_1041 = arith.constant 64 : index
      %swap3A_1042 = tpu.vector_load %arg8[%swap3A_1038, %swap3A_1039, %swap3A_1040, %swap3A_1041] {strides = array<i32>} : memref<3x2x128x128xf32, #tpu.memory_space<vmem>>, vector<1x1x1x16xf32>,
      %swap3A_1043 = vector.shape_cast %swap3A_1042 : vector<1x1x1x16xf32> to vector<16xf32>
      %swap3A_1044 = vector.shape_cast %add3A_1035 : vector<16xf32> to vector<1x1x1x16xf32>
      tpu.vector_store %arg8[%swap3A_1038, %swap3A_1039, %swap3A_1040, %swap3A_1041], %swap3A_1044 {strides = array<i32>} : memref<3x2x128x128xf32, #tpu.memory_space<vmem>>, vector<1x1x1x16xf32>,
      %get3A_1045 = arith.constant 0 : i32
      %get3A_1046 = arith.constant 1 : i32
      %get3A_1047 = arith.index_cast %get3A_1045 : i32 to index
      %get3A_1048 = arith.index_cast %get3A_1046 : i32 to index
      %get3A_1049 = arith.index_cast %scan3A_832 : i32 to index
      %get3A_1050 = arith.constant 64 : index
      %get3A_1051 = tpu.vector_load %arg8[%get3A_1047, %get3A_1048, %get3A_1049, %get3A_1050] {strides = array<i32>} : memref<3x2x128x128xf32, #tpu.memory_space<vmem>>, vector<1x1x1x16xf32>,
      %get3A_1052 = vector.shape_cast %get3A_1051 : vector<1x1x1x16xf32> to vector<16xf32>
      %mul3A_1053 = arith.constant 11.3137083 : f32
      %mul3A_1054 = vector.broadcast %mul3A_1053 : f32 to vector<16xf32>
      %mul3A_1055 = arith.mulf %get3A_1052, %mul3A_1054 : vector<16xf32>
      %add3A_1056 = arith.addf %mul3A_1055, %bitcast_convert_type3A_1021 : vector<16xf32>
      %swap3A_1057 = arith.constant 0 : i32
      %swap3A_1058 = arith.constant 1 : i32
      %swap3A_1059 = arith.index_cast %swap3A_1057 : i32 to index
      %swap3A_1060 = arith.index_cast %swap3A_1058 : i32 to index
      %swap3A_1061 = arith.index_cast %scan3A_832 : i32 to index
      %swap3A_1062 = arith.constant 64 : index
      %swap3A_1063 = tpu.vector_load %arg8[%swap3A_1059, %swap3A_1060, %swap3A_1061, %swap3A_1062] {strides = array<i32>} : memref<3x2x128x128xf32, #tpu.memory_space<vmem>>, vector<1x1x1x16xf32>,
      %swap3A_1064 = vector.shape_cast %swap3A_1063 : vector<1x1x1x16xf32> to vector<16xf32>
      %swap3A_1065 = vector.shape_cast %add3A_1056 : vector<16xf32> to vector<1x1x1x16xf32>
      tpu.vector_store %arg8[%swap3A_1059, %swap3A_1060, %swap3A_1061, %swap3A_1062], %swap3A_1065 {strides = array<i32>} : memref<3x2x128x128xf32, #tpu.memory_space<vmem>>, vector<1x1x1x16xf32>,
      %get3A_1066 = arith.constant 0 : i32
      %get3A_1067 = arith.constant 0 : i32
      %get3A_1068 = arith.index_cast %get3A_1066 : i32 to index
      %get3A_1069 = arith.index_cast %get3A_1067 : i32 to index
      %get3A_1070 = arith.index_cast %scan3A_832 : i32 to index
      %get3A_1071 = arith.constant 80 : index
      %get3A_1072 = tpu.vector_load %arg8[%get3A_1068, %get3A_1069, %get3A_1070, %get3A_1071] {strides = array<i32>} : memref<3x2x128x128xf32, #tpu.memory_space<vmem>>, vector<1x1x1x16xf32>,
      %get3A_1073 = vector.shape_cast %get3A_1072 : vector<1x1x1x16xf32> to vector<16xf32>
      %mul3A_1074 = arith.constant 11.3137083 : f32
      %mul3A_1075 = vector.broadcast %mul3A_1074 : f32 to vector<16xf32>
      %mul3A_1076 = arith.mulf %get3A_1073, %mul3A_1075 : vector<16xf32>
      %add3A_1077 = arith.addf %mul3A_1076, %bitcast_convert_type3A_1023 : vector<16xf32>
      %swap3A_1078 = arith.constant 0 : i32
      %swap3A_1079 = arith.constant 0 : i32
      %swap3A_1080 = arith.index_cast %swap3A_1078 : i32 to index
      %swap3A_1081 = arith.index_cast %swap3A_1079 : i32 to index
      %swap3A_1082 = arith.index_cast %scan3A_832 : i32 to index
      %swap3A_1083 = arith.constant 80 : index
      %swap3A_1084 = tpu.vector_load %arg8[%swap3A_1080, %swap3A_1081, %swap3A_1082, %swap3A_1083] {strides = array<i32>} : memref<3x2x128x128xf32, #tpu.memory_space<vmem>>, vector<1x1x1x16xf32>,
      %swap3A_1085 = vector.shape_cast %swap3A_1084 : vector<1x1x1x16xf32> to vector<16xf32>
      %swap3A_1086 = vector.shape_cast %add3A_1077 : vector<16xf32> to vector<1x1x1x16xf32>
      tpu.vector_store %arg8[%swap3A_1080, %swap3A_1081, %swap3A_1082, %swap3A_1083], %swap3A_1086 {strides = array<i32>} : memref<3x2x128x128xf32, #tpu.memory_space<vmem>>, vector<1x1x1x16xf32>,
      %get3A_1087 = arith.constant 0 : i32
      %get3A_1088 = arith.constant 1 : i32
      %get3A_1089 = arith.index_cast %get3A_1087 : i32 to index
      %get3A_1090 = arith.index_cast %get3A_1088 : i32 to index
      %get3A_1091 = arith.index_cast %scan3A_832 : i32 to index
      %get3A_1092 = arith.constant 80 : index
      %get3A_1093 = tpu.vector_load %arg8[%get3A_1089, %get3A_1090, %get3A_1091, %get3A_1092] {strides = array<i32>} : memref<3x2x128x128xf32, #tpu.memory_space<vmem>>, vector<1x1x1x16xf32>,
      %get3A_1094 = vector.shape_cast %get3A_1093 : vector<1x1x1x16xf32> to vector<16xf32>
      %mul3A_1095 = arith.constant 11.3137083 : f32
      %mul3A_1096 = vector.broadcast %mul3A_1095 : f32 to vector<16xf32>
      %mul3A_1097 = arith.mulf %get3A_1094, %mul3A_1096 : vector<16xf32>
      %add3A_1098 = arith.addf %mul3A_1097, %bitcast_convert_type3A_1023 : vector<16xf32>
      %swap3A_1099 = arith.constant 0 : i32
      %swap3A_1100 = arith.constant 1 : i32
      %swap3A_1101 = arith.index_cast %swap3A_1099 : i32 to index
      %swap3A_1102 = arith.index_cast %swap3A_1100 : i32 to index
      %swap3A_1103 = arith.index_cast %scan3A_832 : i32 to index
      %swap3A_1104 = arith.constant 80 : index
      %swap3A_1105 = tpu.vector_load %arg8[%swap3A_1101, %swap3A_1102, %swap3A_1103, %swap3A_1104] {strides = array<i32>} : memref<3x2x128x128xf32, #tpu.memory_space<vmem>>, vector<1x1x1x16xf32>,
      %swap3A_1106 = vector.shape_cast %swap3A_1105 : vector<1x1x1x16xf32> to vector<16xf32>
      %swap3A_1107 = vector.shape_cast %add3A_1098 : vector<16xf32> to vector<1x1x1x16xf32>
      tpu.vector_store %arg8[%swap3A_1101, %swap3A_1102, %swap3A_1103, %swap3A_1104], %swap3A_1107 {strides = array<i32>} : memref<3x2x128x128xf32, #tpu.memory_space<vmem>>, vector<1x1x1x16xf32>,
      %get3A_1108 = arith.index_cast %scan3A_832 : i32 to index
      %get3A_1109 = arith.constant 48 : index
      %get3A_1110 = tpu.vector_load %arg7[%get3A_1108, %get3A_1109] {strides = array<i32>} : memref<128x64xi32, #tpu.memory_space<vmem>>, vector<1x16xi32>,
      %get3A_1111 = vector.shape_cast %get3A_1110 : vector<1x16xi32> to vector<16xi32>
      %shift_left3A_1112 = arith.shli %get3A_1111, %broadcast_in_dim3A_833 : vector<16xi32>
      %bitcast_convert_type3A_1113 = tpu.bitcast %shift_left3A_1112 : vector<16xi32> -> vector<16xf32>
      %and3A_1114 = arith.andi %get3A_1111, %broadcast_in_dim3A_835 : vector<16xi32>
      %bitcast_convert_type3A_1115 = tpu.bitcast %and3A_1114 : vector<16xi32> -> vector<16xf32>
      %get3A_1116 = arith.constant 0 : i32
      %get3A_1117 = arith.constant 0 : i32
      %get3A_1118 = arith.index_cast %get3A_1116 : i32 to index
      %get3A_1119 = arith.index_cast %get3A_1117 : i32 to index
      %get3A_1120 = arith.index_cast %scan3A_832 : i32 to index
      %get3A_1121 = arith.constant 96 : index
      %get3A_1122 = tpu.vector_load %arg8[%get3A_1118, %get3A_1119, %get3A_1120, %get3A_1121] {strides = array<i32>} : memref<3x2x128x128xf32, #tpu.memory_space<vmem>>, vector<1x1x1x16xf32>,
      %get3A_1123 = vector.shape_cast %get3A_1122 : vector<1x1x1x16xf32> to vector<16xf32>
      %mul3A_1124 = arith.constant 11.3137083 : f32
      %mul3A_1125 = vector.broadcast %mul3A_1124 : f32 to vector<16xf32>
      %mul3A_1126 = arith.mulf %get3A_1123, %mul3A_1125 : vector<16xf32>
      %add3A_1127 = arith.addf %mul3A_1126, %bitcast_convert_type3A_1113 : vector<16xf32>
      %swap3A_1128 = arith.constant 0 : i32
      %swap3A_1129 = arith.constant 0 : i32
      %swap3A_1130 = arith.index_cast %swap3A_1128 : i32 to index
      %swap3A_1131 = arith.index_cast %swap3A_1129 : i32 to index
      %swap3A_1132 = arith.index_cast %scan3A_832 : i32 to index
      %swap3A_1133 = arith.constant 96 : index
      %swap3A_1134 = tpu.vector_load %arg8[%swap3A_1130, %swap3A_1131, %swap3A_1132, %swap3A_1133] {strides = array<i32>} : memref<3x2x128x128xf32, #tpu.memory_space<vmem>>, vector<1x1x1x16xf32>,
      %swap3A_1135 = vector.shape_cast %swap3A_1134 : vector<1x1x1x16xf32> to vector<16xf32>
      %swap3A_1136 = vector.shape_cast %add3A_1127 : vector<16xf32> to vector<1x1x1x16xf32>
      tpu.vector_store %arg8[%swap3A_1130, %swap3A_1131, %swap3A_1132, %swap3A_1133], %swap3A_1136 {strides = array<i32>} : memref<3x2x128x128xf32, #tpu.memory_space<vmem>>, vector<1x1x1x16xf32>,
      %get3A_1137 = arith.constant 0 : i32
      %get3A_1138 = arith.constant 1 : i32
      %get3A_1139 = arith.index_cast %get3A_1137 : i32 to index
      %get3A_1140 = arith.index_cast %get3A_1138 : i32 to index
      %get3A_1141 = arith.index_cast %scan3A_832 : i32 to index
      %get3A_1142 = arith.constant 96 : index
      %get3A_1143 = tpu.vector_load %arg8[%get3A_1139, %get3A_1140, %get3A_1141, %get3A_1142] {strides = array<i32>} : memref<3x2x128x128xf32, #tpu.memory_space<vmem>>, vector<1x1x1x16xf32>,
      %get3A_1144 = vector.shape_cast %get3A_1143 : vector<1x1x1x16xf32> to vector<16xf32>
      %mul3A_1145 = arith.constant 11.3137083 : f32
      %mul3A_1146 = vector.broadcast %mul3A_1145 : f32 to vector<16xf32>
      %mul3A_1147 = arith.mulf %get3A_1144, %mul3A_1146 : vector<16xf32>
      %add3A_1148 = arith.addf %mul3A_1147, %bitcast_convert_type3A_1113 : vector<16xf32>
      %swap3A_1149 = arith.constant 0 : i32
      %swap3A_1150 = arith.constant 1 : i32
      %swap3A_1151 = arith.index_cast %swap3A_1149 : i32 to index
      %swap3A_1152 = arith.index_cast %swap3A_1150 : i32 to index
      %swap3A_1153 = arith.index_cast %scan3A_832 : i32 to index
      %swap3A_1154 = arith.constant 96 : index
      %swap3A_1155 = tpu.vector_load %arg8[%swap3A_1151, %swap3A_1152, %swap3A_1153, %swap3A_1154] {strides = array<i32>} : memref<3x2x128x128xf32, #tpu.memory_space<vmem>>, vector<1x1x1x16xf32>,
      %swap3A_1156 = vector.shape_cast %swap3A_1155 : vector<1x1x1x16xf32> to vector<16xf32>
      %swap3A_1157 = vector.shape_cast %add3A_1148 : vector<16xf32> to vector<1x1x1x16xf32>
      tpu.vector_store %arg8[%swap3A_1151, %swap3A_1152, %swap3A_1153, %swap3A_1154], %swap3A_1157 {strides = array<i32>} : memref<3x2x128x128xf32, #tpu.memory_space<vmem>>, vector<1x1x1x16xf32>,
      %get3A_1158 = arith.constant 0 : i32
      %get3A_1159 = arith.constant 0 : i32
      %get3A_1160 = arith.index_cast %get3A_1158 : i32 to index
      %get3A_1161 = arith.index_cast %get3A_1159 : i32 to index
      %get3A_1162 = arith.index_cast %scan3A_832 : i32 to index
      %get3A_1163 = arith.constant 112 : index
      %get3A_1164 = tpu.vector_load %arg8[%get3A_1160, %get3A_1161, %get3A_1162, %get3A_1163] {strides = array<i32>} : memref<3x2x128x128xf32, #tpu.memory_space<vmem>>, vector<1x1x1x16xf32>,
      %get3A_1165 = vector.shape_cast %get3A_1164 : vector<1x1x1x16xf32> to vector<16xf32>
      %mul3A_1166 = arith.constant 11.3137083 : f32
      %mul3A_1167 = vector.broadcast %mul3A_1166 : f32 to vector<16xf32>
      %mul3A_1168 = arith.mulf %get3A_1165, %mul3A_1167 : vector<16xf32>
      %add3A_1169 = arith.addf %mul3A_1168, %bitcast_convert_type3A_1115 : vector<16xf32>
      %swap3A_1170 = arith.constant 0 : i32
      %swap3A_1171 = arith.constant 0 : i32
      %swap3A_1172 = arith.index_cast %swap3A_1170 : i32 to index
      %swap3A_1173 = arith.index_cast %swap3A_1171 : i32 to index
      %swap3A_1174 = arith.index_cast %scan3A_832 : i32 to index
      %swap3A_1175 = arith.constant 112 : index
      %swap3A_1176 = tpu.vector_load %arg8[%swap3A_1172, %swap3A_1173, %swap3A_1174, %swap3A_1175] {strides = array<i32>} : memref<3x2x128x128xf32, #tpu.memory_space<vmem>>, vector<1x1x1x16xf32>,
      %swap3A_1177 = vector.shape_cast %swap3A_1176 : vector<1x1x1x16xf32> to vector<16xf32>
      %swap3A_1178 = vector.shape_cast %add3A_1169 : vector<16xf32> to vector<1x1x1x16xf32>
      tpu.vector_store %arg8[%swap3A_1172, %swap3A_1173, %swap3A_1174, %swap3A_1175], %swap3A_1178 {strides = array<i32>} : memref<3x2x128x128xf32, #tpu.memory_space<vmem>>, vector<1x1x1x16xf32>,
      %get3A_1179 = arith.constant 0 : i32
      %get3A_1180 = arith.constant 1 : i32
      %get3A_1181 = arith.index_cast %get3A_1179 : i32 to index
      %get3A_1182 = arith.index_cast %get3A_1180 : i32 to index
      %get3A_1183 = arith.index_cast %scan3A_832 : i32 to index
      %get3A_1184 = arith.constant 112 : index
      %get3A_1185 = tpu.vector_load %arg8[%get3A_1181, %get3A_1182, %get3A_1183, %get3A_1184] {strides = array<i32>} : memref<3x2x128x128xf32, #tpu.memory_space<vmem>>, vector<1x1x1x16xf32>,
      %get3A_1186 = vector.shape_cast %get3A_1185 : vector<1x1x1x16xf32> to vector<16xf32>
      %mul3A_1187 = arith.constant 11.3137083 : f32
      %mul3A_1188 = vector.broadcast %mul3A_1187 : f32 to vector<16xf32>
      %mul3A_1189 = arith.mulf %get3A_1186, %mul3A_1188 : vector<16xf32>
      %add3A_1190 = arith.addf %mul3A_1189, %bitcast_convert_type3A_1115 : vector<16xf32>
      %swap3A_1191 = arith.constant 0 : i32
      %swap3A_1192 = arith.constant 1 : i32
      %swap3A_1193 = arith.index_cast %swap3A_1191 : i32 to index
      %swap3A_1194 = arith.index_cast %swap3A_1192 : i32 to index
      %swap3A_1195 = arith.index_cast %scan3A_832 : i32 to index
      %swap3A_1196 = arith.constant 112 : index
      %swap3A_1197 = tpu.vector_load %arg8[%swap3A_1193, %swap3A_1194, %swap3A_1195, %swap3A_1196] {strides = array<i32>} : memref<3x2x128x128xf32, #tpu.memory_space<vmem>>, vector<1x1x1x16xf32>,
      %swap3A_1198 = vector.shape_cast %swap3A_1197 : vector<1x1x1x16xf32> to vector<16xf32>
      %swap3A_1199 = vector.shape_cast %add3A_1190 : vector<16xf32> to vector<1x1x1x16xf32>
      tpu.vector_store %arg8[%swap3A_1193, %swap3A_1194, %swap3A_1195, %swap3A_1196], %swap3A_1199 {strides = array<i32>} : memref<3x2x128x128xf32, #tpu.memory_space<vmem>>, vector<1x1x1x16xf32>,
    }
    %scan3A_183 = arith.constant 128 : i32
    %add3A_184 = arith.constant 0 : i32
    %add3A_185 = arith.addi %mul3A_34, %add3A_184 : i32
    %dma_start3A_186 = arith.constant 0 : i32
    %dma_start3A_187 = arith.constant 0 : i32
    %dma_start3A_188 = arith.constant 0 : i32
    %dma_start3A_189 = arith.constant 0 : i32
    %dma_start3A_190 = tpu.memref_slice %arg8[%dma_start3A_186, %dma_start3A_187, %dma_start3A_188, %dma_start3A_189] : memref<3x2x128x128xf32, #tpu.memory_space<vmem>> -> memref<1x2x128x128xf32, #tpu.memory_space<vmem>>
    %dma_start3A_191 = tpu.memref_squeeze %dma_start3A_190 : memref<1x2x128x128xf32, #tpu.memory_space<vmem>> -> memref<2x128x128xf32, #tpu.memory_space<vmem>>
    %dma_start3A_192 = arith.constant 0 : i32
    %dma_start3A_193 = tpu.memref_slice %arg5[%add3A_185, %mul3A_32, %dma_start3A_192] : memref<32x2048x128xf32, #tpu.memory_space<hbm>> -> memref<2x128x128xf32, #tpu.memory_space<hbm>>
    %dma_start3A_194 = arith.constant 0 : i32
    %dma_start3A_195 = tpu.memref_slice %arg5[%add3A_185, %mul3A_32, %dma_start3A_194] : memref<32x2048x128xf32, #tpu.memory_space<hbm>> -> memref<2x128x128xf32, #tpu.memory_space<hbm>>
    %dma_start3A_196 = arith.constant 0 : i32
    %dma_start3A_197 = arith.constant 0 : i32
    %dma_start3A_198 = arith.constant 0 : i32
    %dma_start3A_199 = tpu.memref_slice %arg8[%dma_start3A_186, %dma_start3A_196, %dma_start3A_197, %dma_start3A_198] : memref<3x2x128x128xf32, #tpu.memory_space<vmem>> -> memref<1x2x128x128xf32, #tpu.memory_space<vmem>>
    %dma_start3A_200 = tpu.memref_squeeze %dma_start3A_199 : memref<1x2x128x128xf32, #tpu.memory_space<vmem>> -> memref<2x128x128xf32, #tpu.memory_space<vmem>>
    tpu.enqueue_dma source(%dma_start3A_200 : memref<2x128x128xf32, #tpu.memory_space<vmem>>) target(%dma_start3A_195 : memref<2x128x128xf32, #tpu.memory_space<hbm>>) target_semaphore(%arg12 : memref<!tpu.dma_semaphore, #tpu.memory_space<semaphore_mem>>)
    %dma_wait3A_201 = arith.constant 0 : i32
    %dma_wait3A_202 = arith.constant 0 : i32
    %dma_wait3A_203 = arith.constant 0 : i32
    %dma_wait3A_204 = arith.constant 0 : i32
    %dma_wait3A_205 = tpu.memref_slice %arg8[%dma_wait3A_201, %dma_wait3A_202, %dma_wait3A_203, %dma_wait3A_204] : memref<3x2x128x128xf32, #tpu.memory_space<vmem>> -> memref<1x2x128x128xf32, #tpu.memory_space<vmem>>
    %dma_wait3A_206 = tpu.memref_squeeze %dma_wait3A_205 : memref<1x2x128x128xf32, #tpu.memory_space<vmem>> -> memref<2x128x128xf32, #tpu.memory_space<vmem>>
    %dma_wait3A_207 = arith.constant 0 : i32
    %dma_wait3A_208 = tpu.memref_slice %arg5[%add3A_185, %mul3A_32, %dma_wait3A_207] : memref<32x2048x128xf32, #tpu.memory_space<hbm>> -> memref<2x128x128xf32, #tpu.memory_space<hbm>>
    %dma_wait3A_209 = arith.constant 0 : i32
    %dma_wait3A_210 = tpu.memref_slice %arg5[%add3A_185, %mul3A_32, %dma_wait3A_209] : memref<32x2048x128xf32, #tpu.memory_space<hbm>> -> memref<2x128x128xf32, #tpu.memory_space<hbm>>
    %dma_wait3A_211 = arith.constant 0 : i32
    %dma_wait3A_212 = arith.constant 0 : i32
    %dma_wait3A_213 = arith.constant 0 : i32
    %dma_wait3A_214 = tpu.memref_slice %arg8[%dma_wait3A_201, %dma_wait3A_211, %dma_wait3A_212, %dma_wait3A_213] : memref<3x2x128x128xf32, #tpu.memory_space<vmem>> -> memref<1x2x128x128xf32, #tpu.memory_space<vmem>>
    %dma_wait3A_215 = tpu.memref_squeeze %dma_wait3A_214 : memref<1x2x128x128xf32, #tpu.memory_space<vmem>> -> memref<2x128x128xf32, #tpu.memory_space<vmem>>
    tpu.wait_dma2 semaphore(%arg12 : memref<!tpu.dma_semaphore, #tpu.memory_space<semaphore_mem>>) src(%dma_wait3A_215 : memref<2x128x128xf32, #tpu.memory_space<vmem>>) dst(%dma_wait3A_210 : memref<2x128x128xf32, #tpu.memory_space<hbm>>)
    %dma_start3A_216 = arith.constant 6 : i32
    %dma_start3A_217 = arith.constant 0 : i32
    %dma_start3A_218 = arith.constant 0 : i32
    %dma_start3A_219 = arith.constant 0 : i32
    %dma_start3A_220 = arith.constant 0 : i32
    %dma_start3A_221 = tpu.memref_slice %arg8[%dma_start3A_217, %dma_start3A_218, %dma_start3A_219, %dma_start3A_220] : memref<3x2x128x128xf32, #tpu.memory_space<vmem>> -> memref<1x1x128x128xf32, #tpu.memory_space<vmem>>
    %dma_start3A_222 = tpu.memref_squeeze %dma_start3A_221 : memref<1x1x128x128xf32, #tpu.memory_space<vmem>> -> memref<128x128xf32, #tpu.memory_space<vmem>>
    %dma_start3A_223 = arith.constant 0 : i32
    %dma_start3A_224 = tpu.memref_slice %arg6[%dma_start3A_216, %dma_start3A_223] : memref<16x128xi32, #tpu.memory_space<vmem>> -> memref<1x128xi32, #tpu.memory_space<vmem>>
    %dma_start3A_225 = tpu.memref_squeeze %dma_start3A_224 : memref<1x128xi32, #tpu.memory_space<vmem>> -> memref<128xi32, #tpu.memory_space<vmem>>
    %dma_start3A_226 = arith.constant 0 : i32
    %dma_start3A_227 = arith.constant 0 : i32
    %dma_start3A_228 = tpu.memref_slice %arg4[%dma_start3A_226, %dma_start3A_227] : memref<100000x128xf32, #tpu.memory_space<hbm>> -> memref<100000x128xf32, #tpu.memory_space<hbm>>
    tpu.enqueue_indirect_dma source(%dma_start3A_228 : memref<100000x128xf32, #tpu.memory_space<hbm>>) target(%dma_start3A_222 : memref<128x128xf32, #tpu.memory_space<vmem>>) offsets(%dma_start3A_225 : memref<128xi32, #tpu.memory_space<vmem>>) semaphore(%arg9 : memref<!tpu.dma_semaphore, #tpu.memory_space<semaphore_mem>>)
    %dma_start3A_229 = arith.constant 7 : i32
    %dma_start3A_230 = arith.constant 0 : i32
    %dma_start3A_231 = arith.constant 1 : i32
    %dma_start3A_232 = arith.constant 0 : i32
    %dma_start3A_233 = arith.constant 0 : i32
    %dma_start3A_234 = tpu.memref_slice %arg8[%dma_start3A_230, %dma_start3A_231, %dma_start3A_232, %dma_start3A_233] : memref<3x2x128x128xf32, #tpu.memory_space<vmem>> -> memref<1x1x128x128xf32, #tpu.memory_space<vmem>>
    %dma_start3A_235 = tpu.memref_squeeze %dma_start3A_234 : memref<1x1x128x128xf32, #tpu.memory_space<vmem>> -> memref<128x128xf32, #tpu.memory_space<vmem>>
    %dma_start3A_236 = arith.constant 0 : i32
    %dma_start3A_237 = tpu.memref_slice %arg6[%dma_start3A_229, %dma_start3A_236] : memref<16x128xi32, #tpu.memory_space<vmem>> -> memref<1x128xi32, #tpu.memory_space<vmem>>
    %dma_start3A_238 = tpu.memref_squeeze %dma_start3A_237 : memref<1x128xi32, #tpu.memory_space<vmem>> -> memref<128xi32, #tpu.memory_space<vmem>>
    %dma_start3A_239 = arith.constant 0 : i32
    %dma_start3A_240 = arith.constant 0 : i32
    %dma_start3A_241 = tpu.memref_slice %arg4[%dma_start3A_239, %dma_start3A_240] : memref<100000x128xf32, #tpu.memory_space<hbm>> -> memref<100000x128xf32, #tpu.memory_space<hbm>>
    tpu.enqueue_indirect_dma source(%dma_start3A_241 : memref<100000x128xf32, #tpu.memory_space<hbm>>) target(%dma_start3A_235 : memref<128x128xf32, #tpu.memory_space<vmem>>) offsets(%dma_start3A_238 : memref<128xi32, #tpu.memory_space<vmem>>) semaphore(%arg9 : memref<!tpu.dma_semaphore, #tpu.memory_space<semaphore_mem>>)
    %dma_wait3A_242 = arith.constant 2 : i32
    %dma_wait3A_243 = arith.constant 1 : i32
    %dma_wait3A_244 = arith.constant 0 : i32
    %dma_wait3A_245 = arith.constant 0 : i32
    %dma_wait3A_246 = arith.constant 0 : i32
    %dma_wait3A_247 = tpu.memref_slice %arg8[%dma_wait3A_243, %dma_wait3A_244, %dma_wait3A_245, %dma_wait3A_246] : memref<3x2x128x128xf32, #tpu.memory_space<vmem>> -> memref<1x1x128x128xf32, #tpu.memory_space<vmem>>
    %dma_wait3A_248 = tpu.memref_squeeze %dma_wait3A_247 : memref<1x1x128x128xf32, #tpu.memory_space<vmem>> -> memref<128x128xf32, #tpu.memory_space<vmem>>
    %dma_wait3A_249 = arith.constant 0 : i32
    %dma_wait3A_250 = tpu.memref_slice %arg6[%dma_wait3A_242, %dma_wait3A_249] : memref<16x128xi32, #tpu.memory_space<vmem>> -> memref<1x128xi32, #tpu.memory_space<vmem>>
    %dma_wait3A_251 = tpu.memref_squeeze %dma_wait3A_250 : memref<1x128xi32, #tpu.memory_space<vmem>> -> memref<128xi32, #tpu.memory_space<vmem>>
    %dma_wait3A_252 = arith.constant 0 : i32
    %dma_wait3A_253 = arith.constant 0 : i32
    %dma_wait3A_254 = tpu.memref_slice %arg4[%dma_wait3A_252, %dma_wait3A_253] : memref<100000x128xf32, #tpu.memory_space<hbm>> -> memref<100000x128xf32, #tpu.memory_space<hbm>>
    tpu.wait_indirect_dma semaphore(%arg10 : memref<!tpu.dma_semaphore, #tpu.memory_space<semaphore_mem>>) src(%dma_wait3A_254 : memref<100000x128xf32, #tpu.memory_space<hbm>>) dst(%dma_wait3A_248 : memref<128x128xf32, #tpu.memory_space<vmem>>)
    %dma_wait3A_255 = arith.constant 3 : i32
    %dma_wait3A_256 = arith.constant 1 : i32
    %dma_wait3A_257 = arith.constant 1 : i32
    %dma_wait3A_258 = arith.constant 0 : i32
    %dma_wait3A_259 = arith.constant 0 : i32
    %dma_wait3A_260 = tpu.memref_slice %arg8[%dma_wait3A_256, %dma_wait3A_257, %dma_wait3A_258, %dma_wait3A_259] : memref<3x2x128x128xf32, #tpu.memory_space<vmem>> -> memref<1x1x128x128xf32, #tpu.memory_space<vmem>>
    %dma_wait3A_261 = tpu.memref_squeeze %dma_wait3A_260 : memref<1x1x128x128xf32, #tpu.memory_space<vmem>> -> memref<128x128xf32, #tpu.memory_space<vmem>>
    %dma_wait3A_262 = arith.constant 0 : i32
    %dma_wait3A_263 = tpu.memref_slice %arg6[%dma_wait3A_255, %dma_wait3A_262] : memref<16x128xi32, #tpu.memory_space<vmem>> -> memref<1x128xi32, #tpu.memory_space<vmem>>
    %dma_wait3A_264 = tpu.memref_squeeze %dma_wait3A_263 : memref<1x128xi32, #tpu.memory_space<vmem>> -> memref<128xi32, #tpu.memory_space<vmem>>
    %dma_wait3A_265 = arith.constant 0 : i32
    %dma_wait3A_266 = arith.constant 0 : i32
    %dma_wait3A_267 = tpu.memref_slice %arg4[%dma_wait3A_265, %dma_wait3A_266] : memref<100000x128xf32, #tpu.memory_space<hbm>> -> memref<100000x128xf32, #tpu.memory_space<hbm>>
    tpu.wait_indirect_dma semaphore(%arg10 : memref<!tpu.dma_semaphore, #tpu.memory_space<semaphore_mem>>) src(%dma_wait3A_267 : memref<100000x128xf32, #tpu.memory_space<hbm>>) dst(%dma_wait3A_261 : memref<128x128xf32, #tpu.memory_space<vmem>>)
    %scan3A_268 = arith.constant 0 : i32
    %scan3A_269 = arith.constant 0 : i32
    %scan3A_270 = arith.constant 128 : i32
    %scan3A_271 = arith.addi %scan3A_269, %scan3A_270 : i32
    %scan3A_272 = arith.constant 1 : i32
    scf.for %scan3A_832 = %scan3A_269 to %scan3A_271 step %scan3A_272  : i32 {
      %broadcast_in_dim3A = arith.constant 16 : i32
      %broadcast_in_dim3A_833 = vector.broadcast %broadcast_in_dim3A : i32 to vector<16xi32>
      %broadcast_in_dim3A_834 = arith.constant -65536 : i32
      %broadcast_in_dim3A_835 = vector.broadcast %broadcast_in_dim3A_834 : i32 to vector<16xi32>
      %get3A = arith.index_cast %scan3A_832 : i32 to index
      %get3A_836 = arith.constant 0 : index
      %get3A_837 = tpu.vector_load %arg7[%get3A, %get3A_836] {strides = array<i32>} : memref<128x64xi32, #tpu.memory_space<vmem>>, vector<1x16xi32>,
      %get3A_838 = vector.shape_cast %get3A_837 : vector<1x16xi32> to vector<16xi32>
      %shift_left3A = arith.shli %get3A_838, %broadcast_in_dim3A_833 : vector<16xi32>
      %bitcast_convert_type3A = tpu.bitcast %shift_left3A : vector<16xi32> -> vector<16xf32>
      %and3A_839 = arith.andi %get3A_838, %broadcast_in_dim3A_835 : vector<16xi32>
      %bitcast_convert_type3A_840 = tpu.bitcast %and3A_839 : vector<16xi32> -> vector<16xf32>
      %get3A_841 = arith.constant 1 : i32
      %get3A_842 = arith.constant 0 : i32
      %get3A_843 = arith.index_cast %get3A_841 : i32 to index
      %get3A_844 = arith.index_cast %get3A_842 : i32 to index
      %get3A_845 = arith.index_cast %scan3A_832 : i32 to index
      %get3A_846 = arith.constant 0 : index
      %get3A_847 = tpu.vector_load %arg8[%get3A_843, %get3A_844, %get3A_845, %get3A_846] {strides = array<i32>} : memref<3x2x128x128xf32, #tpu.memory_space<vmem>>, vector<1x1x1x16xf32>,
      %get3A_848 = vector.shape_cast %get3A_847 : vector<1x1x1x16xf32> to vector<16xf32>
      %mul3A_849 = arith.constant 11.3137083 : f32
      %mul3A_850 = vector.broadcast %mul3A_849 : f32 to vector<16xf32>
      %mul3A_851 = arith.mulf %get3A_848, %mul3A_850 : vector<16xf32>
      %add3A_852 = arith.addf %mul3A_851, %bitcast_convert_type3A : vector<16xf32>
      %swap3A = arith.constant 1 : i32
      %swap3A_853 = arith.constant 0 : i32
      %swap3A_854 = arith.index_cast %swap3A : i32 to index
      %swap3A_855 = arith.index_cast %swap3A_853 : i32 to index
      %swap3A_856 = arith.index_cast %scan3A_832 : i32 to index
      %swap3A_857 = arith.constant 0 : index
      %swap3A_858 = tpu.vector_load %arg8[%swap3A_854, %swap3A_855, %swap3A_856, %swap3A_857] {strides = array<i32>} : memref<3x2x128x128xf32, #tpu.memory_space<vmem>>, vector<1x1x1x16xf32>,
      %swap3A_859 = vector.shape_cast %swap3A_858 : vector<1x1x1x16xf32> to vector<16xf32>
      %swap3A_860 = vector.shape_cast %add3A_852 : vector<16xf32> to vector<1x1x1x16xf32>
      tpu.vector_store %arg8[%swap3A_854, %swap3A_855, %swap3A_856, %swap3A_857], %swap3A_860 {strides = array<i32>} : memref<3x2x128x128xf32, #tpu.memory_space<vmem>>, vector<1x1x1x16xf32>,
      %get3A_861 = arith.constant 1 : i32
      %get3A_862 = arith.constant 1 : i32
      %get3A_863 = arith.index_cast %get3A_861 : i32 to index
      %get3A_864 = arith.index_cast %get3A_862 : i32 to index
      %get3A_865 = arith.index_cast %scan3A_832 : i32 to index
      %get3A_866 = arith.constant 0 : index
      %get3A_867 = tpu.vector_load %arg8[%get3A_863, %get3A_864, %get3A_865, %get3A_866] {strides = array<i32>} : memref<3x2x128x128xf32, #tpu.memory_space<vmem>>, vector<1x1x1x16xf32>,
      %get3A_868 = vector.shape_cast %get3A_867 : vector<1x1x1x16xf32> to vector<16xf32>
      %mul3A_869 = arith.constant 11.3137083 : f32
      %mul3A_870 = vector.broadcast %mul3A_869 : f32 to vector<16xf32>
      %mul3A_871 = arith.mulf %get3A_868, %mul3A_870 : vector<16xf32>
      %add3A_872 = arith.addf %mul3A_871, %bitcast_convert_type3A : vector<16xf32>
      %swap3A_873 = arith.constant 1 : i32
      %swap3A_874 = arith.constant 1 : i32
      %swap3A_875 = arith.index_cast %swap3A_873 : i32 to index
      %swap3A_876 = arith.index_cast %swap3A_874 : i32 to index
      %swap3A_877 = arith.index_cast %scan3A_832 : i32 to index
      %swap3A_878 = arith.constant 0 : index
      %swap3A_879 = tpu.vector_load %arg8[%swap3A_875, %swap3A_876, %swap3A_877, %swap3A_878] {strides = array<i32>} : memref<3x2x128x128xf32, #tpu.memory_space<vmem>>, vector<1x1x1x16xf32>,
      %swap3A_880 = vector.shape_cast %swap3A_879 : vector<1x1x1x16xf32> to vector<16xf32>
      %swap3A_881 = vector.shape_cast %add3A_872 : vector<16xf32> to vector<1x1x1x16xf32>
      tpu.vector_store %arg8[%swap3A_875, %swap3A_876, %swap3A_877, %swap3A_878], %swap3A_881 {strides = array<i32>} : memref<3x2x128x128xf32, #tpu.memory_space<vmem>>, vector<1x1x1x16xf32>,
      %get3A_882 = arith.constant 1 : i32
      %get3A_883 = arith.constant 0 : i32
      %get3A_884 = arith.index_cast %get3A_882 : i32 to index
      %get3A_885 = arith.index_cast %get3A_883 : i32 to index
      %get3A_886 = arith.index_cast %scan3A_832 : i32 to index
      %get3A_887 = arith.constant 16 : index
      %get3A_888 = tpu.vector_load %arg8[%get3A_884, %get3A_885, %get3A_886, %get3A_887] {strides = array<i32>} : memref<3x2x128x128xf32, #tpu.memory_space<vmem>>, vector<1x1x1x16xf32>,
      %get3A_889 = vector.shape_cast %get3A_888 : vector<1x1x1x16xf32> to vector<16xf32>
      %mul3A_890 = arith.constant 11.3137083 : f32
      %mul3A_891 = vector.broadcast %mul3A_890 : f32 to vector<16xf32>
      %mul3A_892 = arith.mulf %get3A_889, %mul3A_891 : vector<16xf32>
      %add3A_893 = arith.addf %mul3A_892, %bitcast_convert_type3A_840 : vector<16xf32>
      %swap3A_894 = arith.constant 1 : i32
      %swap3A_895 = arith.constant 0 : i32
      %swap3A_896 = arith.index_cast %swap3A_894 : i32 to index
      %swap3A_897 = arith.index_cast %swap3A_895 : i32 to index
      %swap3A_898 = arith.index_cast %scan3A_832 : i32 to index
      %swap3A_899 = arith.constant 16 : index
      %swap3A_900 = tpu.vector_load %arg8[%swap3A_896, %swap3A_897, %swap3A_898, %swap3A_899] {strides = array<i32>} : memref<3x2x128x128xf32, #tpu.memory_space<vmem>>, vector<1x1x1x16xf32>,
      %swap3A_901 = vector.shape_cast %swap3A_900 : vector<1x1x1x16xf32> to vector<16xf32>
      %swap3A_902 = vector.shape_cast %add3A_893 : vector<16xf32> to vector<1x1x1x16xf32>
      tpu.vector_store %arg8[%swap3A_896, %swap3A_897, %swap3A_898, %swap3A_899], %swap3A_902 {strides = array<i32>} : memref<3x2x128x128xf32, #tpu.memory_space<vmem>>, vector<1x1x1x16xf32>,
      %get3A_903 = arith.constant 1 : i32
      %get3A_904 = arith.constant 1 : i32
      %get3A_905 = arith.index_cast %get3A_903 : i32 to index
      %get3A_906 = arith.index_cast %get3A_904 : i32 to index
      %get3A_907 = arith.index_cast %scan3A_832 : i32 to index
      %get3A_908 = arith.constant 16 : index
      %get3A_909 = tpu.vector_load %arg8[%get3A_905, %get3A_906, %get3A_907, %get3A_908] {strides = array<i32>} : memref<3x2x128x128xf32, #tpu.memory_space<vmem>>, vector<1x1x1x16xf32>,
      %get3A_910 = vector.shape_cast %get3A_909 : vector<1x1x1x16xf32> to vector<16xf32>
      %mul3A_911 = arith.constant 11.3137083 : f32
      %mul3A_912 = vector.broadcast %mul3A_911 : f32 to vector<16xf32>
      %mul3A_913 = arith.mulf %get3A_910, %mul3A_912 : vector<16xf32>
      %add3A_914 = arith.addf %mul3A_913, %bitcast_convert_type3A_840 : vector<16xf32>
      %swap3A_915 = arith.constant 1 : i32
      %swap3A_916 = arith.constant 1 : i32
      %swap3A_917 = arith.index_cast %swap3A_915 : i32 to index
      %swap3A_918 = arith.index_cast %swap3A_916 : i32 to index
      %swap3A_919 = arith.index_cast %scan3A_832 : i32 to index
      %swap3A_920 = arith.constant 16 : index
      %swap3A_921 = tpu.vector_load %arg8[%swap3A_917, %swap3A_918, %swap3A_919, %swap3A_920] {strides = array<i32>} : memref<3x2x128x128xf32, #tpu.memory_space<vmem>>, vector<1x1x1x16xf32>,
      %swap3A_922 = vector.shape_cast %swap3A_921 : vector<1x1x1x16xf32> to vector<16xf32>
      %swap3A_923 = vector.shape_cast %add3A_914 : vector<16xf32> to vector<1x1x1x16xf32>
      tpu.vector_store %arg8[%swap3A_917, %swap3A_918, %swap3A_919, %swap3A_920], %swap3A_923 {strides = array<i32>} : memref<3x2x128x128xf32, #tpu.memory_space<vmem>>, vector<1x1x1x16xf32>,
      %get3A_924 = arith.index_cast %scan3A_832 : i32 to index
      %get3A_925 = arith.constant 16 : index
      %get3A_926 = tpu.vector_load %arg7[%get3A_924, %get3A_925] {strides = array<i32>} : memref<128x64xi32, #tpu.memory_space<vmem>>, vector<1x16xi32>,
      %get3A_927 = vector.shape_cast %get3A_926 : vector<1x16xi32> to vector<16xi32>
      %shift_left3A_928 = arith.shli %get3A_927, %broadcast_in_dim3A_833 : vector<16xi32>
      %bitcast_convert_type3A_929 = tpu.bitcast %shift_left3A_928 : vector<16xi32> -> vector<16xf32>
      %and3A_930 = arith.andi %get3A_927, %broadcast_in_dim3A_835 : vector<16xi32>
      %bitcast_convert_type3A_931 = tpu.bitcast %and3A_930 : vector<16xi32> -> vector<16xf32>
      %get3A_932 = arith.constant 1 : i32
      %get3A_933 = arith.constant 0 : i32
      %get3A_934 = arith.index_cast %get3A_932 : i32 to index
      %get3A_935 = arith.index_cast %get3A_933 : i32 to index
      %get3A_936 = arith.index_cast %scan3A_832 : i32 to index
      %get3A_937 = arith.constant 32 : index
      %get3A_938 = tpu.vector_load %arg8[%get3A_934, %get3A_935, %get3A_936, %get3A_937] {strides = array<i32>} : memref<3x2x128x128xf32, #tpu.memory_space<vmem>>, vector<1x1x1x16xf32>,
      %get3A_939 = vector.shape_cast %get3A_938 : vector<1x1x1x16xf32> to vector<16xf32>
      %mul3A_940 = arith.constant 11.3137083 : f32
      %mul3A_941 = vector.broadcast %mul3A_940 : f32 to vector<16xf32>
      %mul3A_942 = arith.mulf %get3A_939, %mul3A_941 : vector<16xf32>
      %add3A_943 = arith.addf %mul3A_942, %bitcast_convert_type3A_929 : vector<16xf32>
      %swap3A_944 = arith.constant 1 : i32
      %swap3A_945 = arith.constant 0 : i32
      %swap3A_946 = arith.index_cast %swap3A_944 : i32 to index
      %swap3A_947 = arith.index_cast %swap3A_945 : i32 to index
      %swap3A_948 = arith.index_cast %scan3A_832 : i32 to index
      %swap3A_949 = arith.constant 32 : index
      %swap3A_950 = tpu.vector_load %arg8[%swap3A_946, %swap3A_947, %swap3A_948, %swap3A_949] {strides = array<i32>} : memref<3x2x128x128xf32, #tpu.memory_space<vmem>>, vector<1x1x1x16xf32>,
      %swap3A_951 = vector.shape_cast %swap3A_950 : vector<1x1x1x16xf32> to vector<16xf32>
      %swap3A_952 = vector.shape_cast %add3A_943 : vector<16xf32> to vector<1x1x1x16xf32>
      tpu.vector_store %arg8[%swap3A_946, %swap3A_947, %swap3A_948, %swap3A_949], %swap3A_952 {strides = array<i32>} : memref<3x2x128x128xf32, #tpu.memory_space<vmem>>, vector<1x1x1x16xf32>,
      %get3A_953 = arith.constant 1 : i32
      %get3A_954 = arith.constant 1 : i32
      %get3A_955 = arith.index_cast %get3A_953 : i32 to index
      %get3A_956 = arith.index_cast %get3A_954 : i32 to index
      %get3A_957 = arith.index_cast %scan3A_832 : i32 to index
      %get3A_958 = arith.constant 32 : index
      %get3A_959 = tpu.vector_load %arg8[%get3A_955, %get3A_956, %get3A_957, %get3A_958] {strides = array<i32>} : memref<3x2x128x128xf32, #tpu.memory_space<vmem>>, vector<1x1x1x16xf32>,
      %get3A_960 = vector.shape_cast %get3A_959 : vector<1x1x1x16xf32> to vector<16xf32>
      %mul3A_961 = arith.constant 11.3137083 : f32
      %mul3A_962 = vector.broadcast %mul3A_961 : f32 to vector<16xf32>
      %mul3A_963 = arith.mulf %get3A_960, %mul3A_962 : vector<16xf32>
      %add3A_964 = arith.addf %mul3A_963, %bitcast_convert_type3A_929 : vector<16xf32>
      %swap3A_965 = arith.constant 1 : i32
      %swap3A_966 = arith.constant 1 : i32
      %swap3A_967 = arith.index_cast %swap3A_965 : i32 to index
      %swap3A_968 = arith.index_cast %swap3A_966 : i32 to index
      %swap3A_969 = arith.index_cast %scan3A_832 : i32 to index
      %swap3A_970 = arith.constant 32 : index
      %swap3A_971 = tpu.vector_load %arg8[%swap3A_967, %swap3A_968, %swap3A_969, %swap3A_970] {strides = array<i32>} : memref<3x2x128x128xf32, #tpu.memory_space<vmem>>, vector<1x1x1x16xf32>,
      %swap3A_972 = vector.shape_cast %swap3A_971 : vector<1x1x1x16xf32> to vector<16xf32>
      %swap3A_973 = vector.shape_cast %add3A_964 : vector<16xf32> to vector<1x1x1x16xf32>
      tpu.vector_store %arg8[%swap3A_967, %swap3A_968, %swap3A_969, %swap3A_970], %swap3A_973 {strides = array<i32>} : memref<3x2x128x128xf32, #tpu.memory_space<vmem>>, vector<1x1x1x16xf32>,
      %get3A_974 = arith.constant 1 : i32
      %get3A_975 = arith.constant 0 : i32
      %get3A_976 = arith.index_cast %get3A_974 : i32 to index
      %get3A_977 = arith.index_cast %get3A_975 : i32 to index
      %get3A_978 = arith.index_cast %scan3A_832 : i32 to index
      %get3A_979 = arith.constant 48 : index
      %get3A_980 = tpu.vector_load %arg8[%get3A_976, %get3A_977, %get3A_978, %get3A_979] {strides = array<i32>} : memref<3x2x128x128xf32, #tpu.memory_space<vmem>>, vector<1x1x1x16xf32>,
      %get3A_981 = vector.shape_cast %get3A_980 : vector<1x1x1x16xf32> to vector<16xf32>
      %mul3A_982 = arith.constant 11.3137083 : f32
      %mul3A_983 = vector.broadcast %mul3A_982 : f32 to vector<16xf32>
      %mul3A_984 = arith.mulf %get3A_981, %mul3A_983 : vector<16xf32>
      %add3A_985 = arith.addf %mul3A_984, %bitcast_convert_type3A_931 : vector<16xf32>
      %swap3A_986 = arith.constant 1 : i32
      %swap3A_987 = arith.constant 0 : i32
      %swap3A_988 = arith.index_cast %swap3A_986 : i32 to index
      %swap3A_989 = arith.index_cast %swap3A_987 : i32 to index
      %swap3A_990 = arith.index_cast %scan3A_832 : i32 to index
      %swap3A_991 = arith.constant 48 : index
      %swap3A_992 = tpu.vector_load %arg8[%swap3A_988, %swap3A_989, %swap3A_990, %swap3A_991] {strides = array<i32>} : memref<3x2x128x128xf32, #tpu.memory_space<vmem>>, vector<1x1x1x16xf32>,
      %swap3A_993 = vector.shape_cast %swap3A_992 : vector<1x1x1x16xf32> to vector<16xf32>
      %swap3A_994 = vector.shape_cast %add3A_985 : vector<16xf32> to vector<1x1x1x16xf32>
      tpu.vector_store %arg8[%swap3A_988, %swap3A_989, %swap3A_990, %swap3A_991], %swap3A_994 {strides = array<i32>} : memref<3x2x128x128xf32, #tpu.memory_space<vmem>>, vector<1x1x1x16xf32>,
      %get3A_995 = arith.constant 1 : i32
      %get3A_996 = arith.constant 1 : i32
      %get3A_997 = arith.index_cast %get3A_995 : i32 to index
      %get3A_998 = arith.index_cast %get3A_996 : i32 to index
      %get3A_999 = arith.index_cast %scan3A_832 : i32 to index
      %get3A_1000 = arith.constant 48 : index
      %get3A_1001 = tpu.vector_load %arg8[%get3A_997, %get3A_998, %get3A_999, %get3A_1000] {strides = array<i32>} : memref<3x2x128x128xf32, #tpu.memory_space<vmem>>, vector<1x1x1x16xf32>,
      %get3A_1002 = vector.shape_cast %get3A_1001 : vector<1x1x1x16xf32> to vector<16xf32>
      %mul3A_1003 = arith.constant 11.3137083 : f32
      %mul3A_1004 = vector.broadcast %mul3A_1003 : f32 to vector<16xf32>
      %mul3A_1005 = arith.mulf %get3A_1002, %mul3A_1004 : vector<16xf32>
      %add3A_1006 = arith.addf %mul3A_1005, %bitcast_convert_type3A_931 : vector<16xf32>
      %swap3A_1007 = arith.constant 1 : i32
      %swap3A_1008 = arith.constant 1 : i32
      %swap3A_1009 = arith.index_cast %swap3A_1007 : i32 to index
      %swap3A_1010 = arith.index_cast %swap3A_1008 : i32 to index
      %swap3A_1011 = arith.index_cast %scan3A_832 : i32 to index
      %swap3A_1012 = arith.constant 48 : index
      %swap3A_1013 = tpu.vector_load %arg8[%swap3A_1009, %swap3A_1010, %swap3A_1011, %swap3A_1012] {strides = array<i32>} : memref<3x2x128x128xf32, #tpu.memory_space<vmem>>, vector<1x1x1x16xf32>,
      %swap3A_1014 = vector.shape_cast %swap3A_1013 : vector<1x1x1x16xf32> to vector<16xf32>
      %swap3A_1015 = vector.shape_cast %add3A_1006 : vector<16xf32> to vector<1x1x1x16xf32>
      tpu.vector_store %arg8[%swap3A_1009, %swap3A_1010, %swap3A_1011, %swap3A_1012], %swap3A_1015 {strides = array<i32>} : memref<3x2x128x128xf32, #tpu.memory_space<vmem>>, vector<1x1x1x16xf32>,
      %get3A_1016 = arith.index_cast %scan3A_832 : i32 to index
      %get3A_1017 = arith.constant 32 : index
      %get3A_1018 = tpu.vector_load %arg7[%get3A_1016, %get3A_1017] {strides = array<i32>} : memref<128x64xi32, #tpu.memory_space<vmem>>, vector<1x16xi32>,
      %get3A_1019 = vector.shape_cast %get3A_1018 : vector<1x16xi32> to vector<16xi32>
      %shift_left3A_1020 = arith.shli %get3A_1019, %broadcast_in_dim3A_833 : vector<16xi32>
      %bitcast_convert_type3A_1021 = tpu.bitcast %shift_left3A_1020 : vector<16xi32> -> vector<16xf32>
      %and3A_1022 = arith.andi %get3A_1019, %broadcast_in_dim3A_835 : vector<16xi32>
      %bitcast_convert_type3A_1023 = tpu.bitcast %and3A_1022 : vector<16xi32> -> vector<16xf32>
      %get3A_1024 = arith.constant 1 : i32
      %get3A_1025 = arith.constant 0 : i32
      %get3A_1026 = arith.index_cast %get3A_1024 : i32 to index
      %get3A_1027 = arith.index_cast %get3A_1025 : i32 to index
      %get3A_1028 = arith.index_cast %scan3A_832 : i32 to index
      %get3A_1029 = arith.constant 64 : index
      %get3A_1030 = tpu.vector_load %arg8[%get3A_1026, %get3A_1027, %get3A_1028, %get3A_1029] {strides = array<i32>} : memref<3x2x128x128xf32, #tpu.memory_space<vmem>>, vector<1x1x1x16xf32>,
      %get3A_1031 = vector.shape_cast %get3A_1030 : vector<1x1x1x16xf32> to vector<16xf32>
      %mul3A_1032 = arith.constant 11.3137083 : f32
      %mul3A_1033 = vector.broadcast %mul3A_1032 : f32 to vector<16xf32>
      %mul3A_1034 = arith.mulf %get3A_1031, %mul3A_1033 : vector<16xf32>
      %add3A_1035 = arith.addf %mul3A_1034, %bitcast_convert_type3A_1021 : vector<16xf32>
      %swap3A_1036 = arith.constant 1 : i32
      %swap3A_1037 = arith.constant 0 : i32
      %swap3A_1038 = arith.index_cast %swap3A_1036 : i32 to index
      %swap3A_1039 = arith.index_cast %swap3A_1037 : i32 to index
      %swap3A_1040 = arith.index_cast %scan3A_832 : i32 to index
      %swap3A_1041 = arith.constant 64 : index
      %swap3A_1042 = tpu.vector_load %arg8[%swap3A_1038, %swap3A_1039, %swap3A_1040, %swap3A_1041] {strides = array<i32>} : memref<3x2x128x128xf32, #tpu.memory_space<vmem>>, vector<1x1x1x16xf32>,
      %swap3A_1043 = vector.shape_cast %swap3A_1042 : vector<1x1x1x16xf32> to vector<16xf32>
      %swap3A_1044 = vector.shape_cast %add3A_1035 : vector<16xf32> to vector<1x1x1x16xf32>
      tpu.vector_store %arg8[%swap3A_1038, %swap3A_1039, %swap3A_1040, %swap3A_1041], %swap3A_1044 {strides = array<i32>} : memref<3x2x128x128xf32, #tpu.memory_space<vmem>>, vector<1x1x1x16xf32>,
      %get3A_1045 = arith.constant 1 : i32
      %get3A_1046 = arith.constant 1 : i32
      %get3A_1047 = arith.index_cast %get3A_1045 : i32 to index
      %get3A_1048 = arith.index_cast %get3A_1046 : i32 to index
      %get3A_1049 = arith.index_cast %scan3A_832 : i32 to index
      %get3A_1050 = arith.constant 64 : index
      %get3A_1051 = tpu.vector_load %arg8[%get3A_1047, %get3A_1048, %get3A_1049, %get3A_1050] {strides = array<i32>} : memref<3x2x128x128xf32, #tpu.memory_space<vmem>>, vector<1x1x1x16xf32>,
      %get3A_1052 = vector.shape_cast %get3A_1051 : vector<1x1x1x16xf32> to vector<16xf32>
      %mul3A_1053 = arith.constant 11.3137083 : f32
      %mul3A_1054 = vector.broadcast %mul3A_1053 : f32 to vector<16xf32>
      %mul3A_1055 = arith.mulf %get3A_1052, %mul3A_1054 : vector<16xf32>
      %add3A_1056 = arith.addf %mul3A_1055, %bitcast_convert_type3A_1021 : vector<16xf32>
      %swap3A_1057 = arith.constant 1 : i32
      %swap3A_1058 = arith.constant 1 : i32
      %swap3A_1059 = arith.index_cast %swap3A_1057 : i32 to index
      %swap3A_1060 = arith.index_cast %swap3A_1058 : i32 to index
      %swap3A_1061 = arith.index_cast %scan3A_832 : i32 to index
      %swap3A_1062 = arith.constant 64 : index
      %swap3A_1063 = tpu.vector_load %arg8[%swap3A_1059, %swap3A_1060, %swap3A_1061, %swap3A_1062] {strides = array<i32>} : memref<3x2x128x128xf32, #tpu.memory_space<vmem>>, vector<1x1x1x16xf32>,
      %swap3A_1064 = vector.shape_cast %swap3A_1063 : vector<1x1x1x16xf32> to vector<16xf32>
      %swap3A_1065 = vector.shape_cast %add3A_1056 : vector<16xf32> to vector<1x1x1x16xf32>
      tpu.vector_store %arg8[%swap3A_1059, %swap3A_1060, %swap3A_1061, %swap3A_1062], %swap3A_1065 {strides = array<i32>} : memref<3x2x128x128xf32, #tpu.memory_space<vmem>>, vector<1x1x1x16xf32>,
      %get3A_1066 = arith.constant 1 : i32
      %get3A_1067 = arith.constant 0 : i32
      %get3A_1068 = arith.index_cast %get3A_1066 : i32 to index
      %get3A_1069 = arith.index_cast %get3A_1067 : i32 to index
      %get3A_1070 = arith.index_cast %scan3A_832 : i32 to index
      %get3A_1071 = arith.constant 80 : index
      %get3A_1072 = tpu.vector_load %arg8[%get3A_1068, %get3A_1069, %get3A_1070, %get3A_1071] {strides = array<i32>} : memref<3x2x128x128xf32, #tpu.memory_space<vmem>>, vector<1x1x1x16xf32>,
      %get3A_1073 = vector.shape_cast %get3A_1072 : vector<1x1x1x16xf32> to vector<16xf32>
      %mul3A_1074 = arith.constant 11.3137083 : f32
      %mul3A_1075 = vector.broadcast %mul3A_1074 : f32 to vector<16xf32>
      %mul3A_1076 = arith.mulf %get3A_1073, %mul3A_1075 : vector<16xf32>
      %add3A_1077 = arith.addf %mul3A_1076, %bitcast_convert_type3A_1023 : vector<16xf32>
      %swap3A_1078 = arith.constant 1 : i32
      %swap3A_1079 = arith.constant 0 : i32
      %swap3A_1080 = arith.index_cast %swap3A_1078 : i32 to index
      %swap3A_1081 = arith.index_cast %swap3A_1079 : i32 to index
      %swap3A_1082 = arith.index_cast %scan3A_832 : i32 to index
      %swap3A_1083 = arith.constant 80 : index
      %swap3A_1084 = tpu.vector_load %arg8[%swap3A_1080, %swap3A_1081, %swap3A_1082, %swap3A_1083] {strides = array<i32>} : memref<3x2x128x128xf32, #tpu.memory_space<vmem>>, vector<1x1x1x16xf32>,
      %swap3A_1085 = vector.shape_cast %swap3A_1084 : vector<1x1x1x16xf32> to vector<16xf32>
      %swap3A_1086 = vector.shape_cast %add3A_1077 : vector<16xf32> to vector<1x1x1x16xf32>
      tpu.vector_store %arg8[%swap3A_1080, %swap3A_1081, %swap3A_1082, %swap3A_1083], %swap3A_1086 {strides = array<i32>} : memref<3x2x128x128xf32, #tpu.memory_space<vmem>>, vector<1x1x1x16xf32>,
      %get3A_1087 = arith.constant 1 : i32
      %get3A_1088 = arith.constant 1 : i32
      %get3A_1089 = arith.index_cast %get3A_1087 : i32 to index
      %get3A_1090 = arith.index_cast %get3A_1088 : i32 to index
      %get3A_1091 = arith.index_cast %scan3A_832 : i32 to index
      %get3A_1092 = arith.constant 80 : index
      %get3A_1093 = tpu.vector_load %arg8[%get3A_1089, %get3A_1090, %get3A_1091, %get3A_1092] {strides = array<i32>} : memref<3x2x128x128xf32, #tpu.memory_space<vmem>>, vector<1x1x1x16xf32>,
      %get3A_1094 = vector.shape_cast %get3A_1093 : vector<1x1x1x16xf32> to vector<16xf32>
      %mul3A_1095 = arith.constant 11.3137083 : f32
      %mul3A_1096 = vector.broadcast %mul3A_1095 : f32 to vector<16xf32>
      %mul3A_1097 = arith.mulf %get3A_1094, %mul3A_1096 : vector<16xf32>
      %add3A_1098 = arith.addf %mul3A_1097, %bitcast_convert_type3A_1023 : vector<16xf32>
      %swap3A_1099 = arith.constant 1 : i32
      %swap3A_1100 = arith.constant 1 : i32
      %swap3A_1101 = arith.index_cast %swap3A_1099 : i32 to index
      %swap3A_1102 = arith.index_cast %swap3A_1100 : i32 to index
      %swap3A_1103 = arith.index_cast %scan3A_832 : i32 to index
      %swap3A_1104 = arith.constant 80 : index
      %swap3A_1105 = tpu.vector_load %arg8[%swap3A_1101, %swap3A_1102, %swap3A_1103, %swap3A_1104] {strides = array<i32>} : memref<3x2x128x128xf32, #tpu.memory_space<vmem>>, vector<1x1x1x16xf32>,
      %swap3A_1106 = vector.shape_cast %swap3A_1105 : vector<1x1x1x16xf32> to vector<16xf32>
      %swap3A_1107 = vector.shape_cast %add3A_1098 : vector<16xf32> to vector<1x1x1x16xf32>
      tpu.vector_store %arg8[%swap3A_1101, %swap3A_1102, %swap3A_1103, %swap3A_1104], %swap3A_1107 {strides = array<i32>} : memref<3x2x128x128xf32, #tpu.memory_space<vmem>>, vector<1x1x1x16xf32>,
      %get3A_1108 = arith.index_cast %scan3A_832 : i32 to index
      %get3A_1109 = arith.constant 48 : index
      %get3A_1110 = tpu.vector_load %arg7[%get3A_1108, %get3A_1109] {strides = array<i32>} : memref<128x64xi32, #tpu.memory_space<vmem>>, vector<1x16xi32>,
      %get3A_1111 = vector.shape_cast %get3A_1110 : vector<1x16xi32> to vector<16xi32>
      %shift_left3A_1112 = arith.shli %get3A_1111, %broadcast_in_dim3A_833 : vector<16xi32>
      %bitcast_convert_type3A_1113 = tpu.bitcast %shift_left3A_1112 : vector<16xi32> -> vector<16xf32>
      %and3A_1114 = arith.andi %get3A_1111, %broadcast_in_dim3A_835 : vector<16xi32>
      %bitcast_convert_type3A_1115 = tpu.bitcast %and3A_1114 : vector<16xi32> -> vector<16xf32>
      %get3A_1116 = arith.constant 1 : i32
      %get3A_1117 = arith.constant 0 : i32
      %get3A_1118 = arith.index_cast %get3A_1116 : i32 to index
      %get3A_1119 = arith.index_cast %get3A_1117 : i32 to index
      %get3A_1120 = arith.index_cast %scan3A_832 : i32 to index
      %get3A_1121 = arith.constant 96 : index
      %get3A_1122 = tpu.vector_load %arg8[%get3A_1118, %get3A_1119, %get3A_1120, %get3A_1121] {strides = array<i32>} : memref<3x2x128x128xf32, #tpu.memory_space<vmem>>, vector<1x1x1x16xf32>,
      %get3A_1123 = vector.shape_cast %get3A_1122 : vector<1x1x1x16xf32> to vector<16xf32>
      %mul3A_1124 = arith.constant 11.3137083 : f32
      %mul3A_1125 = vector.broadcast %mul3A_1124 : f32 to vector<16xf32>
      %mul3A_1126 = arith.mulf %get3A_1123, %mul3A_1125 : vector<16xf32>
      %add3A_1127 = arith.addf %mul3A_1126, %bitcast_convert_type3A_1113 : vector<16xf32>
      %swap3A_1128 = arith.constant 1 : i32
      %swap3A_1129 = arith.constant 0 : i32
      %swap3A_1130 = arith.index_cast %swap3A_1128 : i32 to index
      %swap3A_1131 = arith.index_cast %swap3A_1129 : i32 to index
      %swap3A_1132 = arith.index_cast %scan3A_832 : i32 to index
      %swap3A_1133 = arith.constant 96 : index
      %swap3A_1134 = tpu.vector_load %arg8[%swap3A_1130, %swap3A_1131, %swap3A_1132, %swap3A_1133] {strides = array<i32>} : memref<3x2x128x128xf32, #tpu.memory_space<vmem>>, vector<1x1x1x16xf32>,
      %swap3A_1135 = vector.shape_cast %swap3A_1134 : vector<1x1x1x16xf32> to vector<16xf32>
      %swap3A_1136 = vector.shape_cast %add3A_1127 : vector<16xf32> to vector<1x1x1x16xf32>
      tpu.vector_store %arg8[%swap3A_1130, %swap3A_1131, %swap3A_1132, %swap3A_1133], %swap3A_1136 {strides = array<i32>} : memref<3x2x128x128xf32, #tpu.memory_space<vmem>>, vector<1x1x1x16xf32>,
      %get3A_1137 = arith.constant 1 : i32
      %get3A_1138 = arith.constant 1 : i32
      %get3A_1139 = arith.index_cast %get3A_1137 : i32 to index
      %get3A_1140 = arith.index_cast %get3A_1138 : i32 to index
      %get3A_1141 = arith.index_cast %scan3A_832 : i32 to index
      %get3A_1142 = arith.constant 96 : index
      %get3A_1143 = tpu.vector_load %arg8[%get3A_1139, %get3A_1140, %get3A_1141, %get3A_1142] {strides = array<i32>} : memref<3x2x128x128xf32, #tpu.memory_space<vmem>>, vector<1x1x1x16xf32>,
      %get3A_1144 = vector.shape_cast %get3A_1143 : vector<1x1x1x16xf32> to vector<16xf32>
      %mul3A_1145 = arith.constant 11.3137083 : f32
      %mul3A_1146 = vector.broadcast %mul3A_1145 : f32 to vector<16xf32>
      %mul3A_1147 = arith.mulf %get3A_1144, %mul3A_1146 : vector<16xf32>
      %add3A_1148 = arith.addf %mul3A_1147, %bitcast_convert_type3A_1113 : vector<16xf32>
      %swap3A_1149 = arith.constant 1 : i32
      %swap3A_1150 = arith.constant 1 : i32
      %swap3A_1151 = arith.index_cast %swap3A_1149 : i32 to index
      %swap3A_1152 = arith.index_cast %swap3A_1150 : i32 to index
      %swap3A_1153 = arith.index_cast %scan3A_832 : i32 to index
      %swap3A_1154 = arith.constant 96 : index
      %swap3A_1155 = tpu.vector_load %arg8[%swap3A_1151, %swap3A_1152, %swap3A_1153, %swap3A_1154] {strides = array<i32>} : memref<3x2x128x128xf32, #tpu.memory_space<vmem>>, vector<1x1x1x16xf32>,
      %swap3A_1156 = vector.shape_cast %swap3A_1155 : vector<1x1x1x16xf32> to vector<16xf32>
      %swap3A_1157 = vector.shape_cast %add3A_1148 : vector<16xf32> to vector<1x1x1x16xf32>
      tpu.vector_store %arg8[%swap3A_1151, %swap3A_1152, %swap3A_1153, %swap3A_1154], %swap3A_1157 {strides = array<i32>} : memref<3x2x128x128xf32, #tpu.memory_space<vmem>>, vector<1x1x1x16xf32>,
      %get3A_1158 = arith.constant 1 : i32
      %get3A_1159 = arith.constant 0 : i32
      %get3A_1160 = arith.index_cast %get3A_1158 : i32 to index
      %get3A_1161 = arith.index_cast %get3A_1159 : i32 to index
      %get3A_1162 = arith.index_cast %scan3A_832 : i32 to index
      %get3A_1163 = arith.constant 112 : index
      %get3A_1164 = tpu.vector_load %arg8[%get3A_1160, %get3A_1161, %get3A_1162, %get3A_1163] {strides = array<i32>} : memref<3x2x128x128xf32, #tpu.memory_space<vmem>>, vector<1x1x1x16xf32>,
      %get3A_1165 = vector.shape_cast %get3A_1164 : vector<1x1x1x16xf32> to vector<16xf32>
      %mul3A_1166 = arith.constant 11.3137083 : f32
      %mul3A_1167 = vector.broadcast %mul3A_1166 : f32 to vector<16xf32>
      %mul3A_1168 = arith.mulf %get3A_1165, %mul3A_1167 : vector<16xf32>
      %add3A_1169 = arith.addf %mul3A_1168, %bitcast_convert_type3A_1115 : vector<16xf32>
      %swap3A_1170 = arith.constant 1 : i32
      %swap3A_1171 = arith.constant 0 : i32
      %swap3A_1172 = arith.index_cast %swap3A_1170 : i32 to index
      %swap3A_1173 = arith.index_cast %swap3A_1171 : i32 to index
      %swap3A_1174 = arith.index_cast %scan3A_832 : i32 to index
      %swap3A_1175 = arith.constant 112 : index
      %swap3A_1176 = tpu.vector_load %arg8[%swap3A_1172, %swap3A_1173, %swap3A_1174, %swap3A_1175] {strides = array<i32>} : memref<3x2x128x128xf32, #tpu.memory_space<vmem>>, vector<1x1x1x16xf32>,
      %swap3A_1177 = vector.shape_cast %swap3A_1176 : vector<1x1x1x16xf32> to vector<16xf32>
      %swap3A_1178 = vector.shape_cast %add3A_1169 : vector<16xf32> to vector<1x1x1x16xf32>
      tpu.vector_store %arg8[%swap3A_1172, %swap3A_1173, %swap3A_1174, %swap3A_1175], %swap3A_1178 {strides = array<i32>} : memref<3x2x128x128xf32, #tpu.memory_space<vmem>>, vector<1x1x1x16xf32>,
      %get3A_1179 = arith.constant 1 : i32
      %get3A_1180 = arith.constant 1 : i32
      %get3A_1181 = arith.index_cast %get3A_1179 : i32 to index
      %get3A_1182 = arith.index_cast %get3A_1180 : i32 to index
      %get3A_1183 = arith.index_cast %scan3A_832 : i32 to index
      %get3A_1184 = arith.constant 112 : index
      %get3A_1185 = tpu.vector_load %arg8[%get3A_1181, %get3A_1182, %get3A_1183, %get3A_1184] {strides = array<i32>} : memref<3x2x128x128xf32, #tpu.memory_space<vmem>>, vector<1x1x1x16xf32>,
      %get3A_1186 = vector.shape_cast %get3A_1185 : vector<1x1x1x16xf32> to vector<16xf32>
      %mul3A_1187 = arith.constant 11.3137083 : f32
      %mul3A_1188 = vector.broadcast %mul3A_1187 : f32 to vector<16xf32>
      %mul3A_1189 = arith.mulf %get3A_1186, %mul3A_1188 : vector<16xf32>
      %add3A_1190 = arith.addf %mul3A_1189, %bitcast_convert_type3A_1115 : vector<16xf32>
      %swap3A_1191 = arith.constant 1 : i32
      %swap3A_1192 = arith.constant 1 : i32
      %swap3A_1193 = arith.index_cast %swap3A_1191 : i32 to index
      %swap3A_1194 = arith.index_cast %swap3A_1192 : i32 to index
      %swap3A_1195 = arith.index_cast %scan3A_832 : i32 to index
      %swap3A_1196 = arith.constant 112 : index
      %swap3A_1197 = tpu.vector_load %arg8[%swap3A_1193, %swap3A_1194, %swap3A_1195, %swap3A_1196] {strides = array<i32>} : memref<3x2x128x128xf32, #tpu.memory_space<vmem>>, vector<1x1x1x16xf32>,
      %swap3A_1198 = vector.shape_cast %swap3A_1197 : vector<1x1x1x16xf32> to vector<16xf32>
      %swap3A_1199 = vector.shape_cast %add3A_1190 : vector<16xf32> to vector<1x1x1x16xf32>
      tpu.vector_store %arg8[%swap3A_1193, %swap3A_1194, %swap3A_1195, %swap3A_1196], %swap3A_1199 {strides = array<i32>} : memref<3x2x128x128xf32, #tpu.memory_space<vmem>>, vector<1x1x1x16xf32>,
    }
    %scan3A_273 = arith.constant 128 : i32
    %add3A_274 = arith.constant 2 : i32
    %add3A_275 = arith.addi %mul3A_34, %add3A_274 : i32
    %dma_start3A_276 = arith.constant 1 : i32
    %dma_start3A_277 = arith.constant 0 : i32
    %dma_start3A_278 = arith.constant 0 : i32
    %dma_start3A_279 = arith.constant 0 : i32
    %dma_start3A_280 = tpu.memref_slice %arg8[%dma_start3A_276, %dma_start3A_277, %dma_start3A_278, %dma_start3A_279] : memref<3x2x128x128xf32, #tpu.memory_space<vmem>> -> memref<1x2x128x128xf32, #tpu.memory_space<vmem>>
    %dma_start3A_281 = tpu.memref_squeeze %dma_start3A_280 : memref<1x2x128x128xf32, #tpu.memory_space<vmem>> -> memref<2x128x128xf32, #tpu.memory_space<vmem>>
    %dma_start3A_282 = arith.constant 0 : i32
    %dma_start3A_283 = tpu.memref_slice %arg5[%add3A_275, %mul3A_32, %dma_start3A_282] : memref<32x2048x128xf32, #tpu.memory_space<hbm>> -> memref<2x128x128xf32, #tpu.memory_space<hbm>>
    %dma_start3A_284 = arith.constant 0 : i32
    %dma_start3A_285 = tpu.memref_slice %arg5[%add3A_275, %mul3A_32, %dma_start3A_284] : memref<32x2048x128xf32, #tpu.memory_space<hbm>> -> memref<2x128x128xf32, #tpu.memory_space<hbm>>
    %dma_start3A_286 = arith.constant 0 : i32
    %dma_start3A_287 = arith.constant 0 : i32
    %dma_start3A_288 = arith.constant 0 : i32
    %dma_start3A_289 = tpu.memref_slice %arg8[%dma_start3A_276, %dma_start3A_286, %dma_start3A_287, %dma_start3A_288] : memref<3x2x128x128xf32, #tpu.memory_space<vmem>> -> memref<1x2x128x128xf32, #tpu.memory_space<vmem>>
    %dma_start3A_290 = tpu.memref_squeeze %dma_start3A_289 : memref<1x2x128x128xf32, #tpu.memory_space<vmem>> -> memref<2x128x128xf32, #tpu.memory_space<vmem>>
    tpu.enqueue_dma source(%dma_start3A_290 : memref<2x128x128xf32, #tpu.memory_space<vmem>>) target(%dma_start3A_285 : memref<2x128x128xf32, #tpu.memory_space<hbm>>) target_semaphore(%arg13 : memref<!tpu.dma_semaphore, #tpu.memory_space<semaphore_mem>>)
    %dma_wait3A_291 = arith.constant 1 : i32
    %dma_wait3A_292 = arith.constant 0 : i32
    %dma_wait3A_293 = arith.constant 0 : i32
    %dma_wait3A_294 = arith.constant 0 : i32
    %dma_wait3A_295 = tpu.memref_slice %arg8[%dma_wait3A_291, %dma_wait3A_292, %dma_wait3A_293, %dma_wait3A_294] : memref<3x2x128x128xf32, #tpu.memory_space<vmem>> -> memref<1x2x128x128xf32, #tpu.memory_space<vmem>>
    %dma_wait3A_296 = tpu.memref_squeeze %dma_wait3A_295 : memref<1x2x128x128xf32, #tpu.memory_space<vmem>> -> memref<2x128x128xf32, #tpu.memory_space<vmem>>
    %dma_wait3A_297 = arith.constant 0 : i32
    %dma_wait3A_298 = tpu.memref_slice %arg5[%add3A_275, %mul3A_32, %dma_wait3A_297] : memref<32x2048x128xf32, #tpu.memory_space<hbm>> -> memref<2x128x128xf32, #tpu.memory_space<hbm>>
    %dma_wait3A_299 = arith.constant 0 : i32
    %dma_wait3A_300 = tpu.memref_slice %arg5[%add3A_275, %mul3A_32, %dma_wait3A_299] : memref<32x2048x128xf32, #tpu.memory_space<hbm>> -> memref<2x128x128xf32, #tpu.memory_space<hbm>>
    %dma_wait3A_301 = arith.constant 0 : i32
    %dma_wait3A_302 = arith.constant 0 : i32
    %dma_wait3A_303 = arith.constant 0 : i32
    %dma_wait3A_304 = tpu.memref_slice %arg8[%dma_wait3A_291, %dma_wait3A_301, %dma_wait3A_302, %dma_wait3A_303] : memref<3x2x128x128xf32, #tpu.memory_space<vmem>> -> memref<1x2x128x128xf32, #tpu.memory_space<vmem>>
    %dma_wait3A_305 = tpu.memref_squeeze %dma_wait3A_304 : memref<1x2x128x128xf32, #tpu.memory_space<vmem>> -> memref<2x128x128xf32, #tpu.memory_space<vmem>>
    tpu.wait_dma2 semaphore(%arg13 : memref<!tpu.dma_semaphore, #tpu.memory_space<semaphore_mem>>) src(%dma_wait3A_305 : memref<2x128x128xf32, #tpu.memory_space<vmem>>) dst(%dma_wait3A_300 : memref<2x128x128xf32, #tpu.memory_space<hbm>>)
    %dma_start3A_306 = arith.constant 8 : i32
    %dma_start3A_307 = arith.constant 1 : i32
    %dma_start3A_308 = arith.constant 0 : i32
    %dma_start3A_309 = arith.constant 0 : i32
    %dma_start3A_310 = arith.constant 0 : i32
    %dma_start3A_311 = tpu.memref_slice %arg8[%dma_start3A_307, %dma_start3A_308, %dma_start3A_309, %dma_start3A_310] : memref<3x2x128x128xf32, #tpu.memory_space<vmem>> -> memref<1x1x128x128xf32, #tpu.memory_space<vmem>>
    %dma_start3A_312 = tpu.memref_squeeze %dma_start3A_311 : memref<1x1x128x128xf32, #tpu.memory_space<vmem>> -> memref<128x128xf32, #tpu.memory_space<vmem>>
    %dma_start3A_313 = arith.constant 0 : i32
    %dma_start3A_314 = tpu.memref_slice %arg6[%dma_start3A_306, %dma_start3A_313] : memref<16x128xi32, #tpu.memory_space<vmem>> -> memref<1x128xi32, #tpu.memory_space<vmem>>
    %dma_start3A_315 = tpu.memref_squeeze %dma_start3A_314 : memref<1x128xi32, #tpu.memory_space<vmem>> -> memref<128xi32, #tpu.memory_space<vmem>>
    %dma_start3A_316 = arith.constant 0 : i32
    %dma_start3A_317 = arith.constant 0 : i32
    %dma_start3A_318 = tpu.memref_slice %arg4[%dma_start3A_316, %dma_start3A_317] : memref<100000x128xf32, #tpu.memory_space<hbm>> -> memref<100000x128xf32, #tpu.memory_space<hbm>>
    tpu.enqueue_indirect_dma source(%dma_start3A_318 : memref<100000x128xf32, #tpu.memory_space<hbm>>) target(%dma_start3A_312 : memref<128x128xf32, #tpu.memory_space<vmem>>) offsets(%dma_start3A_315 : memref<128xi32, #tpu.memory_space<vmem>>) semaphore(%arg10 : memref<!tpu.dma_semaphore, #tpu.memory_space<semaphore_mem>>)
    %dma_start3A_319 = arith.constant 9 : i32
    %dma_start3A_320 = arith.constant 1 : i32
    %dma_start3A_321 = arith.constant 1 : i32
    %dma_start3A_322 = arith.constant 0 : i32
    %dma_start3A_323 = arith.constant 0 : i32
    %dma_start3A_324 = tpu.memref_slice %arg8[%dma_start3A_320, %dma_start3A_321, %dma_start3A_322, %dma_start3A_323] : memref<3x2x128x128xf32, #tpu.memory_space<vmem>> -> memref<1x1x128x128xf32, #tpu.memory_space<vmem>>
    %dma_start3A_325 = tpu.memref_squeeze %dma_start3A_324 : memref<1x1x128x128xf32, #tpu.memory_space<vmem>> -> memref<128x128xf32, #tpu.memory_space<vmem>>
    %dma_start3A_326 = arith.constant 0 : i32
    %dma_start3A_327 = tpu.memref_slice %arg6[%dma_start3A_319, %dma_start3A_326] : memref<16x128xi32, #tpu.memory_space<vmem>> -> memref<1x128xi32, #tpu.memory_space<vmem>>
    %dma_start3A_328 = tpu.memref_squeeze %dma_start3A_327 : memref<1x128xi32, #tpu.memory_space<vmem>> -> memref<128xi32, #tpu.memory_space<vmem>>
    %dma_start3A_329 = arith.constant 0 : i32
    %dma_start3A_330 = arith.constant 0 : i32
    %dma_start3A_331 = tpu.memref_slice %arg4[%dma_start3A_329, %dma_start3A_330] : memref<100000x128xf32, #tpu.memory_space<hbm>> -> memref<100000x128xf32, #tpu.memory_space<hbm>>
    tpu.enqueue_indirect_dma source(%dma_start3A_331 : memref<100000x128xf32, #tpu.memory_space<hbm>>) target(%dma_start3A_325 : memref<128x128xf32, #tpu.memory_space<vmem>>) offsets(%dma_start3A_328 : memref<128xi32, #tpu.memory_space<vmem>>) semaphore(%arg10 : memref<!tpu.dma_semaphore, #tpu.memory_space<semaphore_mem>>)
    %dma_wait3A_332 = arith.constant 4 : i32
    %dma_wait3A_333 = arith.constant 2 : i32
    %dma_wait3A_334 = arith.constant 0 : i32
    %dma_wait3A_335 = arith.constant 0 : i32
    %dma_wait3A_336 = arith.constant 0 : i32
    %dma_wait3A_337 = tpu.memref_slice %arg8[%dma_wait3A_333, %dma_wait3A_334, %dma_wait3A_335, %dma_wait3A_336] : memref<3x2x128x128xf32, #tpu.memory_space<vmem>> -> memref<1x1x128x128xf32, #tpu.memory_space<vmem>>
    %dma_wait3A_338 = tpu.memref_squeeze %dma_wait3A_337 : memref<1x1x128x128xf32, #tpu.memory_space<vmem>> -> memref<128x128xf32, #tpu.memory_space<vmem>>
    %dma_wait3A_339 = arith.constant 0 : i32
    %dma_wait3A_340 = tpu.memref_slice %arg6[%dma_wait3A_332, %dma_wait3A_339] : memref<16x128xi32, #tpu.memory_space<vmem>> -> memref<1x128xi32, #tpu.memory_space<vmem>>
    %dma_wait3A_341 = tpu.memref_squeeze %dma_wait3A_340 : memref<1x128xi32, #tpu.memory_space<vmem>> -> memref<128xi32, #tpu.memory_space<vmem>>
    %dma_wait3A_342 = arith.constant 0 : i32
    %dma_wait3A_343 = arith.constant 0 : i32
    %dma_wait3A_344 = tpu.memref_slice %arg4[%dma_wait3A_342, %dma_wait3A_343] : memref<100000x128xf32, #tpu.memory_space<hbm>> -> memref<100000x128xf32, #tpu.memory_space<hbm>>
    tpu.wait_indirect_dma semaphore(%arg11 : memref<!tpu.dma_semaphore, #tpu.memory_space<semaphore_mem>>) src(%dma_wait3A_344 : memref<100000x128xf32, #tpu.memory_space<hbm>>) dst(%dma_wait3A_338 : memref<128x128xf32, #tpu.memory_space<vmem>>)
    %dma_wait3A_345 = arith.constant 5 : i32
    %dma_wait3A_346 = arith.constant 2 : i32
    %dma_wait3A_347 = arith.constant 1 : i32
    %dma_wait3A_348 = arith.constant 0 : i32
    %dma_wait3A_349 = arith.constant 0 : i32
    %dma_wait3A_350 = tpu.memref_slice %arg8[%dma_wait3A_346, %dma_wait3A_347, %dma_wait3A_348, %dma_wait3A_349] : memref<3x2x128x128xf32, #tpu.memory_space<vmem>> -> memref<1x1x128x128xf32, #tpu.memory_space<vmem>>
    %dma_wait3A_351 = tpu.memref_squeeze %dma_wait3A_350 : memref<1x1x128x128xf32, #tpu.memory_space<vmem>> -> memref<128x128xf32, #tpu.memory_space<vmem>>
    %dma_wait3A_352 = arith.constant 0 : i32
    %dma_wait3A_353 = tpu.memref_slice %arg6[%dma_wait3A_345, %dma_wait3A_352] : memref<16x128xi32, #tpu.memory_space<vmem>> -> memref<1x128xi32, #tpu.memory_space<vmem>>
    %dma_wait3A_354 = tpu.memref_squeeze %dma_wait3A_353 : memref<1x128xi32, #tpu.memory_space<vmem>> -> memref<128xi32, #tpu.memory_space<vmem>>
    %dma_wait3A_355 = arith.constant 0 : i32
    %dma_wait3A_356 = arith.constant 0 : i32
    %dma_wait3A_357 = tpu.memref_slice %arg4[%dma_wait3A_355, %dma_wait3A_356] : memref<100000x128xf32, #tpu.memory_space<hbm>> -> memref<100000x128xf32, #tpu.memory_space<hbm>>
    tpu.wait_indirect_dma semaphore(%arg11 : memref<!tpu.dma_semaphore, #tpu.memory_space<semaphore_mem>>) src(%dma_wait3A_357 : memref<100000x128xf32, #tpu.memory_space<hbm>>) dst(%dma_wait3A_351 : memref<128x128xf32, #tpu.memory_space<vmem>>)
    %scan3A_358 = arith.constant 0 : i32
    %scan3A_359 = arith.constant 0 : i32
    %scan3A_360 = arith.constant 128 : i32
    %scan3A_361 = arith.addi %scan3A_359, %scan3A_360 : i32
    %scan3A_362 = arith.constant 1 : i32
    scf.for %scan3A_832 = %scan3A_359 to %scan3A_361 step %scan3A_362  : i32 {
      %broadcast_in_dim3A = arith.constant 16 : i32
      %broadcast_in_dim3A_833 = vector.broadcast %broadcast_in_dim3A : i32 to vector<16xi32>
      %broadcast_in_dim3A_834 = arith.constant -65536 : i32
      %broadcast_in_dim3A_835 = vector.broadcast %broadcast_in_dim3A_834 : i32 to vector<16xi32>
      %get3A = arith.index_cast %scan3A_832 : i32 to index
      %get3A_836 = arith.constant 0 : index
      %get3A_837 = tpu.vector_load %arg7[%get3A, %get3A_836] {strides = array<i32>} : memref<128x64xi32, #tpu.memory_space<vmem>>, vector<1x16xi32>,
      %get3A_838 = vector.shape_cast %get3A_837 : vector<1x16xi32> to vector<16xi32>
      %shift_left3A = arith.shli %get3A_838, %broadcast_in_dim3A_833 : vector<16xi32>
      %bitcast_convert_type3A = tpu.bitcast %shift_left3A : vector<16xi32> -> vector<16xf32>
      %and3A_839 = arith.andi %get3A_838, %broadcast_in_dim3A_835 : vector<16xi32>
      %bitcast_convert_type3A_840 = tpu.bitcast %and3A_839 : vector<16xi32> -> vector<16xf32>
      %get3A_841 = arith.constant 2 : i32
      %get3A_842 = arith.constant 0 : i32
      %get3A_843 = arith.index_cast %get3A_841 : i32 to index
      %get3A_844 = arith.index_cast %get3A_842 : i32 to index
      %get3A_845 = arith.index_cast %scan3A_832 : i32 to index
      %get3A_846 = arith.constant 0 : index
      %get3A_847 = tpu.vector_load %arg8[%get3A_843, %get3A_844, %get3A_845, %get3A_846] {strides = array<i32>} : memref<3x2x128x128xf32, #tpu.memory_space<vmem>>, vector<1x1x1x16xf32>,
      %get3A_848 = vector.shape_cast %get3A_847 : vector<1x1x1x16xf32> to vector<16xf32>
      %mul3A_849 = arith.constant 11.3137083 : f32
      %mul3A_850 = vector.broadcast %mul3A_849 : f32 to vector<16xf32>
      %mul3A_851 = arith.mulf %get3A_848, %mul3A_850 : vector<16xf32>
      %add3A_852 = arith.addf %mul3A_851, %bitcast_convert_type3A : vector<16xf32>
      %swap3A = arith.constant 2 : i32
      %swap3A_853 = arith.constant 0 : i32
      %swap3A_854 = arith.index_cast %swap3A : i32 to index
      %swap3A_855 = arith.index_cast %swap3A_853 : i32 to index
      %swap3A_856 = arith.index_cast %scan3A_832 : i32 to index
      %swap3A_857 = arith.constant 0 : index
      %swap3A_858 = tpu.vector_load %arg8[%swap3A_854, %swap3A_855, %swap3A_856, %swap3A_857] {strides = array<i32>} : memref<3x2x128x128xf32, #tpu.memory_space<vmem>>, vector<1x1x1x16xf32>,
      %swap3A_859 = vector.shape_cast %swap3A_858 : vector<1x1x1x16xf32> to vector<16xf32>
      %swap3A_860 = vector.shape_cast %add3A_852 : vector<16xf32> to vector<1x1x1x16xf32>
      tpu.vector_store %arg8[%swap3A_854, %swap3A_855, %swap3A_856, %swap3A_857], %swap3A_860 {strides = array<i32>} : memref<3x2x128x128xf32, #tpu.memory_space<vmem>>, vector<1x1x1x16xf32>,
      %get3A_861 = arith.constant 2 : i32
      %get3A_862 = arith.constant 1 : i32
      %get3A_863 = arith.index_cast %get3A_861 : i32 to index
      %get3A_864 = arith.index_cast %get3A_862 : i32 to index
      %get3A_865 = arith.index_cast %scan3A_832 : i32 to index
      %get3A_866 = arith.constant 0 : index
      %get3A_867 = tpu.vector_load %arg8[%get3A_863, %get3A_864, %get3A_865, %get3A_866] {strides = array<i32>} : memref<3x2x128x128xf32, #tpu.memory_space<vmem>>, vector<1x1x1x16xf32>,
      %get3A_868 = vector.shape_cast %get3A_867 : vector<1x1x1x16xf32> to vector<16xf32>
      %mul3A_869 = arith.constant 11.3137083 : f32
      %mul3A_870 = vector.broadcast %mul3A_869 : f32 to vector<16xf32>
      %mul3A_871 = arith.mulf %get3A_868, %mul3A_870 : vector<16xf32>
      %add3A_872 = arith.addf %mul3A_871, %bitcast_convert_type3A : vector<16xf32>
      %swap3A_873 = arith.constant 2 : i32
      %swap3A_874 = arith.constant 1 : i32
      %swap3A_875 = arith.index_cast %swap3A_873 : i32 to index
      %swap3A_876 = arith.index_cast %swap3A_874 : i32 to index
      %swap3A_877 = arith.index_cast %scan3A_832 : i32 to index
      %swap3A_878 = arith.constant 0 : index
      %swap3A_879 = tpu.vector_load %arg8[%swap3A_875, %swap3A_876, %swap3A_877, %swap3A_878] {strides = array<i32>} : memref<3x2x128x128xf32, #tpu.memory_space<vmem>>, vector<1x1x1x16xf32>,
      %swap3A_880 = vector.shape_cast %swap3A_879 : vector<1x1x1x16xf32> to vector<16xf32>
      %swap3A_881 = vector.shape_cast %add3A_872 : vector<16xf32> to vector<1x1x1x16xf32>
      tpu.vector_store %arg8[%swap3A_875, %swap3A_876, %swap3A_877, %swap3A_878], %swap3A_881 {strides = array<i32>} : memref<3x2x128x128xf32, #tpu.memory_space<vmem>>, vector<1x1x1x16xf32>,
      %get3A_882 = arith.constant 2 : i32
      %get3A_883 = arith.constant 0 : i32
      %get3A_884 = arith.index_cast %get3A_882 : i32 to index
      %get3A_885 = arith.index_cast %get3A_883 : i32 to index
      %get3A_886 = arith.index_cast %scan3A_832 : i32 to index
      %get3A_887 = arith.constant 16 : index
      %get3A_888 = tpu.vector_load %arg8[%get3A_884, %get3A_885, %get3A_886, %get3A_887] {strides = array<i32>} : memref<3x2x128x128xf32, #tpu.memory_space<vmem>>, vector<1x1x1x16xf32>,
      %get3A_889 = vector.shape_cast %get3A_888 : vector<1x1x1x16xf32> to vector<16xf32>
      %mul3A_890 = arith.constant 11.3137083 : f32
      %mul3A_891 = vector.broadcast %mul3A_890 : f32 to vector<16xf32>
      %mul3A_892 = arith.mulf %get3A_889, %mul3A_891 : vector<16xf32>
      %add3A_893 = arith.addf %mul3A_892, %bitcast_convert_type3A_840 : vector<16xf32>
      %swap3A_894 = arith.constant 2 : i32
      %swap3A_895 = arith.constant 0 : i32
      %swap3A_896 = arith.index_cast %swap3A_894 : i32 to index
      %swap3A_897 = arith.index_cast %swap3A_895 : i32 to index
      %swap3A_898 = arith.index_cast %scan3A_832 : i32 to index
      %swap3A_899 = arith.constant 16 : index
      %swap3A_900 = tpu.vector_load %arg8[%swap3A_896, %swap3A_897, %swap3A_898, %swap3A_899] {strides = array<i32>} : memref<3x2x128x128xf32, #tpu.memory_space<vmem>>, vector<1x1x1x16xf32>,
      %swap3A_901 = vector.shape_cast %swap3A_900 : vector<1x1x1x16xf32> to vector<16xf32>
      %swap3A_902 = vector.shape_cast %add3A_893 : vector<16xf32> to vector<1x1x1x16xf32>
      tpu.vector_store %arg8[%swap3A_896, %swap3A_897, %swap3A_898, %swap3A_899], %swap3A_902 {strides = array<i32>} : memref<3x2x128x128xf32, #tpu.memory_space<vmem>>, vector<1x1x1x16xf32>,
      %get3A_903 = arith.constant 2 : i32
      %get3A_904 = arith.constant 1 : i32
      %get3A_905 = arith.index_cast %get3A_903 : i32 to index
      %get3A_906 = arith.index_cast %get3A_904 : i32 to index
      %get3A_907 = arith.index_cast %scan3A_832 : i32 to index
      %get3A_908 = arith.constant 16 : index
      %get3A_909 = tpu.vector_load %arg8[%get3A_905, %get3A_906, %get3A_907, %get3A_908] {strides = array<i32>} : memref<3x2x128x128xf32, #tpu.memory_space<vmem>>, vector<1x1x1x16xf32>,
      %get3A_910 = vector.shape_cast %get3A_909 : vector<1x1x1x16xf32> to vector<16xf32>
      %mul3A_911 = arith.constant 11.3137083 : f32
      %mul3A_912 = vector.broadcast %mul3A_911 : f32 to vector<16xf32>
      %mul3A_913 = arith.mulf %get3A_910, %mul3A_912 : vector<16xf32>
      %add3A_914 = arith.addf %mul3A_913, %bitcast_convert_type3A_840 : vector<16xf32>
      %swap3A_915 = arith.constant 2 : i32
      %swap3A_916 = arith.constant 1 : i32
      %swap3A_917 = arith.index_cast %swap3A_915 : i32 to index
      %swap3A_918 = arith.index_cast %swap3A_916 : i32 to index
      %swap3A_919 = arith.index_cast %scan3A_832 : i32 to index
      %swap3A_920 = arith.constant 16 : index
      %swap3A_921 = tpu.vector_load %arg8[%swap3A_917, %swap3A_918, %swap3A_919, %swap3A_920] {strides = array<i32>} : memref<3x2x128x128xf32, #tpu.memory_space<vmem>>, vector<1x1x1x16xf32>,
      %swap3A_922 = vector.shape_cast %swap3A_921 : vector<1x1x1x16xf32> to vector<16xf32>
      %swap3A_923 = vector.shape_cast %add3A_914 : vector<16xf32> to vector<1x1x1x16xf32>
      tpu.vector_store %arg8[%swap3A_917, %swap3A_918, %swap3A_919, %swap3A_920], %swap3A_923 {strides = array<i32>} : memref<3x2x128x128xf32, #tpu.memory_space<vmem>>, vector<1x1x1x16xf32>,
      %get3A_924 = arith.index_cast %scan3A_832 : i32 to index
      %get3A_925 = arith.constant 16 : index
      %get3A_926 = tpu.vector_load %arg7[%get3A_924, %get3A_925] {strides = array<i32>} : memref<128x64xi32, #tpu.memory_space<vmem>>, vector<1x16xi32>,
      %get3A_927 = vector.shape_cast %get3A_926 : vector<1x16xi32> to vector<16xi32>
      %shift_left3A_928 = arith.shli %get3A_927, %broadcast_in_dim3A_833 : vector<16xi32>
      %bitcast_convert_type3A_929 = tpu.bitcast %shift_left3A_928 : vector<16xi32> -> vector<16xf32>
      %and3A_930 = arith.andi %get3A_927, %broadcast_in_dim3A_835 : vector<16xi32>
      %bitcast_convert_type3A_931 = tpu.bitcast %and3A_930 : vector<16xi32> -> vector<16xf32>
      %get3A_932 = arith.constant 2 : i32
      %get3A_933 = arith.constant 0 : i32
      %get3A_934 = arith.index_cast %get3A_932 : i32 to index
      %get3A_935 = arith.index_cast %get3A_933 : i32 to index
      %get3A_936 = arith.index_cast %scan3A_832 : i32 to index
      %get3A_937 = arith.constant 32 : index
      %get3A_938 = tpu.vector_load %arg8[%get3A_934, %get3A_935, %get3A_936, %get3A_937] {strides = array<i32>} : memref<3x2x128x128xf32, #tpu.memory_space<vmem>>, vector<1x1x1x16xf32>,
      %get3A_939 = vector.shape_cast %get3A_938 : vector<1x1x1x16xf32> to vector<16xf32>
      %mul3A_940 = arith.constant 11.3137083 : f32
      %mul3A_941 = vector.broadcast %mul3A_940 : f32 to vector<16xf32>
      %mul3A_942 = arith.mulf %get3A_939, %mul3A_941 : vector<16xf32>
      %add3A_943 = arith.addf %mul3A_942, %bitcast_convert_type3A_929 : vector<16xf32>
      %swap3A_944 = arith.constant 2 : i32
      %swap3A_945 = arith.constant 0 : i32
      %swap3A_946 = arith.index_cast %swap3A_944 : i32 to index
      %swap3A_947 = arith.index_cast %swap3A_945 : i32 to index
      %swap3A_948 = arith.index_cast %scan3A_832 : i32 to index
      %swap3A_949 = arith.constant 32 : index
      %swap3A_950 = tpu.vector_load %arg8[%swap3A_946, %swap3A_947, %swap3A_948, %swap3A_949] {strides = array<i32>} : memref<3x2x128x128xf32, #tpu.memory_space<vmem>>, vector<1x1x1x16xf32>,
      %swap3A_951 = vector.shape_cast %swap3A_950 : vector<1x1x1x16xf32> to vector<16xf32>
      %swap3A_952 = vector.shape_cast %add3A_943 : vector<16xf32> to vector<1x1x1x16xf32>
      tpu.vector_store %arg8[%swap3A_946, %swap3A_947, %swap3A_948, %swap3A_949], %swap3A_952 {strides = array<i32>} : memref<3x2x128x128xf32, #tpu.memory_space<vmem>>, vector<1x1x1x16xf32>,
      %get3A_953 = arith.constant 2 : i32
      %get3A_954 = arith.constant 1 : i32
      %get3A_955 = arith.index_cast %get3A_953 : i32 to index
      %get3A_956 = arith.index_cast %get3A_954 : i32 to index
      %get3A_957 = arith.index_cast %scan3A_832 : i32 to index
      %get3A_958 = arith.constant 32 : index
      %get3A_959 = tpu.vector_load %arg8[%get3A_955, %get3A_956, %get3A_957, %get3A_958] {strides = array<i32>} : memref<3x2x128x128xf32, #tpu.memory_space<vmem>>, vector<1x1x1x16xf32>,
      %get3A_960 = vector.shape_cast %get3A_959 : vector<1x1x1x16xf32> to vector<16xf32>
      %mul3A_961 = arith.constant 11.3137083 : f32
      %mul3A_962 = vector.broadcast %mul3A_961 : f32 to vector<16xf32>
      %mul3A_963 = arith.mulf %get3A_960, %mul3A_962 : vector<16xf32>
      %add3A_964 = arith.addf %mul3A_963, %bitcast_convert_type3A_929 : vector<16xf32>
      %swap3A_965 = arith.constant 2 : i32
      %swap3A_966 = arith.constant 1 : i32
      %swap3A_967 = arith.index_cast %swap3A_965 : i32 to index
      %swap3A_968 = arith.index_cast %swap3A_966 : i32 to index
      %swap3A_969 = arith.index_cast %scan3A_832 : i32 to index
      %swap3A_970 = arith.constant 32 : index
      %swap3A_971 = tpu.vector_load %arg8[%swap3A_967, %swap3A_968, %swap3A_969, %swap3A_970] {strides = array<i32>} : memref<3x2x128x128xf32, #tpu.memory_space<vmem>>, vector<1x1x1x16xf32>,
      %swap3A_972 = vector.shape_cast %swap3A_971 : vector<1x1x1x16xf32> to vector<16xf32>
      %swap3A_973 = vector.shape_cast %add3A_964 : vector<16xf32> to vector<1x1x1x16xf32>
      tpu.vector_store %arg8[%swap3A_967, %swap3A_968, %swap3A_969, %swap3A_970], %swap3A_973 {strides = array<i32>} : memref<3x2x128x128xf32, #tpu.memory_space<vmem>>, vector<1x1x1x16xf32>,
      %get3A_974 = arith.constant 2 : i32
      %get3A_975 = arith.constant 0 : i32
      %get3A_976 = arith.index_cast %get3A_974 : i32 to index
      %get3A_977 = arith.index_cast %get3A_975 : i32 to index
      %get3A_978 = arith.index_cast %scan3A_832 : i32 to index
      %get3A_979 = arith.constant 48 : index
      %get3A_980 = tpu.vector_load %arg8[%get3A_976, %get3A_977, %get3A_978, %get3A_979] {strides = array<i32>} : memref<3x2x128x128xf32, #tpu.memory_space<vmem>>, vector<1x1x1x16xf32>,
      %get3A_981 = vector.shape_cast %get3A_980 : vector<1x1x1x16xf32> to vector<16xf32>
      %mul3A_982 = arith.constant 11.3137083 : f32
      %mul3A_983 = vector.broadcast %mul3A_982 : f32 to vector<16xf32>
      %mul3A_984 = arith.mulf %get3A_981, %mul3A_983 : vector<16xf32>
      %add3A_985 = arith.addf %mul3A_984, %bitcast_convert_type3A_931 : vector<16xf32>
      %swap3A_986 = arith.constant 2 : i32
      %swap3A_987 = arith.constant 0 : i32
      %swap3A_988 = arith.index_cast %swap3A_986 : i32 to index
      %swap3A_989 = arith.index_cast %swap3A_987 : i32 to index
      %swap3A_990 = arith.index_cast %scan3A_832 : i32 to index
      %swap3A_991 = arith.constant 48 : index
      %swap3A_992 = tpu.vector_load %arg8[%swap3A_988, %swap3A_989, %swap3A_990, %swap3A_991] {strides = array<i32>} : memref<3x2x128x128xf32, #tpu.memory_space<vmem>>, vector<1x1x1x16xf32>,
      %swap3A_993 = vector.shape_cast %swap3A_992 : vector<1x1x1x16xf32> to vector<16xf32>
      %swap3A_994 = vector.shape_cast %add3A_985 : vector<16xf32> to vector<1x1x1x16xf32>
      tpu.vector_store %arg8[%swap3A_988, %swap3A_989, %swap3A_990, %swap3A_991], %swap3A_994 {strides = array<i32>} : memref<3x2x128x128xf32, #tpu.memory_space<vmem>>, vector<1x1x1x16xf32>,
      %get3A_995 = arith.constant 2 : i32
      %get3A_996 = arith.constant 1 : i32
      %get3A_997 = arith.index_cast %get3A_995 : i32 to index
      %get3A_998 = arith.index_cast %get3A_996 : i32 to index
      %get3A_999 = arith.index_cast %scan3A_832 : i32 to index
      %get3A_1000 = arith.constant 48 : index
      %get3A_1001 = tpu.vector_load %arg8[%get3A_997, %get3A_998, %get3A_999, %get3A_1000] {strides = array<i32>} : memref<3x2x128x128xf32, #tpu.memory_space<vmem>>, vector<1x1x1x16xf32>,
      %get3A_1002 = vector.shape_cast %get3A_1001 : vector<1x1x1x16xf32> to vector<16xf32>
      %mul3A_1003 = arith.constant 11.3137083 : f32
      %mul3A_1004 = vector.broadcast %mul3A_1003 : f32 to vector<16xf32>
      %mul3A_1005 = arith.mulf %get3A_1002, %mul3A_1004 : vector<16xf32>
      %add3A_1006 = arith.addf %mul3A_1005, %bitcast_convert_type3A_931 : vector<16xf32>
      %swap3A_1007 = arith.constant 2 : i32
      %swap3A_1008 = arith.constant 1 : i32
      %swap3A_1009 = arith.index_cast %swap3A_1007 : i32 to index
      %swap3A_1010 = arith.index_cast %swap3A_1008 : i32 to index
      %swap3A_1011 = arith.index_cast %scan3A_832 : i32 to index
      %swap3A_1012 = arith.constant 48 : index
      %swap3A_1013 = tpu.vector_load %arg8[%swap3A_1009, %swap3A_1010, %swap3A_1011, %swap3A_1012] {strides = array<i32>} : memref<3x2x128x128xf32, #tpu.memory_space<vmem>>, vector<1x1x1x16xf32>,
      %swap3A_1014 = vector.shape_cast %swap3A_1013 : vector<1x1x1x16xf32> to vector<16xf32>
      %swap3A_1015 = vector.shape_cast %add3A_1006 : vector<16xf32> to vector<1x1x1x16xf32>
      tpu.vector_store %arg8[%swap3A_1009, %swap3A_1010, %swap3A_1011, %swap3A_1012], %swap3A_1015 {strides = array<i32>} : memref<3x2x128x128xf32, #tpu.memory_space<vmem>>, vector<1x1x1x16xf32>,
      %get3A_1016 = arith.index_cast %scan3A_832 : i32 to index
      %get3A_1017 = arith.constant 32 : index
      %get3A_1018 = tpu.vector_load %arg7[%get3A_1016, %get3A_1017] {strides = array<i32>} : memref<128x64xi32, #tpu.memory_space<vmem>>, vector<1x16xi32>,
      %get3A_1019 = vector.shape_cast %get3A_1018 : vector<1x16xi32> to vector<16xi32>
      %shift_left3A_1020 = arith.shli %get3A_1019, %broadcast_in_dim3A_833 : vector<16xi32>
      %bitcast_convert_type3A_1021 = tpu.bitcast %shift_left3A_1020 : vector<16xi32> -> vector<16xf32>
      %and3A_1022 = arith.andi %get3A_1019, %broadcast_in_dim3A_835 : vector<16xi32>
      %bitcast_convert_type3A_1023 = tpu.bitcast %and3A_1022 : vector<16xi32> -> vector<16xf32>
      %get3A_1024 = arith.constant 2 : i32
      %get3A_1025 = arith.constant 0 : i32
      %get3A_1026 = arith.index_cast %get3A_1024 : i32 to index
      %get3A_1027 = arith.index_cast %get3A_1025 : i32 to index
      %get3A_1028 = arith.index_cast %scan3A_832 : i32 to index
      %get3A_1029 = arith.constant 64 : index
      %get3A_1030 = tpu.vector_load %arg8[%get3A_1026, %get3A_1027, %get3A_1028, %get3A_1029] {strides = array<i32>} : memref<3x2x128x128xf32, #tpu.memory_space<vmem>>, vector<1x1x1x16xf32>,
      %get3A_1031 = vector.shape_cast %get3A_1030 : vector<1x1x1x16xf32> to vector<16xf32>
      %mul3A_1032 = arith.constant 11.3137083 : f32
      %mul3A_1033 = vector.broadcast %mul3A_1032 : f32 to vector<16xf32>
      %mul3A_1034 = arith.mulf %get3A_1031, %mul3A_1033 : vector<16xf32>
      %add3A_1035 = arith.addf %mul3A_1034, %bitcast_convert_type3A_1021 : vector<16xf32>
      %swap3A_1036 = arith.constant 2 : i32
      %swap3A_1037 = arith.constant 0 : i32
      %swap3A_1038 = arith.index_cast %swap3A_1036 : i32 to index
      %swap3A_1039 = arith.index_cast %swap3A_1037 : i32 to index
      %swap3A_1040 = arith.index_cast %scan3A_832 : i32 to index
      %swap3A_1041 = arith.constant 64 : index
      %swap3A_1042 = tpu.vector_load %arg8[%swap3A_1038, %swap3A_1039, %swap3A_1040, %swap3A_1041] {strides = array<i32>} : memref<3x2x128x128xf32, #tpu.memory_space<vmem>>, vector<1x1x1x16xf32>,
      %swap3A_1043 = vector.shape_cast %swap3A_1042 : vector<1x1x1x16xf32> to vector<16xf32>
      %swap3A_1044 = vector.shape_cast %add3A_1035 : vector<16xf32> to vector<1x1x1x16xf32>
      tpu.vector_store %arg8[%swap3A_1038, %swap3A_1039, %swap3A_1040, %swap3A_1041], %swap3A_1044 {strides = array<i32>} : memref<3x2x128x128xf32, #tpu.memory_space<vmem>>, vector<1x1x1x16xf32>,
      %get3A_1045 = arith.constant 2 : i32
      %get3A_1046 = arith.constant 1 : i32
      %get3A_1047 = arith.index_cast %get3A_1045 : i32 to index
      %get3A_1048 = arith.index_cast %get3A_1046 : i32 to index
      %get3A_1049 = arith.index_cast %scan3A_832 : i32 to index
      %get3A_1050 = arith.constant 64 : index
      %get3A_1051 = tpu.vector_load %arg8[%get3A_1047, %get3A_1048, %get3A_1049, %get3A_1050] {strides = array<i32>} : memref<3x2x128x128xf32, #tpu.memory_space<vmem>>, vector<1x1x1x16xf32>,
      %get3A_1052 = vector.shape_cast %get3A_1051 : vector<1x1x1x16xf32> to vector<16xf32>
      %mul3A_1053 = arith.constant 11.3137083 : f32
      %mul3A_1054 = vector.broadcast %mul3A_1053 : f32 to vector<16xf32>
      %mul3A_1055 = arith.mulf %get3A_1052, %mul3A_1054 : vector<16xf32>
      %add3A_1056 = arith.addf %mul3A_1055, %bitcast_convert_type3A_1021 : vector<16xf32>
      %swap3A_1057 = arith.constant 2 : i32
      %swap3A_1058 = arith.constant 1 : i32
      %swap3A_1059 = arith.index_cast %swap3A_1057 : i32 to index
      %swap3A_1060 = arith.index_cast %swap3A_1058 : i32 to index
      %swap3A_1061 = arith.index_cast %scan3A_832 : i32 to index
      %swap3A_1062 = arith.constant 64 : index
      %swap3A_1063 = tpu.vector_load %arg8[%swap3A_1059, %swap3A_1060, %swap3A_1061, %swap3A_1062] {strides = array<i32>} : memref<3x2x128x128xf32, #tpu.memory_space<vmem>>, vector<1x1x1x16xf32>,
      %swap3A_1064 = vector.shape_cast %swap3A_1063 : vector<1x1x1x16xf32> to vector<16xf32>
      %swap3A_1065 = vector.shape_cast %add3A_1056 : vector<16xf32> to vector<1x1x1x16xf32>
      tpu.vector_store %arg8[%swap3A_1059, %swap3A_1060, %swap3A_1061, %swap3A_1062], %swap3A_1065 {strides = array<i32>} : memref<3x2x128x128xf32, #tpu.memory_space<vmem>>, vector<1x1x1x16xf32>,
      %get3A_1066 = arith.constant 2 : i32
      %get3A_1067 = arith.constant 0 : i32
      %get3A_1068 = arith.index_cast %get3A_1066 : i32 to index
      %get3A_1069 = arith.index_cast %get3A_1067 : i32 to index
      %get3A_1070 = arith.index_cast %scan3A_832 : i32 to index
      %get3A_1071 = arith.constant 80 : index
      %get3A_1072 = tpu.vector_load %arg8[%get3A_1068, %get3A_1069, %get3A_1070, %get3A_1071] {strides = array<i32>} : memref<3x2x128x128xf32, #tpu.memory_space<vmem>>, vector<1x1x1x16xf32>,
      %get3A_1073 = vector.shape_cast %get3A_1072 : vector<1x1x1x16xf32> to vector<16xf32>
      %mul3A_1074 = arith.constant 11.3137083 : f32
      %mul3A_1075 = vector.broadcast %mul3A_1074 : f32 to vector<16xf32>
      %mul3A_1076 = arith.mulf %get3A_1073, %mul3A_1075 : vector<16xf32>
      %add3A_1077 = arith.addf %mul3A_1076, %bitcast_convert_type3A_1023 : vector<16xf32>
      %swap3A_1078 = arith.constant 2 : i32
      %swap3A_1079 = arith.constant 0 : i32
      %swap3A_1080 = arith.index_cast %swap3A_1078 : i32 to index
      %swap3A_1081 = arith.index_cast %swap3A_1079 : i32 to index
      %swap3A_1082 = arith.index_cast %scan3A_832 : i32 to index
      %swap3A_1083 = arith.constant 80 : index
      %swap3A_1084 = tpu.vector_load %arg8[%swap3A_1080, %swap3A_1081, %swap3A_1082, %swap3A_1083] {strides = array<i32>} : memref<3x2x128x128xf32, #tpu.memory_space<vmem>>, vector<1x1x1x16xf32>,
      %swap3A_1085 = vector.shape_cast %swap3A_1084 : vector<1x1x1x16xf32> to vector<16xf32>
      %swap3A_1086 = vector.shape_cast %add3A_1077 : vector<16xf32> to vector<1x1x1x16xf32>
      tpu.vector_store %arg8[%swap3A_1080, %swap3A_1081, %swap3A_1082, %swap3A_1083], %swap3A_1086 {strides = array<i32>} : memref<3x2x128x128xf32, #tpu.memory_space<vmem>>, vector<1x1x1x16xf32>,
      %get3A_1087 = arith.constant 2 : i32
      %get3A_1088 = arith.constant 1 : i32
      %get3A_1089 = arith.index_cast %get3A_1087 : i32 to index
      %get3A_1090 = arith.index_cast %get3A_1088 : i32 to index
      %get3A_1091 = arith.index_cast %scan3A_832 : i32 to index
      %get3A_1092 = arith.constant 80 : index
      %get3A_1093 = tpu.vector_load %arg8[%get3A_1089, %get3A_1090, %get3A_1091, %get3A_1092] {strides = array<i32>} : memref<3x2x128x128xf32, #tpu.memory_space<vmem>>, vector<1x1x1x16xf32>,
      %get3A_1094 = vector.shape_cast %get3A_1093 : vector<1x1x1x16xf32> to vector<16xf32>
      %mul3A_1095 = arith.constant 11.3137083 : f32
      %mul3A_1096 = vector.broadcast %mul3A_1095 : f32 to vector<16xf32>
      %mul3A_1097 = arith.mulf %get3A_1094, %mul3A_1096 : vector<16xf32>
      %add3A_1098 = arith.addf %mul3A_1097, %bitcast_convert_type3A_1023 : vector<16xf32>
      %swap3A_1099 = arith.constant 2 : i32
      %swap3A_1100 = arith.constant 1 : i32
      %swap3A_1101 = arith.index_cast %swap3A_1099 : i32 to index
      %swap3A_1102 = arith.index_cast %swap3A_1100 : i32 to index
      %swap3A_1103 = arith.index_cast %scan3A_832 : i32 to index
      %swap3A_1104 = arith.constant 80 : index
      %swap3A_1105 = tpu.vector_load %arg8[%swap3A_1101, %swap3A_1102, %swap3A_1103, %swap3A_1104] {strides = array<i32>} : memref<3x2x128x128xf32, #tpu.memory_space<vmem>>, vector<1x1x1x16xf32>,
      %swap3A_1106 = vector.shape_cast %swap3A_1105 : vector<1x1x1x16xf32> to vector<16xf32>
      %swap3A_1107 = vector.shape_cast %add3A_1098 : vector<16xf32> to vector<1x1x1x16xf32>
      tpu.vector_store %arg8[%swap3A_1101, %swap3A_1102, %swap3A_1103, %swap3A_1104], %swap3A_1107 {strides = array<i32>} : memref<3x2x128x128xf32, #tpu.memory_space<vmem>>, vector<1x1x1x16xf32>,
      %get3A_1108 = arith.index_cast %scan3A_832 : i32 to index
      %get3A_1109 = arith.constant 48 : index
      %get3A_1110 = tpu.vector_load %arg7[%get3A_1108, %get3A_1109] {strides = array<i32>} : memref<128x64xi32, #tpu.memory_space<vmem>>, vector<1x16xi32>,
      %get3A_1111 = vector.shape_cast %get3A_1110 : vector<1x16xi32> to vector<16xi32>
      %shift_left3A_1112 = arith.shli %get3A_1111, %broadcast_in_dim3A_833 : vector<16xi32>
      %bitcast_convert_type3A_1113 = tpu.bitcast %shift_left3A_1112 : vector<16xi32> -> vector<16xf32>
      %and3A_1114 = arith.andi %get3A_1111, %broadcast_in_dim3A_835 : vector<16xi32>
      %bitcast_convert_type3A_1115 = tpu.bitcast %and3A_1114 : vector<16xi32> -> vector<16xf32>
      %get3A_1116 = arith.constant 2 : i32
      %get3A_1117 = arith.constant 0 : i32
      %get3A_1118 = arith.index_cast %get3A_1116 : i32 to index
      %get3A_1119 = arith.index_cast %get3A_1117 : i32 to index
      %get3A_1120 = arith.index_cast %scan3A_832 : i32 to index
      %get3A_1121 = arith.constant 96 : index
      %get3A_1122 = tpu.vector_load %arg8[%get3A_1118, %get3A_1119, %get3A_1120, %get3A_1121] {strides = array<i32>} : memref<3x2x128x128xf32, #tpu.memory_space<vmem>>, vector<1x1x1x16xf32>,
      %get3A_1123 = vector.shape_cast %get3A_1122 : vector<1x1x1x16xf32> to vector<16xf32>
      %mul3A_1124 = arith.constant 11.3137083 : f32
      %mul3A_1125 = vector.broadcast %mul3A_1124 : f32 to vector<16xf32>
      %mul3A_1126 = arith.mulf %get3A_1123, %mul3A_1125 : vector<16xf32>
      %add3A_1127 = arith.addf %mul3A_1126, %bitcast_convert_type3A_1113 : vector<16xf32>
      %swap3A_1128 = arith.constant 2 : i32
      %swap3A_1129 = arith.constant 0 : i32
      %swap3A_1130 = arith.index_cast %swap3A_1128 : i32 to index
      %swap3A_1131 = arith.index_cast %swap3A_1129 : i32 to index
      %swap3A_1132 = arith.index_cast %scan3A_832 : i32 to index
      %swap3A_1133 = arith.constant 96 : index
      %swap3A_1134 = tpu.vector_load %arg8[%swap3A_1130, %swap3A_1131, %swap3A_1132, %swap3A_1133] {strides = array<i32>} : memref<3x2x128x128xf32, #tpu.memory_space<vmem>>, vector<1x1x1x16xf32>,
      %swap3A_1135 = vector.shape_cast %swap3A_1134 : vector<1x1x1x16xf32> to vector<16xf32>
      %swap3A_1136 = vector.shape_cast %add3A_1127 : vector<16xf32> to vector<1x1x1x16xf32>
      tpu.vector_store %arg8[%swap3A_1130, %swap3A_1131, %swap3A_1132, %swap3A_1133], %swap3A_1136 {strides = array<i32>} : memref<3x2x128x128xf32, #tpu.memory_space<vmem>>, vector<1x1x1x16xf32>,
      %get3A_1137 = arith.constant 2 : i32
      %get3A_1138 = arith.constant 1 : i32
      %get3A_1139 = arith.index_cast %get3A_1137 : i32 to index
      %get3A_1140 = arith.index_cast %get3A_1138 : i32 to index
      %get3A_1141 = arith.index_cast %scan3A_832 : i32 to index
      %get3A_1142 = arith.constant 96 : index
      %get3A_1143 = tpu.vector_load %arg8[%get3A_1139, %get3A_1140, %get3A_1141, %get3A_1142] {strides = array<i32>} : memref<3x2x128x128xf32, #tpu.memory_space<vmem>>, vector<1x1x1x16xf32>,
      %get3A_1144 = vector.shape_cast %get3A_1143 : vector<1x1x1x16xf32> to vector<16xf32>
      %mul3A_1145 = arith.constant 11.3137083 : f32
      %mul3A_1146 = vector.broadcast %mul3A_1145 : f32 to vector<16xf32>
      %mul3A_1147 = arith.mulf %get3A_1144, %mul3A_1146 : vector<16xf32>
      %add3A_1148 = arith.addf %mul3A_1147, %bitcast_convert_type3A_1113 : vector<16xf32>
      %swap3A_1149 = arith.constant 2 : i32
      %swap3A_1150 = arith.constant 1 : i32
      %swap3A_1151 = arith.index_cast %swap3A_1149 : i32 to index
      %swap3A_1152 = arith.index_cast %swap3A_1150 : i32 to index
      %swap3A_1153 = arith.index_cast %scan3A_832 : i32 to index
      %swap3A_1154 = arith.constant 96 : index
      %swap3A_1155 = tpu.vector_load %arg8[%swap3A_1151, %swap3A_1152, %swap3A_1153, %swap3A_1154] {strides = array<i32>} : memref<3x2x128x128xf32, #tpu.memory_space<vmem>>, vector<1x1x1x16xf32>,
      %swap3A_1156 = vector.shape_cast %swap3A_1155 : vector<1x1x1x16xf32> to vector<16xf32>
      %swap3A_1157 = vector.shape_cast %add3A_1148 : vector<16xf32> to vector<1x1x1x16xf32>
      tpu.vector_store %arg8[%swap3A_1151, %swap3A_1152, %swap3A_1153, %swap3A_1154], %swap3A_1157 {strides = array<i32>} : memref<3x2x128x128xf32, #tpu.memory_space<vmem>>, vector<1x1x1x16xf32>,
      %get3A_1158 = arith.constant 2 : i32
      %get3A_1159 = arith.constant 0 : i32
      %get3A_1160 = arith.index_cast %get3A_1158 : i32 to index
      %get3A_1161 = arith.index_cast %get3A_1159 : i32 to index
      %get3A_1162 = arith.index_cast %scan3A_832 : i32 to index
      %get3A_1163 = arith.constant 112 : index
      %get3A_1164 = tpu.vector_load %arg8[%get3A_1160, %get3A_1161, %get3A_1162, %get3A_1163] {strides = array<i32>} : memref<3x2x128x128xf32, #tpu.memory_space<vmem>>, vector<1x1x1x16xf32>,
      %get3A_1165 = vector.shape_cast %get3A_1164 : vector<1x1x1x16xf32> to vector<16xf32>
      %mul3A_1166 = arith.constant 11.3137083 : f32
      %mul3A_1167 = vector.broadcast %mul3A_1166 : f32 to vector<16xf32>
      %mul3A_1168 = arith.mulf %get3A_1165, %mul3A_1167 : vector<16xf32>
      %add3A_1169 = arith.addf %mul3A_1168, %bitcast_convert_type3A_1115 : vector<16xf32>
      %swap3A_1170 = arith.constant 2 : i32
      %swap3A_1171 = arith.constant 0 : i32
      %swap3A_1172 = arith.index_cast %swap3A_1170 : i32 to index
      %swap3A_1173 = arith.index_cast %swap3A_1171 : i32 to index
      %swap3A_1174 = arith.index_cast %scan3A_832 : i32 to index
      %swap3A_1175 = arith.constant 112 : index
      %swap3A_1176 = tpu.vector_load %arg8[%swap3A_1172, %swap3A_1173, %swap3A_1174, %swap3A_1175] {strides = array<i32>} : memref<3x2x128x128xf32, #tpu.memory_space<vmem>>, vector<1x1x1x16xf32>,
      %swap3A_1177 = vector.shape_cast %swap3A_1176 : vector<1x1x1x16xf32> to vector<16xf32>
      %swap3A_1178 = vector.shape_cast %add3A_1169 : vector<16xf32> to vector<1x1x1x16xf32>
      tpu.vector_store %arg8[%swap3A_1172, %swap3A_1173, %swap3A_1174, %swap3A_1175], %swap3A_1178 {strides = array<i32>} : memref<3x2x128x128xf32, #tpu.memory_space<vmem>>, vector<1x1x1x16xf32>,
      %get3A_1179 = arith.constant 2 : i32
      %get3A_1180 = arith.constant 1 : i32
      %get3A_1181 = arith.index_cast %get3A_1179 : i32 to index
      %get3A_1182 = arith.index_cast %get3A_1180 : i32 to index
      %get3A_1183 = arith.index_cast %scan3A_832 : i32 to index
      %get3A_1184 = arith.constant 112 : index
      %get3A_1185 = tpu.vector_load %arg8[%get3A_1181, %get3A_1182, %get3A_1183, %get3A_1184] {strides = array<i32>} : memref<3x2x128x128xf32, #tpu.memory_space<vmem>>, vector<1x1x1x16xf32>,
      %get3A_1186 = vector.shape_cast %get3A_1185 : vector<1x1x1x16xf32> to vector<16xf32>
      %mul3A_1187 = arith.constant 11.3137083 : f32
      %mul3A_1188 = vector.broadcast %mul3A_1187 : f32 to vector<16xf32>
      %mul3A_1189 = arith.mulf %get3A_1186, %mul3A_1188 : vector<16xf32>
      %add3A_1190 = arith.addf %mul3A_1189, %bitcast_convert_type3A_1115 : vector<16xf32>
      %swap3A_1191 = arith.constant 2 : i32
      %swap3A_1192 = arith.constant 1 : i32
      %swap3A_1193 = arith.index_cast %swap3A_1191 : i32 to index
      %swap3A_1194 = arith.index_cast %swap3A_1192 : i32 to index
      %swap3A_1195 = arith.index_cast %scan3A_832 : i32 to index
      %swap3A_1196 = arith.constant 112 : index
      %swap3A_1197 = tpu.vector_load %arg8[%swap3A_1193, %swap3A_1194, %swap3A_1195, %swap3A_1196] {strides = array<i32>} : memref<3x2x128x128xf32, #tpu.memory_space<vmem>>, vector<1x1x1x16xf32>,
      %swap3A_1198 = vector.shape_cast %swap3A_1197 : vector<1x1x1x16xf32> to vector<16xf32>
      %swap3A_1199 = vector.shape_cast %add3A_1190 : vector<16xf32> to vector<1x1x1x16xf32>
      tpu.vector_store %arg8[%swap3A_1193, %swap3A_1194, %swap3A_1195, %swap3A_1196], %swap3A_1199 {strides = array<i32>} : memref<3x2x128x128xf32, #tpu.memory_space<vmem>>, vector<1x1x1x16xf32>,
    }
    %scan3A_363 = arith.constant 128 : i32
    %add3A_364 = arith.constant 4 : i32
    %add3A_365 = arith.addi %mul3A_34, %add3A_364 : i32
    %dma_start3A_366 = arith.constant 2 : i32
    %dma_start3A_367 = arith.constant 0 : i32
    %dma_start3A_368 = arith.constant 0 : i32
    %dma_start3A_369 = arith.constant 0 : i32
    %dma_start3A_370 = tpu.memref_slice %arg8[%dma_start3A_366, %dma_start3A_367, %dma_start3A_368, %dma_start3A_369] : memref<3x2x128x128xf32, #tpu.memory_space<vmem>> -> memref<1x2x128x128xf32, #tpu.memory_space<vmem>>
    %dma_start3A_371 = tpu.memref_squeeze %dma_start3A_370 : memref<1x2x128x128xf32, #tpu.memory_space<vmem>> -> memref<2x128x128xf32, #tpu.memory_space<vmem>>
    %dma_start3A_372 = arith.constant 0 : i32
    %dma_start3A_373 = tpu.memref_slice %arg5[%add3A_365, %mul3A_32, %dma_start3A_372] : memref<32x2048x128xf32, #tpu.memory_space<hbm>> -> memref<2x128x128xf32, #tpu.memory_space<hbm>>
    %dma_start3A_374 = arith.constant 0 : i32
    %dma_start3A_375 = tpu.memref_slice %arg5[%add3A_365, %mul3A_32, %dma_start3A_374] : memref<32x2048x128xf32, #tpu.memory_space<hbm>> -> memref<2x128x128xf32, #tpu.memory_space<hbm>>
    %dma_start3A_376 = arith.constant 0 : i32
    %dma_start3A_377 = arith.constant 0 : i32
    %dma_start3A_378 = arith.constant 0 : i32
    %dma_start3A_379 = tpu.memref_slice %arg8[%dma_start3A_366, %dma_start3A_376, %dma_start3A_377, %dma_start3A_378] : memref<3x2x128x128xf32, #tpu.memory_space<vmem>> -> memref<1x2x128x128xf32, #tpu.memory_space<vmem>>
    %dma_start3A_380 = tpu.memref_squeeze %dma_start3A_379 : memref<1x2x128x128xf32, #tpu.memory_space<vmem>> -> memref<2x128x128xf32, #tpu.memory_space<vmem>>
    tpu.enqueue_dma source(%dma_start3A_380 : memref<2x128x128xf32, #tpu.memory_space<vmem>>) target(%dma_start3A_375 : memref<2x128x128xf32, #tpu.memory_space<hbm>>) target_semaphore(%arg14 : memref<!tpu.dma_semaphore, #tpu.memory_space<semaphore_mem>>)
    %dma_wait3A_381 = arith.constant 2 : i32
    %dma_wait3A_382 = arith.constant 0 : i32
    %dma_wait3A_383 = arith.constant 0 : i32
    %dma_wait3A_384 = arith.constant 0 : i32
    %dma_wait3A_385 = tpu.memref_slice %arg8[%dma_wait3A_381, %dma_wait3A_382, %dma_wait3A_383, %dma_wait3A_384] : memref<3x2x128x128xf32, #tpu.memory_space<vmem>> -> memref<1x2x128x128xf32, #tpu.memory_space<vmem>>
    %dma_wait3A_386 = tpu.memref_squeeze %dma_wait3A_385 : memref<1x2x128x128xf32, #tpu.memory_space<vmem>> -> memref<2x128x128xf32, #tpu.memory_space<vmem>>
    %dma_wait3A_387 = arith.constant 0 : i32
    %dma_wait3A_388 = tpu.memref_slice %arg5[%add3A_365, %mul3A_32, %dma_wait3A_387] : memref<32x2048x128xf32, #tpu.memory_space<hbm>> -> memref<2x128x128xf32, #tpu.memory_space<hbm>>
    %dma_wait3A_389 = arith.constant 0 : i32
    %dma_wait3A_390 = tpu.memref_slice %arg5[%add3A_365, %mul3A_32, %dma_wait3A_389] : memref<32x2048x128xf32, #tpu.memory_space<hbm>> -> memref<2x128x128xf32, #tpu.memory_space<hbm>>
    %dma_wait3A_391 = arith.constant 0 : i32
    %dma_wait3A_392 = arith.constant 0 : i32
    %dma_wait3A_393 = arith.constant 0 : i32
    %dma_wait3A_394 = tpu.memref_slice %arg8[%dma_wait3A_381, %dma_wait3A_391, %dma_wait3A_392, %dma_wait3A_393] : memref<3x2x128x128xf32, #tpu.memory_space<vmem>> -> memref<1x2x128x128xf32, #tpu.memory_space<vmem>>
    %dma_wait3A_395 = tpu.memref_squeeze %dma_wait3A_394 : memref<1x2x128x128xf32, #tpu.memory_space<vmem>> -> memref<2x128x128xf32, #tpu.memory_space<vmem>>
    tpu.wait_dma2 semaphore(%arg14 : memref<!tpu.dma_semaphore, #tpu.memory_space<semaphore_mem>>) src(%dma_wait3A_395 : memref<2x128x128xf32, #tpu.memory_space<vmem>>) dst(%dma_wait3A_390 : memref<2x128x128xf32, #tpu.memory_space<hbm>>)
    %dma_start3A_396 = arith.constant 10 : i32
    %dma_start3A_397 = arith.constant 2 : i32
    %dma_start3A_398 = arith.constant 0 : i32
    %dma_start3A_399 = arith.constant 0 : i32
    %dma_start3A_400 = arith.constant 0 : i32
    %dma_start3A_401 = tpu.memref_slice %arg8[%dma_start3A_397, %dma_start3A_398, %dma_start3A_399, %dma_start3A_400] : memref<3x2x128x128xf32, #tpu.memory_space<vmem>> -> memref<1x1x128x128xf32, #tpu.memory_space<vmem>>
    %dma_start3A_402 = tpu.memref_squeeze %dma_start3A_401 : memref<1x1x128x128xf32, #tpu.memory_space<vmem>> -> memref<128x128xf32, #tpu.memory_space<vmem>>
    %dma_start3A_403 = arith.constant 0 : i32
    %dma_start3A_404 = tpu.memref_slice %arg6[%dma_start3A_396, %dma_start3A_403] : memref<16x128xi32, #tpu.memory_space<vmem>> -> memref<1x128xi32, #tpu.memory_space<vmem>>
    %dma_start3A_405 = tpu.memref_squeeze %dma_start3A_404 : memref<1x128xi32, #tpu.memory_space<vmem>> -> memref<128xi32, #tpu.memory_space<vmem>>
    %dma_start3A_406 = arith.constant 0 : i32
    %dma_start3A_407 = arith.constant 0 : i32
    %dma_start3A_408 = tpu.memref_slice %arg4[%dma_start3A_406, %dma_start3A_407] : memref<100000x128xf32, #tpu.memory_space<hbm>> -> memref<100000x128xf32, #tpu.memory_space<hbm>>
    tpu.enqueue_indirect_dma source(%dma_start3A_408 : memref<100000x128xf32, #tpu.memory_space<hbm>>) target(%dma_start3A_402 : memref<128x128xf32, #tpu.memory_space<vmem>>) offsets(%dma_start3A_405 : memref<128xi32, #tpu.memory_space<vmem>>) semaphore(%arg11 : memref<!tpu.dma_semaphore, #tpu.memory_space<semaphore_mem>>)
    %dma_start3A_409 = arith.constant 11 : i32
    %dma_start3A_410 = arith.constant 2 : i32
    %dma_start3A_411 = arith.constant 1 : i32
    %dma_start3A_412 = arith.constant 0 : i32
    %dma_start3A_413 = arith.constant 0 : i32
    %dma_start3A_414 = tpu.memref_slice %arg8[%dma_start3A_410, %dma_start3A_411, %dma_start3A_412, %dma_start3A_413] : memref<3x2x128x128xf32, #tpu.memory_space<vmem>> -> memref<1x1x128x128xf32, #tpu.memory_space<vmem>>
    %dma_start3A_415 = tpu.memref_squeeze %dma_start3A_414 : memref<1x1x128x128xf32, #tpu.memory_space<vmem>> -> memref<128x128xf32, #tpu.memory_space<vmem>>
    %dma_start3A_416 = arith.constant 0 : i32
    %dma_start3A_417 = tpu.memref_slice %arg6[%dma_start3A_409, %dma_start3A_416] : memref<16x128xi32, #tpu.memory_space<vmem>> -> memref<1x128xi32, #tpu.memory_space<vmem>>
    %dma_start3A_418 = tpu.memref_squeeze %dma_start3A_417 : memref<1x128xi32, #tpu.memory_space<vmem>> -> memref<128xi32, #tpu.memory_space<vmem>>
    %dma_start3A_419 = arith.constant 0 : i32
    %dma_start3A_420 = arith.constant 0 : i32
    %dma_start3A_421 = tpu.memref_slice %arg4[%dma_start3A_419, %dma_start3A_420] : memref<100000x128xf32, #tpu.memory_space<hbm>> -> memref<100000x128xf32, #tpu.memory_space<hbm>>
    tpu.enqueue_indirect_dma source(%dma_start3A_421 : memref<100000x128xf32, #tpu.memory_space<hbm>>) target(%dma_start3A_415 : memref<128x128xf32, #tpu.memory_space<vmem>>) offsets(%dma_start3A_418 : memref<128xi32, #tpu.memory_space<vmem>>) semaphore(%arg11 : memref<!tpu.dma_semaphore, #tpu.memory_space<semaphore_mem>>)
    %dma_wait3A_422 = arith.constant 6 : i32
    %dma_wait3A_423 = arith.constant 0 : i32
    %dma_wait3A_424 = arith.constant 0 : i32
    %dma_wait3A_425 = arith.constant 0 : i32
    %dma_wait3A_426 = arith.constant 0 : i32
    %dma_wait3A_427 = tpu.memref_slice %arg8[%dma_wait3A_423, %dma_wait3A_424, %dma_wait3A_425, %dma_wait3A_426] : memref<3x2x128x128xf32, #tpu.memory_space<vmem>> -> memref<1x1x128x128xf32, #tpu.memory_space<vmem>>
    %dma_wait3A_428 = tpu.memref_squeeze %dma_wait3A_427 : memref<1x1x128x128xf32, #tpu.memory_space<vmem>> -> memref<128x128xf32, #tpu.memory_space<vmem>>
    %dma_wait3A_429 = arith.constant 0 : i32
    %dma_wait3A_430 = tpu.memref_slice %arg6[%dma_wait3A_422, %dma_wait3A_429] : memref<16x128xi32, #tpu.memory_space<vmem>> -> memref<1x128xi32, #tpu.memory_space<vmem>>
    %dma_wait3A_431 = tpu.memref_squeeze %dma_wait3A_430 : memref<1x128xi32, #tpu.memory_space<vmem>> -> memref<128xi32, #tpu.memory_space<vmem>>
    %dma_wait3A_432 = arith.constant 0 : i32
    %dma_wait3A_433 = arith.constant 0 : i32
    %dma_wait3A_434 = tpu.memref_slice %arg4[%dma_wait3A_432, %dma_wait3A_433] : memref<100000x128xf32, #tpu.memory_space<hbm>> -> memref<100000x128xf32, #tpu.memory_space<hbm>>
    tpu.wait_indirect_dma semaphore(%arg9 : memref<!tpu.dma_semaphore, #tpu.memory_space<semaphore_mem>>) src(%dma_wait3A_434 : memref<100000x128xf32, #tpu.memory_space<hbm>>) dst(%dma_wait3A_428 : memref<128x128xf32, #tpu.memory_space<vmem>>)
    %dma_wait3A_435 = arith.constant 7 : i32
    %dma_wait3A_436 = arith.constant 0 : i32
    %dma_wait3A_437 = arith.constant 1 : i32
    %dma_wait3A_438 = arith.constant 0 : i32
    %dma_wait3A_439 = arith.constant 0 : i32
    %dma_wait3A_440 = tpu.memref_slice %arg8[%dma_wait3A_436, %dma_wait3A_437, %dma_wait3A_438, %dma_wait3A_439] : memref<3x2x128x128xf32, #tpu.memory_space<vmem>> -> memref<1x1x128x128xf32, #tpu.memory_space<vmem>>
    %dma_wait3A_441 = tpu.memref_squeeze %dma_wait3A_440 : memref<1x1x128x128xf32, #tpu.memory_space<vmem>> -> memref<128x128xf32, #tpu.memory_space<vmem>>
    %dma_wait3A_442 = arith.constant 0 : i32
    %dma_wait3A_443 = tpu.memref_slice %arg6[%dma_wait3A_435, %dma_wait3A_442] : memref<16x128xi32, #tpu.memory_space<vmem>> -> memref<1x128xi32, #tpu.memory_space<vmem>>
    %dma_wait3A_444 = tpu.memref_squeeze %dma_wait3A_443 : memref<1x128xi32, #tpu.memory_space<vmem>> -> memref<128xi32, #tpu.memory_space<vmem>>
    %dma_wait3A_445 = arith.constant 0 : i32
    %dma_wait3A_446 = arith.constant 0 : i32
    %dma_wait3A_447 = tpu.memref_slice %arg4[%dma_wait3A_445, %dma_wait3A_446] : memref<100000x128xf32, #tpu.memory_space<hbm>> -> memref<100000x128xf32, #tpu.memory_space<hbm>>
    tpu.wait_indirect_dma semaphore(%arg9 : memref<!tpu.dma_semaphore, #tpu.memory_space<semaphore_mem>>) src(%dma_wait3A_447 : memref<100000x128xf32, #tpu.memory_space<hbm>>) dst(%dma_wait3A_441 : memref<128x128xf32, #tpu.memory_space<vmem>>)
    %scan3A_448 = arith.constant 0 : i32
    %scan3A_449 = arith.constant 0 : i32
    %scan3A_450 = arith.constant 128 : i32
    %scan3A_451 = arith.addi %scan3A_449, %scan3A_450 : i32
    %scan3A_452 = arith.constant 1 : i32
    scf.for %scan3A_832 = %scan3A_449 to %scan3A_451 step %scan3A_452  : i32 {
      %broadcast_in_dim3A = arith.constant 16 : i32
      %broadcast_in_dim3A_833 = vector.broadcast %broadcast_in_dim3A : i32 to vector<16xi32>
      %broadcast_in_dim3A_834 = arith.constant -65536 : i32
      %broadcast_in_dim3A_835 = vector.broadcast %broadcast_in_dim3A_834 : i32 to vector<16xi32>
      %get3A = arith.index_cast %scan3A_832 : i32 to index
      %get3A_836 = arith.constant 0 : index
      %get3A_837 = tpu.vector_load %arg7[%get3A, %get3A_836] {strides = array<i32>} : memref<128x64xi32, #tpu.memory_space<vmem>>, vector<1x16xi32>,
      %get3A_838 = vector.shape_cast %get3A_837 : vector<1x16xi32> to vector<16xi32>
      %shift_left3A = arith.shli %get3A_838, %broadcast_in_dim3A_833 : vector<16xi32>
      %bitcast_convert_type3A = tpu.bitcast %shift_left3A : vector<16xi32> -> vector<16xf32>
      %and3A_839 = arith.andi %get3A_838, %broadcast_in_dim3A_835 : vector<16xi32>
      %bitcast_convert_type3A_840 = tpu.bitcast %and3A_839 : vector<16xi32> -> vector<16xf32>
      %get3A_841 = arith.constant 0 : i32
      %get3A_842 = arith.constant 0 : i32
      %get3A_843 = arith.index_cast %get3A_841 : i32 to index
      %get3A_844 = arith.index_cast %get3A_842 : i32 to index
      %get3A_845 = arith.index_cast %scan3A_832 : i32 to index
      %get3A_846 = arith.constant 0 : index
      %get3A_847 = tpu.vector_load %arg8[%get3A_843, %get3A_844, %get3A_845, %get3A_846] {strides = array<i32>} : memref<3x2x128x128xf32, #tpu.memory_space<vmem>>, vector<1x1x1x16xf32>,
      %get3A_848 = vector.shape_cast %get3A_847 : vector<1x1x1x16xf32> to vector<16xf32>
      %mul3A_849 = arith.constant 11.3137083 : f32
      %mul3A_850 = vector.broadcast %mul3A_849 : f32 to vector<16xf32>
      %mul3A_851 = arith.mulf %get3A_848, %mul3A_850 : vector<16xf32>
      %add3A_852 = arith.addf %mul3A_851, %bitcast_convert_type3A : vector<16xf32>
      %swap3A = arith.constant 0 : i32
      %swap3A_853 = arith.constant 0 : i32
      %swap3A_854 = arith.index_cast %swap3A : i32 to index
      %swap3A_855 = arith.index_cast %swap3A_853 : i32 to index
      %swap3A_856 = arith.index_cast %scan3A_832 : i32 to index
      %swap3A_857 = arith.constant 0 : index
      %swap3A_858 = tpu.vector_load %arg8[%swap3A_854, %swap3A_855, %swap3A_856, %swap3A_857] {strides = array<i32>} : memref<3x2x128x128xf32, #tpu.memory_space<vmem>>, vector<1x1x1x16xf32>,
      %swap3A_859 = vector.shape_cast %swap3A_858 : vector<1x1x1x16xf32> to vector<16xf32>
      %swap3A_860 = vector.shape_cast %add3A_852 : vector<16xf32> to vector<1x1x1x16xf32>
      tpu.vector_store %arg8[%swap3A_854, %swap3A_855, %swap3A_856, %swap3A_857], %swap3A_860 {strides = array<i32>} : memref<3x2x128x128xf32, #tpu.memory_space<vmem>>, vector<1x1x1x16xf32>,
      %get3A_861 = arith.constant 0 : i32
      %get3A_862 = arith.constant 1 : i32
      %get3A_863 = arith.index_cast %get3A_861 : i32 to index
      %get3A_864 = arith.index_cast %get3A_862 : i32 to index
      %get3A_865 = arith.index_cast %scan3A_832 : i32 to index
      %get3A_866 = arith.constant 0 : index
      %get3A_867 = tpu.vector_load %arg8[%get3A_863, %get3A_864, %get3A_865, %get3A_866] {strides = array<i32>} : memref<3x2x128x128xf32, #tpu.memory_space<vmem>>, vector<1x1x1x16xf32>,
      %get3A_868 = vector.shape_cast %get3A_867 : vector<1x1x1x16xf32> to vector<16xf32>
      %mul3A_869 = arith.constant 11.3137083 : f32
      %mul3A_870 = vector.broadcast %mul3A_869 : f32 to vector<16xf32>
      %mul3A_871 = arith.mulf %get3A_868, %mul3A_870 : vector<16xf32>
      %add3A_872 = arith.addf %mul3A_871, %bitcast_convert_type3A : vector<16xf32>
      %swap3A_873 = arith.constant 0 : i32
      %swap3A_874 = arith.constant 1 : i32
      %swap3A_875 = arith.index_cast %swap3A_873 : i32 to index
      %swap3A_876 = arith.index_cast %swap3A_874 : i32 to index
      %swap3A_877 = arith.index_cast %scan3A_832 : i32 to index
      %swap3A_878 = arith.constant 0 : index
      %swap3A_879 = tpu.vector_load %arg8[%swap3A_875, %swap3A_876, %swap3A_877, %swap3A_878] {strides = array<i32>} : memref<3x2x128x128xf32, #tpu.memory_space<vmem>>, vector<1x1x1x16xf32>,
      %swap3A_880 = vector.shape_cast %swap3A_879 : vector<1x1x1x16xf32> to vector<16xf32>
      %swap3A_881 = vector.shape_cast %add3A_872 : vector<16xf32> to vector<1x1x1x16xf32>
      tpu.vector_store %arg8[%swap3A_875, %swap3A_876, %swap3A_877, %swap3A_878], %swap3A_881 {strides = array<i32>} : memref<3x2x128x128xf32, #tpu.memory_space<vmem>>, vector<1x1x1x16xf32>,
      %get3A_882 = arith.constant 0 : i32
      %get3A_883 = arith.constant 0 : i32
      %get3A_884 = arith.index_cast %get3A_882 : i32 to index
      %get3A_885 = arith.index_cast %get3A_883 : i32 to index
      %get3A_886 = arith.index_cast %scan3A_832 : i32 to index
      %get3A_887 = arith.constant 16 : index
      %get3A_888 = tpu.vector_load %arg8[%get3A_884, %get3A_885, %get3A_886, %get3A_887] {strides = array<i32>} : memref<3x2x128x128xf32, #tpu.memory_space<vmem>>, vector<1x1x1x16xf32>,
      %get3A_889 = vector.shape_cast %get3A_888 : vector<1x1x1x16xf32> to vector<16xf32>
      %mul3A_890 = arith.constant 11.3137083 : f32
      %mul3A_891 = vector.broadcast %mul3A_890 : f32 to vector<16xf32>
      %mul3A_892 = arith.mulf %get3A_889, %mul3A_891 : vector<16xf32>
      %add3A_893 = arith.addf %mul3A_892, %bitcast_convert_type3A_840 : vector<16xf32>
      %swap3A_894 = arith.constant 0 : i32
      %swap3A_895 = arith.constant 0 : i32
      %swap3A_896 = arith.index_cast %swap3A_894 : i32 to index
      %swap3A_897 = arith.index_cast %swap3A_895 : i32 to index
      %swap3A_898 = arith.index_cast %scan3A_832 : i32 to index
      %swap3A_899 = arith.constant 16 : index
      %swap3A_900 = tpu.vector_load %arg8[%swap3A_896, %swap3A_897, %swap3A_898, %swap3A_899] {strides = array<i32>} : memref<3x2x128x128xf32, #tpu.memory_space<vmem>>, vector<1x1x1x16xf32>,
      %swap3A_901 = vector.shape_cast %swap3A_900 : vector<1x1x1x16xf32> to vector<16xf32>
      %swap3A_902 = vector.shape_cast %add3A_893 : vector<16xf32> to vector<1x1x1x16xf32>
      tpu.vector_store %arg8[%swap3A_896, %swap3A_897, %swap3A_898, %swap3A_899], %swap3A_902 {strides = array<i32>} : memref<3x2x128x128xf32, #tpu.memory_space<vmem>>, vector<1x1x1x16xf32>,
      %get3A_903 = arith.constant 0 : i32
      %get3A_904 = arith.constant 1 : i32
      %get3A_905 = arith.index_cast %get3A_903 : i32 to index
      %get3A_906 = arith.index_cast %get3A_904 : i32 to index
      %get3A_907 = arith.index_cast %scan3A_832 : i32 to index
      %get3A_908 = arith.constant 16 : index
      %get3A_909 = tpu.vector_load %arg8[%get3A_905, %get3A_906, %get3A_907, %get3A_908] {strides = array<i32>} : memref<3x2x128x128xf32, #tpu.memory_space<vmem>>, vector<1x1x1x16xf32>,
      %get3A_910 = vector.shape_cast %get3A_909 : vector<1x1x1x16xf32> to vector<16xf32>
      %mul3A_911 = arith.constant 11.3137083 : f32
      %mul3A_912 = vector.broadcast %mul3A_911 : f32 to vector<16xf32>
      %mul3A_913 = arith.mulf %get3A_910, %mul3A_912 : vector<16xf32>
      %add3A_914 = arith.addf %mul3A_913, %bitcast_convert_type3A_840 : vector<16xf32>
      %swap3A_915 = arith.constant 0 : i32
      %swap3A_916 = arith.constant 1 : i32
      %swap3A_917 = arith.index_cast %swap3A_915 : i32 to index
      %swap3A_918 = arith.index_cast %swap3A_916 : i32 to index
      %swap3A_919 = arith.index_cast %scan3A_832 : i32 to index
      %swap3A_920 = arith.constant 16 : index
      %swap3A_921 = tpu.vector_load %arg8[%swap3A_917, %swap3A_918, %swap3A_919, %swap3A_920] {strides = array<i32>} : memref<3x2x128x128xf32, #tpu.memory_space<vmem>>, vector<1x1x1x16xf32>,
      %swap3A_922 = vector.shape_cast %swap3A_921 : vector<1x1x1x16xf32> to vector<16xf32>
      %swap3A_923 = vector.shape_cast %add3A_914 : vector<16xf32> to vector<1x1x1x16xf32>
      tpu.vector_store %arg8[%swap3A_917, %swap3A_918, %swap3A_919, %swap3A_920], %swap3A_923 {strides = array<i32>} : memref<3x2x128x128xf32, #tpu.memory_space<vmem>>, vector<1x1x1x16xf32>,
      %get3A_924 = arith.index_cast %scan3A_832 : i32 to index
      %get3A_925 = arith.constant 16 : index
      %get3A_926 = tpu.vector_load %arg7[%get3A_924, %get3A_925] {strides = array<i32>} : memref<128x64xi32, #tpu.memory_space<vmem>>, vector<1x16xi32>,
      %get3A_927 = vector.shape_cast %get3A_926 : vector<1x16xi32> to vector<16xi32>
      %shift_left3A_928 = arith.shli %get3A_927, %broadcast_in_dim3A_833 : vector<16xi32>
      %bitcast_convert_type3A_929 = tpu.bitcast %shift_left3A_928 : vector<16xi32> -> vector<16xf32>
      %and3A_930 = arith.andi %get3A_927, %broadcast_in_dim3A_835 : vector<16xi32>
      %bitcast_convert_type3A_931 = tpu.bitcast %and3A_930 : vector<16xi32> -> vector<16xf32>
      %get3A_932 = arith.constant 0 : i32
      %get3A_933 = arith.constant 0 : i32
      %get3A_934 = arith.index_cast %get3A_932 : i32 to index
      %get3A_935 = arith.index_cast %get3A_933 : i32 to index
      %get3A_936 = arith.index_cast %scan3A_832 : i32 to index
      %get3A_937 = arith.constant 32 : index
      %get3A_938 = tpu.vector_load %arg8[%get3A_934, %get3A_935, %get3A_936, %get3A_937] {strides = array<i32>} : memref<3x2x128x128xf32, #tpu.memory_space<vmem>>, vector<1x1x1x16xf32>,
      %get3A_939 = vector.shape_cast %get3A_938 : vector<1x1x1x16xf32> to vector<16xf32>
      %mul3A_940 = arith.constant 11.3137083 : f32
      %mul3A_941 = vector.broadcast %mul3A_940 : f32 to vector<16xf32>
      %mul3A_942 = arith.mulf %get3A_939, %mul3A_941 : vector<16xf32>
      %add3A_943 = arith.addf %mul3A_942, %bitcast_convert_type3A_929 : vector<16xf32>
      %swap3A_944 = arith.constant 0 : i32
      %swap3A_945 = arith.constant 0 : i32
      %swap3A_946 = arith.index_cast %swap3A_944 : i32 to index
      %swap3A_947 = arith.index_cast %swap3A_945 : i32 to index
      %swap3A_948 = arith.index_cast %scan3A_832 : i32 to index
      %swap3A_949 = arith.constant 32 : index
      %swap3A_950 = tpu.vector_load %arg8[%swap3A_946, %swap3A_947, %swap3A_948, %swap3A_949] {strides = array<i32>} : memref<3x2x128x128xf32, #tpu.memory_space<vmem>>, vector<1x1x1x16xf32>,
      %swap3A_951 = vector.shape_cast %swap3A_950 : vector<1x1x1x16xf32> to vector<16xf32>
      %swap3A_952 = vector.shape_cast %add3A_943 : vector<16xf32> to vector<1x1x1x16xf32>
      tpu.vector_store %arg8[%swap3A_946, %swap3A_947, %swap3A_948, %swap3A_949], %swap3A_952 {strides = array<i32>} : memref<3x2x128x128xf32, #tpu.memory_space<vmem>>, vector<1x1x1x16xf32>,
      %get3A_953 = arith.constant 0 : i32
      %get3A_954 = arith.constant 1 : i32
      %get3A_955 = arith.index_cast %get3A_953 : i32 to index
      %get3A_956 = arith.index_cast %get3A_954 : i32 to index
      %get3A_957 = arith.index_cast %scan3A_832 : i32 to index
      %get3A_958 = arith.constant 32 : index
      %get3A_959 = tpu.vector_load %arg8[%get3A_955, %get3A_956, %get3A_957, %get3A_958] {strides = array<i32>} : memref<3x2x128x128xf32, #tpu.memory_space<vmem>>, vector<1x1x1x16xf32>,
      %get3A_960 = vector.shape_cast %get3A_959 : vector<1x1x1x16xf32> to vector<16xf32>
      %mul3A_961 = arith.constant 11.3137083 : f32
      %mul3A_962 = vector.broadcast %mul3A_961 : f32 to vector<16xf32>
      %mul3A_963 = arith.mulf %get3A_960, %mul3A_962 : vector<16xf32>
      %add3A_964 = arith.addf %mul3A_963, %bitcast_convert_type3A_929 : vector<16xf32>
      %swap3A_965 = arith.constant 0 : i32
      %swap3A_966 = arith.constant 1 : i32
      %swap3A_967 = arith.index_cast %swap3A_965 : i32 to index
      %swap3A_968 = arith.index_cast %swap3A_966 : i32 to index
      %swap3A_969 = arith.index_cast %scan3A_832 : i32 to index
      %swap3A_970 = arith.constant 32 : index
      %swap3A_971 = tpu.vector_load %arg8[%swap3A_967, %swap3A_968, %swap3A_969, %swap3A_970] {strides = array<i32>} : memref<3x2x128x128xf32, #tpu.memory_space<vmem>>, vector<1x1x1x16xf32>,
      %swap3A_972 = vector.shape_cast %swap3A_971 : vector<1x1x1x16xf32> to vector<16xf32>
      %swap3A_973 = vector.shape_cast %add3A_964 : vector<16xf32> to vector<1x1x1x16xf32>
      tpu.vector_store %arg8[%swap3A_967, %swap3A_968, %swap3A_969, %swap3A_970], %swap3A_973 {strides = array<i32>} : memref<3x2x128x128xf32, #tpu.memory_space<vmem>>, vector<1x1x1x16xf32>,
      %get3A_974 = arith.constant 0 : i32
      %get3A_975 = arith.constant 0 : i32
      %get3A_976 = arith.index_cast %get3A_974 : i32 to index
      %get3A_977 = arith.index_cast %get3A_975 : i32 to index
      %get3A_978 = arith.index_cast %scan3A_832 : i32 to index
      %get3A_979 = arith.constant 48 : index
      %get3A_980 = tpu.vector_load %arg8[%get3A_976, %get3A_977, %get3A_978, %get3A_979] {strides = array<i32>} : memref<3x2x128x128xf32, #tpu.memory_space<vmem>>, vector<1x1x1x16xf32>,
      %get3A_981 = vector.shape_cast %get3A_980 : vector<1x1x1x16xf32> to vector<16xf32>
      %mul3A_982 = arith.constant 11.3137083 : f32
      %mul3A_983 = vector.broadcast %mul3A_982 : f32 to vector<16xf32>
      %mul3A_984 = arith.mulf %get3A_981, %mul3A_983 : vector<16xf32>
      %add3A_985 = arith.addf %mul3A_984, %bitcast_convert_type3A_931 : vector<16xf32>
      %swap3A_986 = arith.constant 0 : i32
      %swap3A_987 = arith.constant 0 : i32
      %swap3A_988 = arith.index_cast %swap3A_986 : i32 to index
      %swap3A_989 = arith.index_cast %swap3A_987 : i32 to index
      %swap3A_990 = arith.index_cast %scan3A_832 : i32 to index
      %swap3A_991 = arith.constant 48 : index
      %swap3A_992 = tpu.vector_load %arg8[%swap3A_988, %swap3A_989, %swap3A_990, %swap3A_991] {strides = array<i32>} : memref<3x2x128x128xf32, #tpu.memory_space<vmem>>, vector<1x1x1x16xf32>,
      %swap3A_993 = vector.shape_cast %swap3A_992 : vector<1x1x1x16xf32> to vector<16xf32>
      %swap3A_994 = vector.shape_cast %add3A_985 : vector<16xf32> to vector<1x1x1x16xf32>
      tpu.vector_store %arg8[%swap3A_988, %swap3A_989, %swap3A_990, %swap3A_991], %swap3A_994 {strides = array<i32>} : memref<3x2x128x128xf32, #tpu.memory_space<vmem>>, vector<1x1x1x16xf32>,
      %get3A_995 = arith.constant 0 : i32
      %get3A_996 = arith.constant 1 : i32
      %get3A_997 = arith.index_cast %get3A_995 : i32 to index
      %get3A_998 = arith.index_cast %get3A_996 : i32 to index
      %get3A_999 = arith.index_cast %scan3A_832 : i32 to index
      %get3A_1000 = arith.constant 48 : index
      %get3A_1001 = tpu.vector_load %arg8[%get3A_997, %get3A_998, %get3A_999, %get3A_1000] {strides = array<i32>} : memref<3x2x128x128xf32, #tpu.memory_space<vmem>>, vector<1x1x1x16xf32>,
      %get3A_1002 = vector.shape_cast %get3A_1001 : vector<1x1x1x16xf32> to vector<16xf32>
      %mul3A_1003 = arith.constant 11.3137083 : f32
      %mul3A_1004 = vector.broadcast %mul3A_1003 : f32 to vector<16xf32>
      %mul3A_1005 = arith.mulf %get3A_1002, %mul3A_1004 : vector<16xf32>
      %add3A_1006 = arith.addf %mul3A_1005, %bitcast_convert_type3A_931 : vector<16xf32>
      %swap3A_1007 = arith.constant 0 : i32
      %swap3A_1008 = arith.constant 1 : i32
      %swap3A_1009 = arith.index_cast %swap3A_1007 : i32 to index
      %swap3A_1010 = arith.index_cast %swap3A_1008 : i32 to index
      %swap3A_1011 = arith.index_cast %scan3A_832 : i32 to index
      %swap3A_1012 = arith.constant 48 : index
      %swap3A_1013 = tpu.vector_load %arg8[%swap3A_1009, %swap3A_1010, %swap3A_1011, %swap3A_1012] {strides = array<i32>} : memref<3x2x128x128xf32, #tpu.memory_space<vmem>>, vector<1x1x1x16xf32>,
      %swap3A_1014 = vector.shape_cast %swap3A_1013 : vector<1x1x1x16xf32> to vector<16xf32>
      %swap3A_1015 = vector.shape_cast %add3A_1006 : vector<16xf32> to vector<1x1x1x16xf32>
      tpu.vector_store %arg8[%swap3A_1009, %swap3A_1010, %swap3A_1011, %swap3A_1012], %swap3A_1015 {strides = array<i32>} : memref<3x2x128x128xf32, #tpu.memory_space<vmem>>, vector<1x1x1x16xf32>,
      %get3A_1016 = arith.index_cast %scan3A_832 : i32 to index
      %get3A_1017 = arith.constant 32 : index
      %get3A_1018 = tpu.vector_load %arg7[%get3A_1016, %get3A_1017] {strides = array<i32>} : memref<128x64xi32, #tpu.memory_space<vmem>>, vector<1x16xi32>,
      %get3A_1019 = vector.shape_cast %get3A_1018 : vector<1x16xi32> to vector<16xi32>
      %shift_left3A_1020 = arith.shli %get3A_1019, %broadcast_in_dim3A_833 : vector<16xi32>
      %bitcast_convert_type3A_1021 = tpu.bitcast %shift_left3A_1020 : vector<16xi32> -> vector<16xf32>
      %and3A_1022 = arith.andi %get3A_1019, %broadcast_in_dim3A_835 : vector<16xi32>
      %bitcast_convert_type3A_1023 = tpu.bitcast %and3A_1022 : vector<16xi32> -> vector<16xf32>
      %get3A_1024 = arith.constant 0 : i32
      %get3A_1025 = arith.constant 0 : i32
      %get3A_1026 = arith.index_cast %get3A_1024 : i32 to index
      %get3A_1027 = arith.index_cast %get3A_1025 : i32 to index
      %get3A_1028 = arith.index_cast %scan3A_832 : i32 to index
      %get3A_1029 = arith.constant 64 : index
      %get3A_1030 = tpu.vector_load %arg8[%get3A_1026, %get3A_1027, %get3A_1028, %get3A_1029] {strides = array<i32>} : memref<3x2x128x128xf32, #tpu.memory_space<vmem>>, vector<1x1x1x16xf32>,
      %get3A_1031 = vector.shape_cast %get3A_1030 : vector<1x1x1x16xf32> to vector<16xf32>
      %mul3A_1032 = arith.constant 11.3137083 : f32
      %mul3A_1033 = vector.broadcast %mul3A_1032 : f32 to vector<16xf32>
      %mul3A_1034 = arith.mulf %get3A_1031, %mul3A_1033 : vector<16xf32>
      %add3A_1035 = arith.addf %mul3A_1034, %bitcast_convert_type3A_1021 : vector<16xf32>
      %swap3A_1036 = arith.constant 0 : i32
      %swap3A_1037 = arith.constant 0 : i32
      %swap3A_1038 = arith.index_cast %swap3A_1036 : i32 to index
      %swap3A_1039 = arith.index_cast %swap3A_1037 : i32 to index
      %swap3A_1040 = arith.index_cast %scan3A_832 : i32 to index
      %swap3A_1041 = arith.constant 64 : index
      %swap3A_1042 = tpu.vector_load %arg8[%swap3A_1038, %swap3A_1039, %swap3A_1040, %swap3A_1041] {strides = array<i32>} : memref<3x2x128x128xf32, #tpu.memory_space<vmem>>, vector<1x1x1x16xf32>,
      %swap3A_1043 = vector.shape_cast %swap3A_1042 : vector<1x1x1x16xf32> to vector<16xf32>
      %swap3A_1044 = vector.shape_cast %add3A_1035 : vector<16xf32> to vector<1x1x1x16xf32>
      tpu.vector_store %arg8[%swap3A_1038, %swap3A_1039, %swap3A_1040, %swap3A_1041], %swap3A_1044 {strides = array<i32>} : memref<3x2x128x128xf32, #tpu.memory_space<vmem>>, vector<1x1x1x16xf32>,
      %get3A_1045 = arith.constant 0 : i32
      %get3A_1046 = arith.constant 1 : i32
      %get3A_1047 = arith.index_cast %get3A_1045 : i32 to index
      %get3A_1048 = arith.index_cast %get3A_1046 : i32 to index
      %get3A_1049 = arith.index_cast %scan3A_832 : i32 to index
      %get3A_1050 = arith.constant 64 : index
      %get3A_1051 = tpu.vector_load %arg8[%get3A_1047, %get3A_1048, %get3A_1049, %get3A_1050] {strides = array<i32>} : memref<3x2x128x128xf32, #tpu.memory_space<vmem>>, vector<1x1x1x16xf32>,
      %get3A_1052 = vector.shape_cast %get3A_1051 : vector<1x1x1x16xf32> to vector<16xf32>
      %mul3A_1053 = arith.constant 11.3137083 : f32
      %mul3A_1054 = vector.broadcast %mul3A_1053 : f32 to vector<16xf32>
      %mul3A_1055 = arith.mulf %get3A_1052, %mul3A_1054 : vector<16xf32>
      %add3A_1056 = arith.addf %mul3A_1055, %bitcast_convert_type3A_1021 : vector<16xf32>
      %swap3A_1057 = arith.constant 0 : i32
      %swap3A_1058 = arith.constant 1 : i32
      %swap3A_1059 = arith.index_cast %swap3A_1057 : i32 to index
      %swap3A_1060 = arith.index_cast %swap3A_1058 : i32 to index
      %swap3A_1061 = arith.index_cast %scan3A_832 : i32 to index
      %swap3A_1062 = arith.constant 64 : index
      %swap3A_1063 = tpu.vector_load %arg8[%swap3A_1059, %swap3A_1060, %swap3A_1061, %swap3A_1062] {strides = array<i32>} : memref<3x2x128x128xf32, #tpu.memory_space<vmem>>, vector<1x1x1x16xf32>,
      %swap3A_1064 = vector.shape_cast %swap3A_1063 : vector<1x1x1x16xf32> to vector<16xf32>
      %swap3A_1065 = vector.shape_cast %add3A_1056 : vector<16xf32> to vector<1x1x1x16xf32>
      tpu.vector_store %arg8[%swap3A_1059, %swap3A_1060, %swap3A_1061, %swap3A_1062], %swap3A_1065 {strides = array<i32>} : memref<3x2x128x128xf32, #tpu.memory_space<vmem>>, vector<1x1x1x16xf32>,
      %get3A_1066 = arith.constant 0 : i32
      %get3A_1067 = arith.constant 0 : i32
      %get3A_1068 = arith.index_cast %get3A_1066 : i32 to index
      %get3A_1069 = arith.index_cast %get3A_1067 : i32 to index
      %get3A_1070 = arith.index_cast %scan3A_832 : i32 to index
      %get3A_1071 = arith.constant 80 : index
      %get3A_1072 = tpu.vector_load %arg8[%get3A_1068, %get3A_1069, %get3A_1070, %get3A_1071] {strides = array<i32>} : memref<3x2x128x128xf32, #tpu.memory_space<vmem>>, vector<1x1x1x16xf32>,
      %get3A_1073 = vector.shape_cast %get3A_1072 : vector<1x1x1x16xf32> to vector<16xf32>
      %mul3A_1074 = arith.constant 11.3137083 : f32
      %mul3A_1075 = vector.broadcast %mul3A_1074 : f32 to vector<16xf32>
      %mul3A_1076 = arith.mulf %get3A_1073, %mul3A_1075 : vector<16xf32>
      %add3A_1077 = arith.addf %mul3A_1076, %bitcast_convert_type3A_1023 : vector<16xf32>
      %swap3A_1078 = arith.constant 0 : i32
      %swap3A_1079 = arith.constant 0 : i32
      %swap3A_1080 = arith.index_cast %swap3A_1078 : i32 to index
      %swap3A_1081 = arith.index_cast %swap3A_1079 : i32 to index
      %swap3A_1082 = arith.index_cast %scan3A_832 : i32 to index
      %swap3A_1083 = arith.constant 80 : index
      %swap3A_1084 = tpu.vector_load %arg8[%swap3A_1080, %swap3A_1081, %swap3A_1082, %swap3A_1083] {strides = array<i32>} : memref<3x2x128x128xf32, #tpu.memory_space<vmem>>, vector<1x1x1x16xf32>,
      %swap3A_1085 = vector.shape_cast %swap3A_1084 : vector<1x1x1x16xf32> to vector<16xf32>
      %swap3A_1086 = vector.shape_cast %add3A_1077 : vector<16xf32> to vector<1x1x1x16xf32>
      tpu.vector_store %arg8[%swap3A_1080, %swap3A_1081, %swap3A_1082, %swap3A_1083], %swap3A_1086 {strides = array<i32>} : memref<3x2x128x128xf32, #tpu.memory_space<vmem>>, vector<1x1x1x16xf32>,
      %get3A_1087 = arith.constant 0 : i32
      %get3A_1088 = arith.constant 1 : i32
      %get3A_1089 = arith.index_cast %get3A_1087 : i32 to index
      %get3A_1090 = arith.index_cast %get3A_1088 : i32 to index
      %get3A_1091 = arith.index_cast %scan3A_832 : i32 to index
      %get3A_1092 = arith.constant 80 : index
      %get3A_1093 = tpu.vector_load %arg8[%get3A_1089, %get3A_1090, %get3A_1091, %get3A_1092] {strides = array<i32>} : memref<3x2x128x128xf32, #tpu.memory_space<vmem>>, vector<1x1x1x16xf32>,
      %get3A_1094 = vector.shape_cast %get3A_1093 : vector<1x1x1x16xf32> to vector<16xf32>
      %mul3A_1095 = arith.constant 11.3137083 : f32
      %mul3A_1096 = vector.broadcast %mul3A_1095 : f32 to vector<16xf32>
      %mul3A_1097 = arith.mulf %get3A_1094, %mul3A_1096 : vector<16xf32>
      %add3A_1098 = arith.addf %mul3A_1097, %bitcast_convert_type3A_1023 : vector<16xf32>
      %swap3A_1099 = arith.constant 0 : i32
      %swap3A_1100 = arith.constant 1 : i32
      %swap3A_1101 = arith.index_cast %swap3A_1099 : i32 to index
      %swap3A_1102 = arith.index_cast %swap3A_1100 : i32 to index
      %swap3A_1103 = arith.index_cast %scan3A_832 : i32 to index
      %swap3A_1104 = arith.constant 80 : index
      %swap3A_1105 = tpu.vector_load %arg8[%swap3A_1101, %swap3A_1102, %swap3A_1103, %swap3A_1104] {strides = array<i32>} : memref<3x2x128x128xf32, #tpu.memory_space<vmem>>, vector<1x1x1x16xf32>,
      %swap3A_1106 = vector.shape_cast %swap3A_1105 : vector<1x1x1x16xf32> to vector<16xf32>
      %swap3A_1107 = vector.shape_cast %add3A_1098 : vector<16xf32> to vector<1x1x1x16xf32>
      tpu.vector_store %arg8[%swap3A_1101, %swap3A_1102, %swap3A_1103, %swap3A_1104], %swap3A_1107 {strides = array<i32>} : memref<3x2x128x128xf32, #tpu.memory_space<vmem>>, vector<1x1x1x16xf32>,
      %get3A_1108 = arith.index_cast %scan3A_832 : i32 to index
      %get3A_1109 = arith.constant 48 : index
      %get3A_1110 = tpu.vector_load %arg7[%get3A_1108, %get3A_1109] {strides = array<i32>} : memref<128x64xi32, #tpu.memory_space<vmem>>, vector<1x16xi32>,
      %get3A_1111 = vector.shape_cast %get3A_1110 : vector<1x16xi32> to vector<16xi32>
      %shift_left3A_1112 = arith.shli %get3A_1111, %broadcast_in_dim3A_833 : vector<16xi32>
      %bitcast_convert_type3A_1113 = tpu.bitcast %shift_left3A_1112 : vector<16xi32> -> vector<16xf32>
      %and3A_1114 = arith.andi %get3A_1111, %broadcast_in_dim3A_835 : vector<16xi32>
      %bitcast_convert_type3A_1115 = tpu.bitcast %and3A_1114 : vector<16xi32> -> vector<16xf32>
      %get3A_1116 = arith.constant 0 : i32
      %get3A_1117 = arith.constant 0 : i32
      %get3A_1118 = arith.index_cast %get3A_1116 : i32 to index
      %get3A_1119 = arith.index_cast %get3A_1117 : i32 to index
      %get3A_1120 = arith.index_cast %scan3A_832 : i32 to index
      %get3A_1121 = arith.constant 96 : index
      %get3A_1122 = tpu.vector_load %arg8[%get3A_1118, %get3A_1119, %get3A_1120, %get3A_1121] {strides = array<i32>} : memref<3x2x128x128xf32, #tpu.memory_space<vmem>>, vector<1x1x1x16xf32>,
      %get3A_1123 = vector.shape_cast %get3A_1122 : vector<1x1x1x16xf32> to vector<16xf32>
      %mul3A_1124 = arith.constant 11.3137083 : f32
      %mul3A_1125 = vector.broadcast %mul3A_1124 : f32 to vector<16xf32>
      %mul3A_1126 = arith.mulf %get3A_1123, %mul3A_1125 : vector<16xf32>
      %add3A_1127 = arith.addf %mul3A_1126, %bitcast_convert_type3A_1113 : vector<16xf32>
      %swap3A_1128 = arith.constant 0 : i32
      %swap3A_1129 = arith.constant 0 : i32
      %swap3A_1130 = arith.index_cast %swap3A_1128 : i32 to index
      %swap3A_1131 = arith.index_cast %swap3A_1129 : i32 to index
      %swap3A_1132 = arith.index_cast %scan3A_832 : i32 to index
      %swap3A_1133 = arith.constant 96 : index
      %swap3A_1134 = tpu.vector_load %arg8[%swap3A_1130, %swap3A_1131, %swap3A_1132, %swap3A_1133] {strides = array<i32>} : memref<3x2x128x128xf32, #tpu.memory_space<vmem>>, vector<1x1x1x16xf32>,
      %swap3A_1135 = vector.shape_cast %swap3A_1134 : vector<1x1x1x16xf32> to vector<16xf32>
      %swap3A_1136 = vector.shape_cast %add3A_1127 : vector<16xf32> to vector<1x1x1x16xf32>
      tpu.vector_store %arg8[%swap3A_1130, %swap3A_1131, %swap3A_1132, %swap3A_1133], %swap3A_1136 {strides = array<i32>} : memref<3x2x128x128xf32, #tpu.memory_space<vmem>>, vector<1x1x1x16xf32>,
      %get3A_1137 = arith.constant 0 : i32
      %get3A_1138 = arith.constant 1 : i32
      %get3A_1139 = arith.index_cast %get3A_1137 : i32 to index
      %get3A_1140 = arith.index_cast %get3A_1138 : i32 to index
      %get3A_1141 = arith.index_cast %scan3A_832 : i32 to index
      %get3A_1142 = arith.constant 96 : index
      %get3A_1143 = tpu.vector_load %arg8[%get3A_1139, %get3A_1140, %get3A_1141, %get3A_1142] {strides = array<i32>} : memref<3x2x128x128xf32, #tpu.memory_space<vmem>>, vector<1x1x1x16xf32>,
      %get3A_1144 = vector.shape_cast %get3A_1143 : vector<1x1x1x16xf32> to vector<16xf32>
      %mul3A_1145 = arith.constant 11.3137083 : f32
      %mul3A_1146 = vector.broadcast %mul3A_1145 : f32 to vector<16xf32>
      %mul3A_1147 = arith.mulf %get3A_1144, %mul3A_1146 : vector<16xf32>
      %add3A_1148 = arith.addf %mul3A_1147, %bitcast_convert_type3A_1113 : vector<16xf32>
      %swap3A_1149 = arith.constant 0 : i32
      %swap3A_1150 = arith.constant 1 : i32
      %swap3A_1151 = arith.index_cast %swap3A_1149 : i32 to index
      %swap3A_1152 = arith.index_cast %swap3A_1150 : i32 to index
      %swap3A_1153 = arith.index_cast %scan3A_832 : i32 to index
      %swap3A_1154 = arith.constant 96 : index
      %swap3A_1155 = tpu.vector_load %arg8[%swap3A_1151, %swap3A_1152, %swap3A_1153, %swap3A_1154] {strides = array<i32>} : memref<3x2x128x128xf32, #tpu.memory_space<vmem>>, vector<1x1x1x16xf32>,
      %swap3A_1156 = vector.shape_cast %swap3A_1155 : vector<1x1x1x16xf32> to vector<16xf32>
      %swap3A_1157 = vector.shape_cast %add3A_1148 : vector<16xf32> to vector<1x1x1x16xf32>
      tpu.vector_store %arg8[%swap3A_1151, %swap3A_1152, %swap3A_1153, %swap3A_1154], %swap3A_1157 {strides = array<i32>} : memref<3x2x128x128xf32, #tpu.memory_space<vmem>>, vector<1x1x1x16xf32>,
      %get3A_1158 = arith.constant 0 : i32
      %get3A_1159 = arith.constant 0 : i32
      %get3A_1160 = arith.index_cast %get3A_1158 : i32 to index
      %get3A_1161 = arith.index_cast %get3A_1159 : i32 to index
      %get3A_1162 = arith.index_cast %scan3A_832 : i32 to index
      %get3A_1163 = arith.constant 112 : index
      %get3A_1164 = tpu.vector_load %arg8[%get3A_1160, %get3A_1161, %get3A_1162, %get3A_1163] {strides = array<i32>} : memref<3x2x128x128xf32, #tpu.memory_space<vmem>>, vector<1x1x1x16xf32>,
      %get3A_1165 = vector.shape_cast %get3A_1164 : vector<1x1x1x16xf32> to vector<16xf32>
      %mul3A_1166 = arith.constant 11.3137083 : f32
      %mul3A_1167 = vector.broadcast %mul3A_1166 : f32 to vector<16xf32>
      %mul3A_1168 = arith.mulf %get3A_1165, %mul3A_1167 : vector<16xf32>
      %add3A_1169 = arith.addf %mul3A_1168, %bitcast_convert_type3A_1115 : vector<16xf32>
      %swap3A_1170 = arith.constant 0 : i32
      %swap3A_1171 = arith.constant 0 : i32
      %swap3A_1172 = arith.index_cast %swap3A_1170 : i32 to index
      %swap3A_1173 = arith.index_cast %swap3A_1171 : i32 to index
      %swap3A_1174 = arith.index_cast %scan3A_832 : i32 to index
      %swap3A_1175 = arith.constant 112 : index
      %swap3A_1176 = tpu.vector_load %arg8[%swap3A_1172, %swap3A_1173, %swap3A_1174, %swap3A_1175] {strides = array<i32>} : memref<3x2x128x128xf32, #tpu.memory_space<vmem>>, vector<1x1x1x16xf32>,
      %swap3A_1177 = vector.shape_cast %swap3A_1176 : vector<1x1x1x16xf32> to vector<16xf32>
      %swap3A_1178 = vector.shape_cast %add3A_1169 : vector<16xf32> to vector<1x1x1x16xf32>
      tpu.vector_store %arg8[%swap3A_1172, %swap3A_1173, %swap3A_1174, %swap3A_1175], %swap3A_1178 {strides = array<i32>} : memref<3x2x128x128xf32, #tpu.memory_space<vmem>>, vector<1x1x1x16xf32>,
      %get3A_1179 = arith.constant 0 : i32
      %get3A_1180 = arith.constant 1 : i32
      %get3A_1181 = arith.index_cast %get3A_1179 : i32 to index
      %get3A_1182 = arith.index_cast %get3A_1180 : i32 to index
      %get3A_1183 = arith.index_cast %scan3A_832 : i32 to index
      %get3A_1184 = arith.constant 112 : index
      %get3A_1185 = tpu.vector_load %arg8[%get3A_1181, %get3A_1182, %get3A_1183, %get3A_1184] {strides = array<i32>} : memref<3x2x128x128xf32, #tpu.memory_space<vmem>>, vector<1x1x1x16xf32>,
      %get3A_1186 = vector.shape_cast %get3A_1185 : vector<1x1x1x16xf32> to vector<16xf32>
      %mul3A_1187 = arith.constant 11.3137083 : f32
      %mul3A_1188 = vector.broadcast %mul3A_1187 : f32 to vector<16xf32>
      %mul3A_1189 = arith.mulf %get3A_1186, %mul3A_1188 : vector<16xf32>
      %add3A_1190 = arith.addf %mul3A_1189, %bitcast_convert_type3A_1115 : vector<16xf32>
      %swap3A_1191 = arith.constant 0 : i32
      %swap3A_1192 = arith.constant 1 : i32
      %swap3A_1193 = arith.index_cast %swap3A_1191 : i32 to index
      %swap3A_1194 = arith.index_cast %swap3A_1192 : i32 to index
      %swap3A_1195 = arith.index_cast %scan3A_832 : i32 to index
      %swap3A_1196 = arith.constant 112 : index
      %swap3A_1197 = tpu.vector_load %arg8[%swap3A_1193, %swap3A_1194, %swap3A_1195, %swap3A_1196] {strides = array<i32>} : memref<3x2x128x128xf32, #tpu.memory_space<vmem>>, vector<1x1x1x16xf32>,
      %swap3A_1198 = vector.shape_cast %swap3A_1197 : vector<1x1x1x16xf32> to vector<16xf32>
      %swap3A_1199 = vector.shape_cast %add3A_1190 : vector<16xf32> to vector<1x1x1x16xf32>
      tpu.vector_store %arg8[%swap3A_1193, %swap3A_1194, %swap3A_1195, %swap3A_1196], %swap3A_1199 {strides = array<i32>} : memref<3x2x128x128xf32, #tpu.memory_space<vmem>>, vector<1x1x1x16xf32>,
    }
    %scan3A_453 = arith.constant 128 : i32
    %add3A_454 = arith.constant 6 : i32
    %add3A_455 = arith.addi %mul3A_34, %add3A_454 : i32
    %dma_start3A_456 = arith.constant 0 : i32
    %dma_start3A_457 = arith.constant 0 : i32
    %dma_start3A_458 = arith.constant 0 : i32
    %dma_start3A_459 = arith.constant 0 : i32
    %dma_start3A_460 = tpu.memref_slice %arg8[%dma_start3A_456, %dma_start3A_457, %dma_start3A_458, %dma_start3A_459] : memref<3x2x128x128xf32, #tpu.memory_space<vmem>> -> memref<1x2x128x128xf32, #tpu.memory_space<vmem>>
    %dma_start3A_461 = tpu.memref_squeeze %dma_start3A_460 : memref<1x2x128x128xf32, #tpu.memory_space<vmem>> -> memref<2x128x128xf32, #tpu.memory_space<vmem>>
    %dma_start3A_462 = arith.constant 0 : i32
    %dma_start3A_463 = tpu.memref_slice %arg5[%add3A_455, %mul3A_32, %dma_start3A_462] : memref<32x2048x128xf32, #tpu.memory_space<hbm>> -> memref<2x128x128xf32, #tpu.memory_space<hbm>>
    %dma_start3A_464 = arith.constant 0 : i32
    %dma_start3A_465 = tpu.memref_slice %arg5[%add3A_455, %mul3A_32, %dma_start3A_464] : memref<32x2048x128xf32, #tpu.memory_space<hbm>> -> memref<2x128x128xf32, #tpu.memory_space<hbm>>
    %dma_start3A_466 = arith.constant 0 : i32
    %dma_start3A_467 = arith.constant 0 : i32
    %dma_start3A_468 = arith.constant 0 : i32
    %dma_start3A_469 = tpu.memref_slice %arg8[%dma_start3A_456, %dma_start3A_466, %dma_start3A_467, %dma_start3A_468] : memref<3x2x128x128xf32, #tpu.memory_space<vmem>> -> memref<1x2x128x128xf32, #tpu.memory_space<vmem>>
    %dma_start3A_470 = tpu.memref_squeeze %dma_start3A_469 : memref<1x2x128x128xf32, #tpu.memory_space<vmem>> -> memref<2x128x128xf32, #tpu.memory_space<vmem>>
    tpu.enqueue_dma source(%dma_start3A_470 : memref<2x128x128xf32, #tpu.memory_space<vmem>>) target(%dma_start3A_465 : memref<2x128x128xf32, #tpu.memory_space<hbm>>) target_semaphore(%arg12 : memref<!tpu.dma_semaphore, #tpu.memory_space<semaphore_mem>>)
    %dma_wait3A_471 = arith.constant 0 : i32
    %dma_wait3A_472 = arith.constant 0 : i32
    %dma_wait3A_473 = arith.constant 0 : i32
    %dma_wait3A_474 = arith.constant 0 : i32
    %dma_wait3A_475 = tpu.memref_slice %arg8[%dma_wait3A_471, %dma_wait3A_472, %dma_wait3A_473, %dma_wait3A_474] : memref<3x2x128x128xf32, #tpu.memory_space<vmem>> -> memref<1x2x128x128xf32, #tpu.memory_space<vmem>>
    %dma_wait3A_476 = tpu.memref_squeeze %dma_wait3A_475 : memref<1x2x128x128xf32, #tpu.memory_space<vmem>> -> memref<2x128x128xf32, #tpu.memory_space<vmem>>
    %dma_wait3A_477 = arith.constant 0 : i32
    %dma_wait3A_478 = tpu.memref_slice %arg5[%add3A_455, %mul3A_32, %dma_wait3A_477] : memref<32x2048x128xf32, #tpu.memory_space<hbm>> -> memref<2x128x128xf32, #tpu.memory_space<hbm>>
    %dma_wait3A_479 = arith.constant 0 : i32
    %dma_wait3A_480 = tpu.memref_slice %arg5[%add3A_455, %mul3A_32, %dma_wait3A_479] : memref<32x2048x128xf32, #tpu.memory_space<hbm>> -> memref<2x128x128xf32, #tpu.memory_space<hbm>>
    %dma_wait3A_481 = arith.constant 0 : i32
    %dma_wait3A_482 = arith.constant 0 : i32
    %dma_wait3A_483 = arith.constant 0 : i32
    %dma_wait3A_484 = tpu.memref_slice %arg8[%dma_wait3A_471, %dma_wait3A_481, %dma_wait3A_482, %dma_wait3A_483] : memref<3x2x128x128xf32, #tpu.memory_space<vmem>> -> memref<1x2x128x128xf32, #tpu.memory_space<vmem>>
    %dma_wait3A_485 = tpu.memref_squeeze %dma_wait3A_484 : memref<1x2x128x128xf32, #tpu.memory_space<vmem>> -> memref<2x128x128xf32, #tpu.memory_space<vmem>>
    tpu.wait_dma2 semaphore(%arg12 : memref<!tpu.dma_semaphore, #tpu.memory_space<semaphore_mem>>) src(%dma_wait3A_485 : memref<2x128x128xf32, #tpu.memory_space<vmem>>) dst(%dma_wait3A_480 : memref<2x128x128xf32, #tpu.memory_space<hbm>>)
    %dma_start3A_486 = arith.constant 12 : i32
    %dma_start3A_487 = arith.constant 0 : i32
    %dma_start3A_488 = arith.constant 0 : i32
    %dma_start3A_489 = arith.constant 0 : i32
    %dma_start3A_490 = arith.constant 0 : i32
    %dma_start3A_491 = tpu.memref_slice %arg8[%dma_start3A_487, %dma_start3A_488, %dma_start3A_489, %dma_start3A_490] : memref<3x2x128x128xf32, #tpu.memory_space<vmem>> -> memref<1x1x128x128xf32, #tpu.memory_space<vmem>>
    %dma_start3A_492 = tpu.memref_squeeze %dma_start3A_491 : memref<1x1x128x128xf32, #tpu.memory_space<vmem>> -> memref<128x128xf32, #tpu.memory_space<vmem>>
    %dma_start3A_493 = arith.constant 0 : i32
    %dma_start3A_494 = tpu.memref_slice %arg6[%dma_start3A_486, %dma_start3A_493] : memref<16x128xi32, #tpu.memory_space<vmem>> -> memref<1x128xi32, #tpu.memory_space<vmem>>
    %dma_start3A_495 = tpu.memref_squeeze %dma_start3A_494 : memref<1x128xi32, #tpu.memory_space<vmem>> -> memref<128xi32, #tpu.memory_space<vmem>>
    %dma_start3A_496 = arith.constant 0 : i32
    %dma_start3A_497 = arith.constant 0 : i32
    %dma_start3A_498 = tpu.memref_slice %arg4[%dma_start3A_496, %dma_start3A_497] : memref<100000x128xf32, #tpu.memory_space<hbm>> -> memref<100000x128xf32, #tpu.memory_space<hbm>>
    tpu.enqueue_indirect_dma source(%dma_start3A_498 : memref<100000x128xf32, #tpu.memory_space<hbm>>) target(%dma_start3A_492 : memref<128x128xf32, #tpu.memory_space<vmem>>) offsets(%dma_start3A_495 : memref<128xi32, #tpu.memory_space<vmem>>) semaphore(%arg9 : memref<!tpu.dma_semaphore, #tpu.memory_space<semaphore_mem>>)
    %dma_start3A_499 = arith.constant 13 : i32
    %dma_start3A_500 = arith.constant 0 : i32
    %dma_start3A_501 = arith.constant 1 : i32
    %dma_start3A_502 = arith.constant 0 : i32
    %dma_start3A_503 = arith.constant 0 : i32
    %dma_start3A_504 = tpu.memref_slice %arg8[%dma_start3A_500, %dma_start3A_501, %dma_start3A_502, %dma_start3A_503] : memref<3x2x128x128xf32, #tpu.memory_space<vmem>> -> memref<1x1x128x128xf32, #tpu.memory_space<vmem>>
    %dma_start3A_505 = tpu.memref_squeeze %dma_start3A_504 : memref<1x1x128x128xf32, #tpu.memory_space<vmem>> -> memref<128x128xf32, #tpu.memory_space<vmem>>
    %dma_start3A_506 = arith.constant 0 : i32
    %dma_start3A_507 = tpu.memref_slice %arg6[%dma_start3A_499, %dma_start3A_506] : memref<16x128xi32, #tpu.memory_space<vmem>> -> memref<1x128xi32, #tpu.memory_space<vmem>>
    %dma_start3A_508 = tpu.memref_squeeze %dma_start3A_507 : memref<1x128xi32, #tpu.memory_space<vmem>> -> memref<128xi32, #tpu.memory_space<vmem>>
    %dma_start3A_509 = arith.constant 0 : i32
    %dma_start3A_510 = arith.constant 0 : i32
    %dma_start3A_511 = tpu.memref_slice %arg4[%dma_start3A_509, %dma_start3A_510] : memref<100000x128xf32, #tpu.memory_space<hbm>> -> memref<100000x128xf32, #tpu.memory_space<hbm>>
    tpu.enqueue_indirect_dma source(%dma_start3A_511 : memref<100000x128xf32, #tpu.memory_space<hbm>>) target(%dma_start3A_505 : memref<128x128xf32, #tpu.memory_space<vmem>>) offsets(%dma_start3A_508 : memref<128xi32, #tpu.memory_space<vmem>>) semaphore(%arg9 : memref<!tpu.dma_semaphore, #tpu.memory_space<semaphore_mem>>)
    %dma_wait3A_512 = arith.constant 8 : i32
    %dma_wait3A_513 = arith.constant 1 : i32
    %dma_wait3A_514 = arith.constant 0 : i32
    %dma_wait3A_515 = arith.constant 0 : i32
    %dma_wait3A_516 = arith.constant 0 : i32
    %dma_wait3A_517 = tpu.memref_slice %arg8[%dma_wait3A_513, %dma_wait3A_514, %dma_wait3A_515, %dma_wait3A_516] : memref<3x2x128x128xf32, #tpu.memory_space<vmem>> -> memref<1x1x128x128xf32, #tpu.memory_space<vmem>>
    %dma_wait3A_518 = tpu.memref_squeeze %dma_wait3A_517 : memref<1x1x128x128xf32, #tpu.memory_space<vmem>> -> memref<128x128xf32, #tpu.memory_space<vmem>>
    %dma_wait3A_519 = arith.constant 0 : i32
    %dma_wait3A_520 = tpu.memref_slice %arg6[%dma_wait3A_512, %dma_wait3A_519] : memref<16x128xi32, #tpu.memory_space<vmem>> -> memref<1x128xi32, #tpu.memory_space<vmem>>
    %dma_wait3A_521 = tpu.memref_squeeze %dma_wait3A_520 : memref<1x128xi32, #tpu.memory_space<vmem>> -> memref<128xi32, #tpu.memory_space<vmem>>
    %dma_wait3A_522 = arith.constant 0 : i32
    %dma_wait3A_523 = arith.constant 0 : i32
    %dma_wait3A_524 = tpu.memref_slice %arg4[%dma_wait3A_522, %dma_wait3A_523] : memref<100000x128xf32, #tpu.memory_space<hbm>> -> memref<100000x128xf32, #tpu.memory_space<hbm>>
    tpu.wait_indirect_dma semaphore(%arg10 : memref<!tpu.dma_semaphore, #tpu.memory_space<semaphore_mem>>) src(%dma_wait3A_524 : memref<100000x128xf32, #tpu.memory_space<hbm>>) dst(%dma_wait3A_518 : memref<128x128xf32, #tpu.memory_space<vmem>>)
    %dma_wait3A_525 = arith.constant 9 : i32
    %dma_wait3A_526 = arith.constant 1 : i32
    %dma_wait3A_527 = arith.constant 1 : i32
    %dma_wait3A_528 = arith.constant 0 : i32
    %dma_wait3A_529 = arith.constant 0 : i32
    %dma_wait3A_530 = tpu.memref_slice %arg8[%dma_wait3A_526, %dma_wait3A_527, %dma_wait3A_528, %dma_wait3A_529] : memref<3x2x128x128xf32, #tpu.memory_space<vmem>> -> memref<1x1x128x128xf32, #tpu.memory_space<vmem>>
    %dma_wait3A_531 = tpu.memref_squeeze %dma_wait3A_530 : memref<1x1x128x128xf32, #tpu.memory_space<vmem>> -> memref<128x128xf32, #tpu.memory_space<vmem>>
    %dma_wait3A_532 = arith.constant 0 : i32
    %dma_wait3A_533 = tpu.memref_slice %arg6[%dma_wait3A_525, %dma_wait3A_532] : memref<16x128xi32, #tpu.memory_space<vmem>> -> memref<1x128xi32, #tpu.memory_space<vmem>>
    %dma_wait3A_534 = tpu.memref_squeeze %dma_wait3A_533 : memref<1x128xi32, #tpu.memory_space<vmem>> -> memref<128xi32, #tpu.memory_space<vmem>>
    %dma_wait3A_535 = arith.constant 0 : i32
    %dma_wait3A_536 = arith.constant 0 : i32
    %dma_wait3A_537 = tpu.memref_slice %arg4[%dma_wait3A_535, %dma_wait3A_536] : memref<100000x128xf32, #tpu.memory_space<hbm>> -> memref<100000x128xf32, #tpu.memory_space<hbm>>
    tpu.wait_indirect_dma semaphore(%arg10 : memref<!tpu.dma_semaphore, #tpu.memory_space<semaphore_mem>>) src(%dma_wait3A_537 : memref<100000x128xf32, #tpu.memory_space<hbm>>) dst(%dma_wait3A_531 : memref<128x128xf32, #tpu.memory_space<vmem>>)
    %scan3A_538 = arith.constant 0 : i32
    %scan3A_539 = arith.constant 0 : i32
    %scan3A_540 = arith.constant 128 : i32
    %scan3A_541 = arith.addi %scan3A_539, %scan3A_540 : i32
    %scan3A_542 = arith.constant 1 : i32
    scf.for %scan3A_832 = %scan3A_539 to %scan3A_541 step %scan3A_542  : i32 {
      %broadcast_in_dim3A = arith.constant 16 : i32
      %broadcast_in_dim3A_833 = vector.broadcast %broadcast_in_dim3A : i32 to vector<16xi32>
      %broadcast_in_dim3A_834 = arith.constant -65536 : i32
      %broadcast_in_dim3A_835 = vector.broadcast %broadcast_in_dim3A_834 : i32 to vector<16xi32>
      %get3A = arith.index_cast %scan3A_832 : i32 to index
      %get3A_836 = arith.constant 0 : index
      %get3A_837 = tpu.vector_load %arg7[%get3A, %get3A_836] {strides = array<i32>} : memref<128x64xi32, #tpu.memory_space<vmem>>, vector<1x16xi32>,
      %get3A_838 = vector.shape_cast %get3A_837 : vector<1x16xi32> to vector<16xi32>
      %shift_left3A = arith.shli %get3A_838, %broadcast_in_dim3A_833 : vector<16xi32>
      %bitcast_convert_type3A = tpu.bitcast %shift_left3A : vector<16xi32> -> vector<16xf32>
      %and3A_839 = arith.andi %get3A_838, %broadcast_in_dim3A_835 : vector<16xi32>
      %bitcast_convert_type3A_840 = tpu.bitcast %and3A_839 : vector<16xi32> -> vector<16xf32>
      %get3A_841 = arith.constant 1 : i32
      %get3A_842 = arith.constant 0 : i32
      %get3A_843 = arith.index_cast %get3A_841 : i32 to index
      %get3A_844 = arith.index_cast %get3A_842 : i32 to index
      %get3A_845 = arith.index_cast %scan3A_832 : i32 to index
      %get3A_846 = arith.constant 0 : index
      %get3A_847 = tpu.vector_load %arg8[%get3A_843, %get3A_844, %get3A_845, %get3A_846] {strides = array<i32>} : memref<3x2x128x128xf32, #tpu.memory_space<vmem>>, vector<1x1x1x16xf32>,
      %get3A_848 = vector.shape_cast %get3A_847 : vector<1x1x1x16xf32> to vector<16xf32>
      %mul3A_849 = arith.constant 11.3137083 : f32
      %mul3A_850 = vector.broadcast %mul3A_849 : f32 to vector<16xf32>
      %mul3A_851 = arith.mulf %get3A_848, %mul3A_850 : vector<16xf32>
      %add3A_852 = arith.addf %mul3A_851, %bitcast_convert_type3A : vector<16xf32>
      %swap3A = arith.constant 1 : i32
      %swap3A_853 = arith.constant 0 : i32
      %swap3A_854 = arith.index_cast %swap3A : i32 to index
      %swap3A_855 = arith.index_cast %swap3A_853 : i32 to index
      %swap3A_856 = arith.index_cast %scan3A_832 : i32 to index
      %swap3A_857 = arith.constant 0 : index
      %swap3A_858 = tpu.vector_load %arg8[%swap3A_854, %swap3A_855, %swap3A_856, %swap3A_857] {strides = array<i32>} : memref<3x2x128x128xf32, #tpu.memory_space<vmem>>, vector<1x1x1x16xf32>,
      %swap3A_859 = vector.shape_cast %swap3A_858 : vector<1x1x1x16xf32> to vector<16xf32>
      %swap3A_860 = vector.shape_cast %add3A_852 : vector<16xf32> to vector<1x1x1x16xf32>
      tpu.vector_store %arg8[%swap3A_854, %swap3A_855, %swap3A_856, %swap3A_857], %swap3A_860 {strides = array<i32>} : memref<3x2x128x128xf32, #tpu.memory_space<vmem>>, vector<1x1x1x16xf32>,
      %get3A_861 = arith.constant 1 : i32
      %get3A_862 = arith.constant 1 : i32
      %get3A_863 = arith.index_cast %get3A_861 : i32 to index
      %get3A_864 = arith.index_cast %get3A_862 : i32 to index
      %get3A_865 = arith.index_cast %scan3A_832 : i32 to index
      %get3A_866 = arith.constant 0 : index
      %get3A_867 = tpu.vector_load %arg8[%get3A_863, %get3A_864, %get3A_865, %get3A_866] {strides = array<i32>} : memref<3x2x128x128xf32, #tpu.memory_space<vmem>>, vector<1x1x1x16xf32>,
      %get3A_868 = vector.shape_cast %get3A_867 : vector<1x1x1x16xf32> to vector<16xf32>
      %mul3A_869 = arith.constant 11.3137083 : f32
      %mul3A_870 = vector.broadcast %mul3A_869 : f32 to vector<16xf32>
      %mul3A_871 = arith.mulf %get3A_868, %mul3A_870 : vector<16xf32>
      %add3A_872 = arith.addf %mul3A_871, %bitcast_convert_type3A : vector<16xf32>
      %swap3A_873 = arith.constant 1 : i32
      %swap3A_874 = arith.constant 1 : i32
      %swap3A_875 = arith.index_cast %swap3A_873 : i32 to index
      %swap3A_876 = arith.index_cast %swap3A_874 : i32 to index
      %swap3A_877 = arith.index_cast %scan3A_832 : i32 to index
      %swap3A_878 = arith.constant 0 : index
      %swap3A_879 = tpu.vector_load %arg8[%swap3A_875, %swap3A_876, %swap3A_877, %swap3A_878] {strides = array<i32>} : memref<3x2x128x128xf32, #tpu.memory_space<vmem>>, vector<1x1x1x16xf32>,
      %swap3A_880 = vector.shape_cast %swap3A_879 : vector<1x1x1x16xf32> to vector<16xf32>
      %swap3A_881 = vector.shape_cast %add3A_872 : vector<16xf32> to vector<1x1x1x16xf32>
      tpu.vector_store %arg8[%swap3A_875, %swap3A_876, %swap3A_877, %swap3A_878], %swap3A_881 {strides = array<i32>} : memref<3x2x128x128xf32, #tpu.memory_space<vmem>>, vector<1x1x1x16xf32>,
      %get3A_882 = arith.constant 1 : i32
      %get3A_883 = arith.constant 0 : i32
      %get3A_884 = arith.index_cast %get3A_882 : i32 to index
      %get3A_885 = arith.index_cast %get3A_883 : i32 to index
      %get3A_886 = arith.index_cast %scan3A_832 : i32 to index
      %get3A_887 = arith.constant 16 : index
      %get3A_888 = tpu.vector_load %arg8[%get3A_884, %get3A_885, %get3A_886, %get3A_887] {strides = array<i32>} : memref<3x2x128x128xf32, #tpu.memory_space<vmem>>, vector<1x1x1x16xf32>,
      %get3A_889 = vector.shape_cast %get3A_888 : vector<1x1x1x16xf32> to vector<16xf32>
      %mul3A_890 = arith.constant 11.3137083 : f32
      %mul3A_891 = vector.broadcast %mul3A_890 : f32 to vector<16xf32>
      %mul3A_892 = arith.mulf %get3A_889, %mul3A_891 : vector<16xf32>
      %add3A_893 = arith.addf %mul3A_892, %bitcast_convert_type3A_840 : vector<16xf32>
      %swap3A_894 = arith.constant 1 : i32
      %swap3A_895 = arith.constant 0 : i32
      %swap3A_896 = arith.index_cast %swap3A_894 : i32 to index
      %swap3A_897 = arith.index_cast %swap3A_895 : i32 to index
      %swap3A_898 = arith.index_cast %scan3A_832 : i32 to index
      %swap3A_899 = arith.constant 16 : index
      %swap3A_900 = tpu.vector_load %arg8[%swap3A_896, %swap3A_897, %swap3A_898, %swap3A_899] {strides = array<i32>} : memref<3x2x128x128xf32, #tpu.memory_space<vmem>>, vector<1x1x1x16xf32>,
      %swap3A_901 = vector.shape_cast %swap3A_900 : vector<1x1x1x16xf32> to vector<16xf32>
      %swap3A_902 = vector.shape_cast %add3A_893 : vector<16xf32> to vector<1x1x1x16xf32>
      tpu.vector_store %arg8[%swap3A_896, %swap3A_897, %swap3A_898, %swap3A_899], %swap3A_902 {strides = array<i32>} : memref<3x2x128x128xf32, #tpu.memory_space<vmem>>, vector<1x1x1x16xf32>,
      %get3A_903 = arith.constant 1 : i32
      %get3A_904 = arith.constant 1 : i32
      %get3A_905 = arith.index_cast %get3A_903 : i32 to index
      %get3A_906 = arith.index_cast %get3A_904 : i32 to index
      %get3A_907 = arith.index_cast %scan3A_832 : i32 to index
      %get3A_908 = arith.constant 16 : index
      %get3A_909 = tpu.vector_load %arg8[%get3A_905, %get3A_906, %get3A_907, %get3A_908] {strides = array<i32>} : memref<3x2x128x128xf32, #tpu.memory_space<vmem>>, vector<1x1x1x16xf32>,
      %get3A_910 = vector.shape_cast %get3A_909 : vector<1x1x1x16xf32> to vector<16xf32>
      %mul3A_911 = arith.constant 11.3137083 : f32
      %mul3A_912 = vector.broadcast %mul3A_911 : f32 to vector<16xf32>
      %mul3A_913 = arith.mulf %get3A_910, %mul3A_912 : vector<16xf32>
      %add3A_914 = arith.addf %mul3A_913, %bitcast_convert_type3A_840 : vector<16xf32>
      %swap3A_915 = arith.constant 1 : i32
      %swap3A_916 = arith.constant 1 : i32
      %swap3A_917 = arith.index_cast %swap3A_915 : i32 to index
      %swap3A_918 = arith.index_cast %swap3A_916 : i32 to index
      %swap3A_919 = arith.index_cast %scan3A_832 : i32 to index
      %swap3A_920 = arith.constant 16 : index
      %swap3A_921 = tpu.vector_load %arg8[%swap3A_917, %swap3A_918, %swap3A_919, %swap3A_920] {strides = array<i32>} : memref<3x2x128x128xf32, #tpu.memory_space<vmem>>, vector<1x1x1x16xf32>,
      %swap3A_922 = vector.shape_cast %swap3A_921 : vector<1x1x1x16xf32> to vector<16xf32>
      %swap3A_923 = vector.shape_cast %add3A_914 : vector<16xf32> to vector<1x1x1x16xf32>
      tpu.vector_store %arg8[%swap3A_917, %swap3A_918, %swap3A_919, %swap3A_920], %swap3A_923 {strides = array<i32>} : memref<3x2x128x128xf32, #tpu.memory_space<vmem>>, vector<1x1x1x16xf32>,
      %get3A_924 = arith.index_cast %scan3A_832 : i32 to index
      %get3A_925 = arith.constant 16 : index
      %get3A_926 = tpu.vector_load %arg7[%get3A_924, %get3A_925] {strides = array<i32>} : memref<128x64xi32, #tpu.memory_space<vmem>>, vector<1x16xi32>,
      %get3A_927 = vector.shape_cast %get3A_926 : vector<1x16xi32> to vector<16xi32>
      %shift_left3A_928 = arith.shli %get3A_927, %broadcast_in_dim3A_833 : vector<16xi32>
      %bitcast_convert_type3A_929 = tpu.bitcast %shift_left3A_928 : vector<16xi32> -> vector<16xf32>
      %and3A_930 = arith.andi %get3A_927, %broadcast_in_dim3A_835 : vector<16xi32>
      %bitcast_convert_type3A_931 = tpu.bitcast %and3A_930 : vector<16xi32> -> vector<16xf32>
      %get3A_932 = arith.constant 1 : i32
      %get3A_933 = arith.constant 0 : i32
      %get3A_934 = arith.index_cast %get3A_932 : i32 to index
      %get3A_935 = arith.index_cast %get3A_933 : i32 to index
      %get3A_936 = arith.index_cast %scan3A_832 : i32 to index
      %get3A_937 = arith.constant 32 : index
      %get3A_938 = tpu.vector_load %arg8[%get3A_934, %get3A_935, %get3A_936, %get3A_937] {strides = array<i32>} : memref<3x2x128x128xf32, #tpu.memory_space<vmem>>, vector<1x1x1x16xf32>,
      %get3A_939 = vector.shape_cast %get3A_938 : vector<1x1x1x16xf32> to vector<16xf32>
      %mul3A_940 = arith.constant 11.3137083 : f32
      %mul3A_941 = vector.broadcast %mul3A_940 : f32 to vector<16xf32>
      %mul3A_942 = arith.mulf %get3A_939, %mul3A_941 : vector<16xf32>
      %add3A_943 = arith.addf %mul3A_942, %bitcast_convert_type3A_929 : vector<16xf32>
      %swap3A_944 = arith.constant 1 : i32
      %swap3A_945 = arith.constant 0 : i32
      %swap3A_946 = arith.index_cast %swap3A_944 : i32 to index
      %swap3A_947 = arith.index_cast %swap3A_945 : i32 to index
      %swap3A_948 = arith.index_cast %scan3A_832 : i32 to index
      %swap3A_949 = arith.constant 32 : index
      %swap3A_950 = tpu.vector_load %arg8[%swap3A_946, %swap3A_947, %swap3A_948, %swap3A_949] {strides = array<i32>} : memref<3x2x128x128xf32, #tpu.memory_space<vmem>>, vector<1x1x1x16xf32>,
      %swap3A_951 = vector.shape_cast %swap3A_950 : vector<1x1x1x16xf32> to vector<16xf32>
      %swap3A_952 = vector.shape_cast %add3A_943 : vector<16xf32> to vector<1x1x1x16xf32>
      tpu.vector_store %arg8[%swap3A_946, %swap3A_947, %swap3A_948, %swap3A_949], %swap3A_952 {strides = array<i32>} : memref<3x2x128x128xf32, #tpu.memory_space<vmem>>, vector<1x1x1x16xf32>,
      %get3A_953 = arith.constant 1 : i32
      %get3A_954 = arith.constant 1 : i32
      %get3A_955 = arith.index_cast %get3A_953 : i32 to index
      %get3A_956 = arith.index_cast %get3A_954 : i32 to index
      %get3A_957 = arith.index_cast %scan3A_832 : i32 to index
      %get3A_958 = arith.constant 32 : index
      %get3A_959 = tpu.vector_load %arg8[%get3A_955, %get3A_956, %get3A_957, %get3A_958] {strides = array<i32>} : memref<3x2x128x128xf32, #tpu.memory_space<vmem>>, vector<1x1x1x16xf32>,
      %get3A_960 = vector.shape_cast %get3A_959 : vector<1x1x1x16xf32> to vector<16xf32>
      %mul3A_961 = arith.constant 11.3137083 : f32
      %mul3A_962 = vector.broadcast %mul3A_961 : f32 to vector<16xf32>
      %mul3A_963 = arith.mulf %get3A_960, %mul3A_962 : vector<16xf32>
      %add3A_964 = arith.addf %mul3A_963, %bitcast_convert_type3A_929 : vector<16xf32>
      %swap3A_965 = arith.constant 1 : i32
      %swap3A_966 = arith.constant 1 : i32
      %swap3A_967 = arith.index_cast %swap3A_965 : i32 to index
      %swap3A_968 = arith.index_cast %swap3A_966 : i32 to index
      %swap3A_969 = arith.index_cast %scan3A_832 : i32 to index
      %swap3A_970 = arith.constant 32 : index
      %swap3A_971 = tpu.vector_load %arg8[%swap3A_967, %swap3A_968, %swap3A_969, %swap3A_970] {strides = array<i32>} : memref<3x2x128x128xf32, #tpu.memory_space<vmem>>, vector<1x1x1x16xf32>,
      %swap3A_972 = vector.shape_cast %swap3A_971 : vector<1x1x1x16xf32> to vector<16xf32>
      %swap3A_973 = vector.shape_cast %add3A_964 : vector<16xf32> to vector<1x1x1x16xf32>
      tpu.vector_store %arg8[%swap3A_967, %swap3A_968, %swap3A_969, %swap3A_970], %swap3A_973 {strides = array<i32>} : memref<3x2x128x128xf32, #tpu.memory_space<vmem>>, vector<1x1x1x16xf32>,
      %get3A_974 = arith.constant 1 : i32
      %get3A_975 = arith.constant 0 : i32
      %get3A_976 = arith.index_cast %get3A_974 : i32 to index
      %get3A_977 = arith.index_cast %get3A_975 : i32 to index
      %get3A_978 = arith.index_cast %scan3A_832 : i32 to index
      %get3A_979 = arith.constant 48 : index
      %get3A_980 = tpu.vector_load %arg8[%get3A_976, %get3A_977, %get3A_978, %get3A_979] {strides = array<i32>} : memref<3x2x128x128xf32, #tpu.memory_space<vmem>>, vector<1x1x1x16xf32>,
      %get3A_981 = vector.shape_cast %get3A_980 : vector<1x1x1x16xf32> to vector<16xf32>
      %mul3A_982 = arith.constant 11.3137083 : f32
      %mul3A_983 = vector.broadcast %mul3A_982 : f32 to vector<16xf32>
      %mul3A_984 = arith.mulf %get3A_981, %mul3A_983 : vector<16xf32>
      %add3A_985 = arith.addf %mul3A_984, %bitcast_convert_type3A_931 : vector<16xf32>
      %swap3A_986 = arith.constant 1 : i32
      %swap3A_987 = arith.constant 0 : i32
      %swap3A_988 = arith.index_cast %swap3A_986 : i32 to index
      %swap3A_989 = arith.index_cast %swap3A_987 : i32 to index
      %swap3A_990 = arith.index_cast %scan3A_832 : i32 to index
      %swap3A_991 = arith.constant 48 : index
      %swap3A_992 = tpu.vector_load %arg8[%swap3A_988, %swap3A_989, %swap3A_990, %swap3A_991] {strides = array<i32>} : memref<3x2x128x128xf32, #tpu.memory_space<vmem>>, vector<1x1x1x16xf32>,
      %swap3A_993 = vector.shape_cast %swap3A_992 : vector<1x1x1x16xf32> to vector<16xf32>
      %swap3A_994 = vector.shape_cast %add3A_985 : vector<16xf32> to vector<1x1x1x16xf32>
      tpu.vector_store %arg8[%swap3A_988, %swap3A_989, %swap3A_990, %swap3A_991], %swap3A_994 {strides = array<i32>} : memref<3x2x128x128xf32, #tpu.memory_space<vmem>>, vector<1x1x1x16xf32>,
      %get3A_995 = arith.constant 1 : i32
      %get3A_996 = arith.constant 1 : i32
      %get3A_997 = arith.index_cast %get3A_995 : i32 to index
      %get3A_998 = arith.index_cast %get3A_996 : i32 to index
      %get3A_999 = arith.index_cast %scan3A_832 : i32 to index
      %get3A_1000 = arith.constant 48 : index
      %get3A_1001 = tpu.vector_load %arg8[%get3A_997, %get3A_998, %get3A_999, %get3A_1000] {strides = array<i32>} : memref<3x2x128x128xf32, #tpu.memory_space<vmem>>, vector<1x1x1x16xf32>,
      %get3A_1002 = vector.shape_cast %get3A_1001 : vector<1x1x1x16xf32> to vector<16xf32>
      %mul3A_1003 = arith.constant 11.3137083 : f32
      %mul3A_1004 = vector.broadcast %mul3A_1003 : f32 to vector<16xf32>
      %mul3A_1005 = arith.mulf %get3A_1002, %mul3A_1004 : vector<16xf32>
      %add3A_1006 = arith.addf %mul3A_1005, %bitcast_convert_type3A_931 : vector<16xf32>
      %swap3A_1007 = arith.constant 1 : i32
      %swap3A_1008 = arith.constant 1 : i32
      %swap3A_1009 = arith.index_cast %swap3A_1007 : i32 to index
      %swap3A_1010 = arith.index_cast %swap3A_1008 : i32 to index
      %swap3A_1011 = arith.index_cast %scan3A_832 : i32 to index
      %swap3A_1012 = arith.constant 48 : index
      %swap3A_1013 = tpu.vector_load %arg8[%swap3A_1009, %swap3A_1010, %swap3A_1011, %swap3A_1012] {strides = array<i32>} : memref<3x2x128x128xf32, #tpu.memory_space<vmem>>, vector<1x1x1x16xf32>,
      %swap3A_1014 = vector.shape_cast %swap3A_1013 : vector<1x1x1x16xf32> to vector<16xf32>
      %swap3A_1015 = vector.shape_cast %add3A_1006 : vector<16xf32> to vector<1x1x1x16xf32>
      tpu.vector_store %arg8[%swap3A_1009, %swap3A_1010, %swap3A_1011, %swap3A_1012], %swap3A_1015 {strides = array<i32>} : memref<3x2x128x128xf32, #tpu.memory_space<vmem>>, vector<1x1x1x16xf32>,
      %get3A_1016 = arith.index_cast %scan3A_832 : i32 to index
      %get3A_1017 = arith.constant 32 : index
      %get3A_1018 = tpu.vector_load %arg7[%get3A_1016, %get3A_1017] {strides = array<i32>} : memref<128x64xi32, #tpu.memory_space<vmem>>, vector<1x16xi32>,
      %get3A_1019 = vector.shape_cast %get3A_1018 : vector<1x16xi32> to vector<16xi32>
      %shift_left3A_1020 = arith.shli %get3A_1019, %broadcast_in_dim3A_833 : vector<16xi32>
      %bitcast_convert_type3A_1021 = tpu.bitcast %shift_left3A_1020 : vector<16xi32> -> vector<16xf32>
      %and3A_1022 = arith.andi %get3A_1019, %broadcast_in_dim3A_835 : vector<16xi32>
      %bitcast_convert_type3A_1023 = tpu.bitcast %and3A_1022 : vector<16xi32> -> vector<16xf32>
      %get3A_1024 = arith.constant 1 : i32
      %get3A_1025 = arith.constant 0 : i32
      %get3A_1026 = arith.index_cast %get3A_1024 : i32 to index
      %get3A_1027 = arith.index_cast %get3A_1025 : i32 to index
      %get3A_1028 = arith.index_cast %scan3A_832 : i32 to index
      %get3A_1029 = arith.constant 64 : index
      %get3A_1030 = tpu.vector_load %arg8[%get3A_1026, %get3A_1027, %get3A_1028, %get3A_1029] {strides = array<i32>} : memref<3x2x128x128xf32, #tpu.memory_space<vmem>>, vector<1x1x1x16xf32>,
      %get3A_1031 = vector.shape_cast %get3A_1030 : vector<1x1x1x16xf32> to vector<16xf32>
      %mul3A_1032 = arith.constant 11.3137083 : f32
      %mul3A_1033 = vector.broadcast %mul3A_1032 : f32 to vector<16xf32>
      %mul3A_1034 = arith.mulf %get3A_1031, %mul3A_1033 : vector<16xf32>
      %add3A_1035 = arith.addf %mul3A_1034, %bitcast_convert_type3A_1021 : vector<16xf32>
      %swap3A_1036 = arith.constant 1 : i32
      %swap3A_1037 = arith.constant 0 : i32
      %swap3A_1038 = arith.index_cast %swap3A_1036 : i32 to index
      %swap3A_1039 = arith.index_cast %swap3A_1037 : i32 to index
      %swap3A_1040 = arith.index_cast %scan3A_832 : i32 to index
      %swap3A_1041 = arith.constant 64 : index
      %swap3A_1042 = tpu.vector_load %arg8[%swap3A_1038, %swap3A_1039, %swap3A_1040, %swap3A_1041] {strides = array<i32>} : memref<3x2x128x128xf32, #tpu.memory_space<vmem>>, vector<1x1x1x16xf32>,
      %swap3A_1043 = vector.shape_cast %swap3A_1042 : vector<1x1x1x16xf32> to vector<16xf32>
      %swap3A_1044 = vector.shape_cast %add3A_1035 : vector<16xf32> to vector<1x1x1x16xf32>
      tpu.vector_store %arg8[%swap3A_1038, %swap3A_1039, %swap3A_1040, %swap3A_1041], %swap3A_1044 {strides = array<i32>} : memref<3x2x128x128xf32, #tpu.memory_space<vmem>>, vector<1x1x1x16xf32>,
      %get3A_1045 = arith.constant 1 : i32
      %get3A_1046 = arith.constant 1 : i32
      %get3A_1047 = arith.index_cast %get3A_1045 : i32 to index
      %get3A_1048 = arith.index_cast %get3A_1046 : i32 to index
      %get3A_1049 = arith.index_cast %scan3A_832 : i32 to index
      %get3A_1050 = arith.constant 64 : index
      %get3A_1051 = tpu.vector_load %arg8[%get3A_1047, %get3A_1048, %get3A_1049, %get3A_1050] {strides = array<i32>} : memref<3x2x128x128xf32, #tpu.memory_space<vmem>>, vector<1x1x1x16xf32>,
      %get3A_1052 = vector.shape_cast %get3A_1051 : vector<1x1x1x16xf32> to vector<16xf32>
      %mul3A_1053 = arith.constant 11.3137083 : f32
      %mul3A_1054 = vector.broadcast %mul3A_1053 : f32 to vector<16xf32>
      %mul3A_1055 = arith.mulf %get3A_1052, %mul3A_1054 : vector<16xf32>
      %add3A_1056 = arith.addf %mul3A_1055, %bitcast_convert_type3A_1021 : vector<16xf32>
      %swap3A_1057 = arith.constant 1 : i32
      %swap3A_1058 = arith.constant 1 : i32
      %swap3A_1059 = arith.index_cast %swap3A_1057 : i32 to index
      %swap3A_1060 = arith.index_cast %swap3A_1058 : i32 to index
      %swap3A_1061 = arith.index_cast %scan3A_832 : i32 to index
      %swap3A_1062 = arith.constant 64 : index
      %swap3A_1063 = tpu.vector_load %arg8[%swap3A_1059, %swap3A_1060, %swap3A_1061, %swap3A_1062] {strides = array<i32>} : memref<3x2x128x128xf32, #tpu.memory_space<vmem>>, vector<1x1x1x16xf32>,
      %swap3A_1064 = vector.shape_cast %swap3A_1063 : vector<1x1x1x16xf32> to vector<16xf32>
      %swap3A_1065 = vector.shape_cast %add3A_1056 : vector<16xf32> to vector<1x1x1x16xf32>
      tpu.vector_store %arg8[%swap3A_1059, %swap3A_1060, %swap3A_1061, %swap3A_1062], %swap3A_1065 {strides = array<i32>} : memref<3x2x128x128xf32, #tpu.memory_space<vmem>>, vector<1x1x1x16xf32>,
      %get3A_1066 = arith.constant 1 : i32
      %get3A_1067 = arith.constant 0 : i32
      %get3A_1068 = arith.index_cast %get3A_1066 : i32 to index
      %get3A_1069 = arith.index_cast %get3A_1067 : i32 to index
      %get3A_1070 = arith.index_cast %scan3A_832 : i32 to index
      %get3A_1071 = arith.constant 80 : index
      %get3A_1072 = tpu.vector_load %arg8[%get3A_1068, %get3A_1069, %get3A_1070, %get3A_1071] {strides = array<i32>} : memref<3x2x128x128xf32, #tpu.memory_space<vmem>>, vector<1x1x1x16xf32>,
      %get3A_1073 = vector.shape_cast %get3A_1072 : vector<1x1x1x16xf32> to vector<16xf32>
      %mul3A_1074 = arith.constant 11.3137083 : f32
      %mul3A_1075 = vector.broadcast %mul3A_1074 : f32 to vector<16xf32>
      %mul3A_1076 = arith.mulf %get3A_1073, %mul3A_1075 : vector<16xf32>
      %add3A_1077 = arith.addf %mul3A_1076, %bitcast_convert_type3A_1023 : vector<16xf32>
      %swap3A_1078 = arith.constant 1 : i32
      %swap3A_1079 = arith.constant 0 : i32
      %swap3A_1080 = arith.index_cast %swap3A_1078 : i32 to index
      %swap3A_1081 = arith.index_cast %swap3A_1079 : i32 to index
      %swap3A_1082 = arith.index_cast %scan3A_832 : i32 to index
      %swap3A_1083 = arith.constant 80 : index
      %swap3A_1084 = tpu.vector_load %arg8[%swap3A_1080, %swap3A_1081, %swap3A_1082, %swap3A_1083] {strides = array<i32>} : memref<3x2x128x128xf32, #tpu.memory_space<vmem>>, vector<1x1x1x16xf32>,
      %swap3A_1085 = vector.shape_cast %swap3A_1084 : vector<1x1x1x16xf32> to vector<16xf32>
      %swap3A_1086 = vector.shape_cast %add3A_1077 : vector<16xf32> to vector<1x1x1x16xf32>
      tpu.vector_store %arg8[%swap3A_1080, %swap3A_1081, %swap3A_1082, %swap3A_1083], %swap3A_1086 {strides = array<i32>} : memref<3x2x128x128xf32, #tpu.memory_space<vmem>>, vector<1x1x1x16xf32>,
      %get3A_1087 = arith.constant 1 : i32
      %get3A_1088 = arith.constant 1 : i32
      %get3A_1089 = arith.index_cast %get3A_1087 : i32 to index
      %get3A_1090 = arith.index_cast %get3A_1088 : i32 to index
      %get3A_1091 = arith.index_cast %scan3A_832 : i32 to index
      %get3A_1092 = arith.constant 80 : index
      %get3A_1093 = tpu.vector_load %arg8[%get3A_1089, %get3A_1090, %get3A_1091, %get3A_1092] {strides = array<i32>} : memref<3x2x128x128xf32, #tpu.memory_space<vmem>>, vector<1x1x1x16xf32>,
      %get3A_1094 = vector.shape_cast %get3A_1093 : vector<1x1x1x16xf32> to vector<16xf32>
      %mul3A_1095 = arith.constant 11.3137083 : f32
      %mul3A_1096 = vector.broadcast %mul3A_1095 : f32 to vector<16xf32>
      %mul3A_1097 = arith.mulf %get3A_1094, %mul3A_1096 : vector<16xf32>
      %add3A_1098 = arith.addf %mul3A_1097, %bitcast_convert_type3A_1023 : vector<16xf32>
      %swap3A_1099 = arith.constant 1 : i32
      %swap3A_1100 = arith.constant 1 : i32
      %swap3A_1101 = arith.index_cast %swap3A_1099 : i32 to index
      %swap3A_1102 = arith.index_cast %swap3A_1100 : i32 to index
      %swap3A_1103 = arith.index_cast %scan3A_832 : i32 to index
      %swap3A_1104 = arith.constant 80 : index
      %swap3A_1105 = tpu.vector_load %arg8[%swap3A_1101, %swap3A_1102, %swap3A_1103, %swap3A_1104] {strides = array<i32>} : memref<3x2x128x128xf32, #tpu.memory_space<vmem>>, vector<1x1x1x16xf32>,
      %swap3A_1106 = vector.shape_cast %swap3A_1105 : vector<1x1x1x16xf32> to vector<16xf32>
      %swap3A_1107 = vector.shape_cast %add3A_1098 : vector<16xf32> to vector<1x1x1x16xf32>
      tpu.vector_store %arg8[%swap3A_1101, %swap3A_1102, %swap3A_1103, %swap3A_1104], %swap3A_1107 {strides = array<i32>} : memref<3x2x128x128xf32, #tpu.memory_space<vmem>>, vector<1x1x1x16xf32>,
      %get3A_1108 = arith.index_cast %scan3A_832 : i32 to index
      %get3A_1109 = arith.constant 48 : index
      %get3A_1110 = tpu.vector_load %arg7[%get3A_1108, %get3A_1109] {strides = array<i32>} : memref<128x64xi32, #tpu.memory_space<vmem>>, vector<1x16xi32>,
      %get3A_1111 = vector.shape_cast %get3A_1110 : vector<1x16xi32> to vector<16xi32>
      %shift_left3A_1112 = arith.shli %get3A_1111, %broadcast_in_dim3A_833 : vector<16xi32>
      %bitcast_convert_type3A_1113 = tpu.bitcast %shift_left3A_1112 : vector<16xi32> -> vector<16xf32>
      %and3A_1114 = arith.andi %get3A_1111, %broadcast_in_dim3A_835 : vector<16xi32>
      %bitcast_convert_type3A_1115 = tpu.bitcast %and3A_1114 : vector<16xi32> -> vector<16xf32>
      %get3A_1116 = arith.constant 1 : i32
      %get3A_1117 = arith.constant 0 : i32
      %get3A_1118 = arith.index_cast %get3A_1116 : i32 to index
      %get3A_1119 = arith.index_cast %get3A_1117 : i32 to index
      %get3A_1120 = arith.index_cast %scan3A_832 : i32 to index
      %get3A_1121 = arith.constant 96 : index
      %get3A_1122 = tpu.vector_load %arg8[%get3A_1118, %get3A_1119, %get3A_1120, %get3A_1121] {strides = array<i32>} : memref<3x2x128x128xf32, #tpu.memory_space<vmem>>, vector<1x1x1x16xf32>,
      %get3A_1123 = vector.shape_cast %get3A_1122 : vector<1x1x1x16xf32> to vector<16xf32>
      %mul3A_1124 = arith.constant 11.3137083 : f32
      %mul3A_1125 = vector.broadcast %mul3A_1124 : f32 to vector<16xf32>
      %mul3A_1126 = arith.mulf %get3A_1123, %mul3A_1125 : vector<16xf32>
      %add3A_1127 = arith.addf %mul3A_1126, %bitcast_convert_type3A_1113 : vector<16xf32>
      %swap3A_1128 = arith.constant 1 : i32
      %swap3A_1129 = arith.constant 0 : i32
      %swap3A_1130 = arith.index_cast %swap3A_1128 : i32 to index
      %swap3A_1131 = arith.index_cast %swap3A_1129 : i32 to index
      %swap3A_1132 = arith.index_cast %scan3A_832 : i32 to index
      %swap3A_1133 = arith.constant 96 : index
      %swap3A_1134 = tpu.vector_load %arg8[%swap3A_1130, %swap3A_1131, %swap3A_1132, %swap3A_1133] {strides = array<i32>} : memref<3x2x128x128xf32, #tpu.memory_space<vmem>>, vector<1x1x1x16xf32>,
      %swap3A_1135 = vector.shape_cast %swap3A_1134 : vector<1x1x1x16xf32> to vector<16xf32>
      %swap3A_1136 = vector.shape_cast %add3A_1127 : vector<16xf32> to vector<1x1x1x16xf32>
      tpu.vector_store %arg8[%swap3A_1130, %swap3A_1131, %swap3A_1132, %swap3A_1133], %swap3A_1136 {strides = array<i32>} : memref<3x2x128x128xf32, #tpu.memory_space<vmem>>, vector<1x1x1x16xf32>,
      %get3A_1137 = arith.constant 1 : i32
      %get3A_1138 = arith.constant 1 : i32
      %get3A_1139 = arith.index_cast %get3A_1137 : i32 to index
      %get3A_1140 = arith.index_cast %get3A_1138 : i32 to index
      %get3A_1141 = arith.index_cast %scan3A_832 : i32 to index
      %get3A_1142 = arith.constant 96 : index
      %get3A_1143 = tpu.vector_load %arg8[%get3A_1139, %get3A_1140, %get3A_1141, %get3A_1142] {strides = array<i32>} : memref<3x2x128x128xf32, #tpu.memory_space<vmem>>, vector<1x1x1x16xf32>,
      %get3A_1144 = vector.shape_cast %get3A_1143 : vector<1x1x1x16xf32> to vector<16xf32>
      %mul3A_1145 = arith.constant 11.3137083 : f32
      %mul3A_1146 = vector.broadcast %mul3A_1145 : f32 to vector<16xf32>
      %mul3A_1147 = arith.mulf %get3A_1144, %mul3A_1146 : vector<16xf32>
      %add3A_1148 = arith.addf %mul3A_1147, %bitcast_convert_type3A_1113 : vector<16xf32>
      %swap3A_1149 = arith.constant 1 : i32
      %swap3A_1150 = arith.constant 1 : i32
      %swap3A_1151 = arith.index_cast %swap3A_1149 : i32 to index
      %swap3A_1152 = arith.index_cast %swap3A_1150 : i32 to index
      %swap3A_1153 = arith.index_cast %scan3A_832 : i32 to index
      %swap3A_1154 = arith.constant 96 : index
      %swap3A_1155 = tpu.vector_load %arg8[%swap3A_1151, %swap3A_1152, %swap3A_1153, %swap3A_1154] {strides = array<i32>} : memref<3x2x128x128xf32, #tpu.memory_space<vmem>>, vector<1x1x1x16xf32>,
      %swap3A_1156 = vector.shape_cast %swap3A_1155 : vector<1x1x1x16xf32> to vector<16xf32>
      %swap3A_1157 = vector.shape_cast %add3A_1148 : vector<16xf32> to vector<1x1x1x16xf32>
      tpu.vector_store %arg8[%swap3A_1151, %swap3A_1152, %swap3A_1153, %swap3A_1154], %swap3A_1157 {strides = array<i32>} : memref<3x2x128x128xf32, #tpu.memory_space<vmem>>, vector<1x1x1x16xf32>,
      %get3A_1158 = arith.constant 1 : i32
      %get3A_1159 = arith.constant 0 : i32
      %get3A_1160 = arith.index_cast %get3A_1158 : i32 to index
      %get3A_1161 = arith.index_cast %get3A_1159 : i32 to index
      %get3A_1162 = arith.index_cast %scan3A_832 : i32 to index
      %get3A_1163 = arith.constant 112 : index
      %get3A_1164 = tpu.vector_load %arg8[%get3A_1160, %get3A_1161, %get3A_1162, %get3A_1163] {strides = array<i32>} : memref<3x2x128x128xf32, #tpu.memory_space<vmem>>, vector<1x1x1x16xf32>,
      %get3A_1165 = vector.shape_cast %get3A_1164 : vector<1x1x1x16xf32> to vector<16xf32>
      %mul3A_1166 = arith.constant 11.3137083 : f32
      %mul3A_1167 = vector.broadcast %mul3A_1166 : f32 to vector<16xf32>
      %mul3A_1168 = arith.mulf %get3A_1165, %mul3A_1167 : vector<16xf32>
      %add3A_1169 = arith.addf %mul3A_1168, %bitcast_convert_type3A_1115 : vector<16xf32>
      %swap3A_1170 = arith.constant 1 : i32
      %swap3A_1171 = arith.constant 0 : i32
      %swap3A_1172 = arith.index_cast %swap3A_1170 : i32 to index
      %swap3A_1173 = arith.index_cast %swap3A_1171 : i32 to index
      %swap3A_1174 = arith.index_cast %scan3A_832 : i32 to index
      %swap3A_1175 = arith.constant 112 : index
      %swap3A_1176 = tpu.vector_load %arg8[%swap3A_1172, %swap3A_1173, %swap3A_1174, %swap3A_1175] {strides = array<i32>} : memref<3x2x128x128xf32, #tpu.memory_space<vmem>>, vector<1x1x1x16xf32>,
      %swap3A_1177 = vector.shape_cast %swap3A_1176 : vector<1x1x1x16xf32> to vector<16xf32>
      %swap3A_1178 = vector.shape_cast %add3A_1169 : vector<16xf32> to vector<1x1x1x16xf32>
      tpu.vector_store %arg8[%swap3A_1172, %swap3A_1173, %swap3A_1174, %swap3A_1175], %swap3A_1178 {strides = array<i32>} : memref<3x2x128x128xf32, #tpu.memory_space<vmem>>, vector<1x1x1x16xf32>,
      %get3A_1179 = arith.constant 1 : i32
      %get3A_1180 = arith.constant 1 : i32
      %get3A_1181 = arith.index_cast %get3A_1179 : i32 to index
      %get3A_1182 = arith.index_cast %get3A_1180 : i32 to index
      %get3A_1183 = arith.index_cast %scan3A_832 : i32 to index
      %get3A_1184 = arith.constant 112 : index
      %get3A_1185 = tpu.vector_load %arg8[%get3A_1181, %get3A_1182, %get3A_1183, %get3A_1184] {strides = array<i32>} : memref<3x2x128x128xf32, #tpu.memory_space<vmem>>, vector<1x1x1x16xf32>,
      %get3A_1186 = vector.shape_cast %get3A_1185 : vector<1x1x1x16xf32> to vector<16xf32>
      %mul3A_1187 = arith.constant 11.3137083 : f32
      %mul3A_1188 = vector.broadcast %mul3A_1187 : f32 to vector<16xf32>
      %mul3A_1189 = arith.mulf %get3A_1186, %mul3A_1188 : vector<16xf32>
      %add3A_1190 = arith.addf %mul3A_1189, %bitcast_convert_type3A_1115 : vector<16xf32>
      %swap3A_1191 = arith.constant 1 : i32
      %swap3A_1192 = arith.constant 1 : i32
      %swap3A_1193 = arith.index_cast %swap3A_1191 : i32 to index
      %swap3A_1194 = arith.index_cast %swap3A_1192 : i32 to index
      %swap3A_1195 = arith.index_cast %scan3A_832 : i32 to index
      %swap3A_1196 = arith.constant 112 : index
      %swap3A_1197 = tpu.vector_load %arg8[%swap3A_1193, %swap3A_1194, %swap3A_1195, %swap3A_1196] {strides = array<i32>} : memref<3x2x128x128xf32, #tpu.memory_space<vmem>>, vector<1x1x1x16xf32>,
      %swap3A_1198 = vector.shape_cast %swap3A_1197 : vector<1x1x1x16xf32> to vector<16xf32>
      %swap3A_1199 = vector.shape_cast %add3A_1190 : vector<16xf32> to vector<1x1x1x16xf32>
      tpu.vector_store %arg8[%swap3A_1193, %swap3A_1194, %swap3A_1195, %swap3A_1196], %swap3A_1199 {strides = array<i32>} : memref<3x2x128x128xf32, #tpu.memory_space<vmem>>, vector<1x1x1x16xf32>,
    }
    %scan3A_543 = arith.constant 128 : i32
    %add3A_544 = arith.constant 8 : i32
    %add3A_545 = arith.addi %mul3A_34, %add3A_544 : i32
    %dma_start3A_546 = arith.constant 1 : i32
    %dma_start3A_547 = arith.constant 0 : i32
    %dma_start3A_548 = arith.constant 0 : i32
    %dma_start3A_549 = arith.constant 0 : i32
    %dma_start3A_550 = tpu.memref_slice %arg8[%dma_start3A_546, %dma_start3A_547, %dma_start3A_548, %dma_start3A_549] : memref<3x2x128x128xf32, #tpu.memory_space<vmem>> -> memref<1x2x128x128xf32, #tpu.memory_space<vmem>>
    %dma_start3A_551 = tpu.memref_squeeze %dma_start3A_550 : memref<1x2x128x128xf32, #tpu.memory_space<vmem>> -> memref<2x128x128xf32, #tpu.memory_space<vmem>>
    %dma_start3A_552 = arith.constant 0 : i32
    %dma_start3A_553 = tpu.memref_slice %arg5[%add3A_545, %mul3A_32, %dma_start3A_552] : memref<32x2048x128xf32, #tpu.memory_space<hbm>> -> memref<2x128x128xf32, #tpu.memory_space<hbm>>
    %dma_start3A_554 = arith.constant 0 : i32
    %dma_start3A_555 = tpu.memref_slice %arg5[%add3A_545, %mul3A_32, %dma_start3A_554] : memref<32x2048x128xf32, #tpu.memory_space<hbm>> -> memref<2x128x128xf32, #tpu.memory_space<hbm>>
    %dma_start3A_556 = arith.constant 0 : i32
    %dma_start3A_557 = arith.constant 0 : i32
    %dma_start3A_558 = arith.constant 0 : i32
    %dma_start3A_559 = tpu.memref_slice %arg8[%dma_start3A_546, %dma_start3A_556, %dma_start3A_557, %dma_start3A_558] : memref<3x2x128x128xf32, #tpu.memory_space<vmem>> -> memref<1x2x128x128xf32, #tpu.memory_space<vmem>>
    %dma_start3A_560 = tpu.memref_squeeze %dma_start3A_559 : memref<1x2x128x128xf32, #tpu.memory_space<vmem>> -> memref<2x128x128xf32, #tpu.memory_space<vmem>>
    tpu.enqueue_dma source(%dma_start3A_560 : memref<2x128x128xf32, #tpu.memory_space<vmem>>) target(%dma_start3A_555 : memref<2x128x128xf32, #tpu.memory_space<hbm>>) target_semaphore(%arg13 : memref<!tpu.dma_semaphore, #tpu.memory_space<semaphore_mem>>)
    %dma_wait3A_561 = arith.constant 1 : i32
    %dma_wait3A_562 = arith.constant 0 : i32
    %dma_wait3A_563 = arith.constant 0 : i32
    %dma_wait3A_564 = arith.constant 0 : i32
    %dma_wait3A_565 = tpu.memref_slice %arg8[%dma_wait3A_561, %dma_wait3A_562, %dma_wait3A_563, %dma_wait3A_564] : memref<3x2x128x128xf32, #tpu.memory_space<vmem>> -> memref<1x2x128x128xf32, #tpu.memory_space<vmem>>
    %dma_wait3A_566 = tpu.memref_squeeze %dma_wait3A_565 : memref<1x2x128x128xf32, #tpu.memory_space<vmem>> -> memref<2x128x128xf32, #tpu.memory_space<vmem>>
    %dma_wait3A_567 = arith.constant 0 : i32
    %dma_wait3A_568 = tpu.memref_slice %arg5[%add3A_545, %mul3A_32, %dma_wait3A_567] : memref<32x2048x128xf32, #tpu.memory_space<hbm>> -> memref<2x128x128xf32, #tpu.memory_space<hbm>>
    %dma_wait3A_569 = arith.constant 0 : i32
    %dma_wait3A_570 = tpu.memref_slice %arg5[%add3A_545, %mul3A_32, %dma_wait3A_569] : memref<32x2048x128xf32, #tpu.memory_space<hbm>> -> memref<2x128x128xf32, #tpu.memory_space<hbm>>
    %dma_wait3A_571 = arith.constant 0 : i32
    %dma_wait3A_572 = arith.constant 0 : i32
    %dma_wait3A_573 = arith.constant 0 : i32
    %dma_wait3A_574 = tpu.memref_slice %arg8[%dma_wait3A_561, %dma_wait3A_571, %dma_wait3A_572, %dma_wait3A_573] : memref<3x2x128x128xf32, #tpu.memory_space<vmem>> -> memref<1x2x128x128xf32, #tpu.memory_space<vmem>>
    %dma_wait3A_575 = tpu.memref_squeeze %dma_wait3A_574 : memref<1x2x128x128xf32, #tpu.memory_space<vmem>> -> memref<2x128x128xf32, #tpu.memory_space<vmem>>
    tpu.wait_dma2 semaphore(%arg13 : memref<!tpu.dma_semaphore, #tpu.memory_space<semaphore_mem>>) src(%dma_wait3A_575 : memref<2x128x128xf32, #tpu.memory_space<vmem>>) dst(%dma_wait3A_570 : memref<2x128x128xf32, #tpu.memory_space<hbm>>)
    %dma_start3A_576 = arith.constant 14 : i32
    %dma_start3A_577 = arith.constant 1 : i32
    %dma_start3A_578 = arith.constant 0 : i32
    %dma_start3A_579 = arith.constant 0 : i32
    %dma_start3A_580 = arith.constant 0 : i32
    %dma_start3A_581 = tpu.memref_slice %arg8[%dma_start3A_577, %dma_start3A_578, %dma_start3A_579, %dma_start3A_580] : memref<3x2x128x128xf32, #tpu.memory_space<vmem>> -> memref<1x1x128x128xf32, #tpu.memory_space<vmem>>
    %dma_start3A_582 = tpu.memref_squeeze %dma_start3A_581 : memref<1x1x128x128xf32, #tpu.memory_space<vmem>> -> memref<128x128xf32, #tpu.memory_space<vmem>>
    %dma_start3A_583 = arith.constant 0 : i32
    %dma_start3A_584 = tpu.memref_slice %arg6[%dma_start3A_576, %dma_start3A_583] : memref<16x128xi32, #tpu.memory_space<vmem>> -> memref<1x128xi32, #tpu.memory_space<vmem>>
    %dma_start3A_585 = tpu.memref_squeeze %dma_start3A_584 : memref<1x128xi32, #tpu.memory_space<vmem>> -> memref<128xi32, #tpu.memory_space<vmem>>
    %dma_start3A_586 = arith.constant 0 : i32
    %dma_start3A_587 = arith.constant 0 : i32
    %dma_start3A_588 = tpu.memref_slice %arg4[%dma_start3A_586, %dma_start3A_587] : memref<100000x128xf32, #tpu.memory_space<hbm>> -> memref<100000x128xf32, #tpu.memory_space<hbm>>
    tpu.enqueue_indirect_dma source(%dma_start3A_588 : memref<100000x128xf32, #tpu.memory_space<hbm>>) target(%dma_start3A_582 : memref<128x128xf32, #tpu.memory_space<vmem>>) offsets(%dma_start3A_585 : memref<128xi32, #tpu.memory_space<vmem>>) semaphore(%arg10 : memref<!tpu.dma_semaphore, #tpu.memory_space<semaphore_mem>>)
    %dma_wait3A_589 = arith.constant 10 : i32
    %dma_wait3A_590 = arith.constant 2 : i32
    %dma_wait3A_591 = arith.constant 0 : i32
    %dma_wait3A_592 = arith.constant 0 : i32
    %dma_wait3A_593 = arith.constant 0 : i32
    %dma_wait3A_594 = tpu.memref_slice %arg8[%dma_wait3A_590, %dma_wait3A_591, %dma_wait3A_592, %dma_wait3A_593] : memref<3x2x128x128xf32, #tpu.memory_space<vmem>> -> memref<1x1x128x128xf32, #tpu.memory_space<vmem>>
    %dma_wait3A_595 = tpu.memref_squeeze %dma_wait3A_594 : memref<1x1x128x128xf32, #tpu.memory_space<vmem>> -> memref<128x128xf32, #tpu.memory_space<vmem>>
    %dma_wait3A_596 = arith.constant 0 : i32
    %dma_wait3A_597 = tpu.memref_slice %arg6[%dma_wait3A_589, %dma_wait3A_596] : memref<16x128xi32, #tpu.memory_space<vmem>> -> memref<1x128xi32, #tpu.memory_space<vmem>>
    %dma_wait3A_598 = tpu.memref_squeeze %dma_wait3A_597 : memref<1x128xi32, #tpu.memory_space<vmem>> -> memref<128xi32, #tpu.memory_space<vmem>>
    %dma_wait3A_599 = arith.constant 0 : i32
    %dma_wait3A_600 = arith.constant 0 : i32
    %dma_wait3A_601 = tpu.memref_slice %arg4[%dma_wait3A_599, %dma_wait3A_600] : memref<100000x128xf32, #tpu.memory_space<hbm>> -> memref<100000x128xf32, #tpu.memory_space<hbm>>
    tpu.wait_indirect_dma semaphore(%arg11 : memref<!tpu.dma_semaphore, #tpu.memory_space<semaphore_mem>>) src(%dma_wait3A_601 : memref<100000x128xf32, #tpu.memory_space<hbm>>) dst(%dma_wait3A_595 : memref<128x128xf32, #tpu.memory_space<vmem>>)
    %dma_wait3A_602 = arith.constant 11 : i32
    %dma_wait3A_603 = arith.constant 2 : i32
    %dma_wait3A_604 = arith.constant 1 : i32
    %dma_wait3A_605 = arith.constant 0 : i32
    %dma_wait3A_606 = arith.constant 0 : i32
    %dma_wait3A_607 = tpu.memref_slice %arg8[%dma_wait3A_603, %dma_wait3A_604, %dma_wait3A_605, %dma_wait3A_606] : memref<3x2x128x128xf32, #tpu.memory_space<vmem>> -> memref<1x1x128x128xf32, #tpu.memory_space<vmem>>
    %dma_wait3A_608 = tpu.memref_squeeze %dma_wait3A_607 : memref<1x1x128x128xf32, #tpu.memory_space<vmem>> -> memref<128x128xf32, #tpu.memory_space<vmem>>
    %dma_wait3A_609 = arith.constant 0 : i32
    %dma_wait3A_610 = tpu.memref_slice %arg6[%dma_wait3A_602, %dma_wait3A_609] : memref<16x128xi32, #tpu.memory_space<vmem>> -> memref<1x128xi32, #tpu.memory_space<vmem>>
    %dma_wait3A_611 = tpu.memref_squeeze %dma_wait3A_610 : memref<1x128xi32, #tpu.memory_space<vmem>> -> memref<128xi32, #tpu.memory_space<vmem>>
    %dma_wait3A_612 = arith.constant 0 : i32
    %dma_wait3A_613 = arith.constant 0 : i32
    %dma_wait3A_614 = tpu.memref_slice %arg4[%dma_wait3A_612, %dma_wait3A_613] : memref<100000x128xf32, #tpu.memory_space<hbm>> -> memref<100000x128xf32, #tpu.memory_space<hbm>>
    tpu.wait_indirect_dma semaphore(%arg11 : memref<!tpu.dma_semaphore, #tpu.memory_space<semaphore_mem>>) src(%dma_wait3A_614 : memref<100000x128xf32, #tpu.memory_space<hbm>>) dst(%dma_wait3A_608 : memref<128x128xf32, #tpu.memory_space<vmem>>)
    %scan3A_615 = arith.constant 0 : i32
    %scan3A_616 = arith.constant 0 : i32
    %scan3A_617 = arith.constant 128 : i32
    %scan3A_618 = arith.addi %scan3A_616, %scan3A_617 : i32
    %scan3A_619 = arith.constant 1 : i32
    scf.for %scan3A_832 = %scan3A_616 to %scan3A_618 step %scan3A_619  : i32 {
      %broadcast_in_dim3A = arith.constant 16 : i32
      %broadcast_in_dim3A_833 = vector.broadcast %broadcast_in_dim3A : i32 to vector<16xi32>
      %broadcast_in_dim3A_834 = arith.constant -65536 : i32
      %broadcast_in_dim3A_835 = vector.broadcast %broadcast_in_dim3A_834 : i32 to vector<16xi32>
      %get3A = arith.index_cast %scan3A_832 : i32 to index
      %get3A_836 = arith.constant 0 : index
      %get3A_837 = tpu.vector_load %arg7[%get3A, %get3A_836] {strides = array<i32>} : memref<128x64xi32, #tpu.memory_space<vmem>>, vector<1x16xi32>,
      %get3A_838 = vector.shape_cast %get3A_837 : vector<1x16xi32> to vector<16xi32>
      %shift_left3A = arith.shli %get3A_838, %broadcast_in_dim3A_833 : vector<16xi32>
      %bitcast_convert_type3A = tpu.bitcast %shift_left3A : vector<16xi32> -> vector<16xf32>
      %and3A_839 = arith.andi %get3A_838, %broadcast_in_dim3A_835 : vector<16xi32>
      %bitcast_convert_type3A_840 = tpu.bitcast %and3A_839 : vector<16xi32> -> vector<16xf32>
      %get3A_841 = arith.constant 2 : i32
      %get3A_842 = arith.constant 0 : i32
      %get3A_843 = arith.index_cast %get3A_841 : i32 to index
      %get3A_844 = arith.index_cast %get3A_842 : i32 to index
      %get3A_845 = arith.index_cast %scan3A_832 : i32 to index
      %get3A_846 = arith.constant 0 : index
      %get3A_847 = tpu.vector_load %arg8[%get3A_843, %get3A_844, %get3A_845, %get3A_846] {strides = array<i32>} : memref<3x2x128x128xf32, #tpu.memory_space<vmem>>, vector<1x1x1x16xf32>,
      %get3A_848 = vector.shape_cast %get3A_847 : vector<1x1x1x16xf32> to vector<16xf32>
      %mul3A_849 = arith.constant 11.3137083 : f32
      %mul3A_850 = vector.broadcast %mul3A_849 : f32 to vector<16xf32>
      %mul3A_851 = arith.mulf %get3A_848, %mul3A_850 : vector<16xf32>
      %add3A_852 = arith.addf %mul3A_851, %bitcast_convert_type3A : vector<16xf32>
      %swap3A = arith.constant 2 : i32
      %swap3A_853 = arith.constant 0 : i32
      %swap3A_854 = arith.index_cast %swap3A : i32 to index
      %swap3A_855 = arith.index_cast %swap3A_853 : i32 to index
      %swap3A_856 = arith.index_cast %scan3A_832 : i32 to index
      %swap3A_857 = arith.constant 0 : index
      %swap3A_858 = tpu.vector_load %arg8[%swap3A_854, %swap3A_855, %swap3A_856, %swap3A_857] {strides = array<i32>} : memref<3x2x128x128xf32, #tpu.memory_space<vmem>>, vector<1x1x1x16xf32>,
      %swap3A_859 = vector.shape_cast %swap3A_858 : vector<1x1x1x16xf32> to vector<16xf32>
      %swap3A_860 = vector.shape_cast %add3A_852 : vector<16xf32> to vector<1x1x1x16xf32>
      tpu.vector_store %arg8[%swap3A_854, %swap3A_855, %swap3A_856, %swap3A_857], %swap3A_860 {strides = array<i32>} : memref<3x2x128x128xf32, #tpu.memory_space<vmem>>, vector<1x1x1x16xf32>,
      %get3A_861 = arith.constant 2 : i32
      %get3A_862 = arith.constant 1 : i32
      %get3A_863 = arith.index_cast %get3A_861 : i32 to index
      %get3A_864 = arith.index_cast %get3A_862 : i32 to index
      %get3A_865 = arith.index_cast %scan3A_832 : i32 to index
      %get3A_866 = arith.constant 0 : index
      %get3A_867 = tpu.vector_load %arg8[%get3A_863, %get3A_864, %get3A_865, %get3A_866] {strides = array<i32>} : memref<3x2x128x128xf32, #tpu.memory_space<vmem>>, vector<1x1x1x16xf32>,
      %get3A_868 = vector.shape_cast %get3A_867 : vector<1x1x1x16xf32> to vector<16xf32>
      %mul3A_869 = arith.constant 11.3137083 : f32
      %mul3A_870 = vector.broadcast %mul3A_869 : f32 to vector<16xf32>
      %mul3A_871 = arith.mulf %get3A_868, %mul3A_870 : vector<16xf32>
      %add3A_872 = arith.addf %mul3A_871, %bitcast_convert_type3A : vector<16xf32>
      %swap3A_873 = arith.constant 2 : i32
      %swap3A_874 = arith.constant 1 : i32
      %swap3A_875 = arith.index_cast %swap3A_873 : i32 to index
      %swap3A_876 = arith.index_cast %swap3A_874 : i32 to index
      %swap3A_877 = arith.index_cast %scan3A_832 : i32 to index
      %swap3A_878 = arith.constant 0 : index
      %swap3A_879 = tpu.vector_load %arg8[%swap3A_875, %swap3A_876, %swap3A_877, %swap3A_878] {strides = array<i32>} : memref<3x2x128x128xf32, #tpu.memory_space<vmem>>, vector<1x1x1x16xf32>,
      %swap3A_880 = vector.shape_cast %swap3A_879 : vector<1x1x1x16xf32> to vector<16xf32>
      %swap3A_881 = vector.shape_cast %add3A_872 : vector<16xf32> to vector<1x1x1x16xf32>
      tpu.vector_store %arg8[%swap3A_875, %swap3A_876, %swap3A_877, %swap3A_878], %swap3A_881 {strides = array<i32>} : memref<3x2x128x128xf32, #tpu.memory_space<vmem>>, vector<1x1x1x16xf32>,
      %get3A_882 = arith.constant 2 : i32
      %get3A_883 = arith.constant 0 : i32
      %get3A_884 = arith.index_cast %get3A_882 : i32 to index
      %get3A_885 = arith.index_cast %get3A_883 : i32 to index
      %get3A_886 = arith.index_cast %scan3A_832 : i32 to index
      %get3A_887 = arith.constant 16 : index
      %get3A_888 = tpu.vector_load %arg8[%get3A_884, %get3A_885, %get3A_886, %get3A_887] {strides = array<i32>} : memref<3x2x128x128xf32, #tpu.memory_space<vmem>>, vector<1x1x1x16xf32>,
      %get3A_889 = vector.shape_cast %get3A_888 : vector<1x1x1x16xf32> to vector<16xf32>
      %mul3A_890 = arith.constant 11.3137083 : f32
      %mul3A_891 = vector.broadcast %mul3A_890 : f32 to vector<16xf32>
      %mul3A_892 = arith.mulf %get3A_889, %mul3A_891 : vector<16xf32>
      %add3A_893 = arith.addf %mul3A_892, %bitcast_convert_type3A_840 : vector<16xf32>
      %swap3A_894 = arith.constant 2 : i32
      %swap3A_895 = arith.constant 0 : i32
      %swap3A_896 = arith.index_cast %swap3A_894 : i32 to index
      %swap3A_897 = arith.index_cast %swap3A_895 : i32 to index
      %swap3A_898 = arith.index_cast %scan3A_832 : i32 to index
      %swap3A_899 = arith.constant 16 : index
      %swap3A_900 = tpu.vector_load %arg8[%swap3A_896, %swap3A_897, %swap3A_898, %swap3A_899] {strides = array<i32>} : memref<3x2x128x128xf32, #tpu.memory_space<vmem>>, vector<1x1x1x16xf32>,
      %swap3A_901 = vector.shape_cast %swap3A_900 : vector<1x1x1x16xf32> to vector<16xf32>
      %swap3A_902 = vector.shape_cast %add3A_893 : vector<16xf32> to vector<1x1x1x16xf32>
      tpu.vector_store %arg8[%swap3A_896, %swap3A_897, %swap3A_898, %swap3A_899], %swap3A_902 {strides = array<i32>} : memref<3x2x128x128xf32, #tpu.memory_space<vmem>>, vector<1x1x1x16xf32>,
      %get3A_903 = arith.constant 2 : i32
      %get3A_904 = arith.constant 1 : i32
      %get3A_905 = arith.index_cast %get3A_903 : i32 to index
      %get3A_906 = arith.index_cast %get3A_904 : i32 to index
      %get3A_907 = arith.index_cast %scan3A_832 : i32 to index
      %get3A_908 = arith.constant 16 : index
      %get3A_909 = tpu.vector_load %arg8[%get3A_905, %get3A_906, %get3A_907, %get3A_908] {strides = array<i32>} : memref<3x2x128x128xf32, #tpu.memory_space<vmem>>, vector<1x1x1x16xf32>,
      %get3A_910 = vector.shape_cast %get3A_909 : vector<1x1x1x16xf32> to vector<16xf32>
      %mul3A_911 = arith.constant 11.3137083 : f32
      %mul3A_912 = vector.broadcast %mul3A_911 : f32 to vector<16xf32>
      %mul3A_913 = arith.mulf %get3A_910, %mul3A_912 : vector<16xf32>
      %add3A_914 = arith.addf %mul3A_913, %bitcast_convert_type3A_840 : vector<16xf32>
      %swap3A_915 = arith.constant 2 : i32
      %swap3A_916 = arith.constant 1 : i32
      %swap3A_917 = arith.index_cast %swap3A_915 : i32 to index
      %swap3A_918 = arith.index_cast %swap3A_916 : i32 to index
      %swap3A_919 = arith.index_cast %scan3A_832 : i32 to index
      %swap3A_920 = arith.constant 16 : index
      %swap3A_921 = tpu.vector_load %arg8[%swap3A_917, %swap3A_918, %swap3A_919, %swap3A_920] {strides = array<i32>} : memref<3x2x128x128xf32, #tpu.memory_space<vmem>>, vector<1x1x1x16xf32>,
      %swap3A_922 = vector.shape_cast %swap3A_921 : vector<1x1x1x16xf32> to vector<16xf32>
      %swap3A_923 = vector.shape_cast %add3A_914 : vector<16xf32> to vector<1x1x1x16xf32>
      tpu.vector_store %arg8[%swap3A_917, %swap3A_918, %swap3A_919, %swap3A_920], %swap3A_923 {strides = array<i32>} : memref<3x2x128x128xf32, #tpu.memory_space<vmem>>, vector<1x1x1x16xf32>,
      %get3A_924 = arith.index_cast %scan3A_832 : i32 to index
      %get3A_925 = arith.constant 16 : index
      %get3A_926 = tpu.vector_load %arg7[%get3A_924, %get3A_925] {strides = array<i32>} : memref<128x64xi32, #tpu.memory_space<vmem>>, vector<1x16xi32>,
      %get3A_927 = vector.shape_cast %get3A_926 : vector<1x16xi32> to vector<16xi32>
      %shift_left3A_928 = arith.shli %get3A_927, %broadcast_in_dim3A_833 : vector<16xi32>
      %bitcast_convert_type3A_929 = tpu.bitcast %shift_left3A_928 : vector<16xi32> -> vector<16xf32>
      %and3A_930 = arith.andi %get3A_927, %broadcast_in_dim3A_835 : vector<16xi32>
      %bitcast_convert_type3A_931 = tpu.bitcast %and3A_930 : vector<16xi32> -> vector<16xf32>
      %get3A_932 = arith.constant 2 : i32
      %get3A_933 = arith.constant 0 : i32
      %get3A_934 = arith.index_cast %get3A_932 : i32 to index
      %get3A_935 = arith.index_cast %get3A_933 : i32 to index
      %get3A_936 = arith.index_cast %scan3A_832 : i32 to index
      %get3A_937 = arith.constant 32 : index
      %get3A_938 = tpu.vector_load %arg8[%get3A_934, %get3A_935, %get3A_936, %get3A_937] {strides = array<i32>} : memref<3x2x128x128xf32, #tpu.memory_space<vmem>>, vector<1x1x1x16xf32>,
      %get3A_939 = vector.shape_cast %get3A_938 : vector<1x1x1x16xf32> to vector<16xf32>
      %mul3A_940 = arith.constant 11.3137083 : f32
      %mul3A_941 = vector.broadcast %mul3A_940 : f32 to vector<16xf32>
      %mul3A_942 = arith.mulf %get3A_939, %mul3A_941 : vector<16xf32>
      %add3A_943 = arith.addf %mul3A_942, %bitcast_convert_type3A_929 : vector<16xf32>
      %swap3A_944 = arith.constant 2 : i32
      %swap3A_945 = arith.constant 0 : i32
      %swap3A_946 = arith.index_cast %swap3A_944 : i32 to index
      %swap3A_947 = arith.index_cast %swap3A_945 : i32 to index
      %swap3A_948 = arith.index_cast %scan3A_832 : i32 to index
      %swap3A_949 = arith.constant 32 : index
      %swap3A_950 = tpu.vector_load %arg8[%swap3A_946, %swap3A_947, %swap3A_948, %swap3A_949] {strides = array<i32>} : memref<3x2x128x128xf32, #tpu.memory_space<vmem>>, vector<1x1x1x16xf32>,
      %swap3A_951 = vector.shape_cast %swap3A_950 : vector<1x1x1x16xf32> to vector<16xf32>
      %swap3A_952 = vector.shape_cast %add3A_943 : vector<16xf32> to vector<1x1x1x16xf32>
      tpu.vector_store %arg8[%swap3A_946, %swap3A_947, %swap3A_948, %swap3A_949], %swap3A_952 {strides = array<i32>} : memref<3x2x128x128xf32, #tpu.memory_space<vmem>>, vector<1x1x1x16xf32>,
      %get3A_953 = arith.constant 2 : i32
      %get3A_954 = arith.constant 1 : i32
      %get3A_955 = arith.index_cast %get3A_953 : i32 to index
      %get3A_956 = arith.index_cast %get3A_954 : i32 to index
      %get3A_957 = arith.index_cast %scan3A_832 : i32 to index
      %get3A_958 = arith.constant 32 : index
      %get3A_959 = tpu.vector_load %arg8[%get3A_955, %get3A_956, %get3A_957, %get3A_958] {strides = array<i32>} : memref<3x2x128x128xf32, #tpu.memory_space<vmem>>, vector<1x1x1x16xf32>,
      %get3A_960 = vector.shape_cast %get3A_959 : vector<1x1x1x16xf32> to vector<16xf32>
      %mul3A_961 = arith.constant 11.3137083 : f32
      %mul3A_962 = vector.broadcast %mul3A_961 : f32 to vector<16xf32>
      %mul3A_963 = arith.mulf %get3A_960, %mul3A_962 : vector<16xf32>
      %add3A_964 = arith.addf %mul3A_963, %bitcast_convert_type3A_929 : vector<16xf32>
      %swap3A_965 = arith.constant 2 : i32
      %swap3A_966 = arith.constant 1 : i32
      %swap3A_967 = arith.index_cast %swap3A_965 : i32 to index
      %swap3A_968 = arith.index_cast %swap3A_966 : i32 to index
      %swap3A_969 = arith.index_cast %scan3A_832 : i32 to index
      %swap3A_970 = arith.constant 32 : index
      %swap3A_971 = tpu.vector_load %arg8[%swap3A_967, %swap3A_968, %swap3A_969, %swap3A_970] {strides = array<i32>} : memref<3x2x128x128xf32, #tpu.memory_space<vmem>>, vector<1x1x1x16xf32>,
      %swap3A_972 = vector.shape_cast %swap3A_971 : vector<1x1x1x16xf32> to vector<16xf32>
      %swap3A_973 = vector.shape_cast %add3A_964 : vector<16xf32> to vector<1x1x1x16xf32>
      tpu.vector_store %arg8[%swap3A_967, %swap3A_968, %swap3A_969, %swap3A_970], %swap3A_973 {strides = array<i32>} : memref<3x2x128x128xf32, #tpu.memory_space<vmem>>, vector<1x1x1x16xf32>,
      %get3A_974 = arith.constant 2 : i32
      %get3A_975 = arith.constant 0 : i32
      %get3A_976 = arith.index_cast %get3A_974 : i32 to index
      %get3A_977 = arith.index_cast %get3A_975 : i32 to index
      %get3A_978 = arith.index_cast %scan3A_832 : i32 to index
      %get3A_979 = arith.constant 48 : index
      %get3A_980 = tpu.vector_load %arg8[%get3A_976, %get3A_977, %get3A_978, %get3A_979] {strides = array<i32>} : memref<3x2x128x128xf32, #tpu.memory_space<vmem>>, vector<1x1x1x16xf32>,
      %get3A_981 = vector.shape_cast %get3A_980 : vector<1x1x1x16xf32> to vector<16xf32>
      %mul3A_982 = arith.constant 11.3137083 : f32
      %mul3A_983 = vector.broadcast %mul3A_982 : f32 to vector<16xf32>
      %mul3A_984 = arith.mulf %get3A_981, %mul3A_983 : vector<16xf32>
      %add3A_985 = arith.addf %mul3A_984, %bitcast_convert_type3A_931 : vector<16xf32>
      %swap3A_986 = arith.constant 2 : i32
      %swap3A_987 = arith.constant 0 : i32
      %swap3A_988 = arith.index_cast %swap3A_986 : i32 to index
      %swap3A_989 = arith.index_cast %swap3A_987 : i32 to index
      %swap3A_990 = arith.index_cast %scan3A_832 : i32 to index
      %swap3A_991 = arith.constant 48 : index
      %swap3A_992 = tpu.vector_load %arg8[%swap3A_988, %swap3A_989, %swap3A_990, %swap3A_991] {strides = array<i32>} : memref<3x2x128x128xf32, #tpu.memory_space<vmem>>, vector<1x1x1x16xf32>,
      %swap3A_993 = vector.shape_cast %swap3A_992 : vector<1x1x1x16xf32> to vector<16xf32>
      %swap3A_994 = vector.shape_cast %add3A_985 : vector<16xf32> to vector<1x1x1x16xf32>
      tpu.vector_store %arg8[%swap3A_988, %swap3A_989, %swap3A_990, %swap3A_991], %swap3A_994 {strides = array<i32>} : memref<3x2x128x128xf32, #tpu.memory_space<vmem>>, vector<1x1x1x16xf32>,
      %get3A_995 = arith.constant 2 : i32
      %get3A_996 = arith.constant 1 : i32
      %get3A_997 = arith.index_cast %get3A_995 : i32 to index
      %get3A_998 = arith.index_cast %get3A_996 : i32 to index
      %get3A_999 = arith.index_cast %scan3A_832 : i32 to index
      %get3A_1000 = arith.constant 48 : index
      %get3A_1001 = tpu.vector_load %arg8[%get3A_997, %get3A_998, %get3A_999, %get3A_1000] {strides = array<i32>} : memref<3x2x128x128xf32, #tpu.memory_space<vmem>>, vector<1x1x1x16xf32>,
      %get3A_1002 = vector.shape_cast %get3A_1001 : vector<1x1x1x16xf32> to vector<16xf32>
      %mul3A_1003 = arith.constant 11.3137083 : f32
      %mul3A_1004 = vector.broadcast %mul3A_1003 : f32 to vector<16xf32>
      %mul3A_1005 = arith.mulf %get3A_1002, %mul3A_1004 : vector<16xf32>
      %add3A_1006 = arith.addf %mul3A_1005, %bitcast_convert_type3A_931 : vector<16xf32>
      %swap3A_1007 = arith.constant 2 : i32
      %swap3A_1008 = arith.constant 1 : i32
      %swap3A_1009 = arith.index_cast %swap3A_1007 : i32 to index
      %swap3A_1010 = arith.index_cast %swap3A_1008 : i32 to index
      %swap3A_1011 = arith.index_cast %scan3A_832 : i32 to index
      %swap3A_1012 = arith.constant 48 : index
      %swap3A_1013 = tpu.vector_load %arg8[%swap3A_1009, %swap3A_1010, %swap3A_1011, %swap3A_1012] {strides = array<i32>} : memref<3x2x128x128xf32, #tpu.memory_space<vmem>>, vector<1x1x1x16xf32>,
      %swap3A_1014 = vector.shape_cast %swap3A_1013 : vector<1x1x1x16xf32> to vector<16xf32>
      %swap3A_1015 = vector.shape_cast %add3A_1006 : vector<16xf32> to vector<1x1x1x16xf32>
      tpu.vector_store %arg8[%swap3A_1009, %swap3A_1010, %swap3A_1011, %swap3A_1012], %swap3A_1015 {strides = array<i32>} : memref<3x2x128x128xf32, #tpu.memory_space<vmem>>, vector<1x1x1x16xf32>,
      %get3A_1016 = arith.index_cast %scan3A_832 : i32 to index
      %get3A_1017 = arith.constant 32 : index
      %get3A_1018 = tpu.vector_load %arg7[%get3A_1016, %get3A_1017] {strides = array<i32>} : memref<128x64xi32, #tpu.memory_space<vmem>>, vector<1x16xi32>,
      %get3A_1019 = vector.shape_cast %get3A_1018 : vector<1x16xi32> to vector<16xi32>
      %shift_left3A_1020 = arith.shli %get3A_1019, %broadcast_in_dim3A_833 : vector<16xi32>
      %bitcast_convert_type3A_1021 = tpu.bitcast %shift_left3A_1020 : vector<16xi32> -> vector<16xf32>
      %and3A_1022 = arith.andi %get3A_1019, %broadcast_in_dim3A_835 : vector<16xi32>
      %bitcast_convert_type3A_1023 = tpu.bitcast %and3A_1022 : vector<16xi32> -> vector<16xf32>
      %get3A_1024 = arith.constant 2 : i32
      %get3A_1025 = arith.constant 0 : i32
      %get3A_1026 = arith.index_cast %get3A_1024 : i32 to index
      %get3A_1027 = arith.index_cast %get3A_1025 : i32 to index
      %get3A_1028 = arith.index_cast %scan3A_832 : i32 to index
      %get3A_1029 = arith.constant 64 : index
      %get3A_1030 = tpu.vector_load %arg8[%get3A_1026, %get3A_1027, %get3A_1028, %get3A_1029] {strides = array<i32>} : memref<3x2x128x128xf32, #tpu.memory_space<vmem>>, vector<1x1x1x16xf32>,
      %get3A_1031 = vector.shape_cast %get3A_1030 : vector<1x1x1x16xf32> to vector<16xf32>
      %mul3A_1032 = arith.constant 11.3137083 : f32
      %mul3A_1033 = vector.broadcast %mul3A_1032 : f32 to vector<16xf32>
      %mul3A_1034 = arith.mulf %get3A_1031, %mul3A_1033 : vector<16xf32>
      %add3A_1035 = arith.addf %mul3A_1034, %bitcast_convert_type3A_1021 : vector<16xf32>
      %swap3A_1036 = arith.constant 2 : i32
      %swap3A_1037 = arith.constant 0 : i32
      %swap3A_1038 = arith.index_cast %swap3A_1036 : i32 to index
      %swap3A_1039 = arith.index_cast %swap3A_1037 : i32 to index
      %swap3A_1040 = arith.index_cast %scan3A_832 : i32 to index
      %swap3A_1041 = arith.constant 64 : index
      %swap3A_1042 = tpu.vector_load %arg8[%swap3A_1038, %swap3A_1039, %swap3A_1040, %swap3A_1041] {strides = array<i32>} : memref<3x2x128x128xf32, #tpu.memory_space<vmem>>, vector<1x1x1x16xf32>,
      %swap3A_1043 = vector.shape_cast %swap3A_1042 : vector<1x1x1x16xf32> to vector<16xf32>
      %swap3A_1044 = vector.shape_cast %add3A_1035 : vector<16xf32> to vector<1x1x1x16xf32>
      tpu.vector_store %arg8[%swap3A_1038, %swap3A_1039, %swap3A_1040, %swap3A_1041], %swap3A_1044 {strides = array<i32>} : memref<3x2x128x128xf32, #tpu.memory_space<vmem>>, vector<1x1x1x16xf32>,
      %get3A_1045 = arith.constant 2 : i32
      %get3A_1046 = arith.constant 1 : i32
      %get3A_1047 = arith.index_cast %get3A_1045 : i32 to index
      %get3A_1048 = arith.index_cast %get3A_1046 : i32 to index
      %get3A_1049 = arith.index_cast %scan3A_832 : i32 to index
      %get3A_1050 = arith.constant 64 : index
      %get3A_1051 = tpu.vector_load %arg8[%get3A_1047, %get3A_1048, %get3A_1049, %get3A_1050] {strides = array<i32>} : memref<3x2x128x128xf32, #tpu.memory_space<vmem>>, vector<1x1x1x16xf32>,
      %get3A_1052 = vector.shape_cast %get3A_1051 : vector<1x1x1x16xf32> to vector<16xf32>
      %mul3A_1053 = arith.constant 11.3137083 : f32
      %mul3A_1054 = vector.broadcast %mul3A_1053 : f32 to vector<16xf32>
      %mul3A_1055 = arith.mulf %get3A_1052, %mul3A_1054 : vector<16xf32>
      %add3A_1056 = arith.addf %mul3A_1055, %bitcast_convert_type3A_1021 : vector<16xf32>
      %swap3A_1057 = arith.constant 2 : i32
      %swap3A_1058 = arith.constant 1 : i32
      %swap3A_1059 = arith.index_cast %swap3A_1057 : i32 to index
      %swap3A_1060 = arith.index_cast %swap3A_1058 : i32 to index
      %swap3A_1061 = arith.index_cast %scan3A_832 : i32 to index
      %swap3A_1062 = arith.constant 64 : index
      %swap3A_1063 = tpu.vector_load %arg8[%swap3A_1059, %swap3A_1060, %swap3A_1061, %swap3A_1062] {strides = array<i32>} : memref<3x2x128x128xf32, #tpu.memory_space<vmem>>, vector<1x1x1x16xf32>,
      %swap3A_1064 = vector.shape_cast %swap3A_1063 : vector<1x1x1x16xf32> to vector<16xf32>
      %swap3A_1065 = vector.shape_cast %add3A_1056 : vector<16xf32> to vector<1x1x1x16xf32>
      tpu.vector_store %arg8[%swap3A_1059, %swap3A_1060, %swap3A_1061, %swap3A_1062], %swap3A_1065 {strides = array<i32>} : memref<3x2x128x128xf32, #tpu.memory_space<vmem>>, vector<1x1x1x16xf32>,
      %get3A_1066 = arith.constant 2 : i32
      %get3A_1067 = arith.constant 0 : i32
      %get3A_1068 = arith.index_cast %get3A_1066 : i32 to index
      %get3A_1069 = arith.index_cast %get3A_1067 : i32 to index
      %get3A_1070 = arith.index_cast %scan3A_832 : i32 to index
      %get3A_1071 = arith.constant 80 : index
      %get3A_1072 = tpu.vector_load %arg8[%get3A_1068, %get3A_1069, %get3A_1070, %get3A_1071] {strides = array<i32>} : memref<3x2x128x128xf32, #tpu.memory_space<vmem>>, vector<1x1x1x16xf32>,
      %get3A_1073 = vector.shape_cast %get3A_1072 : vector<1x1x1x16xf32> to vector<16xf32>
      %mul3A_1074 = arith.constant 11.3137083 : f32
      %mul3A_1075 = vector.broadcast %mul3A_1074 : f32 to vector<16xf32>
      %mul3A_1076 = arith.mulf %get3A_1073, %mul3A_1075 : vector<16xf32>
      %add3A_1077 = arith.addf %mul3A_1076, %bitcast_convert_type3A_1023 : vector<16xf32>
      %swap3A_1078 = arith.constant 2 : i32
      %swap3A_1079 = arith.constant 0 : i32
      %swap3A_1080 = arith.index_cast %swap3A_1078 : i32 to index
      %swap3A_1081 = arith.index_cast %swap3A_1079 : i32 to index
      %swap3A_1082 = arith.index_cast %scan3A_832 : i32 to index
      %swap3A_1083 = arith.constant 80 : index
      %swap3A_1084 = tpu.vector_load %arg8[%swap3A_1080, %swap3A_1081, %swap3A_1082, %swap3A_1083] {strides = array<i32>} : memref<3x2x128x128xf32, #tpu.memory_space<vmem>>, vector<1x1x1x16xf32>,
      %swap3A_1085 = vector.shape_cast %swap3A_1084 : vector<1x1x1x16xf32> to vector<16xf32>
      %swap3A_1086 = vector.shape_cast %add3A_1077 : vector<16xf32> to vector<1x1x1x16xf32>
      tpu.vector_store %arg8[%swap3A_1080, %swap3A_1081, %swap3A_1082, %swap3A_1083], %swap3A_1086 {strides = array<i32>} : memref<3x2x128x128xf32, #tpu.memory_space<vmem>>, vector<1x1x1x16xf32>,
      %get3A_1087 = arith.constant 2 : i32
      %get3A_1088 = arith.constant 1 : i32
      %get3A_1089 = arith.index_cast %get3A_1087 : i32 to index
      %get3A_1090 = arith.index_cast %get3A_1088 : i32 to index
      %get3A_1091 = arith.index_cast %scan3A_832 : i32 to index
      %get3A_1092 = arith.constant 80 : index
      %get3A_1093 = tpu.vector_load %arg8[%get3A_1089, %get3A_1090, %get3A_1091, %get3A_1092] {strides = array<i32>} : memref<3x2x128x128xf32, #tpu.memory_space<vmem>>, vector<1x1x1x16xf32>,
      %get3A_1094 = vector.shape_cast %get3A_1093 : vector<1x1x1x16xf32> to vector<16xf32>
      %mul3A_1095 = arith.constant 11.3137083 : f32
      %mul3A_1096 = vector.broadcast %mul3A_1095 : f32 to vector<16xf32>
      %mul3A_1097 = arith.mulf %get3A_1094, %mul3A_1096 : vector<16xf32>
      %add3A_1098 = arith.addf %mul3A_1097, %bitcast_convert_type3A_1023 : vector<16xf32>
      %swap3A_1099 = arith.constant 2 : i32
      %swap3A_1100 = arith.constant 1 : i32
      %swap3A_1101 = arith.index_cast %swap3A_1099 : i32 to index
      %swap3A_1102 = arith.index_cast %swap3A_1100 : i32 to index
      %swap3A_1103 = arith.index_cast %scan3A_832 : i32 to index
      %swap3A_1104 = arith.constant 80 : index
      %swap3A_1105 = tpu.vector_load %arg8[%swap3A_1101, %swap3A_1102, %swap3A_1103, %swap3A_1104] {strides = array<i32>} : memref<3x2x128x128xf32, #tpu.memory_space<vmem>>, vector<1x1x1x16xf32>,
      %swap3A_1106 = vector.shape_cast %swap3A_1105 : vector<1x1x1x16xf32> to vector<16xf32>
      %swap3A_1107 = vector.shape_cast %add3A_1098 : vector<16xf32> to vector<1x1x1x16xf32>
      tpu.vector_store %arg8[%swap3A_1101, %swap3A_1102, %swap3A_1103, %swap3A_1104], %swap3A_1107 {strides = array<i32>} : memref<3x2x128x128xf32, #tpu.memory_space<vmem>>, vector<1x1x1x16xf32>,
      %get3A_1108 = arith.index_cast %scan3A_832 : i32 to index
      %get3A_1109 = arith.constant 48 : index
      %get3A_1110 = tpu.vector_load %arg7[%get3A_1108, %get3A_1109] {strides = array<i32>} : memref<128x64xi32, #tpu.memory_space<vmem>>, vector<1x16xi32>,
      %get3A_1111 = vector.shape_cast %get3A_1110 : vector<1x16xi32> to vector<16xi32>
      %shift_left3A_1112 = arith.shli %get3A_1111, %broadcast_in_dim3A_833 : vector<16xi32>
      %bitcast_convert_type3A_1113 = tpu.bitcast %shift_left3A_1112 : vector<16xi32> -> vector<16xf32>
      %and3A_1114 = arith.andi %get3A_1111, %broadcast_in_dim3A_835 : vector<16xi32>
      %bitcast_convert_type3A_1115 = tpu.bitcast %and3A_1114 : vector<16xi32> -> vector<16xf32>
      %get3A_1116 = arith.constant 2 : i32
      %get3A_1117 = arith.constant 0 : i32
      %get3A_1118 = arith.index_cast %get3A_1116 : i32 to index
      %get3A_1119 = arith.index_cast %get3A_1117 : i32 to index
      %get3A_1120 = arith.index_cast %scan3A_832 : i32 to index
      %get3A_1121 = arith.constant 96 : index
      %get3A_1122 = tpu.vector_load %arg8[%get3A_1118, %get3A_1119, %get3A_1120, %get3A_1121] {strides = array<i32>} : memref<3x2x128x128xf32, #tpu.memory_space<vmem>>, vector<1x1x1x16xf32>,
      %get3A_1123 = vector.shape_cast %get3A_1122 : vector<1x1x1x16xf32> to vector<16xf32>
      %mul3A_1124 = arith.constant 11.3137083 : f32
      %mul3A_1125 = vector.broadcast %mul3A_1124 : f32 to vector<16xf32>
      %mul3A_1126 = arith.mulf %get3A_1123, %mul3A_1125 : vector<16xf32>
      %add3A_1127 = arith.addf %mul3A_1126, %bitcast_convert_type3A_1113 : vector<16xf32>
      %swap3A_1128 = arith.constant 2 : i32
      %swap3A_1129 = arith.constant 0 : i32
      %swap3A_1130 = arith.index_cast %swap3A_1128 : i32 to index
      %swap3A_1131 = arith.index_cast %swap3A_1129 : i32 to index
      %swap3A_1132 = arith.index_cast %scan3A_832 : i32 to index
      %swap3A_1133 = arith.constant 96 : index
      %swap3A_1134 = tpu.vector_load %arg8[%swap3A_1130, %swap3A_1131, %swap3A_1132, %swap3A_1133] {strides = array<i32>} : memref<3x2x128x128xf32, #tpu.memory_space<vmem>>, vector<1x1x1x16xf32>,
      %swap3A_1135 = vector.shape_cast %swap3A_1134 : vector<1x1x1x16xf32> to vector<16xf32>
      %swap3A_1136 = vector.shape_cast %add3A_1127 : vector<16xf32> to vector<1x1x1x16xf32>
      tpu.vector_store %arg8[%swap3A_1130, %swap3A_1131, %swap3A_1132, %swap3A_1133], %swap3A_1136 {strides = array<i32>} : memref<3x2x128x128xf32, #tpu.memory_space<vmem>>, vector<1x1x1x16xf32>,
      %get3A_1137 = arith.constant 2 : i32
      %get3A_1138 = arith.constant 1 : i32
      %get3A_1139 = arith.index_cast %get3A_1137 : i32 to index
      %get3A_1140 = arith.index_cast %get3A_1138 : i32 to index
      %get3A_1141 = arith.index_cast %scan3A_832 : i32 to index
      %get3A_1142 = arith.constant 96 : index
      %get3A_1143 = tpu.vector_load %arg8[%get3A_1139, %get3A_1140, %get3A_1141, %get3A_1142] {strides = array<i32>} : memref<3x2x128x128xf32, #tpu.memory_space<vmem>>, vector<1x1x1x16xf32>,
      %get3A_1144 = vector.shape_cast %get3A_1143 : vector<1x1x1x16xf32> to vector<16xf32>
      %mul3A_1145 = arith.constant 11.3137083 : f32
      %mul3A_1146 = vector.broadcast %mul3A_1145 : f32 to vector<16xf32>
      %mul3A_1147 = arith.mulf %get3A_1144, %mul3A_1146 : vector<16xf32>
      %add3A_1148 = arith.addf %mul3A_1147, %bitcast_convert_type3A_1113 : vector<16xf32>
      %swap3A_1149 = arith.constant 2 : i32
      %swap3A_1150 = arith.constant 1 : i32
      %swap3A_1151 = arith.index_cast %swap3A_1149 : i32 to index
      %swap3A_1152 = arith.index_cast %swap3A_1150 : i32 to index
      %swap3A_1153 = arith.index_cast %scan3A_832 : i32 to index
      %swap3A_1154 = arith.constant 96 : index
      %swap3A_1155 = tpu.vector_load %arg8[%swap3A_1151, %swap3A_1152, %swap3A_1153, %swap3A_1154] {strides = array<i32>} : memref<3x2x128x128xf32, #tpu.memory_space<vmem>>, vector<1x1x1x16xf32>,
      %swap3A_1156 = vector.shape_cast %swap3A_1155 : vector<1x1x1x16xf32> to vector<16xf32>
      %swap3A_1157 = vector.shape_cast %add3A_1148 : vector<16xf32> to vector<1x1x1x16xf32>
      tpu.vector_store %arg8[%swap3A_1151, %swap3A_1152, %swap3A_1153, %swap3A_1154], %swap3A_1157 {strides = array<i32>} : memref<3x2x128x128xf32, #tpu.memory_space<vmem>>, vector<1x1x1x16xf32>,
      %get3A_1158 = arith.constant 2 : i32
      %get3A_1159 = arith.constant 0 : i32
      %get3A_1160 = arith.index_cast %get3A_1158 : i32 to index
      %get3A_1161 = arith.index_cast %get3A_1159 : i32 to index
      %get3A_1162 = arith.index_cast %scan3A_832 : i32 to index
      %get3A_1163 = arith.constant 112 : index
      %get3A_1164 = tpu.vector_load %arg8[%get3A_1160, %get3A_1161, %get3A_1162, %get3A_1163] {strides = array<i32>} : memref<3x2x128x128xf32, #tpu.memory_space<vmem>>, vector<1x1x1x16xf32>,
      %get3A_1165 = vector.shape_cast %get3A_1164 : vector<1x1x1x16xf32> to vector<16xf32>
      %mul3A_1166 = arith.constant 11.3137083 : f32
      %mul3A_1167 = vector.broadcast %mul3A_1166 : f32 to vector<16xf32>
      %mul3A_1168 = arith.mulf %get3A_1165, %mul3A_1167 : vector<16xf32>
      %add3A_1169 = arith.addf %mul3A_1168, %bitcast_convert_type3A_1115 : vector<16xf32>
      %swap3A_1170 = arith.constant 2 : i32
      %swap3A_1171 = arith.constant 0 : i32
      %swap3A_1172 = arith.index_cast %swap3A_1170 : i32 to index
      %swap3A_1173 = arith.index_cast %swap3A_1171 : i32 to index
      %swap3A_1174 = arith.index_cast %scan3A_832 : i32 to index
      %swap3A_1175 = arith.constant 112 : index
      %swap3A_1176 = tpu.vector_load %arg8[%swap3A_1172, %swap3A_1173, %swap3A_1174, %swap3A_1175] {strides = array<i32>} : memref<3x2x128x128xf32, #tpu.memory_space<vmem>>, vector<1x1x1x16xf32>,
      %swap3A_1177 = vector.shape_cast %swap3A_1176 : vector<1x1x1x16xf32> to vector<16xf32>
      %swap3A_1178 = vector.shape_cast %add3A_1169 : vector<16xf32> to vector<1x1x1x16xf32>
      tpu.vector_store %arg8[%swap3A_1172, %swap3A_1173, %swap3A_1174, %swap3A_1175], %swap3A_1178 {strides = array<i32>} : memref<3x2x128x128xf32, #tpu.memory_space<vmem>>, vector<1x1x1x16xf32>,
      %get3A_1179 = arith.constant 2 : i32
      %get3A_1180 = arith.constant 1 : i32
      %get3A_1181 = arith.index_cast %get3A_1179 : i32 to index
      %get3A_1182 = arith.index_cast %get3A_1180 : i32 to index
      %get3A_1183 = arith.index_cast %scan3A_832 : i32 to index
      %get3A_1184 = arith.constant 112 : index
      %get3A_1185 = tpu.vector_load %arg8[%get3A_1181, %get3A_1182, %get3A_1183, %get3A_1184] {strides = array<i32>} : memref<3x2x128x128xf32, #tpu.memory_space<vmem>>, vector<1x1x1x16xf32>,
      %get3A_1186 = vector.shape_cast %get3A_1185 : vector<1x1x1x16xf32> to vector<16xf32>
      %mul3A_1187 = arith.constant 11.3137083 : f32
      %mul3A_1188 = vector.broadcast %mul3A_1187 : f32 to vector<16xf32>
      %mul3A_1189 = arith.mulf %get3A_1186, %mul3A_1188 : vector<16xf32>
      %add3A_1190 = arith.addf %mul3A_1189, %bitcast_convert_type3A_1115 : vector<16xf32>
      %swap3A_1191 = arith.constant 2 : i32
      %swap3A_1192 = arith.constant 1 : i32
      %swap3A_1193 = arith.index_cast %swap3A_1191 : i32 to index
      %swap3A_1194 = arith.index_cast %swap3A_1192 : i32 to index
      %swap3A_1195 = arith.index_cast %scan3A_832 : i32 to index
      %swap3A_1196 = arith.constant 112 : index
      %swap3A_1197 = tpu.vector_load %arg8[%swap3A_1193, %swap3A_1194, %swap3A_1195, %swap3A_1196] {strides = array<i32>} : memref<3x2x128x128xf32, #tpu.memory_space<vmem>>, vector<1x1x1x16xf32>,
      %swap3A_1198 = vector.shape_cast %swap3A_1197 : vector<1x1x1x16xf32> to vector<16xf32>
      %swap3A_1199 = vector.shape_cast %add3A_1190 : vector<16xf32> to vector<1x1x1x16xf32>
      tpu.vector_store %arg8[%swap3A_1193, %swap3A_1194, %swap3A_1195, %swap3A_1196], %swap3A_1199 {strides = array<i32>} : memref<3x2x128x128xf32, #tpu.memory_space<vmem>>, vector<1x1x1x16xf32>,
    }
    %scan3A_620 = arith.constant 128 : i32
    %add3A_621 = arith.constant 10 : i32
    %add3A_622 = arith.addi %mul3A_34, %add3A_621 : i32
    %dma_start3A_623 = arith.constant 2 : i32
    %dma_start3A_624 = arith.constant 0 : i32
    %dma_start3A_625 = arith.constant 0 : i32
    %dma_start3A_626 = arith.constant 0 : i32
    %dma_start3A_627 = tpu.memref_slice %arg8[%dma_start3A_623, %dma_start3A_624, %dma_start3A_625, %dma_start3A_626] : memref<3x2x128x128xf32, #tpu.memory_space<vmem>> -> memref<1x2x128x128xf32, #tpu.memory_space<vmem>>
    %dma_start3A_628 = tpu.memref_squeeze %dma_start3A_627 : memref<1x2x128x128xf32, #tpu.memory_space<vmem>> -> memref<2x128x128xf32, #tpu.memory_space<vmem>>
    %dma_start3A_629 = arith.constant 0 : i32
    %dma_start3A_630 = tpu.memref_slice %arg5[%add3A_622, %mul3A_32, %dma_start3A_629] : memref<32x2048x128xf32, #tpu.memory_space<hbm>> -> memref<2x128x128xf32, #tpu.memory_space<hbm>>
    %dma_start3A_631 = arith.constant 0 : i32
    %dma_start3A_632 = tpu.memref_slice %arg5[%add3A_622, %mul3A_32, %dma_start3A_631] : memref<32x2048x128xf32, #tpu.memory_space<hbm>> -> memref<2x128x128xf32, #tpu.memory_space<hbm>>
    %dma_start3A_633 = arith.constant 0 : i32
    %dma_start3A_634 = arith.constant 0 : i32
    %dma_start3A_635 = arith.constant 0 : i32
    %dma_start3A_636 = tpu.memref_slice %arg8[%dma_start3A_623, %dma_start3A_633, %dma_start3A_634, %dma_start3A_635] : memref<3x2x128x128xf32, #tpu.memory_space<vmem>> -> memref<1x2x128x128xf32, #tpu.memory_space<vmem>>
    %dma_start3A_637 = tpu.memref_squeeze %dma_start3A_636 : memref<1x2x128x128xf32, #tpu.memory_space<vmem>> -> memref<2x128x128xf32, #tpu.memory_space<vmem>>
    tpu.enqueue_dma source(%dma_start3A_637 : memref<2x128x128xf32, #tpu.memory_space<vmem>>) target(%dma_start3A_632 : memref<2x128x128xf32, #tpu.memory_space<hbm>>) target_semaphore(%arg14 : memref<!tpu.dma_semaphore, #tpu.memory_space<semaphore_mem>>)
    %dma_wait3A_638 = arith.constant 2 : i32
    %dma_wait3A_639 = arith.constant 0 : i32
    %dma_wait3A_640 = arith.constant 0 : i32
    %dma_wait3A_641 = arith.constant 0 : i32
    %dma_wait3A_642 = tpu.memref_slice %arg8[%dma_wait3A_638, %dma_wait3A_639, %dma_wait3A_640, %dma_wait3A_641] : memref<3x2x128x128xf32, #tpu.memory_space<vmem>> -> memref<1x2x128x128xf32, #tpu.memory_space<vmem>>
    %dma_wait3A_643 = tpu.memref_squeeze %dma_wait3A_642 : memref<1x2x128x128xf32, #tpu.memory_space<vmem>> -> memref<2x128x128xf32, #tpu.memory_space<vmem>>
    %dma_wait3A_644 = arith.constant 0 : i32
    %dma_wait3A_645 = tpu.memref_slice %arg5[%add3A_622, %mul3A_32, %dma_wait3A_644] : memref<32x2048x128xf32, #tpu.memory_space<hbm>> -> memref<2x128x128xf32, #tpu.memory_space<hbm>>
    %dma_wait3A_646 = arith.constant 0 : i32
    %dma_wait3A_647 = tpu.memref_slice %arg5[%add3A_622, %mul3A_32, %dma_wait3A_646] : memref<32x2048x128xf32, #tpu.memory_space<hbm>> -> memref<2x128x128xf32, #tpu.memory_space<hbm>>
    %dma_wait3A_648 = arith.constant 0 : i32
    %dma_wait3A_649 = arith.constant 0 : i32
    %dma_wait3A_650 = arith.constant 0 : i32
    %dma_wait3A_651 = tpu.memref_slice %arg8[%dma_wait3A_638, %dma_wait3A_648, %dma_wait3A_649, %dma_wait3A_650] : memref<3x2x128x128xf32, #tpu.memory_space<vmem>> -> memref<1x2x128x128xf32, #tpu.memory_space<vmem>>
    %dma_wait3A_652 = tpu.memref_squeeze %dma_wait3A_651 : memref<1x2x128x128xf32, #tpu.memory_space<vmem>> -> memref<2x128x128xf32, #tpu.memory_space<vmem>>
    tpu.wait_dma2 semaphore(%arg14 : memref<!tpu.dma_semaphore, #tpu.memory_space<semaphore_mem>>) src(%dma_wait3A_652 : memref<2x128x128xf32, #tpu.memory_space<vmem>>) dst(%dma_wait3A_647 : memref<2x128x128xf32, #tpu.memory_space<hbm>>)
    %dma_start3A_653 = arith.constant 15 : i32
    %dma_start3A_654 = arith.constant 2 : i32
    %dma_start3A_655 = arith.constant 0 : i32
    %dma_start3A_656 = arith.constant 0 : i32
    %dma_start3A_657 = arith.constant 0 : i32
    %dma_start3A_658 = tpu.memref_slice %arg8[%dma_start3A_654, %dma_start3A_655, %dma_start3A_656, %dma_start3A_657] : memref<3x2x128x128xf32, #tpu.memory_space<vmem>> -> memref<1x1x128x128xf32, #tpu.memory_space<vmem>>
    %dma_start3A_659 = tpu.memref_squeeze %dma_start3A_658 : memref<1x1x128x128xf32, #tpu.memory_space<vmem>> -> memref<128x128xf32, #tpu.memory_space<vmem>>
    %dma_start3A_660 = arith.constant 0 : i32
    %dma_start3A_661 = tpu.memref_slice %arg6[%dma_start3A_653, %dma_start3A_660] : memref<16x128xi32, #tpu.memory_space<vmem>> -> memref<1x128xi32, #tpu.memory_space<vmem>>
    %dma_start3A_662 = tpu.memref_squeeze %dma_start3A_661 : memref<1x128xi32, #tpu.memory_space<vmem>> -> memref<128xi32, #tpu.memory_space<vmem>>
    %dma_start3A_663 = arith.constant 0 : i32
    %dma_start3A_664 = arith.constant 0 : i32
    %dma_start3A_665 = tpu.memref_slice %arg4[%dma_start3A_663, %dma_start3A_664] : memref<100000x128xf32, #tpu.memory_space<hbm>> -> memref<100000x128xf32, #tpu.memory_space<hbm>>
    tpu.enqueue_indirect_dma source(%dma_start3A_665 : memref<100000x128xf32, #tpu.memory_space<hbm>>) target(%dma_start3A_659 : memref<128x128xf32, #tpu.memory_space<vmem>>) offsets(%dma_start3A_662 : memref<128xi32, #tpu.memory_space<vmem>>) semaphore(%arg11 : memref<!tpu.dma_semaphore, #tpu.memory_space<semaphore_mem>>)
    %dma_wait3A_666 = arith.constant 12 : i32
    %dma_wait3A_667 = arith.constant 0 : i32
    %dma_wait3A_668 = arith.constant 0 : i32
    %dma_wait3A_669 = arith.constant 0 : i32
    %dma_wait3A_670 = arith.constant 0 : i32
    %dma_wait3A_671 = tpu.memref_slice %arg8[%dma_wait3A_667, %dma_wait3A_668, %dma_wait3A_669, %dma_wait3A_670] : memref<3x2x128x128xf32, #tpu.memory_space<vmem>> -> memref<1x1x128x128xf32, #tpu.memory_space<vmem>>
    %dma_wait3A_672 = tpu.memref_squeeze %dma_wait3A_671 : memref<1x1x128x128xf32, #tpu.memory_space<vmem>> -> memref<128x128xf32, #tpu.memory_space<vmem>>
    %dma_wait3A_673 = arith.constant 0 : i32
    %dma_wait3A_674 = tpu.memref_slice %arg6[%dma_wait3A_666, %dma_wait3A_673] : memref<16x128xi32, #tpu.memory_space<vmem>> -> memref<1x128xi32, #tpu.memory_space<vmem>>
    %dma_wait3A_675 = tpu.memref_squeeze %dma_wait3A_674 : memref<1x128xi32, #tpu.memory_space<vmem>> -> memref<128xi32, #tpu.memory_space<vmem>>
    %dma_wait3A_676 = arith.constant 0 : i32
    %dma_wait3A_677 = arith.constant 0 : i32
    %dma_wait3A_678 = tpu.memref_slice %arg4[%dma_wait3A_676, %dma_wait3A_677] : memref<100000x128xf32, #tpu.memory_space<hbm>> -> memref<100000x128xf32, #tpu.memory_space<hbm>>
    tpu.wait_indirect_dma semaphore(%arg9 : memref<!tpu.dma_semaphore, #tpu.memory_space<semaphore_mem>>) src(%dma_wait3A_678 : memref<100000x128xf32, #tpu.memory_space<hbm>>) dst(%dma_wait3A_672 : memref<128x128xf32, #tpu.memory_space<vmem>>)
    %dma_wait3A_679 = arith.constant 13 : i32
    %dma_wait3A_680 = arith.constant 0 : i32
    %dma_wait3A_681 = arith.constant 1 : i32
    %dma_wait3A_682 = arith.constant 0 : i32
    %dma_wait3A_683 = arith.constant 0 : i32
    %dma_wait3A_684 = tpu.memref_slice %arg8[%dma_wait3A_680, %dma_wait3A_681, %dma_wait3A_682, %dma_wait3A_683] : memref<3x2x128x128xf32, #tpu.memory_space<vmem>> -> memref<1x1x128x128xf32, #tpu.memory_space<vmem>>
    %dma_wait3A_685 = tpu.memref_squeeze %dma_wait3A_684 : memref<1x1x128x128xf32, #tpu.memory_space<vmem>> -> memref<128x128xf32, #tpu.memory_space<vmem>>
    %dma_wait3A_686 = arith.constant 0 : i32
    %dma_wait3A_687 = tpu.memref_slice %arg6[%dma_wait3A_679, %dma_wait3A_686] : memref<16x128xi32, #tpu.memory_space<vmem>> -> memref<1x128xi32, #tpu.memory_space<vmem>>
    %dma_wait3A_688 = tpu.memref_squeeze %dma_wait3A_687 : memref<1x128xi32, #tpu.memory_space<vmem>> -> memref<128xi32, #tpu.memory_space<vmem>>
    %dma_wait3A_689 = arith.constant 0 : i32
    %dma_wait3A_690 = arith.constant 0 : i32
    %dma_wait3A_691 = tpu.memref_slice %arg4[%dma_wait3A_689, %dma_wait3A_690] : memref<100000x128xf32, #tpu.memory_space<hbm>> -> memref<100000x128xf32, #tpu.memory_space<hbm>>
    tpu.wait_indirect_dma semaphore(%arg9 : memref<!tpu.dma_semaphore, #tpu.memory_space<semaphore_mem>>) src(%dma_wait3A_691 : memref<100000x128xf32, #tpu.memory_space<hbm>>) dst(%dma_wait3A_685 : memref<128x128xf32, #tpu.memory_space<vmem>>)
    %scan3A_692 = arith.constant 0 : i32
    %scan3A_693 = arith.constant 0 : i32
    %scan3A_694 = arith.constant 128 : i32
    %scan3A_695 = arith.addi %scan3A_693, %scan3A_694 : i32
    %scan3A_696 = arith.constant 1 : i32
    scf.for %scan3A_832 = %scan3A_693 to %scan3A_695 step %scan3A_696  : i32 {
      %broadcast_in_dim3A = arith.constant 16 : i32
      %broadcast_in_dim3A_833 = vector.broadcast %broadcast_in_dim3A : i32 to vector<16xi32>
      %broadcast_in_dim3A_834 = arith.constant -65536 : i32
      %broadcast_in_dim3A_835 = vector.broadcast %broadcast_in_dim3A_834 : i32 to vector<16xi32>
      %get3A = arith.index_cast %scan3A_832 : i32 to index
      %get3A_836 = arith.constant 0 : index
      %get3A_837 = tpu.vector_load %arg7[%get3A, %get3A_836] {strides = array<i32>} : memref<128x64xi32, #tpu.memory_space<vmem>>, vector<1x16xi32>,
      %get3A_838 = vector.shape_cast %get3A_837 : vector<1x16xi32> to vector<16xi32>
      %shift_left3A = arith.shli %get3A_838, %broadcast_in_dim3A_833 : vector<16xi32>
      %bitcast_convert_type3A = tpu.bitcast %shift_left3A : vector<16xi32> -> vector<16xf32>
      %and3A_839 = arith.andi %get3A_838, %broadcast_in_dim3A_835 : vector<16xi32>
      %bitcast_convert_type3A_840 = tpu.bitcast %and3A_839 : vector<16xi32> -> vector<16xf32>
      %get3A_841 = arith.constant 0 : i32
      %get3A_842 = arith.constant 0 : i32
      %get3A_843 = arith.index_cast %get3A_841 : i32 to index
      %get3A_844 = arith.index_cast %get3A_842 : i32 to index
      %get3A_845 = arith.index_cast %scan3A_832 : i32 to index
      %get3A_846 = arith.constant 0 : index
      %get3A_847 = tpu.vector_load %arg8[%get3A_843, %get3A_844, %get3A_845, %get3A_846] {strides = array<i32>} : memref<3x2x128x128xf32, #tpu.memory_space<vmem>>, vector<1x1x1x16xf32>,
      %get3A_848 = vector.shape_cast %get3A_847 : vector<1x1x1x16xf32> to vector<16xf32>
      %mul3A_849 = arith.constant 11.3137083 : f32
      %mul3A_850 = vector.broadcast %mul3A_849 : f32 to vector<16xf32>
      %mul3A_851 = arith.mulf %get3A_848, %mul3A_850 : vector<16xf32>
      %add3A_852 = arith.addf %mul3A_851, %bitcast_convert_type3A : vector<16xf32>
      %swap3A = arith.constant 0 : i32
      %swap3A_853 = arith.constant 0 : i32
      %swap3A_854 = arith.index_cast %swap3A : i32 to index
      %swap3A_855 = arith.index_cast %swap3A_853 : i32 to index
      %swap3A_856 = arith.index_cast %scan3A_832 : i32 to index
      %swap3A_857 = arith.constant 0 : index
      %swap3A_858 = tpu.vector_load %arg8[%swap3A_854, %swap3A_855, %swap3A_856, %swap3A_857] {strides = array<i32>} : memref<3x2x128x128xf32, #tpu.memory_space<vmem>>, vector<1x1x1x16xf32>,
      %swap3A_859 = vector.shape_cast %swap3A_858 : vector<1x1x1x16xf32> to vector<16xf32>
      %swap3A_860 = vector.shape_cast %add3A_852 : vector<16xf32> to vector<1x1x1x16xf32>
      tpu.vector_store %arg8[%swap3A_854, %swap3A_855, %swap3A_856, %swap3A_857], %swap3A_860 {strides = array<i32>} : memref<3x2x128x128xf32, #tpu.memory_space<vmem>>, vector<1x1x1x16xf32>,
      %get3A_861 = arith.constant 0 : i32
      %get3A_862 = arith.constant 1 : i32
      %get3A_863 = arith.index_cast %get3A_861 : i32 to index
      %get3A_864 = arith.index_cast %get3A_862 : i32 to index
      %get3A_865 = arith.index_cast %scan3A_832 : i32 to index
      %get3A_866 = arith.constant 0 : index
      %get3A_867 = tpu.vector_load %arg8[%get3A_863, %get3A_864, %get3A_865, %get3A_866] {strides = array<i32>} : memref<3x2x128x128xf32, #tpu.memory_space<vmem>>, vector<1x1x1x16xf32>,
      %get3A_868 = vector.shape_cast %get3A_867 : vector<1x1x1x16xf32> to vector<16xf32>
      %mul3A_869 = arith.constant 11.3137083 : f32
      %mul3A_870 = vector.broadcast %mul3A_869 : f32 to vector<16xf32>
      %mul3A_871 = arith.mulf %get3A_868, %mul3A_870 : vector<16xf32>
      %add3A_872 = arith.addf %mul3A_871, %bitcast_convert_type3A : vector<16xf32>
      %swap3A_873 = arith.constant 0 : i32
      %swap3A_874 = arith.constant 1 : i32
      %swap3A_875 = arith.index_cast %swap3A_873 : i32 to index
      %swap3A_876 = arith.index_cast %swap3A_874 : i32 to index
      %swap3A_877 = arith.index_cast %scan3A_832 : i32 to index
      %swap3A_878 = arith.constant 0 : index
      %swap3A_879 = tpu.vector_load %arg8[%swap3A_875, %swap3A_876, %swap3A_877, %swap3A_878] {strides = array<i32>} : memref<3x2x128x128xf32, #tpu.memory_space<vmem>>, vector<1x1x1x16xf32>,
      %swap3A_880 = vector.shape_cast %swap3A_879 : vector<1x1x1x16xf32> to vector<16xf32>
      %swap3A_881 = vector.shape_cast %add3A_872 : vector<16xf32> to vector<1x1x1x16xf32>
      tpu.vector_store %arg8[%swap3A_875, %swap3A_876, %swap3A_877, %swap3A_878], %swap3A_881 {strides = array<i32>} : memref<3x2x128x128xf32, #tpu.memory_space<vmem>>, vector<1x1x1x16xf32>,
      %get3A_882 = arith.constant 0 : i32
      %get3A_883 = arith.constant 0 : i32
      %get3A_884 = arith.index_cast %get3A_882 : i32 to index
      %get3A_885 = arith.index_cast %get3A_883 : i32 to index
      %get3A_886 = arith.index_cast %scan3A_832 : i32 to index
      %get3A_887 = arith.constant 16 : index
      %get3A_888 = tpu.vector_load %arg8[%get3A_884, %get3A_885, %get3A_886, %get3A_887] {strides = array<i32>} : memref<3x2x128x128xf32, #tpu.memory_space<vmem>>, vector<1x1x1x16xf32>,
      %get3A_889 = vector.shape_cast %get3A_888 : vector<1x1x1x16xf32> to vector<16xf32>
      %mul3A_890 = arith.constant 11.3137083 : f32
      %mul3A_891 = vector.broadcast %mul3A_890 : f32 to vector<16xf32>
      %mul3A_892 = arith.mulf %get3A_889, %mul3A_891 : vector<16xf32>
      %add3A_893 = arith.addf %mul3A_892, %bitcast_convert_type3A_840 : vector<16xf32>
      %swap3A_894 = arith.constant 0 : i32
      %swap3A_895 = arith.constant 0 : i32
      %swap3A_896 = arith.index_cast %swap3A_894 : i32 to index
      %swap3A_897 = arith.index_cast %swap3A_895 : i32 to index
      %swap3A_898 = arith.index_cast %scan3A_832 : i32 to index
      %swap3A_899 = arith.constant 16 : index
      %swap3A_900 = tpu.vector_load %arg8[%swap3A_896, %swap3A_897, %swap3A_898, %swap3A_899] {strides = array<i32>} : memref<3x2x128x128xf32, #tpu.memory_space<vmem>>, vector<1x1x1x16xf32>,
      %swap3A_901 = vector.shape_cast %swap3A_900 : vector<1x1x1x16xf32> to vector<16xf32>
      %swap3A_902 = vector.shape_cast %add3A_893 : vector<16xf32> to vector<1x1x1x16xf32>
      tpu.vector_store %arg8[%swap3A_896, %swap3A_897, %swap3A_898, %swap3A_899], %swap3A_902 {strides = array<i32>} : memref<3x2x128x128xf32, #tpu.memory_space<vmem>>, vector<1x1x1x16xf32>,
      %get3A_903 = arith.constant 0 : i32
      %get3A_904 = arith.constant 1 : i32
      %get3A_905 = arith.index_cast %get3A_903 : i32 to index
      %get3A_906 = arith.index_cast %get3A_904 : i32 to index
      %get3A_907 = arith.index_cast %scan3A_832 : i32 to index
      %get3A_908 = arith.constant 16 : index
      %get3A_909 = tpu.vector_load %arg8[%get3A_905, %get3A_906, %get3A_907, %get3A_908] {strides = array<i32>} : memref<3x2x128x128xf32, #tpu.memory_space<vmem>>, vector<1x1x1x16xf32>,
      %get3A_910 = vector.shape_cast %get3A_909 : vector<1x1x1x16xf32> to vector<16xf32>
      %mul3A_911 = arith.constant 11.3137083 : f32
      %mul3A_912 = vector.broadcast %mul3A_911 : f32 to vector<16xf32>
      %mul3A_913 = arith.mulf %get3A_910, %mul3A_912 : vector<16xf32>
      %add3A_914 = arith.addf %mul3A_913, %bitcast_convert_type3A_840 : vector<16xf32>
      %swap3A_915 = arith.constant 0 : i32
      %swap3A_916 = arith.constant 1 : i32
      %swap3A_917 = arith.index_cast %swap3A_915 : i32 to index
      %swap3A_918 = arith.index_cast %swap3A_916 : i32 to index
      %swap3A_919 = arith.index_cast %scan3A_832 : i32 to index
      %swap3A_920 = arith.constant 16 : index
      %swap3A_921 = tpu.vector_load %arg8[%swap3A_917, %swap3A_918, %swap3A_919, %swap3A_920] {strides = array<i32>} : memref<3x2x128x128xf32, #tpu.memory_space<vmem>>, vector<1x1x1x16xf32>,
      %swap3A_922 = vector.shape_cast %swap3A_921 : vector<1x1x1x16xf32> to vector<16xf32>
      %swap3A_923 = vector.shape_cast %add3A_914 : vector<16xf32> to vector<1x1x1x16xf32>
      tpu.vector_store %arg8[%swap3A_917, %swap3A_918, %swap3A_919, %swap3A_920], %swap3A_923 {strides = array<i32>} : memref<3x2x128x128xf32, #tpu.memory_space<vmem>>, vector<1x1x1x16xf32>,
      %get3A_924 = arith.index_cast %scan3A_832 : i32 to index
      %get3A_925 = arith.constant 16 : index
      %get3A_926 = tpu.vector_load %arg7[%get3A_924, %get3A_925] {strides = array<i32>} : memref<128x64xi32, #tpu.memory_space<vmem>>, vector<1x16xi32>,
      %get3A_927 = vector.shape_cast %get3A_926 : vector<1x16xi32> to vector<16xi32>
      %shift_left3A_928 = arith.shli %get3A_927, %broadcast_in_dim3A_833 : vector<16xi32>
      %bitcast_convert_type3A_929 = tpu.bitcast %shift_left3A_928 : vector<16xi32> -> vector<16xf32>
      %and3A_930 = arith.andi %get3A_927, %broadcast_in_dim3A_835 : vector<16xi32>
      %bitcast_convert_type3A_931 = tpu.bitcast %and3A_930 : vector<16xi32> -> vector<16xf32>
      %get3A_932 = arith.constant 0 : i32
      %get3A_933 = arith.constant 0 : i32
      %get3A_934 = arith.index_cast %get3A_932 : i32 to index
      %get3A_935 = arith.index_cast %get3A_933 : i32 to index
      %get3A_936 = arith.index_cast %scan3A_832 : i32 to index
      %get3A_937 = arith.constant 32 : index
      %get3A_938 = tpu.vector_load %arg8[%get3A_934, %get3A_935, %get3A_936, %get3A_937] {strides = array<i32>} : memref<3x2x128x128xf32, #tpu.memory_space<vmem>>, vector<1x1x1x16xf32>,
      %get3A_939 = vector.shape_cast %get3A_938 : vector<1x1x1x16xf32> to vector<16xf32>
      %mul3A_940 = arith.constant 11.3137083 : f32
      %mul3A_941 = vector.broadcast %mul3A_940 : f32 to vector<16xf32>
      %mul3A_942 = arith.mulf %get3A_939, %mul3A_941 : vector<16xf32>
      %add3A_943 = arith.addf %mul3A_942, %bitcast_convert_type3A_929 : vector<16xf32>
      %swap3A_944 = arith.constant 0 : i32
      %swap3A_945 = arith.constant 0 : i32
      %swap3A_946 = arith.index_cast %swap3A_944 : i32 to index
      %swap3A_947 = arith.index_cast %swap3A_945 : i32 to index
      %swap3A_948 = arith.index_cast %scan3A_832 : i32 to index
      %swap3A_949 = arith.constant 32 : index
      %swap3A_950 = tpu.vector_load %arg8[%swap3A_946, %swap3A_947, %swap3A_948, %swap3A_949] {strides = array<i32>} : memref<3x2x128x128xf32, #tpu.memory_space<vmem>>, vector<1x1x1x16xf32>,
      %swap3A_951 = vector.shape_cast %swap3A_950 : vector<1x1x1x16xf32> to vector<16xf32>
      %swap3A_952 = vector.shape_cast %add3A_943 : vector<16xf32> to vector<1x1x1x16xf32>
      tpu.vector_store %arg8[%swap3A_946, %swap3A_947, %swap3A_948, %swap3A_949], %swap3A_952 {strides = array<i32>} : memref<3x2x128x128xf32, #tpu.memory_space<vmem>>, vector<1x1x1x16xf32>,
      %get3A_953 = arith.constant 0 : i32
      %get3A_954 = arith.constant 1 : i32
      %get3A_955 = arith.index_cast %get3A_953 : i32 to index
      %get3A_956 = arith.index_cast %get3A_954 : i32 to index
      %get3A_957 = arith.index_cast %scan3A_832 : i32 to index
      %get3A_958 = arith.constant 32 : index
      %get3A_959 = tpu.vector_load %arg8[%get3A_955, %get3A_956, %get3A_957, %get3A_958] {strides = array<i32>} : memref<3x2x128x128xf32, #tpu.memory_space<vmem>>, vector<1x1x1x16xf32>,
      %get3A_960 = vector.shape_cast %get3A_959 : vector<1x1x1x16xf32> to vector<16xf32>
      %mul3A_961 = arith.constant 11.3137083 : f32
      %mul3A_962 = vector.broadcast %mul3A_961 : f32 to vector<16xf32>
      %mul3A_963 = arith.mulf %get3A_960, %mul3A_962 : vector<16xf32>
      %add3A_964 = arith.addf %mul3A_963, %bitcast_convert_type3A_929 : vector<16xf32>
      %swap3A_965 = arith.constant 0 : i32
      %swap3A_966 = arith.constant 1 : i32
      %swap3A_967 = arith.index_cast %swap3A_965 : i32 to index
      %swap3A_968 = arith.index_cast %swap3A_966 : i32 to index
      %swap3A_969 = arith.index_cast %scan3A_832 : i32 to index
      %swap3A_970 = arith.constant 32 : index
      %swap3A_971 = tpu.vector_load %arg8[%swap3A_967, %swap3A_968, %swap3A_969, %swap3A_970] {strides = array<i32>} : memref<3x2x128x128xf32, #tpu.memory_space<vmem>>, vector<1x1x1x16xf32>,
      %swap3A_972 = vector.shape_cast %swap3A_971 : vector<1x1x1x16xf32> to vector<16xf32>
      %swap3A_973 = vector.shape_cast %add3A_964 : vector<16xf32> to vector<1x1x1x16xf32>
      tpu.vector_store %arg8[%swap3A_967, %swap3A_968, %swap3A_969, %swap3A_970], %swap3A_973 {strides = array<i32>} : memref<3x2x128x128xf32, #tpu.memory_space<vmem>>, vector<1x1x1x16xf32>,
      %get3A_974 = arith.constant 0 : i32
      %get3A_975 = arith.constant 0 : i32
      %get3A_976 = arith.index_cast %get3A_974 : i32 to index
      %get3A_977 = arith.index_cast %get3A_975 : i32 to index
      %get3A_978 = arith.index_cast %scan3A_832 : i32 to index
      %get3A_979 = arith.constant 48 : index
      %get3A_980 = tpu.vector_load %arg8[%get3A_976, %get3A_977, %get3A_978, %get3A_979] {strides = array<i32>} : memref<3x2x128x128xf32, #tpu.memory_space<vmem>>, vector<1x1x1x16xf32>,
      %get3A_981 = vector.shape_cast %get3A_980 : vector<1x1x1x16xf32> to vector<16xf32>
      %mul3A_982 = arith.constant 11.3137083 : f32
      %mul3A_983 = vector.broadcast %mul3A_982 : f32 to vector<16xf32>
      %mul3A_984 = arith.mulf %get3A_981, %mul3A_983 : vector<16xf32>
      %add3A_985 = arith.addf %mul3A_984, %bitcast_convert_type3A_931 : vector<16xf32>
      %swap3A_986 = arith.constant 0 : i32
      %swap3A_987 = arith.constant 0 : i32
      %swap3A_988 = arith.index_cast %swap3A_986 : i32 to index
      %swap3A_989 = arith.index_cast %swap3A_987 : i32 to index
      %swap3A_990 = arith.index_cast %scan3A_832 : i32 to index
      %swap3A_991 = arith.constant 48 : index
      %swap3A_992 = tpu.vector_load %arg8[%swap3A_988, %swap3A_989, %swap3A_990, %swap3A_991] {strides = array<i32>} : memref<3x2x128x128xf32, #tpu.memory_space<vmem>>, vector<1x1x1x16xf32>,
      %swap3A_993 = vector.shape_cast %swap3A_992 : vector<1x1x1x16xf32> to vector<16xf32>
      %swap3A_994 = vector.shape_cast %add3A_985 : vector<16xf32> to vector<1x1x1x16xf32>
      tpu.vector_store %arg8[%swap3A_988, %swap3A_989, %swap3A_990, %swap3A_991], %swap3A_994 {strides = array<i32>} : memref<3x2x128x128xf32, #tpu.memory_space<vmem>>, vector<1x1x1x16xf32>,
      %get3A_995 = arith.constant 0 : i32
      %get3A_996 = arith.constant 1 : i32
      %get3A_997 = arith.index_cast %get3A_995 : i32 to index
      %get3A_998 = arith.index_cast %get3A_996 : i32 to index
      %get3A_999 = arith.index_cast %scan3A_832 : i32 to index
      %get3A_1000 = arith.constant 48 : index
      %get3A_1001 = tpu.vector_load %arg8[%get3A_997, %get3A_998, %get3A_999, %get3A_1000] {strides = array<i32>} : memref<3x2x128x128xf32, #tpu.memory_space<vmem>>, vector<1x1x1x16xf32>,
      %get3A_1002 = vector.shape_cast %get3A_1001 : vector<1x1x1x16xf32> to vector<16xf32>
      %mul3A_1003 = arith.constant 11.3137083 : f32
      %mul3A_1004 = vector.broadcast %mul3A_1003 : f32 to vector<16xf32>
      %mul3A_1005 = arith.mulf %get3A_1002, %mul3A_1004 : vector<16xf32>
      %add3A_1006 = arith.addf %mul3A_1005, %bitcast_convert_type3A_931 : vector<16xf32>
      %swap3A_1007 = arith.constant 0 : i32
      %swap3A_1008 = arith.constant 1 : i32
      %swap3A_1009 = arith.index_cast %swap3A_1007 : i32 to index
      %swap3A_1010 = arith.index_cast %swap3A_1008 : i32 to index
      %swap3A_1011 = arith.index_cast %scan3A_832 : i32 to index
      %swap3A_1012 = arith.constant 48 : index
      %swap3A_1013 = tpu.vector_load %arg8[%swap3A_1009, %swap3A_1010, %swap3A_1011, %swap3A_1012] {strides = array<i32>} : memref<3x2x128x128xf32, #tpu.memory_space<vmem>>, vector<1x1x1x16xf32>,
      %swap3A_1014 = vector.shape_cast %swap3A_1013 : vector<1x1x1x16xf32> to vector<16xf32>
      %swap3A_1015 = vector.shape_cast %add3A_1006 : vector<16xf32> to vector<1x1x1x16xf32>
      tpu.vector_store %arg8[%swap3A_1009, %swap3A_1010, %swap3A_1011, %swap3A_1012], %swap3A_1015 {strides = array<i32>} : memref<3x2x128x128xf32, #tpu.memory_space<vmem>>, vector<1x1x1x16xf32>,
      %get3A_1016 = arith.index_cast %scan3A_832 : i32 to index
      %get3A_1017 = arith.constant 32 : index
      %get3A_1018 = tpu.vector_load %arg7[%get3A_1016, %get3A_1017] {strides = array<i32>} : memref<128x64xi32, #tpu.memory_space<vmem>>, vector<1x16xi32>,
      %get3A_1019 = vector.shape_cast %get3A_1018 : vector<1x16xi32> to vector<16xi32>
      %shift_left3A_1020 = arith.shli %get3A_1019, %broadcast_in_dim3A_833 : vector<16xi32>
      %bitcast_convert_type3A_1021 = tpu.bitcast %shift_left3A_1020 : vector<16xi32> -> vector<16xf32>
      %and3A_1022 = arith.andi %get3A_1019, %broadcast_in_dim3A_835 : vector<16xi32>
      %bitcast_convert_type3A_1023 = tpu.bitcast %and3A_1022 : vector<16xi32> -> vector<16xf32>
      %get3A_1024 = arith.constant 0 : i32
      %get3A_1025 = arith.constant 0 : i32
      %get3A_1026 = arith.index_cast %get3A_1024 : i32 to index
      %get3A_1027 = arith.index_cast %get3A_1025 : i32 to index
      %get3A_1028 = arith.index_cast %scan3A_832 : i32 to index
      %get3A_1029 = arith.constant 64 : index
      %get3A_1030 = tpu.vector_load %arg8[%get3A_1026, %get3A_1027, %get3A_1028, %get3A_1029] {strides = array<i32>} : memref<3x2x128x128xf32, #tpu.memory_space<vmem>>, vector<1x1x1x16xf32>,
      %get3A_1031 = vector.shape_cast %get3A_1030 : vector<1x1x1x16xf32> to vector<16xf32>
      %mul3A_1032 = arith.constant 11.3137083 : f32
      %mul3A_1033 = vector.broadcast %mul3A_1032 : f32 to vector<16xf32>
      %mul3A_1034 = arith.mulf %get3A_1031, %mul3A_1033 : vector<16xf32>
      %add3A_1035 = arith.addf %mul3A_1034, %bitcast_convert_type3A_1021 : vector<16xf32>
      %swap3A_1036 = arith.constant 0 : i32
      %swap3A_1037 = arith.constant 0 : i32
      %swap3A_1038 = arith.index_cast %swap3A_1036 : i32 to index
      %swap3A_1039 = arith.index_cast %swap3A_1037 : i32 to index
      %swap3A_1040 = arith.index_cast %scan3A_832 : i32 to index
      %swap3A_1041 = arith.constant 64 : index
      %swap3A_1042 = tpu.vector_load %arg8[%swap3A_1038, %swap3A_1039, %swap3A_1040, %swap3A_1041] {strides = array<i32>} : memref<3x2x128x128xf32, #tpu.memory_space<vmem>>, vector<1x1x1x16xf32>,
      %swap3A_1043 = vector.shape_cast %swap3A_1042 : vector<1x1x1x16xf32> to vector<16xf32>
      %swap3A_1044 = vector.shape_cast %add3A_1035 : vector<16xf32> to vector<1x1x1x16xf32>
      tpu.vector_store %arg8[%swap3A_1038, %swap3A_1039, %swap3A_1040, %swap3A_1041], %swap3A_1044 {strides = array<i32>} : memref<3x2x128x128xf32, #tpu.memory_space<vmem>>, vector<1x1x1x16xf32>,
      %get3A_1045 = arith.constant 0 : i32
      %get3A_1046 = arith.constant 1 : i32
      %get3A_1047 = arith.index_cast %get3A_1045 : i32 to index
      %get3A_1048 = arith.index_cast %get3A_1046 : i32 to index
      %get3A_1049 = arith.index_cast %scan3A_832 : i32 to index
      %get3A_1050 = arith.constant 64 : index
      %get3A_1051 = tpu.vector_load %arg8[%get3A_1047, %get3A_1048, %get3A_1049, %get3A_1050] {strides = array<i32>} : memref<3x2x128x128xf32, #tpu.memory_space<vmem>>, vector<1x1x1x16xf32>,
      %get3A_1052 = vector.shape_cast %get3A_1051 : vector<1x1x1x16xf32> to vector<16xf32>
      %mul3A_1053 = arith.constant 11.3137083 : f32
      %mul3A_1054 = vector.broadcast %mul3A_1053 : f32 to vector<16xf32>
      %mul3A_1055 = arith.mulf %get3A_1052, %mul3A_1054 : vector<16xf32>
      %add3A_1056 = arith.addf %mul3A_1055, %bitcast_convert_type3A_1021 : vector<16xf32>
      %swap3A_1057 = arith.constant 0 : i32
      %swap3A_1058 = arith.constant 1 : i32
      %swap3A_1059 = arith.index_cast %swap3A_1057 : i32 to index
      %swap3A_1060 = arith.index_cast %swap3A_1058 : i32 to index
      %swap3A_1061 = arith.index_cast %scan3A_832 : i32 to index
      %swap3A_1062 = arith.constant 64 : index
      %swap3A_1063 = tpu.vector_load %arg8[%swap3A_1059, %swap3A_1060, %swap3A_1061, %swap3A_1062] {strides = array<i32>} : memref<3x2x128x128xf32, #tpu.memory_space<vmem>>, vector<1x1x1x16xf32>,
      %swap3A_1064 = vector.shape_cast %swap3A_1063 : vector<1x1x1x16xf32> to vector<16xf32>
      %swap3A_1065 = vector.shape_cast %add3A_1056 : vector<16xf32> to vector<1x1x1x16xf32>
      tpu.vector_store %arg8[%swap3A_1059, %swap3A_1060, %swap3A_1061, %swap3A_1062], %swap3A_1065 {strides = array<i32>} : memref<3x2x128x128xf32, #tpu.memory_space<vmem>>, vector<1x1x1x16xf32>,
      %get3A_1066 = arith.constant 0 : i32
      %get3A_1067 = arith.constant 0 : i32
      %get3A_1068 = arith.index_cast %get3A_1066 : i32 to index
      %get3A_1069 = arith.index_cast %get3A_1067 : i32 to index
      %get3A_1070 = arith.index_cast %scan3A_832 : i32 to index
      %get3A_1071 = arith.constant 80 : index
      %get3A_1072 = tpu.vector_load %arg8[%get3A_1068, %get3A_1069, %get3A_1070, %get3A_1071] {strides = array<i32>} : memref<3x2x128x128xf32, #tpu.memory_space<vmem>>, vector<1x1x1x16xf32>,
      %get3A_1073 = vector.shape_cast %get3A_1072 : vector<1x1x1x16xf32> to vector<16xf32>
      %mul3A_1074 = arith.constant 11.3137083 : f32
      %mul3A_1075 = vector.broadcast %mul3A_1074 : f32 to vector<16xf32>
      %mul3A_1076 = arith.mulf %get3A_1073, %mul3A_1075 : vector<16xf32>
      %add3A_1077 = arith.addf %mul3A_1076, %bitcast_convert_type3A_1023 : vector<16xf32>
      %swap3A_1078 = arith.constant 0 : i32
      %swap3A_1079 = arith.constant 0 : i32
      %swap3A_1080 = arith.index_cast %swap3A_1078 : i32 to index
      %swap3A_1081 = arith.index_cast %swap3A_1079 : i32 to index
      %swap3A_1082 = arith.index_cast %scan3A_832 : i32 to index
      %swap3A_1083 = arith.constant 80 : index
      %swap3A_1084 = tpu.vector_load %arg8[%swap3A_1080, %swap3A_1081, %swap3A_1082, %swap3A_1083] {strides = array<i32>} : memref<3x2x128x128xf32, #tpu.memory_space<vmem>>, vector<1x1x1x16xf32>,
      %swap3A_1085 = vector.shape_cast %swap3A_1084 : vector<1x1x1x16xf32> to vector<16xf32>
      %swap3A_1086 = vector.shape_cast %add3A_1077 : vector<16xf32> to vector<1x1x1x16xf32>
      tpu.vector_store %arg8[%swap3A_1080, %swap3A_1081, %swap3A_1082, %swap3A_1083], %swap3A_1086 {strides = array<i32>} : memref<3x2x128x128xf32, #tpu.memory_space<vmem>>, vector<1x1x1x16xf32>,
      %get3A_1087 = arith.constant 0 : i32
      %get3A_1088 = arith.constant 1 : i32
      %get3A_1089 = arith.index_cast %get3A_1087 : i32 to index
      %get3A_1090 = arith.index_cast %get3A_1088 : i32 to index
      %get3A_1091 = arith.index_cast %scan3A_832 : i32 to index
      %get3A_1092 = arith.constant 80 : index
      %get3A_1093 = tpu.vector_load %arg8[%get3A_1089, %get3A_1090, %get3A_1091, %get3A_1092] {strides = array<i32>} : memref<3x2x128x128xf32, #tpu.memory_space<vmem>>, vector<1x1x1x16xf32>,
      %get3A_1094 = vector.shape_cast %get3A_1093 : vector<1x1x1x16xf32> to vector<16xf32>
      %mul3A_1095 = arith.constant 11.3137083 : f32
      %mul3A_1096 = vector.broadcast %mul3A_1095 : f32 to vector<16xf32>
      %mul3A_1097 = arith.mulf %get3A_1094, %mul3A_1096 : vector<16xf32>
      %add3A_1098 = arith.addf %mul3A_1097, %bitcast_convert_type3A_1023 : vector<16xf32>
      %swap3A_1099 = arith.constant 0 : i32
      %swap3A_1100 = arith.constant 1 : i32
      %swap3A_1101 = arith.index_cast %swap3A_1099 : i32 to index
      %swap3A_1102 = arith.index_cast %swap3A_1100 : i32 to index
      %swap3A_1103 = arith.index_cast %scan3A_832 : i32 to index
      %swap3A_1104 = arith.constant 80 : index
      %swap3A_1105 = tpu.vector_load %arg8[%swap3A_1101, %swap3A_1102, %swap3A_1103, %swap3A_1104] {strides = array<i32>} : memref<3x2x128x128xf32, #tpu.memory_space<vmem>>, vector<1x1x1x16xf32>,
      %swap3A_1106 = vector.shape_cast %swap3A_1105 : vector<1x1x1x16xf32> to vector<16xf32>
      %swap3A_1107 = vector.shape_cast %add3A_1098 : vector<16xf32> to vector<1x1x1x16xf32>
      tpu.vector_store %arg8[%swap3A_1101, %swap3A_1102, %swap3A_1103, %swap3A_1104], %swap3A_1107 {strides = array<i32>} : memref<3x2x128x128xf32, #tpu.memory_space<vmem>>, vector<1x1x1x16xf32>,
      %get3A_1108 = arith.index_cast %scan3A_832 : i32 to index
      %get3A_1109 = arith.constant 48 : index
      %get3A_1110 = tpu.vector_load %arg7[%get3A_1108, %get3A_1109] {strides = array<i32>} : memref<128x64xi32, #tpu.memory_space<vmem>>, vector<1x16xi32>,
      %get3A_1111 = vector.shape_cast %get3A_1110 : vector<1x16xi32> to vector<16xi32>
      %shift_left3A_1112 = arith.shli %get3A_1111, %broadcast_in_dim3A_833 : vector<16xi32>
      %bitcast_convert_type3A_1113 = tpu.bitcast %shift_left3A_1112 : vector<16xi32> -> vector<16xf32>
      %and3A_1114 = arith.andi %get3A_1111, %broadcast_in_dim3A_835 : vector<16xi32>
      %bitcast_convert_type3A_1115 = tpu.bitcast %and3A_1114 : vector<16xi32> -> vector<16xf32>
      %get3A_1116 = arith.constant 0 : i32
      %get3A_1117 = arith.constant 0 : i32
      %get3A_1118 = arith.index_cast %get3A_1116 : i32 to index
      %get3A_1119 = arith.index_cast %get3A_1117 : i32 to index
      %get3A_1120 = arith.index_cast %scan3A_832 : i32 to index
      %get3A_1121 = arith.constant 96 : index
      %get3A_1122 = tpu.vector_load %arg8[%get3A_1118, %get3A_1119, %get3A_1120, %get3A_1121] {strides = array<i32>} : memref<3x2x128x128xf32, #tpu.memory_space<vmem>>, vector<1x1x1x16xf32>,
      %get3A_1123 = vector.shape_cast %get3A_1122 : vector<1x1x1x16xf32> to vector<16xf32>
      %mul3A_1124 = arith.constant 11.3137083 : f32
      %mul3A_1125 = vector.broadcast %mul3A_1124 : f32 to vector<16xf32>
      %mul3A_1126 = arith.mulf %get3A_1123, %mul3A_1125 : vector<16xf32>
      %add3A_1127 = arith.addf %mul3A_1126, %bitcast_convert_type3A_1113 : vector<16xf32>
      %swap3A_1128 = arith.constant 0 : i32
      %swap3A_1129 = arith.constant 0 : i32
      %swap3A_1130 = arith.index_cast %swap3A_1128 : i32 to index
      %swap3A_1131 = arith.index_cast %swap3A_1129 : i32 to index
      %swap3A_1132 = arith.index_cast %scan3A_832 : i32 to index
      %swap3A_1133 = arith.constant 96 : index
      %swap3A_1134 = tpu.vector_load %arg8[%swap3A_1130, %swap3A_1131, %swap3A_1132, %swap3A_1133] {strides = array<i32>} : memref<3x2x128x128xf32, #tpu.memory_space<vmem>>, vector<1x1x1x16xf32>,
      %swap3A_1135 = vector.shape_cast %swap3A_1134 : vector<1x1x1x16xf32> to vector<16xf32>
      %swap3A_1136 = vector.shape_cast %add3A_1127 : vector<16xf32> to vector<1x1x1x16xf32>
      tpu.vector_store %arg8[%swap3A_1130, %swap3A_1131, %swap3A_1132, %swap3A_1133], %swap3A_1136 {strides = array<i32>} : memref<3x2x128x128xf32, #tpu.memory_space<vmem>>, vector<1x1x1x16xf32>,
      %get3A_1137 = arith.constant 0 : i32
      %get3A_1138 = arith.constant 1 : i32
      %get3A_1139 = arith.index_cast %get3A_1137 : i32 to index
      %get3A_1140 = arith.index_cast %get3A_1138 : i32 to index
      %get3A_1141 = arith.index_cast %scan3A_832 : i32 to index
      %get3A_1142 = arith.constant 96 : index
      %get3A_1143 = tpu.vector_load %arg8[%get3A_1139, %get3A_1140, %get3A_1141, %get3A_1142] {strides = array<i32>} : memref<3x2x128x128xf32, #tpu.memory_space<vmem>>, vector<1x1x1x16xf32>,
      %get3A_1144 = vector.shape_cast %get3A_1143 : vector<1x1x1x16xf32> to vector<16xf32>
      %mul3A_1145 = arith.constant 11.3137083 : f32
      %mul3A_1146 = vector.broadcast %mul3A_1145 : f32 to vector<16xf32>
      %mul3A_1147 = arith.mulf %get3A_1144, %mul3A_1146 : vector<16xf32>
      %add3A_1148 = arith.addf %mul3A_1147, %bitcast_convert_type3A_1113 : vector<16xf32>
      %swap3A_1149 = arith.constant 0 : i32
      %swap3A_1150 = arith.constant 1 : i32
      %swap3A_1151 = arith.index_cast %swap3A_1149 : i32 to index
      %swap3A_1152 = arith.index_cast %swap3A_1150 : i32 to index
      %swap3A_1153 = arith.index_cast %scan3A_832 : i32 to index
      %swap3A_1154 = arith.constant 96 : index
      %swap3A_1155 = tpu.vector_load %arg8[%swap3A_1151, %swap3A_1152, %swap3A_1153, %swap3A_1154] {strides = array<i32>} : memref<3x2x128x128xf32, #tpu.memory_space<vmem>>, vector<1x1x1x16xf32>,
      %swap3A_1156 = vector.shape_cast %swap3A_1155 : vector<1x1x1x16xf32> to vector<16xf32>
      %swap3A_1157 = vector.shape_cast %add3A_1148 : vector<16xf32> to vector<1x1x1x16xf32>
      tpu.vector_store %arg8[%swap3A_1151, %swap3A_1152, %swap3A_1153, %swap3A_1154], %swap3A_1157 {strides = array<i32>} : memref<3x2x128x128xf32, #tpu.memory_space<vmem>>, vector<1x1x1x16xf32>,
      %get3A_1158 = arith.constant 0 : i32
      %get3A_1159 = arith.constant 0 : i32
      %get3A_1160 = arith.index_cast %get3A_1158 : i32 to index
      %get3A_1161 = arith.index_cast %get3A_1159 : i32 to index
      %get3A_1162 = arith.index_cast %scan3A_832 : i32 to index
      %get3A_1163 = arith.constant 112 : index
      %get3A_1164 = tpu.vector_load %arg8[%get3A_1160, %get3A_1161, %get3A_1162, %get3A_1163] {strides = array<i32>} : memref<3x2x128x128xf32, #tpu.memory_space<vmem>>, vector<1x1x1x16xf32>,
      %get3A_1165 = vector.shape_cast %get3A_1164 : vector<1x1x1x16xf32> to vector<16xf32>
      %mul3A_1166 = arith.constant 11.3137083 : f32
      %mul3A_1167 = vector.broadcast %mul3A_1166 : f32 to vector<16xf32>
      %mul3A_1168 = arith.mulf %get3A_1165, %mul3A_1167 : vector<16xf32>
      %add3A_1169 = arith.addf %mul3A_1168, %bitcast_convert_type3A_1115 : vector<16xf32>
      %swap3A_1170 = arith.constant 0 : i32
      %swap3A_1171 = arith.constant 0 : i32
      %swap3A_1172 = arith.index_cast %swap3A_1170 : i32 to index
      %swap3A_1173 = arith.index_cast %swap3A_1171 : i32 to index
      %swap3A_1174 = arith.index_cast %scan3A_832 : i32 to index
      %swap3A_1175 = arith.constant 112 : index
      %swap3A_1176 = tpu.vector_load %arg8[%swap3A_1172, %swap3A_1173, %swap3A_1174, %swap3A_1175] {strides = array<i32>} : memref<3x2x128x128xf32, #tpu.memory_space<vmem>>, vector<1x1x1x16xf32>,
      %swap3A_1177 = vector.shape_cast %swap3A_1176 : vector<1x1x1x16xf32> to vector<16xf32>
      %swap3A_1178 = vector.shape_cast %add3A_1169 : vector<16xf32> to vector<1x1x1x16xf32>
      tpu.vector_store %arg8[%swap3A_1172, %swap3A_1173, %swap3A_1174, %swap3A_1175], %swap3A_1178 {strides = array<i32>} : memref<3x2x128x128xf32, #tpu.memory_space<vmem>>, vector<1x1x1x16xf32>,
      %get3A_1179 = arith.constant 0 : i32
      %get3A_1180 = arith.constant 1 : i32
      %get3A_1181 = arith.index_cast %get3A_1179 : i32 to index
      %get3A_1182 = arith.index_cast %get3A_1180 : i32 to index
      %get3A_1183 = arith.index_cast %scan3A_832 : i32 to index
      %get3A_1184 = arith.constant 112 : index
      %get3A_1185 = tpu.vector_load %arg8[%get3A_1181, %get3A_1182, %get3A_1183, %get3A_1184] {strides = array<i32>} : memref<3x2x128x128xf32, #tpu.memory_space<vmem>>, vector<1x1x1x16xf32>,
      %get3A_1186 = vector.shape_cast %get3A_1185 : vector<1x1x1x16xf32> to vector<16xf32>
      %mul3A_1187 = arith.constant 11.3137083 : f32
      %mul3A_1188 = vector.broadcast %mul3A_1187 : f32 to vector<16xf32>
      %mul3A_1189 = arith.mulf %get3A_1186, %mul3A_1188 : vector<16xf32>
      %add3A_1190 = arith.addf %mul3A_1189, %bitcast_convert_type3A_1115 : vector<16xf32>
      %swap3A_1191 = arith.constant 0 : i32
      %swap3A_1192 = arith.constant 1 : i32
      %swap3A_1193 = arith.index_cast %swap3A_1191 : i32 to index
      %swap3A_1194 = arith.index_cast %swap3A_1192 : i32 to index
      %swap3A_1195 = arith.index_cast %scan3A_832 : i32 to index
      %swap3A_1196 = arith.constant 112 : index
      %swap3A_1197 = tpu.vector_load %arg8[%swap3A_1193, %swap3A_1194, %swap3A_1195, %swap3A_1196] {strides = array<i32>} : memref<3x2x128x128xf32, #tpu.memory_space<vmem>>, vector<1x1x1x16xf32>,
      %swap3A_1198 = vector.shape_cast %swap3A_1197 : vector<1x1x1x16xf32> to vector<16xf32>
      %swap3A_1199 = vector.shape_cast %add3A_1190 : vector<16xf32> to vector<1x1x1x16xf32>
      tpu.vector_store %arg8[%swap3A_1193, %swap3A_1194, %swap3A_1195, %swap3A_1196], %swap3A_1199 {strides = array<i32>} : memref<3x2x128x128xf32, #tpu.memory_space<vmem>>, vector<1x1x1x16xf32>,
    }
    %scan3A_697 = arith.constant 128 : i32
    %add3A_698 = arith.constant 12 : i32
    %add3A_699 = arith.addi %mul3A_34, %add3A_698 : i32
    %dma_start3A_700 = arith.constant 0 : i32
    %dma_start3A_701 = arith.constant 0 : i32
    %dma_start3A_702 = arith.constant 0 : i32
    %dma_start3A_703 = arith.constant 0 : i32
    %dma_start3A_704 = tpu.memref_slice %arg8[%dma_start3A_700, %dma_start3A_701, %dma_start3A_702, %dma_start3A_703] : memref<3x2x128x128xf32, #tpu.memory_space<vmem>> -> memref<1x2x128x128xf32, #tpu.memory_space<vmem>>
    %dma_start3A_705 = tpu.memref_squeeze %dma_start3A_704 : memref<1x2x128x128xf32, #tpu.memory_space<vmem>> -> memref<2x128x128xf32, #tpu.memory_space<vmem>>
    %dma_start3A_706 = arith.constant 0 : i32
    %dma_start3A_707 = tpu.memref_slice %arg5[%add3A_699, %mul3A_32, %dma_start3A_706] : memref<32x2048x128xf32, #tpu.memory_space<hbm>> -> memref<2x128x128xf32, #tpu.memory_space<hbm>>
    %dma_start3A_708 = arith.constant 0 : i32
    %dma_start3A_709 = tpu.memref_slice %arg5[%add3A_699, %mul3A_32, %dma_start3A_708] : memref<32x2048x128xf32, #tpu.memory_space<hbm>> -> memref<2x128x128xf32, #tpu.memory_space<hbm>>
    %dma_start3A_710 = arith.constant 0 : i32
    %dma_start3A_711 = arith.constant 0 : i32
    %dma_start3A_712 = arith.constant 0 : i32
    %dma_start3A_713 = tpu.memref_slice %arg8[%dma_start3A_700, %dma_start3A_710, %dma_start3A_711, %dma_start3A_712] : memref<3x2x128x128xf32, #tpu.memory_space<vmem>> -> memref<1x2x128x128xf32, #tpu.memory_space<vmem>>
    %dma_start3A_714 = tpu.memref_squeeze %dma_start3A_713 : memref<1x2x128x128xf32, #tpu.memory_space<vmem>> -> memref<2x128x128xf32, #tpu.memory_space<vmem>>
    tpu.enqueue_dma source(%dma_start3A_714 : memref<2x128x128xf32, #tpu.memory_space<vmem>>) target(%dma_start3A_709 : memref<2x128x128xf32, #tpu.memory_space<hbm>>) target_semaphore(%arg12 : memref<!tpu.dma_semaphore, #tpu.memory_space<semaphore_mem>>)
    %dma_wait3A_715 = arith.constant 14 : i32
    %dma_wait3A_716 = arith.constant 1 : i32
    %dma_wait3A_717 = arith.constant 0 : i32
    %dma_wait3A_718 = arith.constant 0 : i32
    %dma_wait3A_719 = arith.constant 0 : i32
    %dma_wait3A_720 = tpu.memref_slice %arg8[%dma_wait3A_716, %dma_wait3A_717, %dma_wait3A_718, %dma_wait3A_719] : memref<3x2x128x128xf32, #tpu.memory_space<vmem>> -> memref<1x1x128x128xf32, #tpu.memory_space<vmem>>
    %dma_wait3A_721 = tpu.memref_squeeze %dma_wait3A_720 : memref<1x1x128x128xf32, #tpu.memory_space<vmem>> -> memref<128x128xf32, #tpu.memory_space<vmem>>
    %dma_wait3A_722 = arith.constant 0 : i32
    %dma_wait3A_723 = tpu.memref_slice %arg6[%dma_wait3A_715, %dma_wait3A_722] : memref<16x128xi32, #tpu.memory_space<vmem>> -> memref<1x128xi32, #tpu.memory_space<vmem>>
    %dma_wait3A_724 = tpu.memref_squeeze %dma_wait3A_723 : memref<1x128xi32, #tpu.memory_space<vmem>> -> memref<128xi32, #tpu.memory_space<vmem>>
    %dma_wait3A_725 = arith.constant 0 : i32
    %dma_wait3A_726 = arith.constant 0 : i32
    %dma_wait3A_727 = tpu.memref_slice %arg4[%dma_wait3A_725, %dma_wait3A_726] : memref<100000x128xf32, #tpu.memory_space<hbm>> -> memref<100000x128xf32, #tpu.memory_space<hbm>>
    tpu.wait_indirect_dma semaphore(%arg10 : memref<!tpu.dma_semaphore, #tpu.memory_space<semaphore_mem>>) src(%dma_wait3A_727 : memref<100000x128xf32, #tpu.memory_space<hbm>>) dst(%dma_wait3A_721 : memref<128x128xf32, #tpu.memory_space<vmem>>)
    %scan3A_728 = arith.constant 0 : i32
    %scan3A_729 = arith.constant 0 : i32
    %scan3A_730 = arith.constant 128 : i32
    %scan3A_731 = arith.addi %scan3A_729, %scan3A_730 : i32
    %scan3A_732 = arith.constant 1 : i32
    scf.for %scan3A_832 = %scan3A_729 to %scan3A_731 step %scan3A_732  : i32 {
      %broadcast_in_dim3A = arith.constant 16 : i32
      %broadcast_in_dim3A_833 = vector.broadcast %broadcast_in_dim3A : i32 to vector<16xi32>
      %broadcast_in_dim3A_834 = arith.constant -65536 : i32
      %broadcast_in_dim3A_835 = vector.broadcast %broadcast_in_dim3A_834 : i32 to vector<16xi32>
      %get3A = arith.index_cast %scan3A_832 : i32 to index
      %get3A_836 = arith.constant 0 : index
      %get3A_837 = tpu.vector_load %arg7[%get3A, %get3A_836] {strides = array<i32>} : memref<128x64xi32, #tpu.memory_space<vmem>>, vector<1x16xi32>,
      %get3A_838 = vector.shape_cast %get3A_837 : vector<1x16xi32> to vector<16xi32>
      %shift_left3A = arith.shli %get3A_838, %broadcast_in_dim3A_833 : vector<16xi32>
      %bitcast_convert_type3A = tpu.bitcast %shift_left3A : vector<16xi32> -> vector<16xf32>
      %and3A_839 = arith.andi %get3A_838, %broadcast_in_dim3A_835 : vector<16xi32>
      %bitcast_convert_type3A_840 = tpu.bitcast %and3A_839 : vector<16xi32> -> vector<16xf32>
      %get3A_841 = arith.constant 1 : i32
      %get3A_842 = arith.constant 0 : i32
      %get3A_843 = arith.index_cast %get3A_841 : i32 to index
      %get3A_844 = arith.index_cast %get3A_842 : i32 to index
      %get3A_845 = arith.index_cast %scan3A_832 : i32 to index
      %get3A_846 = arith.constant 0 : index
      %get3A_847 = tpu.vector_load %arg8[%get3A_843, %get3A_844, %get3A_845, %get3A_846] {strides = array<i32>} : memref<3x2x128x128xf32, #tpu.memory_space<vmem>>, vector<1x1x1x16xf32>,
      %get3A_848 = vector.shape_cast %get3A_847 : vector<1x1x1x16xf32> to vector<16xf32>
      %mul3A_849 = arith.constant 11.3137083 : f32
      %mul3A_850 = vector.broadcast %mul3A_849 : f32 to vector<16xf32>
      %mul3A_851 = arith.mulf %get3A_848, %mul3A_850 : vector<16xf32>
      %add3A_852 = arith.addf %mul3A_851, %bitcast_convert_type3A : vector<16xf32>
      %swap3A = arith.constant 1 : i32
      %swap3A_853 = arith.constant 0 : i32
      %swap3A_854 = arith.index_cast %swap3A : i32 to index
      %swap3A_855 = arith.index_cast %swap3A_853 : i32 to index
      %swap3A_856 = arith.index_cast %scan3A_832 : i32 to index
      %swap3A_857 = arith.constant 0 : index
      %swap3A_858 = tpu.vector_load %arg8[%swap3A_854, %swap3A_855, %swap3A_856, %swap3A_857] {strides = array<i32>} : memref<3x2x128x128xf32, #tpu.memory_space<vmem>>, vector<1x1x1x16xf32>,
      %swap3A_859 = vector.shape_cast %swap3A_858 : vector<1x1x1x16xf32> to vector<16xf32>
      %swap3A_860 = vector.shape_cast %add3A_852 : vector<16xf32> to vector<1x1x1x16xf32>
      tpu.vector_store %arg8[%swap3A_854, %swap3A_855, %swap3A_856, %swap3A_857], %swap3A_860 {strides = array<i32>} : memref<3x2x128x128xf32, #tpu.memory_space<vmem>>, vector<1x1x1x16xf32>,
      %get3A_861 = arith.constant 1 : i32
      %get3A_862 = arith.constant 0 : i32
      %get3A_863 = arith.index_cast %get3A_861 : i32 to index
      %get3A_864 = arith.index_cast %get3A_862 : i32 to index
      %get3A_865 = arith.index_cast %scan3A_832 : i32 to index
      %get3A_866 = arith.constant 16 : index
      %get3A_867 = tpu.vector_load %arg8[%get3A_863, %get3A_864, %get3A_865, %get3A_866] {strides = array<i32>} : memref<3x2x128x128xf32, #tpu.memory_space<vmem>>, vector<1x1x1x16xf32>,
      %get3A_868 = vector.shape_cast %get3A_867 : vector<1x1x1x16xf32> to vector<16xf32>
      %mul3A_869 = arith.constant 11.3137083 : f32
      %mul3A_870 = vector.broadcast %mul3A_869 : f32 to vector<16xf32>
      %mul3A_871 = arith.mulf %get3A_868, %mul3A_870 : vector<16xf32>
      %add3A_872 = arith.addf %mul3A_871, %bitcast_convert_type3A_840 : vector<16xf32>
      %swap3A_873 = arith.constant 1 : i32
      %swap3A_874 = arith.constant 0 : i32
      %swap3A_875 = arith.index_cast %swap3A_873 : i32 to index
      %swap3A_876 = arith.index_cast %swap3A_874 : i32 to index
      %swap3A_877 = arith.index_cast %scan3A_832 : i32 to index
      %swap3A_878 = arith.constant 16 : index
      %swap3A_879 = tpu.vector_load %arg8[%swap3A_875, %swap3A_876, %swap3A_877, %swap3A_878] {strides = array<i32>} : memref<3x2x128x128xf32, #tpu.memory_space<vmem>>, vector<1x1x1x16xf32>,
      %swap3A_880 = vector.shape_cast %swap3A_879 : vector<1x1x1x16xf32> to vector<16xf32>
      %swap3A_881 = vector.shape_cast %add3A_872 : vector<16xf32> to vector<1x1x1x16xf32>
      tpu.vector_store %arg8[%swap3A_875, %swap3A_876, %swap3A_877, %swap3A_878], %swap3A_881 {strides = array<i32>} : memref<3x2x128x128xf32, #tpu.memory_space<vmem>>, vector<1x1x1x16xf32>,
      %get3A_882 = arith.index_cast %scan3A_832 : i32 to index
      %get3A_883 = arith.constant 16 : index
      %get3A_884 = tpu.vector_load %arg7[%get3A_882, %get3A_883] {strides = array<i32>} : memref<128x64xi32, #tpu.memory_space<vmem>>, vector<1x16xi32>,
      %get3A_885 = vector.shape_cast %get3A_884 : vector<1x16xi32> to vector<16xi32>
      %shift_left3A_886 = arith.shli %get3A_885, %broadcast_in_dim3A_833 : vector<16xi32>
      %bitcast_convert_type3A_887 = tpu.bitcast %shift_left3A_886 : vector<16xi32> -> vector<16xf32>
      %and3A_888 = arith.andi %get3A_885, %broadcast_in_dim3A_835 : vector<16xi32>
      %bitcast_convert_type3A_889 = tpu.bitcast %and3A_888 : vector<16xi32> -> vector<16xf32>
      %get3A_890 = arith.constant 1 : i32
      %get3A_891 = arith.constant 0 : i32
      %get3A_892 = arith.index_cast %get3A_890 : i32 to index
      %get3A_893 = arith.index_cast %get3A_891 : i32 to index
      %get3A_894 = arith.index_cast %scan3A_832 : i32 to index
      %get3A_895 = arith.constant 32 : index
      %get3A_896 = tpu.vector_load %arg8[%get3A_892, %get3A_893, %get3A_894, %get3A_895] {strides = array<i32>} : memref<3x2x128x128xf32, #tpu.memory_space<vmem>>, vector<1x1x1x16xf32>,
      %get3A_897 = vector.shape_cast %get3A_896 : vector<1x1x1x16xf32> to vector<16xf32>
      %mul3A_898 = arith.constant 11.3137083 : f32
      %mul3A_899 = vector.broadcast %mul3A_898 : f32 to vector<16xf32>
      %mul3A_900 = arith.mulf %get3A_897, %mul3A_899 : vector<16xf32>
      %add3A_901 = arith.addf %mul3A_900, %bitcast_convert_type3A_887 : vector<16xf32>
      %swap3A_902 = arith.constant 1 : i32
      %swap3A_903 = arith.constant 0 : i32
      %swap3A_904 = arith.index_cast %swap3A_902 : i32 to index
      %swap3A_905 = arith.index_cast %swap3A_903 : i32 to index
      %swap3A_906 = arith.index_cast %scan3A_832 : i32 to index
      %swap3A_907 = arith.constant 32 : index
      %swap3A_908 = tpu.vector_load %arg8[%swap3A_904, %swap3A_905, %swap3A_906, %swap3A_907] {strides = array<i32>} : memref<3x2x128x128xf32, #tpu.memory_space<vmem>>, vector<1x1x1x16xf32>,
      %swap3A_909 = vector.shape_cast %swap3A_908 : vector<1x1x1x16xf32> to vector<16xf32>
      %swap3A_910 = vector.shape_cast %add3A_901 : vector<16xf32> to vector<1x1x1x16xf32>
      tpu.vector_store %arg8[%swap3A_904, %swap3A_905, %swap3A_906, %swap3A_907], %swap3A_910 {strides = array<i32>} : memref<3x2x128x128xf32, #tpu.memory_space<vmem>>, vector<1x1x1x16xf32>,
      %get3A_911 = arith.constant 1 : i32
      %get3A_912 = arith.constant 0 : i32
      %get3A_913 = arith.index_cast %get3A_911 : i32 to index
      %get3A_914 = arith.index_cast %get3A_912 : i32 to index
      %get3A_915 = arith.index_cast %scan3A_832 : i32 to index
      %get3A_916 = arith.constant 48 : index
      %get3A_917 = tpu.vector_load %arg8[%get3A_913, %get3A_914, %get3A_915, %get3A_916] {strides = array<i32>} : memref<3x2x128x128xf32, #tpu.memory_space<vmem>>, vector<1x1x1x16xf32>,
      %get3A_918 = vector.shape_cast %get3A_917 : vector<1x1x1x16xf32> to vector<16xf32>
      %mul3A_919 = arith.constant 11.3137083 : f32
      %mul3A_920 = vector.broadcast %mul3A_919 : f32 to vector<16xf32>
      %mul3A_921 = arith.mulf %get3A_918, %mul3A_920 : vector<16xf32>
      %add3A_922 = arith.addf %mul3A_921, %bitcast_convert_type3A_889 : vector<16xf32>
      %swap3A_923 = arith.constant 1 : i32
      %swap3A_924 = arith.constant 0 : i32
      %swap3A_925 = arith.index_cast %swap3A_923 : i32 to index
      %swap3A_926 = arith.index_cast %swap3A_924 : i32 to index
      %swap3A_927 = arith.index_cast %scan3A_832 : i32 to index
      %swap3A_928 = arith.constant 48 : index
      %swap3A_929 = tpu.vector_load %arg8[%swap3A_925, %swap3A_926, %swap3A_927, %swap3A_928] {strides = array<i32>} : memref<3x2x128x128xf32, #tpu.memory_space<vmem>>, vector<1x1x1x16xf32>,
      %swap3A_930 = vector.shape_cast %swap3A_929 : vector<1x1x1x16xf32> to vector<16xf32>
      %swap3A_931 = vector.shape_cast %add3A_922 : vector<16xf32> to vector<1x1x1x16xf32>
      tpu.vector_store %arg8[%swap3A_925, %swap3A_926, %swap3A_927, %swap3A_928], %swap3A_931 {strides = array<i32>} : memref<3x2x128x128xf32, #tpu.memory_space<vmem>>, vector<1x1x1x16xf32>,
      %get3A_932 = arith.index_cast %scan3A_832 : i32 to index
      %get3A_933 = arith.constant 32 : index
      %get3A_934 = tpu.vector_load %arg7[%get3A_932, %get3A_933] {strides = array<i32>} : memref<128x64xi32, #tpu.memory_space<vmem>>, vector<1x16xi32>,
      %get3A_935 = vector.shape_cast %get3A_934 : vector<1x16xi32> to vector<16xi32>
      %shift_left3A_936 = arith.shli %get3A_935, %broadcast_in_dim3A_833 : vector<16xi32>
      %bitcast_convert_type3A_937 = tpu.bitcast %shift_left3A_936 : vector<16xi32> -> vector<16xf32>
      %and3A_938 = arith.andi %get3A_935, %broadcast_in_dim3A_835 : vector<16xi32>
      %bitcast_convert_type3A_939 = tpu.bitcast %and3A_938 : vector<16xi32> -> vector<16xf32>
      %get3A_940 = arith.constant 1 : i32
      %get3A_941 = arith.constant 0 : i32
      %get3A_942 = arith.index_cast %get3A_940 : i32 to index
      %get3A_943 = arith.index_cast %get3A_941 : i32 to index
      %get3A_944 = arith.index_cast %scan3A_832 : i32 to index
      %get3A_945 = arith.constant 64 : index
      %get3A_946 = tpu.vector_load %arg8[%get3A_942, %get3A_943, %get3A_944, %get3A_945] {strides = array<i32>} : memref<3x2x128x128xf32, #tpu.memory_space<vmem>>, vector<1x1x1x16xf32>,
      %get3A_947 = vector.shape_cast %get3A_946 : vector<1x1x1x16xf32> to vector<16xf32>
      %mul3A_948 = arith.constant 11.3137083 : f32
      %mul3A_949 = vector.broadcast %mul3A_948 : f32 to vector<16xf32>
      %mul3A_950 = arith.mulf %get3A_947, %mul3A_949 : vector<16xf32>
      %add3A_951 = arith.addf %mul3A_950, %bitcast_convert_type3A_937 : vector<16xf32>
      %swap3A_952 = arith.constant 1 : i32
      %swap3A_953 = arith.constant 0 : i32
      %swap3A_954 = arith.index_cast %swap3A_952 : i32 to index
      %swap3A_955 = arith.index_cast %swap3A_953 : i32 to index
      %swap3A_956 = arith.index_cast %scan3A_832 : i32 to index
      %swap3A_957 = arith.constant 64 : index
      %swap3A_958 = tpu.vector_load %arg8[%swap3A_954, %swap3A_955, %swap3A_956, %swap3A_957] {strides = array<i32>} : memref<3x2x128x128xf32, #tpu.memory_space<vmem>>, vector<1x1x1x16xf32>,
      %swap3A_959 = vector.shape_cast %swap3A_958 : vector<1x1x1x16xf32> to vector<16xf32>
      %swap3A_960 = vector.shape_cast %add3A_951 : vector<16xf32> to vector<1x1x1x16xf32>
      tpu.vector_store %arg8[%swap3A_954, %swap3A_955, %swap3A_956, %swap3A_957], %swap3A_960 {strides = array<i32>} : memref<3x2x128x128xf32, #tpu.memory_space<vmem>>, vector<1x1x1x16xf32>,
      %get3A_961 = arith.constant 1 : i32
      %get3A_962 = arith.constant 0 : i32
      %get3A_963 = arith.index_cast %get3A_961 : i32 to index
      %get3A_964 = arith.index_cast %get3A_962 : i32 to index
      %get3A_965 = arith.index_cast %scan3A_832 : i32 to index
      %get3A_966 = arith.constant 80 : index
      %get3A_967 = tpu.vector_load %arg8[%get3A_963, %get3A_964, %get3A_965, %get3A_966] {strides = array<i32>} : memref<3x2x128x128xf32, #tpu.memory_space<vmem>>, vector<1x1x1x16xf32>,
      %get3A_968 = vector.shape_cast %get3A_967 : vector<1x1x1x16xf32> to vector<16xf32>
      %mul3A_969 = arith.constant 11.3137083 : f32
      %mul3A_970 = vector.broadcast %mul3A_969 : f32 to vector<16xf32>
      %mul3A_971 = arith.mulf %get3A_968, %mul3A_970 : vector<16xf32>
      %add3A_972 = arith.addf %mul3A_971, %bitcast_convert_type3A_939 : vector<16xf32>
      %swap3A_973 = arith.constant 1 : i32
      %swap3A_974 = arith.constant 0 : i32
      %swap3A_975 = arith.index_cast %swap3A_973 : i32 to index
      %swap3A_976 = arith.index_cast %swap3A_974 : i32 to index
      %swap3A_977 = arith.index_cast %scan3A_832 : i32 to index
      %swap3A_978 = arith.constant 80 : index
      %swap3A_979 = tpu.vector_load %arg8[%swap3A_975, %swap3A_976, %swap3A_977, %swap3A_978] {strides = array<i32>} : memref<3x2x128x128xf32, #tpu.memory_space<vmem>>, vector<1x1x1x16xf32>,
      %swap3A_980 = vector.shape_cast %swap3A_979 : vector<1x1x1x16xf32> to vector<16xf32>
      %swap3A_981 = vector.shape_cast %add3A_972 : vector<16xf32> to vector<1x1x1x16xf32>
      tpu.vector_store %arg8[%swap3A_975, %swap3A_976, %swap3A_977, %swap3A_978], %swap3A_981 {strides = array<i32>} : memref<3x2x128x128xf32, #tpu.memory_space<vmem>>, vector<1x1x1x16xf32>,
      %get3A_982 = arith.index_cast %scan3A_832 : i32 to index
      %get3A_983 = arith.constant 48 : index
      %get3A_984 = tpu.vector_load %arg7[%get3A_982, %get3A_983] {strides = array<i32>} : memref<128x64xi32, #tpu.memory_space<vmem>>, vector<1x16xi32>,
      %get3A_985 = vector.shape_cast %get3A_984 : vector<1x16xi32> to vector<16xi32>
      %shift_left3A_986 = arith.shli %get3A_985, %broadcast_in_dim3A_833 : vector<16xi32>
      %bitcast_convert_type3A_987 = tpu.bitcast %shift_left3A_986 : vector<16xi32> -> vector<16xf32>
      %and3A_988 = arith.andi %get3A_985, %broadcast_in_dim3A_835 : vector<16xi32>
      %bitcast_convert_type3A_989 = tpu.bitcast %and3A_988 : vector<16xi32> -> vector<16xf32>
      %get3A_990 = arith.constant 1 : i32
      %get3A_991 = arith.constant 0 : i32
      %get3A_992 = arith.index_cast %get3A_990 : i32 to index
      %get3A_993 = arith.index_cast %get3A_991 : i32 to index
      %get3A_994 = arith.index_cast %scan3A_832 : i32 to index
      %get3A_995 = arith.constant 96 : index
      %get3A_996 = tpu.vector_load %arg8[%get3A_992, %get3A_993, %get3A_994, %get3A_995] {strides = array<i32>} : memref<3x2x128x128xf32, #tpu.memory_space<vmem>>, vector<1x1x1x16xf32>,
      %get3A_997 = vector.shape_cast %get3A_996 : vector<1x1x1x16xf32> to vector<16xf32>
      %mul3A_998 = arith.constant 11.3137083 : f32
      %mul3A_999 = vector.broadcast %mul3A_998 : f32 to vector<16xf32>
      %mul3A_1000 = arith.mulf %get3A_997, %mul3A_999 : vector<16xf32>
      %add3A_1001 = arith.addf %mul3A_1000, %bitcast_convert_type3A_987 : vector<16xf32>
      %swap3A_1002 = arith.constant 1 : i32
      %swap3A_1003 = arith.constant 0 : i32
      %swap3A_1004 = arith.index_cast %swap3A_1002 : i32 to index
      %swap3A_1005 = arith.index_cast %swap3A_1003 : i32 to index
      %swap3A_1006 = arith.index_cast %scan3A_832 : i32 to index
      %swap3A_1007 = arith.constant 96 : index
      %swap3A_1008 = tpu.vector_load %arg8[%swap3A_1004, %swap3A_1005, %swap3A_1006, %swap3A_1007] {strides = array<i32>} : memref<3x2x128x128xf32, #tpu.memory_space<vmem>>, vector<1x1x1x16xf32>,
      %swap3A_1009 = vector.shape_cast %swap3A_1008 : vector<1x1x1x16xf32> to vector<16xf32>
      %swap3A_1010 = vector.shape_cast %add3A_1001 : vector<16xf32> to vector<1x1x1x16xf32>
      tpu.vector_store %arg8[%swap3A_1004, %swap3A_1005, %swap3A_1006, %swap3A_1007], %swap3A_1010 {strides = array<i32>} : memref<3x2x128x128xf32, #tpu.memory_space<vmem>>, vector<1x1x1x16xf32>,
      %get3A_1011 = arith.constant 1 : i32
      %get3A_1012 = arith.constant 0 : i32
      %get3A_1013 = arith.index_cast %get3A_1011 : i32 to index
      %get3A_1014 = arith.index_cast %get3A_1012 : i32 to index
      %get3A_1015 = arith.index_cast %scan3A_832 : i32 to index
      %get3A_1016 = arith.constant 112 : index
      %get3A_1017 = tpu.vector_load %arg8[%get3A_1013, %get3A_1014, %get3A_1015, %get3A_1016] {strides = array<i32>} : memref<3x2x128x128xf32, #tpu.memory_space<vmem>>, vector<1x1x1x16xf32>,
      %get3A_1018 = vector.shape_cast %get3A_1017 : vector<1x1x1x16xf32> to vector<16xf32>
      %mul3A_1019 = arith.constant 11.3137083 : f32
      %mul3A_1020 = vector.broadcast %mul3A_1019 : f32 to vector<16xf32>
      %mul3A_1021 = arith.mulf %get3A_1018, %mul3A_1020 : vector<16xf32>
      %add3A_1022 = arith.addf %mul3A_1021, %bitcast_convert_type3A_989 : vector<16xf32>
      %swap3A_1023 = arith.constant 1 : i32
      %swap3A_1024 = arith.constant 0 : i32
      %swap3A_1025 = arith.index_cast %swap3A_1023 : i32 to index
      %swap3A_1026 = arith.index_cast %swap3A_1024 : i32 to index
      %swap3A_1027 = arith.index_cast %scan3A_832 : i32 to index
      %swap3A_1028 = arith.constant 112 : index
      %swap3A_1029 = tpu.vector_load %arg8[%swap3A_1025, %swap3A_1026, %swap3A_1027, %swap3A_1028] {strides = array<i32>} : memref<3x2x128x128xf32, #tpu.memory_space<vmem>>, vector<1x1x1x16xf32>,
      %swap3A_1030 = vector.shape_cast %swap3A_1029 : vector<1x1x1x16xf32> to vector<16xf32>
      %swap3A_1031 = vector.shape_cast %add3A_1022 : vector<16xf32> to vector<1x1x1x16xf32>
      tpu.vector_store %arg8[%swap3A_1025, %swap3A_1026, %swap3A_1027, %swap3A_1028], %swap3A_1031 {strides = array<i32>} : memref<3x2x128x128xf32, #tpu.memory_space<vmem>>, vector<1x1x1x16xf32>,
    }
    %scan3A_733 = arith.constant 128 : i32
    %add3A_734 = arith.constant 14 : i32
    %add3A_735 = arith.addi %mul3A_34, %add3A_734 : i32
    %dma_start3A_736 = arith.constant 1 : i32
    %dma_start3A_737 = arith.constant 0 : i32
    %dma_start3A_738 = arith.constant 0 : i32
    %dma_start3A_739 = arith.constant 0 : i32
    %dma_start3A_740 = tpu.memref_slice %arg8[%dma_start3A_736, %dma_start3A_737, %dma_start3A_738, %dma_start3A_739] : memref<3x2x128x128xf32, #tpu.memory_space<vmem>> -> memref<1x1x128x128xf32, #tpu.memory_space<vmem>>
    %dma_start3A_741 = tpu.memref_squeeze %dma_start3A_740 : memref<1x1x128x128xf32, #tpu.memory_space<vmem>> -> memref<1x128x128xf32, #tpu.memory_space<vmem>>
    %dma_start3A_742 = arith.constant 0 : i32
    %dma_start3A_743 = tpu.memref_slice %arg5[%add3A_735, %mul3A_32, %dma_start3A_742] : memref<32x2048x128xf32, #tpu.memory_space<hbm>> -> memref<1x128x128xf32, #tpu.memory_space<hbm>>
    %dma_start3A_744 = arith.constant 0 : i32
    %dma_start3A_745 = tpu.memref_slice %arg5[%add3A_735, %mul3A_32, %dma_start3A_744] : memref<32x2048x128xf32, #tpu.memory_space<hbm>> -> memref<1x128x128xf32, #tpu.memory_space<hbm>>
    %dma_start3A_746 = arith.constant 0 : i32
    %dma_start3A_747 = arith.constant 0 : i32
    %dma_start3A_748 = arith.constant 0 : i32
    %dma_start3A_749 = tpu.memref_slice %arg8[%dma_start3A_736, %dma_start3A_746, %dma_start3A_747, %dma_start3A_748] : memref<3x2x128x128xf32, #tpu.memory_space<vmem>> -> memref<1x1x128x128xf32, #tpu.memory_space<vmem>>
    %dma_start3A_750 = tpu.memref_squeeze %dma_start3A_749 : memref<1x1x128x128xf32, #tpu.memory_space<vmem>> -> memref<1x128x128xf32, #tpu.memory_space<vmem>>
    tpu.enqueue_dma source(%dma_start3A_750 : memref<1x128x128xf32, #tpu.memory_space<vmem>>) target(%dma_start3A_745 : memref<1x128x128xf32, #tpu.memory_space<hbm>>) target_semaphore(%arg13 : memref<!tpu.dma_semaphore, #tpu.memory_space<semaphore_mem>>)
    %dma_wait3A_751 = arith.constant 15 : i32
    %dma_wait3A_752 = arith.constant 2 : i32
    %dma_wait3A_753 = arith.constant 0 : i32
    %dma_wait3A_754 = arith.constant 0 : i32
    %dma_wait3A_755 = arith.constant 0 : i32
    %dma_wait3A_756 = tpu.memref_slice %arg8[%dma_wait3A_752, %dma_wait3A_753, %dma_wait3A_754, %dma_wait3A_755] : memref<3x2x128x128xf32, #tpu.memory_space<vmem>> -> memref<1x1x128x128xf32, #tpu.memory_space<vmem>>
    %dma_wait3A_757 = tpu.memref_squeeze %dma_wait3A_756 : memref<1x1x128x128xf32, #tpu.memory_space<vmem>> -> memref<128x128xf32, #tpu.memory_space<vmem>>
    %dma_wait3A_758 = arith.constant 0 : i32
    %dma_wait3A_759 = tpu.memref_slice %arg6[%dma_wait3A_751, %dma_wait3A_758] : memref<16x128xi32, #tpu.memory_space<vmem>> -> memref<1x128xi32, #tpu.memory_space<vmem>>
    %dma_wait3A_760 = tpu.memref_squeeze %dma_wait3A_759 : memref<1x128xi32, #tpu.memory_space<vmem>> -> memref<128xi32, #tpu.memory_space<vmem>>
    %dma_wait3A_761 = arith.constant 0 : i32
    %dma_wait3A_762 = arith.constant 0 : i32
    %dma_wait3A_763 = tpu.memref_slice %arg4[%dma_wait3A_761, %dma_wait3A_762] : memref<100000x128xf32, #tpu.memory_space<hbm>> -> memref<100000x128xf32, #tpu.memory_space<hbm>>
    tpu.wait_indirect_dma semaphore(%arg11 : memref<!tpu.dma_semaphore, #tpu.memory_space<semaphore_mem>>) src(%dma_wait3A_763 : memref<100000x128xf32, #tpu.memory_space<hbm>>) dst(%dma_wait3A_757 : memref<128x128xf32, #tpu.memory_space<vmem>>)
    %scan3A_764 = arith.constant 0 : i32
    %scan3A_765 = arith.constant 0 : i32
    %scan3A_766 = arith.constant 128 : i32
    %scan3A_767 = arith.addi %scan3A_765, %scan3A_766 : i32
    %scan3A_768 = arith.constant 1 : i32
    scf.for %scan3A_832 = %scan3A_765 to %scan3A_767 step %scan3A_768  : i32 {
      %broadcast_in_dim3A = arith.constant 16 : i32
      %broadcast_in_dim3A_833 = vector.broadcast %broadcast_in_dim3A : i32 to vector<16xi32>
      %broadcast_in_dim3A_834 = arith.constant -65536 : i32
      %broadcast_in_dim3A_835 = vector.broadcast %broadcast_in_dim3A_834 : i32 to vector<16xi32>
      %get3A = arith.index_cast %scan3A_832 : i32 to index
      %get3A_836 = arith.constant 0 : index
      %get3A_837 = tpu.vector_load %arg7[%get3A, %get3A_836] {strides = array<i32>} : memref<128x64xi32, #tpu.memory_space<vmem>>, vector<1x16xi32>,
      %get3A_838 = vector.shape_cast %get3A_837 : vector<1x16xi32> to vector<16xi32>
      %shift_left3A = arith.shli %get3A_838, %broadcast_in_dim3A_833 : vector<16xi32>
      %bitcast_convert_type3A = tpu.bitcast %shift_left3A : vector<16xi32> -> vector<16xf32>
      %and3A_839 = arith.andi %get3A_838, %broadcast_in_dim3A_835 : vector<16xi32>
      %bitcast_convert_type3A_840 = tpu.bitcast %and3A_839 : vector<16xi32> -> vector<16xf32>
      %get3A_841 = arith.constant 2 : i32
      %get3A_842 = arith.constant 0 : i32
      %get3A_843 = arith.index_cast %get3A_841 : i32 to index
      %get3A_844 = arith.index_cast %get3A_842 : i32 to index
      %get3A_845 = arith.index_cast %scan3A_832 : i32 to index
      %get3A_846 = arith.constant 0 : index
      %get3A_847 = tpu.vector_load %arg8[%get3A_843, %get3A_844, %get3A_845, %get3A_846] {strides = array<i32>} : memref<3x2x128x128xf32, #tpu.memory_space<vmem>>, vector<1x1x1x16xf32>,
      %get3A_848 = vector.shape_cast %get3A_847 : vector<1x1x1x16xf32> to vector<16xf32>
      %mul3A_849 = arith.constant 11.3137083 : f32
      %mul3A_850 = vector.broadcast %mul3A_849 : f32 to vector<16xf32>
      %mul3A_851 = arith.mulf %get3A_848, %mul3A_850 : vector<16xf32>
      %add3A_852 = arith.addf %mul3A_851, %bitcast_convert_type3A : vector<16xf32>
      %swap3A = arith.constant 2 : i32
      %swap3A_853 = arith.constant 0 : i32
      %swap3A_854 = arith.index_cast %swap3A : i32 to index
      %swap3A_855 = arith.index_cast %swap3A_853 : i32 to index
      %swap3A_856 = arith.index_cast %scan3A_832 : i32 to index
      %swap3A_857 = arith.constant 0 : index
      %swap3A_858 = tpu.vector_load %arg8[%swap3A_854, %swap3A_855, %swap3A_856, %swap3A_857] {strides = array<i32>} : memref<3x2x128x128xf32, #tpu.memory_space<vmem>>, vector<1x1x1x16xf32>,
      %swap3A_859 = vector.shape_cast %swap3A_858 : vector<1x1x1x16xf32> to vector<16xf32>
      %swap3A_860 = vector.shape_cast %add3A_852 : vector<16xf32> to vector<1x1x1x16xf32>
      tpu.vector_store %arg8[%swap3A_854, %swap3A_855, %swap3A_856, %swap3A_857], %swap3A_860 {strides = array<i32>} : memref<3x2x128x128xf32, #tpu.memory_space<vmem>>, vector<1x1x1x16xf32>,
      %get3A_861 = arith.constant 2 : i32
      %get3A_862 = arith.constant 0 : i32
      %get3A_863 = arith.index_cast %get3A_861 : i32 to index
      %get3A_864 = arith.index_cast %get3A_862 : i32 to index
      %get3A_865 = arith.index_cast %scan3A_832 : i32 to index
      %get3A_866 = arith.constant 16 : index
      %get3A_867 = tpu.vector_load %arg8[%get3A_863, %get3A_864, %get3A_865, %get3A_866] {strides = array<i32>} : memref<3x2x128x128xf32, #tpu.memory_space<vmem>>, vector<1x1x1x16xf32>,
      %get3A_868 = vector.shape_cast %get3A_867 : vector<1x1x1x16xf32> to vector<16xf32>
      %mul3A_869 = arith.constant 11.3137083 : f32
      %mul3A_870 = vector.broadcast %mul3A_869 : f32 to vector<16xf32>
      %mul3A_871 = arith.mulf %get3A_868, %mul3A_870 : vector<16xf32>
      %add3A_872 = arith.addf %mul3A_871, %bitcast_convert_type3A_840 : vector<16xf32>
      %swap3A_873 = arith.constant 2 : i32
      %swap3A_874 = arith.constant 0 : i32
      %swap3A_875 = arith.index_cast %swap3A_873 : i32 to index
      %swap3A_876 = arith.index_cast %swap3A_874 : i32 to index
      %swap3A_877 = arith.index_cast %scan3A_832 : i32 to index
      %swap3A_878 = arith.constant 16 : index
      %swap3A_879 = tpu.vector_load %arg8[%swap3A_875, %swap3A_876, %swap3A_877, %swap3A_878] {strides = array<i32>} : memref<3x2x128x128xf32, #tpu.memory_space<vmem>>, vector<1x1x1x16xf32>,
      %swap3A_880 = vector.shape_cast %swap3A_879 : vector<1x1x1x16xf32> to vector<16xf32>
      %swap3A_881 = vector.shape_cast %add3A_872 : vector<16xf32> to vector<1x1x1x16xf32>
      tpu.vector_store %arg8[%swap3A_875, %swap3A_876, %swap3A_877, %swap3A_878], %swap3A_881 {strides = array<i32>} : memref<3x2x128x128xf32, #tpu.memory_space<vmem>>, vector<1x1x1x16xf32>,
      %get3A_882 = arith.index_cast %scan3A_832 : i32 to index
      %get3A_883 = arith.constant 16 : index
      %get3A_884 = tpu.vector_load %arg7[%get3A_882, %get3A_883] {strides = array<i32>} : memref<128x64xi32, #tpu.memory_space<vmem>>, vector<1x16xi32>,
      %get3A_885 = vector.shape_cast %get3A_884 : vector<1x16xi32> to vector<16xi32>
      %shift_left3A_886 = arith.shli %get3A_885, %broadcast_in_dim3A_833 : vector<16xi32>
      %bitcast_convert_type3A_887 = tpu.bitcast %shift_left3A_886 : vector<16xi32> -> vector<16xf32>
      %and3A_888 = arith.andi %get3A_885, %broadcast_in_dim3A_835 : vector<16xi32>
      %bitcast_convert_type3A_889 = tpu.bitcast %and3A_888 : vector<16xi32> -> vector<16xf32>
      %get3A_890 = arith.constant 2 : i32
      %get3A_891 = arith.constant 0 : i32
      %get3A_892 = arith.index_cast %get3A_890 : i32 to index
      %get3A_893 = arith.index_cast %get3A_891 : i32 to index
      %get3A_894 = arith.index_cast %scan3A_832 : i32 to index
      %get3A_895 = arith.constant 32 : index
      %get3A_896 = tpu.vector_load %arg8[%get3A_892, %get3A_893, %get3A_894, %get3A_895] {strides = array<i32>} : memref<3x2x128x128xf32, #tpu.memory_space<vmem>>, vector<1x1x1x16xf32>,
      %get3A_897 = vector.shape_cast %get3A_896 : vector<1x1x1x16xf32> to vector<16xf32>
      %mul3A_898 = arith.constant 11.3137083 : f32
      %mul3A_899 = vector.broadcast %mul3A_898 : f32 to vector<16xf32>
      %mul3A_900 = arith.mulf %get3A_897, %mul3A_899 : vector<16xf32>
      %add3A_901 = arith.addf %mul3A_900, %bitcast_convert_type3A_887 : vector<16xf32>
      %swap3A_902 = arith.constant 2 : i32
      %swap3A_903 = arith.constant 0 : i32
      %swap3A_904 = arith.index_cast %swap3A_902 : i32 to index
      %swap3A_905 = arith.index_cast %swap3A_903 : i32 to index
      %swap3A_906 = arith.index_cast %scan3A_832 : i32 to index
      %swap3A_907 = arith.constant 32 : index
      %swap3A_908 = tpu.vector_load %arg8[%swap3A_904, %swap3A_905, %swap3A_906, %swap3A_907] {strides = array<i32>} : memref<3x2x128x128xf32, #tpu.memory_space<vmem>>, vector<1x1x1x16xf32>,
      %swap3A_909 = vector.shape_cast %swap3A_908 : vector<1x1x1x16xf32> to vector<16xf32>
      %swap3A_910 = vector.shape_cast %add3A_901 : vector<16xf32> to vector<1x1x1x16xf32>
      tpu.vector_store %arg8[%swap3A_904, %swap3A_905, %swap3A_906, %swap3A_907], %swap3A_910 {strides = array<i32>} : memref<3x2x128x128xf32, #tpu.memory_space<vmem>>, vector<1x1x1x16xf32>,
      %get3A_911 = arith.constant 2 : i32
      %get3A_912 = arith.constant 0 : i32
      %get3A_913 = arith.index_cast %get3A_911 : i32 to index
      %get3A_914 = arith.index_cast %get3A_912 : i32 to index
      %get3A_915 = arith.index_cast %scan3A_832 : i32 to index
      %get3A_916 = arith.constant 48 : index
      %get3A_917 = tpu.vector_load %arg8[%get3A_913, %get3A_914, %get3A_915, %get3A_916] {strides = array<i32>} : memref<3x2x128x128xf32, #tpu.memory_space<vmem>>, vector<1x1x1x16xf32>,
      %get3A_918 = vector.shape_cast %get3A_917 : vector<1x1x1x16xf32> to vector<16xf32>
      %mul3A_919 = arith.constant 11.3137083 : f32
      %mul3A_920 = vector.broadcast %mul3A_919 : f32 to vector<16xf32>
      %mul3A_921 = arith.mulf %get3A_918, %mul3A_920 : vector<16xf32>
      %add3A_922 = arith.addf %mul3A_921, %bitcast_convert_type3A_889 : vector<16xf32>
      %swap3A_923 = arith.constant 2 : i32
      %swap3A_924 = arith.constant 0 : i32
      %swap3A_925 = arith.index_cast %swap3A_923 : i32 to index
      %swap3A_926 = arith.index_cast %swap3A_924 : i32 to index
      %swap3A_927 = arith.index_cast %scan3A_832 : i32 to index
      %swap3A_928 = arith.constant 48 : index
      %swap3A_929 = tpu.vector_load %arg8[%swap3A_925, %swap3A_926, %swap3A_927, %swap3A_928] {strides = array<i32>} : memref<3x2x128x128xf32, #tpu.memory_space<vmem>>, vector<1x1x1x16xf32>,
      %swap3A_930 = vector.shape_cast %swap3A_929 : vector<1x1x1x16xf32> to vector<16xf32>
      %swap3A_931 = vector.shape_cast %add3A_922 : vector<16xf32> to vector<1x1x1x16xf32>
      tpu.vector_store %arg8[%swap3A_925, %swap3A_926, %swap3A_927, %swap3A_928], %swap3A_931 {strides = array<i32>} : memref<3x2x128x128xf32, #tpu.memory_space<vmem>>, vector<1x1x1x16xf32>,
      %get3A_932 = arith.index_cast %scan3A_832 : i32 to index
      %get3A_933 = arith.constant 32 : index
      %get3A_934 = tpu.vector_load %arg7[%get3A_932, %get3A_933] {strides = array<i32>} : memref<128x64xi32, #tpu.memory_space<vmem>>, vector<1x16xi32>,
      %get3A_935 = vector.shape_cast %get3A_934 : vector<1x16xi32> to vector<16xi32>
      %shift_left3A_936 = arith.shli %get3A_935, %broadcast_in_dim3A_833 : vector<16xi32>
      %bitcast_convert_type3A_937 = tpu.bitcast %shift_left3A_936 : vector<16xi32> -> vector<16xf32>
      %and3A_938 = arith.andi %get3A_935, %broadcast_in_dim3A_835 : vector<16xi32>
      %bitcast_convert_type3A_939 = tpu.bitcast %and3A_938 : vector<16xi32> -> vector<16xf32>
      %get3A_940 = arith.constant 2 : i32
      %get3A_941 = arith.constant 0 : i32
      %get3A_942 = arith.index_cast %get3A_940 : i32 to index
      %get3A_943 = arith.index_cast %get3A_941 : i32 to index
      %get3A_944 = arith.index_cast %scan3A_832 : i32 to index
      %get3A_945 = arith.constant 64 : index
      %get3A_946 = tpu.vector_load %arg8[%get3A_942, %get3A_943, %get3A_944, %get3A_945] {strides = array<i32>} : memref<3x2x128x128xf32, #tpu.memory_space<vmem>>, vector<1x1x1x16xf32>,
      %get3A_947 = vector.shape_cast %get3A_946 : vector<1x1x1x16xf32> to vector<16xf32>
      %mul3A_948 = arith.constant 11.3137083 : f32
      %mul3A_949 = vector.broadcast %mul3A_948 : f32 to vector<16xf32>
      %mul3A_950 = arith.mulf %get3A_947, %mul3A_949 : vector<16xf32>
      %add3A_951 = arith.addf %mul3A_950, %bitcast_convert_type3A_937 : vector<16xf32>
      %swap3A_952 = arith.constant 2 : i32
      %swap3A_953 = arith.constant 0 : i32
      %swap3A_954 = arith.index_cast %swap3A_952 : i32 to index
      %swap3A_955 = arith.index_cast %swap3A_953 : i32 to index
      %swap3A_956 = arith.index_cast %scan3A_832 : i32 to index
      %swap3A_957 = arith.constant 64 : index
      %swap3A_958 = tpu.vector_load %arg8[%swap3A_954, %swap3A_955, %swap3A_956, %swap3A_957] {strides = array<i32>} : memref<3x2x128x128xf32, #tpu.memory_space<vmem>>, vector<1x1x1x16xf32>,
      %swap3A_959 = vector.shape_cast %swap3A_958 : vector<1x1x1x16xf32> to vector<16xf32>
      %swap3A_960 = vector.shape_cast %add3A_951 : vector<16xf32> to vector<1x1x1x16xf32>
      tpu.vector_store %arg8[%swap3A_954, %swap3A_955, %swap3A_956, %swap3A_957], %swap3A_960 {strides = array<i32>} : memref<3x2x128x128xf32, #tpu.memory_space<vmem>>, vector<1x1x1x16xf32>,
      %get3A_961 = arith.constant 2 : i32
      %get3A_962 = arith.constant 0 : i32
      %get3A_963 = arith.index_cast %get3A_961 : i32 to index
      %get3A_964 = arith.index_cast %get3A_962 : i32 to index
      %get3A_965 = arith.index_cast %scan3A_832 : i32 to index
      %get3A_966 = arith.constant 80 : index
      %get3A_967 = tpu.vector_load %arg8[%get3A_963, %get3A_964, %get3A_965, %get3A_966] {strides = array<i32>} : memref<3x2x128x128xf32, #tpu.memory_space<vmem>>, vector<1x1x1x16xf32>,
      %get3A_968 = vector.shape_cast %get3A_967 : vector<1x1x1x16xf32> to vector<16xf32>
      %mul3A_969 = arith.constant 11.3137083 : f32
      %mul3A_970 = vector.broadcast %mul3A_969 : f32 to vector<16xf32>
      %mul3A_971 = arith.mulf %get3A_968, %mul3A_970 : vector<16xf32>
      %add3A_972 = arith.addf %mul3A_971, %bitcast_convert_type3A_939 : vector<16xf32>
      %swap3A_973 = arith.constant 2 : i32
      %swap3A_974 = arith.constant 0 : i32
      %swap3A_975 = arith.index_cast %swap3A_973 : i32 to index
      %swap3A_976 = arith.index_cast %swap3A_974 : i32 to index
      %swap3A_977 = arith.index_cast %scan3A_832 : i32 to index
      %swap3A_978 = arith.constant 80 : index
      %swap3A_979 = tpu.vector_load %arg8[%swap3A_975, %swap3A_976, %swap3A_977, %swap3A_978] {strides = array<i32>} : memref<3x2x128x128xf32, #tpu.memory_space<vmem>>, vector<1x1x1x16xf32>,
      %swap3A_980 = vector.shape_cast %swap3A_979 : vector<1x1x1x16xf32> to vector<16xf32>
      %swap3A_981 = vector.shape_cast %add3A_972 : vector<16xf32> to vector<1x1x1x16xf32>
      tpu.vector_store %arg8[%swap3A_975, %swap3A_976, %swap3A_977, %swap3A_978], %swap3A_981 {strides = array<i32>} : memref<3x2x128x128xf32, #tpu.memory_space<vmem>>, vector<1x1x1x16xf32>,
      %get3A_982 = arith.index_cast %scan3A_832 : i32 to index
      %get3A_983 = arith.constant 48 : index
      %get3A_984 = tpu.vector_load %arg7[%get3A_982, %get3A_983] {strides = array<i32>} : memref<128x64xi32, #tpu.memory_space<vmem>>, vector<1x16xi32>,
      %get3A_985 = vector.shape_cast %get3A_984 : vector<1x16xi32> to vector<16xi32>
      %shift_left3A_986 = arith.shli %get3A_985, %broadcast_in_dim3A_833 : vector<16xi32>
      %bitcast_convert_type3A_987 = tpu.bitcast %shift_left3A_986 : vector<16xi32> -> vector<16xf32>
      %and3A_988 = arith.andi %get3A_985, %broadcast_in_dim3A_835 : vector<16xi32>
      %bitcast_convert_type3A_989 = tpu.bitcast %and3A_988 : vector<16xi32> -> vector<16xf32>
      %get3A_990 = arith.constant 2 : i32
      %get3A_991 = arith.constant 0 : i32
      %get3A_992 = arith.index_cast %get3A_990 : i32 to index
      %get3A_993 = arith.index_cast %get3A_991 : i32 to index
      %get3A_994 = arith.index_cast %scan3A_832 : i32 to index
      %get3A_995 = arith.constant 96 : index
      %get3A_996 = tpu.vector_load %arg8[%get3A_992, %get3A_993, %get3A_994, %get3A_995] {strides = array<i32>} : memref<3x2x128x128xf32, #tpu.memory_space<vmem>>, vector<1x1x1x16xf32>,
      %get3A_997 = vector.shape_cast %get3A_996 : vector<1x1x1x16xf32> to vector<16xf32>
      %mul3A_998 = arith.constant 11.3137083 : f32
      %mul3A_999 = vector.broadcast %mul3A_998 : f32 to vector<16xf32>
      %mul3A_1000 = arith.mulf %get3A_997, %mul3A_999 : vector<16xf32>
      %add3A_1001 = arith.addf %mul3A_1000, %bitcast_convert_type3A_987 : vector<16xf32>
      %swap3A_1002 = arith.constant 2 : i32
      %swap3A_1003 = arith.constant 0 : i32
      %swap3A_1004 = arith.index_cast %swap3A_1002 : i32 to index
      %swap3A_1005 = arith.index_cast %swap3A_1003 : i32 to index
      %swap3A_1006 = arith.index_cast %scan3A_832 : i32 to index
      %swap3A_1007 = arith.constant 96 : index
      %swap3A_1008 = tpu.vector_load %arg8[%swap3A_1004, %swap3A_1005, %swap3A_1006, %swap3A_1007] {strides = array<i32>} : memref<3x2x128x128xf32, #tpu.memory_space<vmem>>, vector<1x1x1x16xf32>,
      %swap3A_1009 = vector.shape_cast %swap3A_1008 : vector<1x1x1x16xf32> to vector<16xf32>
      %swap3A_1010 = vector.shape_cast %add3A_1001 : vector<16xf32> to vector<1x1x1x16xf32>
      tpu.vector_store %arg8[%swap3A_1004, %swap3A_1005, %swap3A_1006, %swap3A_1007], %swap3A_1010 {strides = array<i32>} : memref<3x2x128x128xf32, #tpu.memory_space<vmem>>, vector<1x1x1x16xf32>,
      %get3A_1011 = arith.constant 2 : i32
      %get3A_1012 = arith.constant 0 : i32
      %get3A_1013 = arith.index_cast %get3A_1011 : i32 to index
      %get3A_1014 = arith.index_cast %get3A_1012 : i32 to index
      %get3A_1015 = arith.index_cast %scan3A_832 : i32 to index
      %get3A_1016 = arith.constant 112 : index
      %get3A_1017 = tpu.vector_load %arg8[%get3A_1013, %get3A_1014, %get3A_1015, %get3A_1016] {strides = array<i32>} : memref<3x2x128x128xf32, #tpu.memory_space<vmem>>, vector<1x1x1x16xf32>,
      %get3A_1018 = vector.shape_cast %get3A_1017 : vector<1x1x1x16xf32> to vector<16xf32>
      %mul3A_1019 = arith.constant 11.3137083 : f32
      %mul3A_1020 = vector.broadcast %mul3A_1019 : f32 to vector<16xf32>
      %mul3A_1021 = arith.mulf %get3A_1018, %mul3A_1020 : vector<16xf32>
      %add3A_1022 = arith.addf %mul3A_1021, %bitcast_convert_type3A_989 : vector<16xf32>
      %swap3A_1023 = arith.constant 2 : i32
      %swap3A_1024 = arith.constant 0 : i32
      %swap3A_1025 = arith.index_cast %swap3A_1023 : i32 to index
      %swap3A_1026 = arith.index_cast %swap3A_1024 : i32 to index
      %swap3A_1027 = arith.index_cast %scan3A_832 : i32 to index
      %swap3A_1028 = arith.constant 112 : index
      %swap3A_1029 = tpu.vector_load %arg8[%swap3A_1025, %swap3A_1026, %swap3A_1027, %swap3A_1028] {strides = array<i32>} : memref<3x2x128x128xf32, #tpu.memory_space<vmem>>, vector<1x1x1x16xf32>,
      %swap3A_1030 = vector.shape_cast %swap3A_1029 : vector<1x1x1x16xf32> to vector<16xf32>
      %swap3A_1031 = vector.shape_cast %add3A_1022 : vector<16xf32> to vector<1x1x1x16xf32>
      tpu.vector_store %arg8[%swap3A_1025, %swap3A_1026, %swap3A_1027, %swap3A_1028], %swap3A_1031 {strides = array<i32>} : memref<3x2x128x128xf32, #tpu.memory_space<vmem>>, vector<1x1x1x16xf32>,
    }
    %scan3A_769 = arith.constant 128 : i32
    %add3A_770 = arith.constant 15 : i32
    %add3A_771 = arith.addi %mul3A_34, %add3A_770 : i32
    %dma_start3A_772 = arith.constant 2 : i32
    %dma_start3A_773 = arith.constant 0 : i32
    %dma_start3A_774 = arith.constant 0 : i32
    %dma_start3A_775 = arith.constant 0 : i32
    %dma_start3A_776 = tpu.memref_slice %arg8[%dma_start3A_772, %dma_start3A_773, %dma_start3A_774, %dma_start3A_775] : memref<3x2x128x128xf32, #tpu.memory_space<vmem>> -> memref<1x1x128x128xf32, #tpu.memory_space<vmem>>
    %dma_start3A_777 = tpu.memref_squeeze %dma_start3A_776 : memref<1x1x128x128xf32, #tpu.memory_space<vmem>> -> memref<1x128x128xf32, #tpu.memory_space<vmem>>
    %dma_start3A_778 = arith.constant 0 : i32
    %dma_start3A_779 = tpu.memref_slice %arg5[%add3A_771, %mul3A_32, %dma_start3A_778] : memref<32x2048x128xf32, #tpu.memory_space<hbm>> -> memref<1x128x128xf32, #tpu.memory_space<hbm>>
    %dma_start3A_780 = arith.constant 0 : i32
    %dma_start3A_781 = tpu.memref_slice %arg5[%add3A_771, %mul3A_32, %dma_start3A_780] : memref<32x2048x128xf32, #tpu.memory_space<hbm>> -> memref<1x128x128xf32, #tpu.memory_space<hbm>>
    %dma_start3A_782 = arith.constant 0 : i32
    %dma_start3A_783 = arith.constant 0 : i32
    %dma_start3A_784 = arith.constant 0 : i32
    %dma_start3A_785 = tpu.memref_slice %arg8[%dma_start3A_772, %dma_start3A_782, %dma_start3A_783, %dma_start3A_784] : memref<3x2x128x128xf32, #tpu.memory_space<vmem>> -> memref<1x1x128x128xf32, #tpu.memory_space<vmem>>
    %dma_start3A_786 = tpu.memref_squeeze %dma_start3A_785 : memref<1x1x128x128xf32, #tpu.memory_space<vmem>> -> memref<1x128x128xf32, #tpu.memory_space<vmem>>
    tpu.enqueue_dma source(%dma_start3A_786 : memref<1x128x128xf32, #tpu.memory_space<vmem>>) target(%dma_start3A_781 : memref<1x128x128xf32, #tpu.memory_space<hbm>>) target_semaphore(%arg14 : memref<!tpu.dma_semaphore, #tpu.memory_space<semaphore_mem>>)
    %dma_wait3A_787 = arith.constant 0 : i32
    %dma_wait3A_788 = arith.constant 0 : i32
    %dma_wait3A_789 = arith.constant 0 : i32
    %dma_wait3A_790 = arith.constant 0 : i32
    %dma_wait3A_791 = tpu.memref_slice %arg8[%dma_wait3A_787, %dma_wait3A_788, %dma_wait3A_789, %dma_wait3A_790] : memref<3x2x128x128xf32, #tpu.memory_space<vmem>> -> memref<1x2x128x128xf32, #tpu.memory_space<vmem>>
    %dma_wait3A_792 = tpu.memref_squeeze %dma_wait3A_791 : memref<1x2x128x128xf32, #tpu.memory_space<vmem>> -> memref<2x128x128xf32, #tpu.memory_space<vmem>>
    %dma_wait3A_793 = arith.constant 0 : i32
    %dma_wait3A_794 = tpu.memref_slice %arg5[%add3A_699, %mul3A_32, %dma_wait3A_793] : memref<32x2048x128xf32, #tpu.memory_space<hbm>> -> memref<2x128x128xf32, #tpu.memory_space<hbm>>
    %dma_wait3A_795 = arith.constant 0 : i32
    %dma_wait3A_796 = tpu.memref_slice %arg5[%add3A_699, %mul3A_32, %dma_wait3A_795] : memref<32x2048x128xf32, #tpu.memory_space<hbm>> -> memref<2x128x128xf32, #tpu.memory_space<hbm>>
    %dma_wait3A_797 = arith.constant 0 : i32
    %dma_wait3A_798 = arith.constant 0 : i32
    %dma_wait3A_799 = arith.constant 0 : i32
    %dma_wait3A_800 = tpu.memref_slice %arg8[%dma_wait3A_787, %dma_wait3A_797, %dma_wait3A_798, %dma_wait3A_799] : memref<3x2x128x128xf32, #tpu.memory_space<vmem>> -> memref<1x2x128x128xf32, #tpu.memory_space<vmem>>
    %dma_wait3A_801 = tpu.memref_squeeze %dma_wait3A_800 : memref<1x2x128x128xf32, #tpu.memory_space<vmem>> -> memref<2x128x128xf32, #tpu.memory_space<vmem>>
    tpu.wait_dma2 semaphore(%arg12 : memref<!tpu.dma_semaphore, #tpu.memory_space<semaphore_mem>>) src(%dma_wait3A_801 : memref<2x128x128xf32, #tpu.memory_space<vmem>>) dst(%dma_wait3A_796 : memref<2x128x128xf32, #tpu.memory_space<hbm>>)
    %dma_wait3A_802 = arith.constant 1 : i32
    %dma_wait3A_803 = arith.constant 0 : i32
    %dma_wait3A_804 = arith.constant 0 : i32
    %dma_wait3A_805 = arith.constant 0 : i32
    %dma_wait3A_806 = tpu.memref_slice %arg8[%dma_wait3A_802, %dma_wait3A_803, %dma_wait3A_804, %dma_wait3A_805] : memref<3x2x128x128xf32, #tpu.memory_space<vmem>> -> memref<1x1x128x128xf32, #tpu.memory_space<vmem>>
    %dma_wait3A_807 = tpu.memref_squeeze %dma_wait3A_806 : memref<1x1x128x128xf32, #tpu.memory_space<vmem>> -> memref<1x128x128xf32, #tpu.memory_space<vmem>>
    %dma_wait3A_808 = arith.constant 0 : i32
    %dma_wait3A_809 = tpu.memref_slice %arg5[%add3A_735, %mul3A_32, %dma_wait3A_808] : memref<32x2048x128xf32, #tpu.memory_space<hbm>> -> memref<1x128x128xf32, #tpu.memory_space<hbm>>
    %dma_wait3A_810 = arith.constant 0 : i32
    %dma_wait3A_811 = tpu.memref_slice %arg5[%add3A_735, %mul3A_32, %dma_wait3A_810] : memref<32x2048x128xf32, #tpu.memory_space<hbm>> -> memref<1x128x128xf32, #tpu.memory_space<hbm>>
    %dma_wait3A_812 = arith.constant 0 : i32
    %dma_wait3A_813 = arith.constant 0 : i32
    %dma_wait3A_814 = arith.constant 0 : i32
    %dma_wait3A_815 = tpu.memref_slice %arg8[%dma_wait3A_802, %dma_wait3A_812, %dma_wait3A_813, %dma_wait3A_814] : memref<3x2x128x128xf32, #tpu.memory_space<vmem>> -> memref<1x1x128x128xf32, #tpu.memory_space<vmem>>
    %dma_wait3A_816 = tpu.memref_squeeze %dma_wait3A_815 : memref<1x1x128x128xf32, #tpu.memory_space<vmem>> -> memref<1x128x128xf32, #tpu.memory_space<vmem>>
    tpu.wait_dma2 semaphore(%arg13 : memref<!tpu.dma_semaphore, #tpu.memory_space<semaphore_mem>>) src(%dma_wait3A_816 : memref<1x128x128xf32, #tpu.memory_space<vmem>>) dst(%dma_wait3A_811 : memref<1x128x128xf32, #tpu.memory_space<hbm>>)
    %dma_wait3A_817 = arith.constant 2 : i32
    %dma_wait3A_818 = arith.constant 0 : i32
    %dma_wait3A_819 = arith.constant 0 : i32
    %dma_wait3A_820 = arith.constant 0 : i32
    %dma_wait3A_821 = tpu.memref_slice %arg8[%dma_wait3A_817, %dma_wait3A_818, %dma_wait3A_819, %dma_wait3A_820] : memref<3x2x128x128xf32, #tpu.memory_space<vmem>> -> memref<1x1x128x128xf32, #tpu.memory_space<vmem>>
    %dma_wait3A_822 = tpu.memref_squeeze %dma_wait3A_821 : memref<1x1x128x128xf32, #tpu.memory_space<vmem>> -> memref<1x128x128xf32, #tpu.memory_space<vmem>>
    %dma_wait3A_823 = arith.constant 0 : i32
    %dma_wait3A_824 = tpu.memref_slice %arg5[%add3A_771, %mul3A_32, %dma_wait3A_823] : memref<32x2048x128xf32, #tpu.memory_space<hbm>> -> memref<1x128x128xf32, #tpu.memory_space<hbm>>
    %dma_wait3A_825 = arith.constant 0 : i32
    %dma_wait3A_826 = tpu.memref_slice %arg5[%add3A_771, %mul3A_32, %dma_wait3A_825] : memref<32x2048x128xf32, #tpu.memory_space<hbm>> -> memref<1x128x128xf32, #tpu.memory_space<hbm>>
    %dma_wait3A_827 = arith.constant 0 : i32
    %dma_wait3A_828 = arith.constant 0 : i32
    %dma_wait3A_829 = arith.constant 0 : i32
    %dma_wait3A_830 = tpu.memref_slice %arg8[%dma_wait3A_817, %dma_wait3A_827, %dma_wait3A_828, %dma_wait3A_829] : memref<3x2x128x128xf32, #tpu.memory_space<vmem>> -> memref<1x1x128x128xf32, #tpu.memory_space<vmem>>
    %dma_wait3A_831 = tpu.memref_squeeze %dma_wait3A_830 : memref<1x1x128x128xf32, #tpu.memory_space<vmem>> -> memref<1x128x128xf32, #tpu.memory_space<vmem>>
    tpu.wait_dma2 semaphore(%arg14 : memref<!tpu.dma_semaphore, #tpu.memory_space<semaphore_mem>>) src(%dma_wait3A_831 : memref<1x128x128xf32, #tpu.memory_space<vmem>>) dst(%dma_wait3A_826 : memref<1x128x128xf32, #tpu.memory_space<hbm>>)
    return
  }
}

</mosaic_0001>

<sc_bundles>
// kernel: kernel.3.cloned.1.call-start
scs
__scs_entry_jumppad:
0x0: {  	(pc) =	sbr.rel $0x88, $3  }
0x1: {  	(tag) =	ssettag $0x0;
	lr =	simm.s32 $0x1  }
0x2: {  	[smem:$0x3F9F] =	sst lr;
	_ =	strace $0xD0000000  }
0x3: {  	_ = 	snop  }
0x4: {  	_ = 	snop  }
0x5: {  	_ = 	snop  }
0x6: {  	_ = 	snop  }
0x7: {  	_ = 	snop  }
__scs_overlays_trampoline_lowered:
0x8: {  	[smem:$0x3FAE] =	sst s0  }
0x9: {  	[smem:$0x3FAF] =	sst s1  }
0xa: {  	[smem:$0x3FB0] =	sst s2  }
0xb: {  	[smem:$0x3FB1] =	sst s3  }
0xc: {  	[smem:$0x3FB2] =	sst s4  }
0xd: {  	[smem:$0x3FB3] =	sst s5  }
0xe: {  	[smem:$0x3FB4] =	sst s6  }
0xf: {  	[smem:$0x3FB5] =	sst s7  }
0x10: {  	[smem:$0x3FB6] =	sst s8  }
0x11: {  	[smem:$0x3FB7] =	sst s9;
	s0 =	simm.s32 @!p0 $0x0  }
0x12: {  	s1 =	sld [smem:$0x3F9D];
	s0 =	simm.s32 @p0 $0x1  }
0x13: {  	[smem:$0x3FB8] =	sst s0;
	s0 =	simm.s32 @!p1 $0x0  }
0x14: {  	s2 =	sld [smem:$0x3F9C];
	s0 =	simm.s32 @p1 $0x1  }
0x15: {  	[smem:$0x3FB9] =	sst s0;
	s0 =	simm.s32 @!p2 $0x0  }
0x16: {  	s3 =	sld [smem:$0x3FDB];
	s0 =	simm.s32 @p2 $0x1  }
0x17: {  	s4 =	simm.s32 $0x1BF5;
	[smem:$0x3FBB] =	sst s0  }
0x18: {  	s0 =	sld [smem:$0x3F9E];
	_ =	swait.ge [sflag:s4], $0x0  }
0x19: {  	s7 =	sld [smem:$0x3F9F]  }
0x1a: {  	s8 =	sadd.s32 $0xFFFFE003, lr  }
0x1b: {  	s9 =	sadd.s32 $0xFFFFFEF7, lr;
	s5 =	simm.s32 $0xFFFFFFFF;
	p2 =	slt.u32 s8, $0xFFFFF086  }
0x1c: {  	p1 =	slt.u32 s9, $0xF7A;
	s5 =	simm.s32 @!p2 $0x0  }
0x1d: {  	s5 =	simm.s32 @p1 $0x1;
	p0 =	seq.s32 s7, s2  }
0x1e: {  	s7 =	smul.u32 @!p0 $0xF7A, s2;
	p2 =	seq.s32 @!p0 s5, $0x0  }
0x1f: {  	s9 =	smul.u32 $0xF7A, s1;
	s8 =	simm.s32 @!p0 $0x1BF5;
	p2 =	por !p2, p0  }
0x20: {  	[sflag:s8] =	ssyncset.s32 @!p0 $0xFFFFF086;
	s6 =	sadd.s32 @!p0 s3, s7;
	s7 =	simm.s32 @!p0 $0x108  }
0x21: {  	s3 =	sadd.s32 s3, s9;
	s6 =	sadd.s32 @!p0 $0x88, s6;
	s7 =	simm.s32 @p2 $0x1082  }
0x22: {  	[simem:s7], [sflag:s8] =	dma.local @!p0 [hbm:s6], $0xF7A  }
0x23: {  	s9 =	sor.u32 $0xD0000000, s2;
	s6 =	simm.s32 $0x108;
	_ =	swait.ge @!p0 [sflag:s8], $0x0  }
0x24: {  	s3 =	sadd.s32 $0x88, s3;
	s6 =	simm.s32 @!p1 $0x1082;
	[sflag:s4] =	ssyncset.s32 $0xFFFFF086  }
0x25: {  	[simem:s6], [sflag:s4] =	dma.local [hbm:s3], $0xF7A  }
0x26: {  	[smem:$0x3F9F] =	sst s1;
	(tag) =	ssettag s2;
	_ =	strace s9  }
0x27: {  	s1 =	sld [smem:$0x3FAF]  }
0x28: {  	s2 =	sld [smem:$0x3FB0]  }
0x29: {  	s4 =	sld [smem:$0x3FB2]  }
0x2a: {  	p0 =	seq.s32 s5, $0x0;
	s5 =	sld [smem:$0x3FB3]  }
0x2b: {  	s6 =	sld [smem:$0x3FB4]  }
0x2c: {  	s7 =	sld [smem:$0x3FB5]  }
0x2d: {  	s3 =	simm.s32 $0x108;
	s8 =	sld [smem:$0x3FB6]  }
0x2e: {  	s3 =	simm.s32 @!p0 $0x1082;
	s9 =	sld [smem:$0x3FB7]  }
0x2f: {  	lr =	sadd.s32 s0, s3;
	s0 =	sld [smem:$0x3FAE]  }
0x30: {  	s3 =	sld [smem:$0x3FB1]  }
0x31: {  	[smem:$0x3FBA] =	sst s10  }
0x32: {  	s10 =	sld [smem:$0x3FB8];
	_ =	sdelay $0x3  }
0x33: {  	p0 =	seq.s32 s10, $0x1;
	s10 =	sld [smem:$0x3FBA];
	_ =	sdelay $0x3  }
0x34: {  	[smem:$0x3FBA] =	sst s10  }
0x35: {  	s10 =	sld [smem:$0x3FB9];
	_ =	sdelay $0x3  }
0x36: {  	p1 =	seq.s32 s10, $0x1;
	s10 =	sld [smem:$0x3FBA];
	_ =	sdelay $0x3  }
0x37: {  	[smem:$0x3FBA] =	sst s10  }
0x38: {  	s10 =	sld [smem:$0x3FBB]  }
0x39: {  	_ = 	snop;
	(pc) =	sbr.ind lr, $3  }
0x3a: {  	_ = 	snop  }
0x3b: {  	_ = 	snop  }
0x3c: {  	p2 =	seq.s32 s10, $0x1;
	s10 =	sld [smem:$0x3FBA]  }
0x3d: {  	_ =	shalt  }
0x3e: {  	_ =	shalt  }
0x3f: {  	_ =	shalt  }
0x40: {  	_ =	shalt  }
0x41: {  	_ =	shalt  }
0x42: {  	_ =	shalt  }
0x43: {  	_ =	shalt  }
0x44: {  	_ =	shalt  }
0x45: {  	_ =	shalt  }
0x46: {  	_ =	shalt  }
0x47: {  	_ =	shalt  }
0x48: {  	_ =	shalt  }
0x49: {  	_ =	shalt  }
0x4a: {  	_ =	shalt  }
0x4b: {  	_ =	shalt  }
0x4c: {  	_ =	shalt  }
0x4d: {  	_ =	shalt  }
0x4e: {  	_ =	shalt  }
0x4f: {  	_ =	shalt  }
0x50: {  	_ =	shalt  }
0x51: {  	_ =	shalt  }
0x52: {  	_ =	shalt  }
0x53: {  	_ =	shalt  }
0x54: {  	_ =	shalt  }
0x55: {  	_ =	shalt  }
0x56: {  	_ =	shalt  }
0x57: {  	_ =	shalt  }
0x58: {  	_ =	shalt  }
0x59: {  	_ =	shalt  }
0x5a: {  	_ =	shalt  }
0x5b: {  	_ =	shalt  }
0x5c: {  	_ =	shalt  }
0x5d: {  	_ =	shalt  }
0x5e: {  	_ =	shalt  }
0x5f: {  	_ =	shalt  }
0x60: {  	_ =	shalt  }
0x61: {  	_ =	shalt  }
0x62: {  	_ =	shalt  }
0x63: {  	_ =	shalt  }
0x64: {  	_ =	shalt  }
0x65: {  	_ =	shalt  }
0x66: {  	_ =	shalt  }
0x67: {  	_ =	shalt  }
0x68: {  	_ =	shalt  }
0x69: {  	_ =	shalt  }
0x6a: {  	_ =	shalt  }
0x6b: {  	_ =	shalt  }
0x6c: {  	_ =	shalt  }
0x6d: {  	_ =	shalt  }
0x6e: {  	_ =	shalt  }
0x6f: {  	_ =	shalt  }
0x70: {  	_ =	shalt  }
0x71: {  	_ =	shalt  }
0x72: {  	_ =	shalt  }
0x73: {  	_ =	shalt  }
0x74: {  	_ =	shalt  }
0x75: {  	_ =	shalt  }
0x76: {  	_ =	shalt  }
0x77: {  	_ =	shalt  }
0x78: {  	_ =	shalt  }
0x79: {  	_ =	shalt  }
0x7a: {  	_ =	shalt  }
0x7b: {  	_ =	shalt  }
0x7c: {  	_ =	shalt  }
0x7d: {  	_ =	shalt  }
0x7e: {  	_ =	shalt  }
0x7f: {  	_ =	shalt  }
0x80: {  	_ =	shalt  }
0x81: {  	_ =	shalt  }
0x82: {  	_ =	shalt  }
0x83: {  	_ =	shalt  }
0x84: {  	_ =	shalt  }
0x85: {  	_ =	shalt  }
0x86: {  	_ =	shalt  }
0x87: {  	_ =	shalt  }
.Lfunc_end0:
.L_simem_size_0:
called_computation_lowered:
.L_overlay_start_0:
0x88: {  	s2 =	sld [smem:$0x3FD9]  }
0x89: {  	s3 =	sld [smem:$0x3FFE];
	_ =	sdelay $0x1  }
0x8a: {  	s1 =	srdreg.scid  }
0x8b: {  	s0 =	sand.u32 $0x1, s1  }
0x8c: {  	s17 =	sshll.u32 s0, $0xA;
	s2 =	sadd.s32 s3, s2  }
0x8d: {  	s2 =	sadd.s32 s2, s17  }
0x8e: {  	[smem:$0x3FC6] =	sst s2  }
0x8f: {  	_ = 	snop  }
0x90: {  	s2 =	sld [smem:$0x3FC9]  }
0x91: {  	s18 =	sld [smem:$0x3FC8]  }
0x92: {  	s4 =	sld [smem:$0x3FD0];
	(tm) =	ssettm $0x1  }
0x93: {  	s5 =	sld [smem:$0x3FFB];
	_ =	sdelay $0x3  }
0x94: {  	_ =	strace s5  }
0x95: {  	s5 =	sld [smem:$0x3FFC];
	_ =	sdelay $0x3  }
0x96: {  	_ =	strace s5  }
0x97: {  	s5 =	sld [smem:$0x3FFD];
	_ =	sdelay $0x3  }
0x98: {  	_ =	strace s5  }
0x99: {  	_ =	strace $0x8FFFFFFF  }
0x9a: {  	s19 =	sld [smem:$0x3FDB];
	_ =	sdelay $0x1  }
0x9b: {  	s6 =	simm.s32 $_scs_section_size  }
0x9c: {  	s7 =	simm.s32 $_size__tile_overlayer_lowered;
	s8 =	simm.s32 $_tile_overlayer_lowered  }
0x9d: {  	s22 =	simm.s32 $0x1BFF;
	s21 =	sshll.u32 s8, $0x1;
	s5 =	sadd.s32 s6, s19  }
0x9e: {  	s9 =	simm.s32 $0x0;
	s20 =	sshll.u32 s7, $0x1;
	s7 =	sadd.s32 s21, s5  }
0x9f: {  	[timem:s9], [sflag:s22] =	dma.local [hbm:s7], s20  }
0xa0: {  	_ =	swait.ge [sflag:s22], s20  }
0xa1: {  	s6 =	ssub.s32 $0x0, s20;
	[sflag:s22] =	ssyncset.done $0x0  }
0xa2: {  	[sflag:s22] =	ssyncadd.s32 s6;
	_ =	sdelay $0x1  }
0xa3: {  	s23 =	simm.s32 $0x1B8B  }
0xa4: {  	_ =	swait.ge [sflag:s23], $0x1  }
0xa5: {  	[sflag:s23] =	ssyncset.done $0x0  }
0xa6: {  	s25 =	simm.s32 $0x1B8E;
	s24 =	sld [smem:$0x3FFE];
	[sflag:s23] =	ssyncadd.s32 $0xFFFFFFFF  }
0xa7: {  	s26 =	simm.s32 $execute0_lowered;
	[smem:$0x3FD2] =	sst s25  }
0xa8: {  	s7 =	sshll.u32 s26, $0x1;
	_ =	strace $0x80000046;
	[dreg:$0x1] =	wrdreg $0xFFFFFFFF  }
0xa9: {  	s28 =	simm.s32 $_size_execute0_lowered;
	s5 =	sadd.s32 s5, s7;
	[dreg:$0x0] =	wrdreg $0x0  }
0xaa: {  	s7 =	sshll.u32 s28, $0x1;
	[dreg:$0x2] =	wrdreg s5  }
0xab: {  	[dreg:$0x3] =	wrdreg s7  }
0xac: {  	[dreg:$0x4] =	wrdreg $0xC0  }
0xad: {  	_ =	task [dreg:s9], $0x5FFFF  }
0xae: {  	[dreg:$0x1] =	wrdreg $0xFFFFFFFF  }
0xaf: {  	[dreg:$0x0] =	wrdreg $0x60  }
0xb0: {  	[dreg:$0x2] =	wrdreg s2  }
0xb1: {  	[dreg:$0x3] =	wrdreg s24  }
0xb2: {  	[dreg:$0x4] =	wrdreg s18  }
0xb3: {  	[dreg:$0x5] =	wrdreg s4  }
0xb4: {  	[dreg:$0x6] =	wrdreg $0x9  }
0xb5: {  	_ =	task.clear_ibuf [dreg:s9], $0x7FFFF;
	_ =	strace $0x90000046  }
0xb6: {  	s29 =	simm.s32 $0x9;
	_ =	strace $0x80000048  }
0xb7: {  	_ =	swait.ge [sflag:s29], $0x1  }
0xb8: {  	[sflag:s29] =	ssyncadd.s32 $0xFFFFFFFF  }
0xb9: {  	_ =	strace $0x90000048  }
0xba: {  	_ =	sfence  }
0xbb: {  	s30 =	sld [smem:$0x0];
	_ =	sdelay $0x2  }
0xbc: {  	s31 =	sshll.u32 s1, $0xD;
	s1 =	sshrl.u32 s1, $0x2  }
0xbd: {  	s3 =	sand.u32 $0x4000, s31;
	s1 =	sadd.s32 s1, s30  }
0xbe: {  	s0 =	sor.u32 s3, s0;
	s1 =	sshll.u32 s1, $0x11  }
0xbf: {  	s0 =	sor.u32 s1, s0  }
0xc0: {  	s0 =	sadd.s32 $0x8F2B, s0  }
0xc1: {  	[sflag:s0] =	ssyncadd.remote.s32 $0x1  }
0xc2: {  	_ =	sfence.sel $0xFFFF  }
0xc3: {  	[dreg:$0x0] =	wrdreg $0xFFFFFFFF;
	(pc) =	sbr.abs _section_cstart, $3  }
0xc4: {  	[dreg:$0x1] =	wrdreg $0xFFFFFFFF  }
0xc5: {  	_ =	task.clear_ibuf [dreg:s9], $0x2FFFF;
	_ =	strace $0x9FFFFFFF  }
0xc6: {  	(tm) =	ssettm $0x7FFFFFFF  }
0xc7: {  	_ =	shalt  }
tec
execute0_lowered:
.L_overlay_start_1:
0x0: {  	(tag) =	ssettag $0x1  }
0x1: {  	s0 =	rddreg [dreg:$0x0]  }
0x2: {  	s1 =	rddreg [dreg:$0x1]  }
0x3: {  	s2 =	rddreg [dreg:$0x2]  }
0x4: {  	s4 =	rddreg [dreg:$0x3];
	s9 =	stileid.u32  }
0x5: {  	s5 =	srdreg.scid;
	s3 =	simm.s32 $0x0;
	s19 =	simm.s32 $0x7  }
0x6: {  	s20 =	simm.s32 $0x80;
	s28 =	simm.s32 $0x8;
	s30 =	simm.s32 $0x14800  }
0x7: {  	s18 =	simm.s32 $0x4000;
	s29 =	simm.s32 $0x2;
	s31 =	simm.s32 $0x5  }
0x8: {  	s17 =	simm.s32 $0x3;
	s6 =	sshll.u32 s9, $0x1;
	s5 =	sand.u32 $0x1, s5  }
0x9: {  	[smem:$0x7FF] =	sst s3;
	s21 =	sshrl.u32 s9, $0x3;
	s6 =	sand.u32 $0xE, s6  }
0xa: {  	_ =	strace $0x80000047;
	s9 =	sshll.u32 s21, $0x4;
	s10 =	sshll.u32 s21, $0xC  }
0xb: {  	s23 =	sshll.u32 s21, $0x16;
	s21 =	simm.s32 $0x4800;
	s6 =	sor.u32 s5, s6  }
0xc: {  	s5 =	ssub.s32 $0x2, s5;
	s10 =	sadd.s32 s0, s10;
	s25 =	sor.u32 $0x8, s9  }
0xd: {  	s7 =	sshll.u32 s6, $0xB;
	s8 =	sshrl.u32 s5, $0x1;
	s22 =	sshll.u32 s6, $0x7  }
0xe: {  	s11 =	sshll.u32 s6, $0xE;
	s9 =	sshll.u32 s25, $0x8;
	s26 =	sshll.u32 s25, $0x12  }
0xf: {  	s25 =	simm.s32 $0x4;
	s1 =	sadd.s32 s7, s1;
	s5 =	ssub.s32 s5, s8  }
0x10: {  	s24 =	sadd.s32 s22, s10;
	s6 =	sor.u32 s23, s11;
	s0 =	sadd.s32 s0, s22  }
0x11: {  	s22 =	simm.s32 $0x8800;
	s23 =	simm.s32 $0x40000;
	[dreg:$0x5] =	wrdreg s24  }
0x12: {  	s6 =	sshrl.u32 s6, $0x3;
	s0 =	sadd.s32 s9, s0;
	s1 =	sadd.s32 $0x400, s1  }
0x13: {  	s16 =	smax.u32 s5, $0x1;
	s24 =	simm.s32 $0xC800;
	[dreg:$0x6] =	wrdreg s0  }
0x14: {  	s6 =	sadd.s32 s4, s6;
	[dreg:$0x7] =	wrdreg s1;
	s0 =	sor.u32 s11, s26  }
0x15: {  	s1 =	simm.s32 $0x1;
	s26 =	simm.s32 $0x0;
	s8 =	sadd.s32 $0x10000, s6  }
0x16: {  	s9 =	sadd.s32 $0x20000, s6;
	s10 =	sadd.s32 $0x30000, s6;
	s0 =	sshrl.u32 s0, $0x3  }
0x17: {  	s12 =	sadd.s32 $0x50000, s6;
	s13 =	sadd.s32 $0x60000, s6;
	s14 =	sadd.s32 $0x70000, s6  }
0x18: {  	s15 =	sadd.s32 $0x78000, s6;
	s11 =	sadd.s32 s4, s0;
	s4 =	simm.s32 $0x6  }
.LBB2_1:
0x19: {  	s0 =	rddreg [dreg:$0x5]  }
0x1a: {  	[tilespmem:s3], [sflag:$0x7] =	stream.linear.gather [hbm4b:s0+s3], $0x400, $0x38;
	[tilespmem:$0x1C800] =	vst v63  }
0x1b: {  	s7 =	rddreg [dreg:$0x6];
	s5 =	simm.s32 $0x400  }
0x1c: {  	[tilespmem:s5], [sflag:$0x7] =	stream.linear.gather [hbm4b:s7+s3], $0x400, $0x38;
	[tilespmem:$0x1C800] =	vst v63  }
0x1d: {  	s5 =	rddreg [dreg:$0x7];
	s7 =	simm.s32 $0x800  }
0x1e: {  	[tilespmem:s7], [sflag:$0x8] =	stream.linear.gather [hbm4b:s5+s3], $0x4000, $0x38;
	[tilespmem:$0x1C800] =	vst v63  }
0x1f: {  	_ =	swait.ge [sflag:s19], $0x400  }
0x20: {  	[sflag:s19] =	ssyncset.done $0x0  }
0x21: {  	[sflag:s19] =	ssyncadd.s32 $0xFFFFFC00  }
0x22: {  	[tilespmem:s21], [sflag:$0x1] =	stream.indirect.gather [hbm4b:s2+s20], $0x80, s3, s20, $0xb8;
	[tilespmem:$0x1C800] =	vst v63  }
0x23: {  	_ = 	snop  }
0x24: {  	[tilespmem:s22], [sflag:$0x1] =	stream.indirect.gather [hbm4b:s2+s20], $0x80, s20, s20, $0xb8;
	[tilespmem:$0x1C800] =	vst v63  }
0x25: {  	s7 =	simm.s32 $0x100  }
0x26: {  	[tilespmem:s24], [sflag:$0x2] =	stream.indirect.gather [hbm4b:s2+s20], $0x80, s7, s20, $0xb8;
	[tilespmem:$0x1C800] =	vst v63  }
0x27: {  	s5 =	simm.s32 $0x180;
	s7 =	simm.s32 $0x10800  }
0x28: {  	[tilespmem:s7], [sflag:$0x2] =	stream.indirect.gather [hbm4b:s2+s20], $0x80, s5, s20, $0xb8;
	[tilespmem:$0x1C800] =	vst v63  }
0x29: {  	_ =	swait.ge [sflag:s19], $0x400  }
0x2a: {  	[sflag:s19] =	ssyncset.done $0x0  }
0x2b: {  	[sflag:s19] =	ssyncadd.s32 $0xFFFFFC00  }
0x2c: {  	_ =	swait.ge [sflag:s28], $0x4000  }
0x2d: {  	[sflag:s28] =	ssyncset.done $0x0  }
0x2e: {  	s7 =	simm.s32 $0x200;
	[sflag:s28] =	ssyncadd.s32 $0xFFFFC000  }
0x2f: {  	[tilespmem:s30], [sflag:$0x3] =	stream.indirect.gather [hbm4b:s2+s20], $0x80, s7, s20, $0xb8;
	[tilespmem:$0x1C800] =	vst v63  }
0x30: {  	s5 =	simm.s32 $0x280;
	s7 =	simm.s32 $0x18800  }
0x31: {  	[tilespmem:s7], [sflag:$0x3] =	stream.indirect.gather [hbm4b:s2+s20], $0x80, s5, s20, $0xb8;
	[tilespmem:$0x1C800] =	vst v63  }
0x32: {  	_ =	swait.ge [sflag:s1], $0x4000  }
0x33: {  	[sflag:s1] =	ssyncset.done $0x0  }
0x34: {  	[sflag:s1] =	ssyncadd.s32 $0xFFFFC000  }
0x35: {  	_ =	swait.ge [sflag:s1], $0x4000  }
0x36: {  	[sflag:s1] =	ssyncset.done $0x0  }
0x37: {  	s5 =	simm.s32 $0x0;
	[sflag:s1] =	ssyncadd.s32 $0xFFFFC000  }
0x38: {  	v2 =	vld [tilespmem:s5+$0x800]  }
0x39: {  	v5 =	vld [tilespmem:s5+$0x810]  }
0x3a: {  	v1 =	vld [tilespmem:s5+$0x820]  }
0x3b: {  	v4 =	vld [tilespmem:s5+$0x8800]  }
0x3c: {  	v6 =	vld [tilespmem:s5+$0x4810]  }
0x3d: {  	v3 =	vld [tilespmem:s5+$0x4800]  }
0x3e: {  	v7 =	vld [tilespmem:s5+$0x8810]  }
0x3f: {  	v8 =	vld [tilespmem:s5+$0x4820]  }
0x40: {  	v0 =	vld [tilespmem:s5+$0x830];
	v4 =	vmul.f32 $1.131370830e+01, v4  }
0x41: {  	v9 =	vld [tilespmem:s5+$0x8820];
	v10 =	vshll.u32 v2, $0x10;
	v6 =	vmul.f32 $1.131370830e+01, v6  }
0x42: {  	v11 =	vld [tilespmem:s5+$0x4830];
	v3 =	vmul.f32 $1.131370830e+01, v3;
	v2 =	vand.u32 $0xFFFF0000, v2;
	v4 =	vadd.f32 v10, v4  }
0x43: {  	v12 =	vld [tilespmem:s5+$0x8830];
	v7 =	vmul.f32 $1.131370830e+01, v7;
	v6 =	vadd.f32 v2, v6  }
0x44: {  	v13 =	vld [tilespmem:s5+$0x4840];
	v3 =	vadd.f32 v10, v3;
	[tilespmem:s5+$0x8800] =	vst v4;
	v4 =	vmul.f32 $1.131370830e+01, v8  }
0x45: {  	v14 =	vld [tilespmem:s5+$0x8840];
	v7 =	vadd.f32 v2, v7;
	[tilespmem:s5+$0x4810] =	vst v6;
	v6 =	vshll.u32 v5, $0x10  }
0x46: {  	[tilespmem:s5+$0x4800] =	vst v3;
	v3 =	vld [tilespmem:s5+$0x4850];
	v8 =	vmul.f32 $1.131370830e+01, v9;
	v9 =	vadd.f32 v6, v4  }
0x47: {  	v2 =	vld [tilespmem:s5+$0x8850];
	[tilespmem:s5+$0x8810] =	vst v7;
	v7 =	vmul.f32 $1.131370830e+01, v11  }
0x48: {  	v4 =	vld [tilespmem:s5+$0x4860];
	v6 =	vadd.f32 v6, v8;
	v8 =	vand.u32 $0xFFFF0000, v5;
	[tilespmem:s5+$0x4820] =	vst v9;
	v9 =	vmul.f32 $1.131370830e+01, v12  }
0x49: {  	v11 =	vmul.f32 $1.131370830e+01, v13;
	v5 =	vld [tilespmem:s5+$0x8860];
	v10 =	vadd.f32 v8, v7  }
0x4a: {  	s7 =	simm.s32 $0x200;
	v7 =	vshll.u32 v1, $0x10;
	[tilespmem:s5+$0x8820] =	vst v6;
	v6 =	vld [tilespmem:s5+$0x4870];
	v8 =	vadd.f32 v8, v9;
	v9 =	vmul.f32 $1.131370830e+01, v14  }
.LBB2_2:
0x4b: {  	s0 =	sshra.s32 s7, $0x2;
	p0 =	sne.s32 s7, $0xFE00;
	[tilespmem:s5+$0x4830] =	vst v10;
	v10 =	vadd.f32 v7, v11;
	v3 =	vmul.f32 $1.131370830e+01, v3;
	v11 =	vld [tilespmem:s5+$0x8870]  }
0x4c: {  	v12 =	vld [tilespmem:s0+$0x800];
	[tilespmem:s5+$0x8830] =	vst v8;
	v8 =	vand.u32 $0xFFFF0000, v1;
	v7 =	vadd.f32 v7, v9;
	v2 =	vmul.f32 $1.131370830e+01, v2  }
0x4d: {  	v9 =	vld [tilespmem:s0+$0x810];
	[tilespmem:s5+$0x4840] =	vst v10;
	v3 =	vadd.f32 v8, v3;
	v4 =	vmul.f32 $1.131370830e+01, v4  }
0x4e: {  	v1 =	vld [tilespmem:s0+$0x820];
	[tilespmem:s5+$0x8840] =	vst v7;
	v2 =	vadd.f32 v8, v2;
	v7 =	vshll.u32 v0, $0x10;
	v5 =	vmul.f32 $1.131370830e+01, v5  }
0x4f: {  	v8 =	vld [tilespmem:s0+$0x830];
	[tilespmem:s5+$0x4850] =	vst v3;
	v3 =	vadd.f32 v7, v4;
	v4 =	vmul.f32 $1.131370830e+01, v6  }
0x50: {  	v0 =	vand.u32 $0xFFFF0000, v0;
	v6 =	vld [tilespmem:s0+$0x4800];
	[tilespmem:s5+$0x8850] =	vst v2;
	v2 =	vadd.f32 v7, v5;
	v5 =	vmul.f32 $1.131370830e+01, v11  }
0x51: {  	v7 =	vld [tilespmem:s0+$0x8800];
	[tilespmem:s5+$0x4860] =	vst v3;
	v3 =	vadd.f32 v0, v4  }
0x52: {  	v4 =	vld [tilespmem:s0+$0x4810];
	[tilespmem:s5+$0x8860] =	vst v2;
	v5 =	vadd.f32 v0, v5  }
0x53: {  	v2 =	vld [tilespmem:s0+$0x8810];
	[tilespmem:s5+$0x4870] =	vst v3  }
0x54: {  	v3 =	vld [tilespmem:s0+$0x4820];
	[tilespmem:s5+$0x8870] =	vst v5;
	v0 =	vmov v8;
	s5 =	smov.u32 s0  }
0x55: {  	v5 =	vmul.f32 $1.131370830e+01, v6;
	v6 =	vld [tilespmem:s5+$0x8820]  }
0x56: {  	v8 =	vshll.u32 v12, $0x10;
	v7 =	vmul.f32 $1.131370830e+01, v7;
	v10 =	vld [tilespmem:s5+$0x4830]  }
0x57: {  	v5 =	vadd.f32 v8, v5;
	v4 =	vmul.f32 $1.131370830e+01, v4;
	v11 =	vld [tilespmem:s5+$0x8830]  }
0x58: {  	v12 =	vand.u32 $0xFFFF0000, v12;
	v7 =	vadd.f32 v8, v7;
	v2 =	vmul.f32 $1.131370830e+01, v2;
	v8 =	vld [tilespmem:s5+$0x4840]  }
0x59: {  	[tilespmem:s5+$0x4800] =	vst v5;
	v4 =	vadd.f32 v12, v4;
	v5 =	vmul.f32 $1.131370830e+01, v3;
	v13 =	vld [tilespmem:s5+$0x8840]  }
.Ltmp0:
0x5a: {  	[tilespmem:s5+$0x8800] =	vst v7;
	v7 =	vadd.f32 v12, v2;
	v12 =	vshll.u32 v9, $0x10;
	v6 =	vmul.f32 $1.131370830e+01, v6;
	v3 =	vld [tilespmem:s5+$0x4850];
	(pc) =	sbr.rel @p0 .LBB2_2-.Ltmp0, $4  }
0x5b: {  	[tilespmem:s5+$0x4810] =	vst v4;
	v5 =	vadd.f32 v12, v5;
	v10 =	vmul.f32 $1.131370830e+01, v10;
	v2 =	vld [tilespmem:s5+$0x8850]  }
0x5c: {  	[tilespmem:s5+$0x8810] =	vst v7;
	v7 =	vand.u32 $0xFFFF0000, v9;
	v6 =	vadd.f32 v12, v6;
	v9 =	vmul.f32 $1.131370830e+01, v11;
	v4 =	vld [tilespmem:s5+$0x4860]  }
0x5d: {  	[tilespmem:s5+$0x4820] =	vst v5;
	v10 =	vadd.f32 v7, v10;
	v11 =	vmul.f32 $1.131370830e+01, v8;
	v5 =	vld [tilespmem:s5+$0x8860]  }
0x5e: {  	s7 =	sadd.s32 $0x200, s7;
	[tilespmem:s5+$0x8820] =	vst v6;
	v8 =	vadd.f32 v7, v9;
	v7 =	vshll.u32 v1, $0x10;
	v9 =	vmul.f32 $1.131370830e+01, v13;
	v6 =	vld [tilespmem:s5+$0x4870]  }
0x5f: {  	[tilespmem:s5+$0x4830] =	vst v10;
	v10 =	vadd.f32 v7, v11;
	v3 =	vmul.f32 $1.131370830e+01, v3;
	v11 =	vld [tilespmem:s5+$0x8870]  }
0x60: {  	v1 =	vand.u32 $0xFFFF0000, v1;
	[tilespmem:s5+$0x8830] =	vst v8;
	v7 =	vadd.f32 v7, v9;
	v2 =	vmul.f32 $1.131370830e+01, v2  }
0x61: {  	[tilespmem:s5+$0x4840] =	vst v10;
	v3 =	vadd.f32 v1, v3;
	v4 =	vmul.f32 $1.131370830e+01, v4  }
0x62: {  	[tilespmem:s5+$0x8840] =	vst v7;
	v1 =	vadd.f32 v1, v2;
	v2 =	vshll.u32 v0, $0x10;
	v5 =	vmul.f32 $1.131370830e+01, v5  }
0x63: {  	[tilespmem:s5+$0x4850] =	vst v3;
	v3 =	vadd.f32 v2, v4;
	v4 =	vmul.f32 $1.131370830e+01, v6  }
0x64: {  	v0 =	vand.u32 $0xFFFF0000, v0;
	[tilespmem:s5+$0x8850] =	vst v1;
	v1 =	vadd.f32 v2, v5;
	v2 =	vmul.f32 $1.131370830e+01, v11  }
0x65: {  	[tilespmem:s5+$0x4860] =	vst v3;
	v3 =	vadd.f32 v0, v4  }
0x66: {  	[tilespmem:s5+$0x8860] =	vst v1;
	v0 =	vadd.f32 v0, v2  }
0x67: {  	[tilespmem:s5+$0x4870] =	vst v3  }
0x68: {  	[tilespmem:s5+$0x8870] =	vst v0  }
0x69: {  	[hbm4b:s6+s18] =	stream.strided.scatter [tilespmem:s21], [sflag:$0x4], $0x8000, s23, s18, $0x38;
	[tilespmem:$0x1C800] =	vst v63  }
0x6a: {  	_ =	swait.ge [sflag:s25], $0x8000  }
0x6b: {  	[sflag:s25] =	ssyncset.done $0x0  }
0x6c: {  	s0 =	simm.s32 $0x300;
	[sflag:s25] =	ssyncadd.s32 $0xFFFF8000  }
0x6d: {  	[tilespmem:s21], [sflag:$0x1] =	stream.indirect.gather [hbm4b:s2+s20], $0x80, s0, s20, $0xb8;
	[tilespmem:$0x1C800] =	vst v63  }
0x6e: {  	s7 =	simm.s32 $0x380  }
0x6f: {  	[tilespmem:s22], [sflag:$0x1] =	stream.indirect.gather [hbm4b:s2+s20], $0x80, s7, s20, $0xb8;
	[tilespmem:$0x1C800] =	vst v63  }
0x70: {  	_ =	swait.ge [sflag:s29], $0x4000  }
0x71: {  	[sflag:s29] =	ssyncset.done $0x0  }
0x72: {  	[sflag:s29] =	ssyncadd.s32 $0xFFFFC000  }
0x73: {  	_ =	swait.ge [sflag:s29], $0x4000  }
0x74: {  	[sflag:s29] =	ssyncset.done $0x0  }
0x75: {  	s5 =	simm.s32 $0x0;
	[sflag:s29] =	ssyncadd.s32 $0xFFFFC000  }
0x76: {  	v2 =	vld [tilespmem:s5+$0x800]  }
0x77: {  	v5 =	vld [tilespmem:s5+$0x810]  }
0x78: {  	v1 =	vld [tilespmem:s5+$0x820]  }
0x79: {  	v4 =	vld [tilespmem:s5+$0x10800]  }
0x7a: {  	v6 =	vld [tilespmem:s5+$0xC810]  }
0x7b: {  	v3 =	vld [tilespmem:s5+$0xC800]  }
0x7c: {  	v7 =	vld [tilespmem:s5+$0x10810]  }
0x7d: {  	v8 =	vld [tilespmem:s5+$0xC820]  }
0x7e: {  	v0 =	vld [tilespmem:s5+$0x830];
	v4 =	vmul.f32 $1.131370830e+01, v4  }
0x7f: {  	v9 =	vld [tilespmem:s5+$0x10820];
	v10 =	vshll.u32 v2, $0x10;
	v6 =	vmul.f32 $1.131370830e+01, v6  }
0x80: {  	v11 =	vld [tilespmem:s5+$0xC830];
	v3 =	vmul.f32 $1.131370830e+01, v3;
	v2 =	vand.u32 $0xFFFF0000, v2;
	v4 =	vadd.f32 v10, v4  }
0x81: {  	v12 =	vld [tilespmem:s5+$0x10830];
	v7 =	vmul.f32 $1.131370830e+01, v7;
	v6 =	vadd.f32 v2, v6  }
0x82: {  	v13 =	vld [tilespmem:s5+$0xC840];
	v3 =	vadd.f32 v10, v3;
	[tilespmem:s5+$0x10800] =	vst v4;
	v4 =	vmul.f32 $1.131370830e+01, v8  }
0x83: {  	v14 =	vld [tilespmem:s5+$0x10840];
	v7 =	vadd.f32 v2, v7;
	[tilespmem:s5+$0xC810] =	vst v6;
	v6 =	vshll.u32 v5, $0x10  }
0x84: {  	[tilespmem:s5+$0xC800] =	vst v3;
	v3 =	vld [tilespmem:s5+$0xC850];
	v8 =	vmul.f32 $1.131370830e+01, v9;
	v9 =	vadd.f32 v6, v4  }
0x85: {  	v2 =	vld [tilespmem:s5+$0x10850];
	[tilespmem:s5+$0x10810] =	vst v7;
	v7 =	vmul.f32 $1.131370830e+01, v11  }
0x86: {  	v4 =	vld [tilespmem:s5+$0xC860];
	v6 =	vadd.f32 v6, v8;
	v8 =	vand.u32 $0xFFFF0000, v5;
	[tilespmem:s5+$0xC820] =	vst v9;
	v9 =	vmul.f32 $1.131370830e+01, v12  }
0x87: {  	v11 =	vmul.f32 $1.131370830e+01, v13;
	v5 =	vld [tilespmem:s5+$0x10860];
	v10 =	vadd.f32 v8, v7  }
0x88: {  	s7 =	simm.s32 $0x200;
	v7 =	vshll.u32 v1, $0x10;
	[tilespmem:s5+$0x10820] =	vst v6;
	v6 =	vld [tilespmem:s5+$0xC870];
	v8 =	vadd.f32 v8, v9;
	v9 =	vmul.f32 $1.131370830e+01, v14  }
.LBB2_4:
0x89: {  	s0 =	sshra.s32 s7, $0x2;
	p0 =	sne.s32 s7, $0xFE00;
	[tilespmem:s5+$0xC830] =	vst v10;
	v10 =	vadd.f32 v7, v11;
	v3 =	vmul.f32 $1.131370830e+01, v3;
	v11 =	vld [tilespmem:s5+$0x10870]  }
0x8a: {  	v12 =	vld [tilespmem:s0+$0x800];
	[tilespmem:s5+$0x10830] =	vst v8;
	v8 =	vand.u32 $0xFFFF0000, v1;
	v7 =	vadd.f32 v7, v9;
	v2 =	vmul.f32 $1.131370830e+01, v2  }
0x8b: {  	v9 =	vld [tilespmem:s0+$0x810];
	[tilespmem:s5+$0xC840] =	vst v10;
	v3 =	vadd.f32 v8, v3;
	v4 =	vmul.f32 $1.131370830e+01, v4  }
0x8c: {  	v1 =	vld [tilespmem:s0+$0x820];
	[tilespmem:s5+$0x10840] =	vst v7;
	v2 =	vadd.f32 v8, v2;
	v7 =	vshll.u32 v0, $0x10;
	v5 =	vmul.f32 $1.131370830e+01, v5  }
0x8d: {  	v8 =	vld [tilespmem:s0+$0x830];
	[tilespmem:s5+$0xC850] =	vst v3;
	v3 =	vadd.f32 v7, v4;
	v4 =	vmul.f32 $1.131370830e+01, v6  }
0x8e: {  	v0 =	vand.u32 $0xFFFF0000, v0;
	v6 =	vld [tilespmem:s0+$0xC800];
	[tilespmem:s5+$0x10850] =	vst v2;
	v2 =	vadd.f32 v7, v5;
	v5 =	vmul.f32 $1.131370830e+01, v11  }
0x8f: {  	v7 =	vld [tilespmem:s0+$0x10800];
	[tilespmem:s5+$0xC860] =	vst v3;
	v3 =	vadd.f32 v0, v4  }
0x90: {  	v4 =	vld [tilespmem:s0+$0xC810];
	[tilespmem:s5+$0x10860] =	vst v2;
	v5 =	vadd.f32 v0, v5  }
0x91: {  	v2 =	vld [tilespmem:s0+$0x10810];
	[tilespmem:s5+$0xC870] =	vst v3  }
0x92: {  	v3 =	vld [tilespmem:s0+$0xC820];
	[tilespmem:s5+$0x10870] =	vst v5;
	v0 =	vmov v8;
	s5 =	smov.u32 s0  }
0x93: {  	v5 =	vmul.f32 $1.131370830e+01, v6;
	v6 =	vld [tilespmem:s5+$0x10820]  }
0x94: {  	v8 =	vshll.u32 v12, $0x10;
	v7 =	vmul.f32 $1.131370830e+01, v7;
	v10 =	vld [tilespmem:s5+$0xC830]  }
0x95: {  	v5 =	vadd.f32 v8, v5;
	v4 =	vmul.f32 $1.131370830e+01, v4;
	v11 =	vld [tilespmem:s5+$0x10830]  }
0x96: {  	v12 =	vand.u32 $0xFFFF0000, v12;
	v7 =	vadd.f32 v8, v7;
	v2 =	vmul.f32 $1.131370830e+01, v2;
	v8 =	vld [tilespmem:s5+$0xC840]  }
0x97: {  	[tilespmem:s5+$0xC800] =	vst v5;
	v4 =	vadd.f32 v12, v4;
	v5 =	vmul.f32 $1.131370830e+01, v3;
	v13 =	vld [tilespmem:s5+$0x10840]  }
.Ltmp1:
0x98: {  	[tilespmem:s5+$0x10800] =	vst v7;
	v7 =	vadd.f32 v12, v2;
	v12 =	vshll.u32 v9, $0x10;
	v6 =	vmul.f32 $1.131370830e+01, v6;
	v3 =	vld [tilespmem:s5+$0xC850];
	(pc) =	sbr.rel @p0 .LBB2_4-.Ltmp1, $4  }
0x99: {  	[tilespmem:s5+$0xC810] =	vst v4;
	v5 =	vadd.f32 v12, v5;
	v10 =	vmul.f32 $1.131370830e+01, v10;
	v2 =	vld [tilespmem:s5+$0x10850]  }
0x9a: {  	[tilespmem:s5+$0x10810] =	vst v7;
	v7 =	vand.u32 $0xFFFF0000, v9;
	v6 =	vadd.f32 v12, v6;
	v9 =	vmul.f32 $1.131370830e+01, v11;
	v4 =	vld [tilespmem:s5+$0xC860]  }
0x9b: {  	[tilespmem:s5+$0xC820] =	vst v5;
	v10 =	vadd.f32 v7, v10;
	v11 =	vmul.f32 $1.131370830e+01, v8;
	v5 =	vld [tilespmem:s5+$0x10860]  }
0x9c: {  	s7 =	sadd.s32 $0x200, s7;
	[tilespmem:s5+$0x10820] =	vst v6;
	v8 =	vadd.f32 v7, v9;
	v7 =	vshll.u32 v1, $0x10;
	v9 =	vmul.f32 $1.131370830e+01, v13;
	v6 =	vld [tilespmem:s5+$0xC870]  }
0x9d: {  	[tilespmem:s5+$0xC830] =	vst v10;
	v10 =	vadd.f32 v7, v11;
	v3 =	vmul.f32 $1.131370830e+01, v3;
	v11 =	vld [tilespmem:s5+$0x10870]  }
0x9e: {  	v1 =	vand.u32 $0xFFFF0000, v1;
	[tilespmem:s5+$0x10830] =	vst v8;
	v7 =	vadd.f32 v7, v9;
	v2 =	vmul.f32 $1.131370830e+01, v2  }
0x9f: {  	[tilespmem:s5+$0xC840] =	vst v10;
	v3 =	vadd.f32 v1, v3;
	v4 =	vmul.f32 $1.131370830e+01, v4  }
0xa0: {  	[tilespmem:s5+$0x10840] =	vst v7;
	v1 =	vadd.f32 v1, v2;
	v2 =	vshll.u32 v0, $0x10;
	v5 =	vmul.f32 $1.131370830e+01, v5  }
0xa1: {  	[tilespmem:s5+$0xC850] =	vst v3;
	v3 =	vadd.f32 v2, v4;
	v4 =	vmul.f32 $1.131370830e+01, v6  }
0xa2: {  	v0 =	vand.u32 $0xFFFF0000, v0;
	[tilespmem:s5+$0x10850] =	vst v1;
	v1 =	vadd.f32 v2, v5;
	v2 =	vmul.f32 $1.131370830e+01, v11  }
0xa3: {  	[tilespmem:s5+$0xC860] =	vst v3;
	v3 =	vadd.f32 v0, v4  }
0xa4: {  	[tilespmem:s5+$0x10860] =	vst v1;
	v0 =	vadd.f32 v0, v2  }
0xa5: {  	[tilespmem:s5+$0xC870] =	vst v3  }
0xa6: {  	[tilespmem:s5+$0x10870] =	vst v0  }
0xa7: {  	[hbm4b:s8+s18] =	stream.strided.scatter [tilespmem:s24], [sflag:$0x5], $0x8000, s23, s18, $0x38;
	[tilespmem:$0x1C800] =	vst v63  }
0xa8: {  	_ =	swait.ge [sflag:s31], $0x8000  }
0xa9: {  	[sflag:s31] =	ssyncset.done $0x0  }
0xaa: {  	s0 =	simm.s32 $0x400;
	[sflag:s31] =	ssyncadd.s32 $0xFFFF8000  }
0xab: {  	[tilespmem:s24], [sflag:$0x2] =	stream.indirect.gather [hbm4b:s2+s20], $0x80, s0, s20, $0xb8;
	[tilespmem:$0x1C800] =	vst v63  }
0xac: {  	s7 =	simm.s32 $0x480;
	s5 =	simm.s32 $0x10800  }
0xad: {  	[tilespmem:s5], [sflag:$0x2] =	stream.indirect.gather [hbm4b:s2+s20], $0x80, s7, s20, $0xb8;
	[tilespmem:$0x1C800] =	vst v63  }
0xae: {  	_ =	swait.ge [sflag:s17], $0x4000  }
0xaf: {  	[sflag:s17] =	ssyncset.done $0x0  }
0xb0: {  	[sflag:s17] =	ssyncadd.s32 $0xFFFFC000  }
0xb1: {  	_ =	swait.ge [sflag:s17], $0x4000  }
0xb2: {  	[sflag:s17] =	ssyncset.done $0x0  }
0xb3: {  	s5 =	simm.s32 $0x0;
	[sflag:s17] =	ssyncadd.s32 $0xFFFFC000  }
0xb4: {  	v2 =	vld [tilespmem:s5+$0x800]  }
0xb5: {  	v5 =	vld [tilespmem:s5+$0x810]  }
0xb6: {  	v1 =	vld [tilespmem:s5+$0x820]  }
0xb7: {  	v4 =	vld [tilespmem:s5+$0x18800]  }
0xb8: {  	v6 =	vld [tilespmem:s5+$0x14810]  }
0xb9: {  	v3 =	vld [tilespmem:s5+$0x14800]  }
0xba: {  	v7 =	vld [tilespmem:s5+$0x18810]  }
0xbb: {  	v8 =	vld [tilespmem:s5+$0x14820]  }
0xbc: {  	v0 =	vld [tilespmem:s5+$0x830];
	v4 =	vmul.f32 $1.131370830e+01, v4  }
0xbd: {  	v9 =	vld [tilespmem:s5+$0x18820];
	v10 =	vshll.u32 v2, $0x10;
	v6 =	vmul.f32 $1.131370830e+01, v6  }
0xbe: {  	v11 =	vld [tilespmem:s5+$0x14830];
	v3 =	vmul.f32 $1.131370830e+01, v3;
	v2 =	vand.u32 $0xFFFF0000, v2;
	v4 =	vadd.f32 v10, v4  }
0xbf: {  	v12 =	vld [tilespmem:s5+$0x18830];
	v7 =	vmul.f32 $1.131370830e+01, v7;
	v6 =	vadd.f32 v2, v6  }
0xc0: {  	v13 =	vld [tilespmem:s5+$0x14840];
	v3 =	vadd.f32 v10, v3;
	[tilespmem:s5+$0x18800] =	vst v4;
	v4 =	vmul.f32 $1.131370830e+01, v8  }
0xc1: {  	v14 =	vld [tilespmem:s5+$0x18840];
	v7 =	vadd.f32 v2, v7;
	[tilespmem:s5+$0x14810] =	vst v6;
	v6 =	vshll.u32 v5, $0x10  }
0xc2: {  	[tilespmem:s5+$0x14800] =	vst v3;
	v3 =	vld [tilespmem:s5+$0x14850];
	v8 =	vmul.f32 $1.131370830e+01, v9;
	v9 =	vadd.f32 v6, v4  }
0xc3: {  	v2 =	vld [tilespmem:s5+$0x18850];
	[tilespmem:s5+$0x18810] =	vst v7;
	v7 =	vmul.f32 $1.131370830e+01, v11  }
0xc4: {  	v4 =	vld [tilespmem:s5+$0x14860];
	v6 =	vadd.f32 v6, v8;
	v8 =	vand.u32 $0xFFFF0000, v5;
	[tilespmem:s5+$0x14820] =	vst v9;
	v9 =	vmul.f32 $1.131370830e+01, v12  }
0xc5: {  	v11 =	vmul.f32 $1.131370830e+01, v13;
	v5 =	vld [tilespmem:s5+$0x18860];
	v10 =	vadd.f32 v8, v7  }
0xc6: {  	s7 =	simm.s32 $0x200;
	v7 =	vshll.u32 v1, $0x10;
	[tilespmem:s5+$0x18820] =	vst v6;
	v6 =	vld [tilespmem:s5+$0x14870];
	v8 =	vadd.f32 v8, v9;
	v9 =	vmul.f32 $1.131370830e+01, v14  }
.LBB2_6:
0xc7: {  	s0 =	sshra.s32 s7, $0x2;
	p0 =	sne.s32 s7, $0xFE00;
	[tilespmem:s5+$0x14830] =	vst v10;
	v10 =	vadd.f32 v7, v11;
	v3 =	vmul.f32 $1.131370830e+01, v3;
	v11 =	vld [tilespmem:s5+$0x18870]  }
0xc8: {  	v12 =	vld [tilespmem:s0+$0x800];
	[tilespmem:s5+$0x18830] =	vst v8;
	v8 =	vand.u32 $0xFFFF0000, v1;
	v7 =	vadd.f32 v7, v9;
	v2 =	vmul.f32 $1.131370830e+01, v2  }
0xc9: {  	v9 =	vld [tilespmem:s0+$0x810];
	[tilespmem:s5+$0x14840] =	vst v10;
	v3 =	vadd.f32 v8, v3;
	v4 =	vmul.f32 $1.131370830e+01, v4  }
0xca: {  	v1 =	vld [tilespmem:s0+$0x820];
	[tilespmem:s5+$0x18840] =	vst v7;
	v2 =	vadd.f32 v8, v2;
	v7 =	vshll.u32 v0, $0x10;
	v5 =	vmul.f32 $1.131370830e+01, v5  }
0xcb: {  	v8 =	vld [tilespmem:s0+$0x830];
	[tilespmem:s5+$0x14850] =	vst v3;
	v3 =	vadd.f32 v7, v4;
	v4 =	vmul.f32 $1.131370830e+01, v6  }
0xcc: {  	v0 =	vand.u32 $0xFFFF0000, v0;
	v6 =	vld [tilespmem:s0+$0x14800];
	[tilespmem:s5+$0x18850] =	vst v2;
	v2 =	vadd.f32 v7, v5;
	v5 =	vmul.f32 $1.131370830e+01, v11  }
0xcd: {  	v7 =	vld [tilespmem:s0+$0x18800];
	[tilespmem:s5+$0x14860] =	vst v3;
	v3 =	vadd.f32 v0, v4  }
0xce: {  	v4 =	vld [tilespmem:s0+$0x14810];
	[tilespmem:s5+$0x18860] =	vst v2;
	v5 =	vadd.f32 v0, v5  }
0xcf: {  	v2 =	vld [tilespmem:s0+$0x18810];
	[tilespmem:s5+$0x14870] =	vst v3  }
0xd0: {  	v3 =	vld [tilespmem:s0+$0x14820];
	[tilespmem:s5+$0x18870] =	vst v5;
	v0 =	vmov v8;
	s5 =	smov.u32 s0  }
0xd1: {  	v5 =	vmul.f32 $1.131370830e+01, v6;
	v6 =	vld [tilespmem:s5+$0x18820]  }
0xd2: {  	v8 =	vshll.u32 v12, $0x10;
	v7 =	vmul.f32 $1.131370830e+01, v7;
	v10 =	vld [tilespmem:s5+$0x14830]  }
0xd3: {  	v5 =	vadd.f32 v8, v5;
	v4 =	vmul.f32 $1.131370830e+01, v4;
	v11 =	vld [tilespmem:s5+$0x18830]  }
0xd4: {  	v12 =	vand.u32 $0xFFFF0000, v12;
	v7 =	vadd.f32 v8, v7;
	v2 =	vmul.f32 $1.131370830e+01, v2;
	v8 =	vld [tilespmem:s5+$0x14840]  }
0xd5: {  	[tilespmem:s5+$0x14800] =	vst v5;
	v4 =	vadd.f32 v12, v4;
	v5 =	vmul.f32 $1.131370830e+01, v3;
	v13 =	vld [tilespmem:s5+$0x18840]  }
.Ltmp2:
0xd6: {  	[tilespmem:s5+$0x18800] =	vst v7;
	v7 =	vadd.f32 v12, v2;
	v12 =	vshll.u32 v9, $0x10;
	v6 =	vmul.f32 $1.131370830e+01, v6;
	v3 =	vld [tilespmem:s5+$0x14850];
	(pc) =	sbr.rel @p0 .LBB2_6-.Ltmp2, $4  }
0xd7: {  	[tilespmem:s5+$0x14810] =	vst v4;
	v5 =	vadd.f32 v12, v5;
	v10 =	vmul.f32 $1.131370830e+01, v10;
	v2 =	vld [tilespmem:s5+$0x18850]  }
0xd8: {  	[tilespmem:s5+$0x18810] =	vst v7;
	v7 =	vand.u32 $0xFFFF0000, v9;
	v6 =	vadd.f32 v12, v6;
	v9 =	vmul.f32 $1.131370830e+01, v11;
	v4 =	vld [tilespmem:s5+$0x14860]  }
0xd9: {  	[tilespmem:s5+$0x14820] =	vst v5;
	v10 =	vadd.f32 v7, v10;
	v11 =	vmul.f32 $1.131370830e+01, v8;
	v5 =	vld [tilespmem:s5+$0x18860]  }
0xda: {  	s7 =	sadd.s32 $0x200, s7;
	[tilespmem:s5+$0x18820] =	vst v6;
	v8 =	vadd.f32 v7, v9;
	v7 =	vshll.u32 v1, $0x10;
	v9 =	vmul.f32 $1.131370830e+01, v13;
	v6 =	vld [tilespmem:s5+$0x14870]  }
0xdb: {  	[tilespmem:s5+$0x14830] =	vst v10;
	v10 =	vadd.f32 v7, v11;
	v3 =	vmul.f32 $1.131370830e+01, v3;
	v11 =	vld [tilespmem:s5+$0x18870]  }
0xdc: {  	v1 =	vand.u32 $0xFFFF0000, v1;
	[tilespmem:s5+$0x18830] =	vst v8;
	v7 =	vadd.f32 v7, v9;
	v2 =	vmul.f32 $1.131370830e+01, v2  }
0xdd: {  	[tilespmem:s5+$0x14840] =	vst v10;
	v3 =	vadd.f32 v1, v3;
	v4 =	vmul.f32 $1.131370830e+01, v4  }
0xde: {  	[tilespmem:s5+$0x18840] =	vst v7;
	v1 =	vadd.f32 v1, v2;
	v2 =	vshll.u32 v0, $0x10;
	v5 =	vmul.f32 $1.131370830e+01, v5  }
0xdf: {  	[tilespmem:s5+$0x14850] =	vst v3;
	v3 =	vadd.f32 v2, v4;
	v4 =	vmul.f32 $1.131370830e+01, v6  }
0xe0: {  	v0 =	vand.u32 $0xFFFF0000, v0;
	[tilespmem:s5+$0x18850] =	vst v1;
	v1 =	vadd.f32 v2, v5;
	v2 =	vmul.f32 $1.131370830e+01, v11  }
0xe1: {  	[tilespmem:s5+$0x14860] =	vst v3;
	v3 =	vadd.f32 v0, v4  }
0xe2: {  	[tilespmem:s5+$0x18860] =	vst v1;
	v0 =	vadd.f32 v0, v2  }
0xe3: {  	[tilespmem:s5+$0x14870] =	vst v3  }
0xe4: {  	[tilespmem:s5+$0x18870] =	vst v0  }
0xe5: {  	[hbm4b:s9+s18] =	stream.strided.scatter [tilespmem:s30], [sflag:$0x6], $0x8000, s23, s18, $0x38;
	[tilespmem:$0x1C800] =	vst v63  }
0xe6: {  	_ =	swait.ge [sflag:s4], $0x8000  }
0xe7: {  	[sflag:s4] =	ssyncset.done $0x0  }
0xe8: {  	s0 =	simm.s32 $0x500;
	[sflag:s4] =	ssyncadd.s32 $0xFFFF8000  }
0xe9: {  	[tilespmem:s30], [sflag:$0x3] =	stream.indirect.gather [hbm4b:s2+s20], $0x80, s0, s20, $0xb8;
	[tilespmem:$0x1C800] =	vst v63  }
0xea: {  	s7 =	simm.s32 $0x580;
	s5 =	simm.s32 $0x18800  }
0xeb: {  	[tilespmem:s5], [sflag:$0x3] =	stream.indirect.gather [hbm4b:s2+s20], $0x80, s7, s20, $0xb8;
	[tilespmem:$0x1C800] =	vst v63  }
0xec: {  	_ =	swait.ge [sflag:s1], $0x4000  }
0xed: {  	[sflag:s1] =	ssyncset.done $0x0  }
0xee: {  	[sflag:s1] =	ssyncadd.s32 $0xFFFFC000  }
0xef: {  	_ =	swait.ge [sflag:s1], $0x4000  }
0xf0: {  	[sflag:s1] =	ssyncset.done $0x0  }
0xf1: {  	s5 =	simm.s32 $0x0;
	[sflag:s1] =	ssyncadd.s32 $0xFFFFC000  }
0xf2: {  	v2 =	vld [tilespmem:s5+$0x800]  }
0xf3: {  	v5 =	vld [tilespmem:s5+$0x810]  }
0xf4: {  	v1 =	vld [tilespmem:s5+$0x820]  }
0xf5: {  	v4 =	vld [tilespmem:s5+$0x8800]  }
0xf6: {  	v6 =	vld [tilespmem:s5+$0x4810]  }
0xf7: {  	v3 =	vld [tilespmem:s5+$0x4800]  }
0xf8: {  	v7 =	vld [tilespmem:s5+$0x8810]  }
0xf9: {  	v8 =	vld [tilespmem:s5+$0x4820]  }
0xfa: {  	v0 =	vld [tilespmem:s5+$0x830];
	v4 =	vmul.f32 $1.131370830e+01, v4  }
0xfb: {  	v9 =	vld [tilespmem:s5+$0x8820];
	v10 =	vshll.u32 v2, $0x10;
	v6 =	vmul.f32 $1.131370830e+01, v6  }
0xfc: {  	v11 =	vld [tilespmem:s5+$0x4830];
	v3 =	vmul.f32 $1.131370830e+01, v3;
	v2 =	vand.u32 $0xFFFF0000, v2;
	v4 =	vadd.f32 v10, v4  }
0xfd: {  	v12 =	vld [tilespmem:s5+$0x8830];
	v7 =	vmul.f32 $1.131370830e+01, v7;
	v6 =	vadd.f32 v2, v6  }
0xfe: {  	v13 =	vld [tilespmem:s5+$0x4840];
	v3 =	vadd.f32 v10, v3;
	[tilespmem:s5+$0x8800] =	vst v4;
	v4 =	vmul.f32 $1.131370830e+01, v8  }
0xff: {  	v14 =	vld [tilespmem:s5+$0x8840];
	v7 =	vadd.f32 v2, v7;
	[tilespmem:s5+$0x4810] =	vst v6;
	v6 =	vshll.u32 v5, $0x10  }
0x100: {  	[tilespmem:s5+$0x4800] =	vst v3;
	v3 =	vld [tilespmem:s5+$0x4850];
	v8 =	vmul.f32 $1.131370830e+01, v9;
	v9 =	vadd.f32 v6, v4  }
0x101: {  	v2 =	vld [tilespmem:s5+$0x8850];
	[tilespmem:s5+$0x8810] =	vst v7;
	v7 =	vmul.f32 $1.131370830e+01, v11  }
0x102: {  	v4 =	vld [tilespmem:s5+$0x4860];
	v6 =	vadd.f32 v6, v8;
	v8 =	vand.u32 $0xFFFF0000, v5;
	[tilespmem:s5+$0x4820] =	vst v9;
	v9 =	vmul.f32 $1.131370830e+01, v12  }
0x103: {  	v11 =	vmul.f32 $1.131370830e+01, v13;
	v5 =	vld [tilespmem:s5+$0x8860];
	v10 =	vadd.f32 v8, v7  }
0x104: {  	s7 =	simm.s32 $0x200;
	v7 =	vshll.u32 v1, $0x10;
	[tilespmem:s5+$0x8820] =	vst v6;
	v6 =	vld [tilespmem:s5+$0x4870];
	v8 =	vadd.f32 v8, v9;
	v9 =	vmul.f32 $1.131370830e+01, v14  }
.LBB2_8:
0x105: {  	s0 =	sshra.s32 s7, $0x2;
	p0 =	sne.s32 s7, $0xFE00;
	[tilespmem:s5+$0x4830] =	vst v10;
	v10 =	vadd.f32 v7, v11;
	v3 =	vmul.f32 $1.131370830e+01, v3;
	v11 =	vld [tilespmem:s5+$0x8870]  }
0x106: {  	v12 =	vld [tilespmem:s0+$0x800];
	[tilespmem:s5+$0x8830] =	vst v8;
	v8 =	vand.u32 $0xFFFF0000, v1;
	v7 =	vadd.f32 v7, v9;
	v2 =	vmul.f32 $1.131370830e+01, v2  }
0x107: {  	v9 =	vld [tilespmem:s0+$0x810];
	[tilespmem:s5+$0x4840] =	vst v10;
	v3 =	vadd.f32 v8, v3;
	v4 =	vmul.f32 $1.131370830e+01, v4  }
0x108: {  	v1 =	vld [tilespmem:s0+$0x820];
	[tilespmem:s5+$0x8840] =	vst v7;
	v2 =	vadd.f32 v8, v2;
	v7 =	vshll.u32 v0, $0x10;
	v5 =	vmul.f32 $1.131370830e+01, v5  }
0x109: {  	v8 =	vld [tilespmem:s0+$0x830];
	[tilespmem:s5+$0x4850] =	vst v3;
	v3 =	vadd.f32 v7, v4;
	v4 =	vmul.f32 $1.131370830e+01, v6  }
0x10a: {  	v0 =	vand.u32 $0xFFFF0000, v0;
	v6 =	vld [tilespmem:s0+$0x4800];
	[tilespmem:s5+$0x8850] =	vst v2;
	v2 =	vadd.f32 v7, v5;
	v5 =	vmul.f32 $1.131370830e+01, v11  }
0x10b: {  	v7 =	vld [tilespmem:s0+$0x8800];
	[tilespmem:s5+$0x4860] =	vst v3;
	v3 =	vadd.f32 v0, v4  }
0x10c: {  	v4 =	vld [tilespmem:s0+$0x4810];
	[tilespmem:s5+$0x8860] =	vst v2;
	v5 =	vadd.f32 v0, v5  }
0x10d: {  	v2 =	vld [tilespmem:s0+$0x8810];
	[tilespmem:s5+$0x4870] =	vst v3  }
0x10e: {  	v3 =	vld [tilespmem:s0+$0x4820];
	[tilespmem:s5+$0x8870] =	vst v5;
	v0 =	vmov v8;
	s5 =	smov.u32 s0  }
0x10f: {  	v5 =	vmul.f32 $1.131370830e+01, v6;
	v6 =	vld [tilespmem:s5+$0x8820]  }
0x110: {  	v8 =	vshll.u32 v12, $0x10;
	v7 =	vmul.f32 $1.131370830e+01, v7;
	v10 =	vld [tilespmem:s5+$0x4830]  }
0x111: {  	v5 =	vadd.f32 v8, v5;
	v4 =	vmul.f32 $1.131370830e+01, v4;
	v11 =	vld [tilespmem:s5+$0x8830]  }
0x112: {  	v12 =	vand.u32 $0xFFFF0000, v12;
	v7 =	vadd.f32 v8, v7;
	v2 =	vmul.f32 $1.131370830e+01, v2;
	v8 =	vld [tilespmem:s5+$0x4840]  }
0x113: {  	[tilespmem:s5+$0x4800] =	vst v5;
	v4 =	vadd.f32 v12, v4;
	v5 =	vmul.f32 $1.131370830e+01, v3;
	v13 =	vld [tilespmem:s5+$0x8840]  }
.Ltmp3:
0x114: {  	[tilespmem:s5+$0x8800] =	vst v7;
	v7 =	vadd.f32 v12, v2;
	v12 =	vshll.u32 v9, $0x10;
	v6 =	vmul.f32 $1.131370830e+01, v6;
	v3 =	vld [tilespmem:s5+$0x4850];
	(pc) =	sbr.rel @p0 .LBB2_8-.Ltmp3, $4  }
0x115: {  	[tilespmem:s5+$0x4810] =	vst v4;
	v5 =	vadd.f32 v12, v5;
	v10 =	vmul.f32 $1.131370830e+01, v10;
	v2 =	vld [tilespmem:s5+$0x8850]  }
0x116: {  	[tilespmem:s5+$0x8810] =	vst v7;
	v7 =	vand.u32 $0xFFFF0000, v9;
	v6 =	vadd.f32 v12, v6;
	v9 =	vmul.f32 $1.131370830e+01, v11;
	v4 =	vld [tilespmem:s5+$0x4860]  }
0x117: {  	[tilespmem:s5+$0x4820] =	vst v5;
	v10 =	vadd.f32 v7, v10;
	v11 =	vmul.f32 $1.131370830e+01, v8;
	v5 =	vld [tilespmem:s5+$0x8860]  }
0x118: {  	s7 =	sadd.s32 $0x200, s7;
	[tilespmem:s5+$0x8820] =	vst v6;
	v8 =	vadd.f32 v7, v9;
	v7 =	vshll.u32 v1, $0x10;
	v9 =	vmul.f32 $1.131370830e+01, v13;
	v6 =	vld [tilespmem:s5+$0x4870]  }
0x119: {  	[tilespmem:s5+$0x4830] =	vst v10;
	v10 =	vadd.f32 v7, v11;
	v3 =	vmul.f32 $1.131370830e+01, v3;
	v11 =	vld [tilespmem:s5+$0x8870]  }
0x11a: {  	v1 =	vand.u32 $0xFFFF0000, v1;
	[tilespmem:s5+$0x8830] =	vst v8;
	v7 =	vadd.f32 v7, v9;
	v2 =	vmul.f32 $1.131370830e+01, v2  }
0x11b: {  	[tilespmem:s5+$0x4840] =	vst v10;
	v3 =	vadd.f32 v1, v3;
	v4 =	vmul.f32 $1.131370830e+01, v4  }
0x11c: {  	[tilespmem:s5+$0x8840] =	vst v7;
	v1 =	vadd.f32 v1, v2;
	v2 =	vshll.u32 v0, $0x10;
	v5 =	vmul.f32 $1.131370830e+01, v5  }
0x11d: {  	[tilespmem:s5+$0x4850] =	vst v3;
	v3 =	vadd.f32 v2, v4;
	v4 =	vmul.f32 $1.131370830e+01, v6  }
0x11e: {  	v0 =	vand.u32 $0xFFFF0000, v0;
	[tilespmem:s5+$0x8850] =	vst v1;
	v1 =	vadd.f32 v2, v5;
	v2 =	vmul.f32 $1.131370830e+01, v11  }
0x11f: {  	[tilespmem:s5+$0x4860] =	vst v3;
	v3 =	vadd.f32 v0, v4  }
0x120: {  	[tilespmem:s5+$0x8860] =	vst v1;
	v0 =	vadd.f32 v0, v2  }
0x121: {  	[tilespmem:s5+$0x4870] =	vst v3  }
0x122: {  	[tilespmem:s5+$0x8870] =	vst v0  }
0x123: {  	[hbm4b:s10+s18] =	stream.strided.scatter [tilespmem:s21], [sflag:$0x4], $0x8000, s23, s18, $0x38;
	[tilespmem:$0x1C800] =	vst v63  }
0x124: {  	_ =	swait.ge [sflag:s25], $0x8000  }
0x125: {  	[sflag:s25] =	ssyncset.done $0x0  }
0x126: {  	s0 =	simm.s32 $0x600;
	[sflag:s25] =	ssyncadd.s32 $0xFFFF8000  }
0x127: {  	[tilespmem:s21], [sflag:$0x1] =	stream.indirect.gather [hbm4b:s2+s20], $0x80, s0, s20, $0xb8;
	[tilespmem:$0x1C800] =	vst v63  }
0x128: {  	s7 =	simm.s32 $0x680  }
0x129: {  	[tilespmem:s22], [sflag:$0x1] =	stream.indirect.gather [hbm4b:s2+s20], $0x80, s7, s20, $0xb8;
	[tilespmem:$0x1C800] =	vst v63  }
0x12a: {  	_ =	swait.ge [sflag:s29], $0x4000  }
0x12b: {  	[sflag:s29] =	ssyncset.done $0x0  }
0x12c: {  	[sflag:s29] =	ssyncadd.s32 $0xFFFFC000  }
0x12d: {  	_ =	swait.ge [sflag:s29], $0x4000  }
0x12e: {  	[sflag:s29] =	ssyncset.done $0x0  }
0x12f: {  	s5 =	simm.s32 $0x0;
	[sflag:s29] =	ssyncadd.s32 $0xFFFFC000  }
0x130: {  	v2 =	vld [tilespmem:s5+$0x800]  }
0x131: {  	v5 =	vld [tilespmem:s5+$0x810]  }
0x132: {  	v1 =	vld [tilespmem:s5+$0x820]  }
0x133: {  	v4 =	vld [tilespmem:s5+$0x10800]  }
0x134: {  	v6 =	vld [tilespmem:s5+$0xC810]  }
0x135: {  	v3 =	vld [tilespmem:s5+$0xC800]  }
0x136: {  	v7 =	vld [tilespmem:s5+$0x10810]  }
0x137: {  	v8 =	vld [tilespmem:s5+$0xC820]  }
0x138: {  	v0 =	vld [tilespmem:s5+$0x830];
	v4 =	vmul.f32 $1.131370830e+01, v4  }
0x139: {  	v9 =	vld [tilespmem:s5+$0x10820];
	v10 =	vshll.u32 v2, $0x10;
	v6 =	vmul.f32 $1.131370830e+01, v6  }
0x13a: {  	v11 =	vld [tilespmem:s5+$0xC830];
	v3 =	vmul.f32 $1.131370830e+01, v3;
	v2 =	vand.u32 $0xFFFF0000, v2;
	v4 =	vadd.f32 v10, v4  }
0x13b: {  	v12 =	vld [tilespmem:s5+$0x10830];
	v7 =	vmul.f32 $1.131370830e+01, v7;
	v6 =	vadd.f32 v2, v6  }
0x13c: {  	v13 =	vld [tilespmem:s5+$0xC840];
	v3 =	vadd.f32 v10, v3;
	[tilespmem:s5+$0x10800] =	vst v4;
	v4 =	vmul.f32 $1.131370830e+01, v8  }
0x13d: {  	v14 =	vld [tilespmem:s5+$0x10840];
	v7 =	vadd.f32 v2, v7;
	[tilespmem:s5+$0xC810] =	vst v6;
	v6 =	vshll.u32 v5, $0x10  }
0x13e: {  	[tilespmem:s5+$0xC800] =	vst v3;
	v3 =	vld [tilespmem:s5+$0xC850];
	v8 =	vmul.f32 $1.131370830e+01, v9;
	v9 =	vadd.f32 v6, v4  }
0x13f: {  	v2 =	vld [tilespmem:s5+$0x10850];
	[tilespmem:s5+$0x10810] =	vst v7;
	v7 =	vmul.f32 $1.131370830e+01, v11  }
0x140: {  	v4 =	vld [tilespmem:s5+$0xC860];
	v6 =	vadd.f32 v6, v8;
	v8 =	vand.u32 $0xFFFF0000, v5;
	[tilespmem:s5+$0xC820] =	vst v9;
	v9 =	vmul.f32 $1.131370830e+01, v12  }
0x141: {  	v11 =	vmul.f32 $1.131370830e+01, v13;
	v5 =	vld [tilespmem:s5+$0x10860];
	v10 =	vadd.f32 v8, v7  }
0x142: {  	s7 =	simm.s32 $0x200;
	v7 =	vshll.u32 v1, $0x10;
	[tilespmem:s5+$0x10820] =	vst v6;
	v6 =	vld [tilespmem:s5+$0xC870];
	v8 =	vadd.f32 v8, v9;
	v9 =	vmul.f32 $1.131370830e+01, v14  }
.LBB2_10:
0x143: {  	s0 =	sshra.s32 s7, $0x2;
	p0 =	sne.s32 s7, $0xFE00;
	[tilespmem:s5+$0xC830] =	vst v10;
	v10 =	vadd.f32 v7, v11;
	v3 =	vmul.f32 $1.131370830e+01, v3;
	v11 =	vld [tilespmem:s5+$0x10870]  }
0x144: {  	v12 =	vld [tilespmem:s0+$0x800];
	[tilespmem:s5+$0x10830] =	vst v8;
	v8 =	vand.u32 $0xFFFF0000, v1;
	v7 =	vadd.f32 v7, v9;
	v2 =	vmul.f32 $1.131370830e+01, v2  }
0x145: {  	v9 =	vld [tilespmem:s0+$0x810];
	[tilespmem:s5+$0xC840] =	vst v10;
	v3 =	vadd.f32 v8, v3;
	v4 =	vmul.f32 $1.131370830e+01, v4  }
0x146: {  	v1 =	vld [tilespmem:s0+$0x820];
	[tilespmem:s5+$0x10840] =	vst v7;
	v2 =	vadd.f32 v8, v2;
	v7 =	vshll.u32 v0, $0x10;
	v5 =	vmul.f32 $1.131370830e+01, v5  }
0x147: {  	v8 =	vld [tilespmem:s0+$0x830];
	[tilespmem:s5+$0xC850] =	vst v3;
	v3 =	vadd.f32 v7, v4;
	v4 =	vmul.f32 $1.131370830e+01, v6  }
0x148: {  	v0 =	vand.u32 $0xFFFF0000, v0;
	v6 =	vld [tilespmem:s0+$0xC800];
	[tilespmem:s5+$0x10850] =	vst v2;
	v2 =	vadd.f32 v7, v5;
	v5 =	vmul.f32 $1.131370830e+01, v11  }
0x149: {  	v7 =	vld [tilespmem:s0+$0x10800];
	[tilespmem:s5+$0xC860] =	vst v3;
	v3 =	vadd.f32 v0, v4  }
0x14a: {  	v4 =	vld [tilespmem:s0+$0xC810];
	[tilespmem:s5+$0x10860] =	vst v2;
	v5 =	vadd.f32 v0, v5  }
0x14b: {  	v2 =	vld [tilespmem:s0+$0x10810];
	[tilespmem:s5+$0xC870] =	vst v3  }
0x14c: {  	v3 =	vld [tilespmem:s0+$0xC820];
	[tilespmem:s5+$0x10870] =	vst v5;
	v0 =	vmov v8;
	s5 =	smov.u32 s0  }
0x14d: {  	v5 =	vmul.f32 $1.131370830e+01, v6;
	v6 =	vld [tilespmem:s5+$0x10820]  }
0x14e: {  	v8 =	vshll.u32 v12, $0x10;
	v7 =	vmul.f32 $1.131370830e+01, v7;
	v10 =	vld [tilespmem:s5+$0xC830]  }
0x14f: {  	v5 =	vadd.f32 v8, v5;
	v4 =	vmul.f32 $1.131370830e+01, v4;
	v11 =	vld [tilespmem:s5+$0x10830]  }
0x150: {  	v12 =	vand.u32 $0xFFFF0000, v12;
	v7 =	vadd.f32 v8, v7;
	v2 =	vmul.f32 $1.131370830e+01, v2;
	v8 =	vld [tilespmem:s5+$0xC840]  }
0x151: {  	[tilespmem:s5+$0xC800] =	vst v5;
	v4 =	vadd.f32 v12, v4;
	v5 =	vmul.f32 $1.131370830e+01, v3;
	v13 =	vld [tilespmem:s5+$0x10840]  }
.Ltmp4:
0x152: {  	[tilespmem:s5+$0x10800] =	vst v7;
	v7 =	vadd.f32 v12, v2;
	v12 =	vshll.u32 v9, $0x10;
	v6 =	vmul.f32 $1.131370830e+01, v6;
	v3 =	vld [tilespmem:s5+$0xC850];
	(pc) =	sbr.rel @p0 .LBB2_10-.Ltmp4, $4  }
0x153: {  	[tilespmem:s5+$0xC810] =	vst v4;
	v5 =	vadd.f32 v12, v5;
	v10 =	vmul.f32 $1.131370830e+01, v10;
	v2 =	vld [tilespmem:s5+$0x10850]  }
0x154: {  	[tilespmem:s5+$0x10810] =	vst v7;
	v7 =	vand.u32 $0xFFFF0000, v9;
	v6 =	vadd.f32 v12, v6;
	v9 =	vmul.f32 $1.131370830e+01, v11;
	v4 =	vld [tilespmem:s5+$0xC860]  }
0x155: {  	[tilespmem:s5+$0xC820] =	vst v5;
	v10 =	vadd.f32 v7, v10;
	v11 =	vmul.f32 $1.131370830e+01, v8;
	v5 =	vld [tilespmem:s5+$0x10860]  }
0x156: {  	s7 =	sadd.s32 $0x200, s7;
	[tilespmem:s5+$0x10820] =	vst v6;
	v8 =	vadd.f32 v7, v9;
	v7 =	vshll.u32 v1, $0x10;
	v9 =	vmul.f32 $1.131370830e+01, v13;
	v6 =	vld [tilespmem:s5+$0xC870]  }
0x157: {  	[tilespmem:s5+$0xC830] =	vst v10;
	v10 =	vadd.f32 v7, v11;
	v3 =	vmul.f32 $1.131370830e+01, v3;
	v11 =	vld [tilespmem:s5+$0x10870]  }
0x158: {  	v1 =	vand.u32 $0xFFFF0000, v1;
	[tilespmem:s5+$0x10830] =	vst v8;
	v7 =	vadd.f32 v7, v9;
	v2 =	vmul.f32 $1.131370830e+01, v2  }
0x159: {  	[tilespmem:s5+$0xC840] =	vst v10;
	v3 =	vadd.f32 v1, v3;
	v4 =	vmul.f32 $1.131370830e+01, v4  }
0x15a: {  	[tilespmem:s5+$0x10840] =	vst v7;
	v1 =	vadd.f32 v1, v2;
	v2 =	vshll.u32 v0, $0x10;
	v5 =	vmul.f32 $1.131370830e+01, v5  }
0x15b: {  	[tilespmem:s5+$0xC850] =	vst v3;
	v3 =	vadd.f32 v2, v4;
	v4 =	vmul.f32 $1.131370830e+01, v6  }
0x15c: {  	v0 =	vand.u32 $0xFFFF0000, v0;
	[tilespmem:s5+$0x10850] =	vst v1;
	v1 =	vadd.f32 v2, v5;
	v2 =	vmul.f32 $1.131370830e+01, v11  }
0x15d: {  	[tilespmem:s5+$0xC860] =	vst v3;
	v3 =	vadd.f32 v0, v4  }
0x15e: {  	[tilespmem:s5+$0x10860] =	vst v1;
	v0 =	vadd.f32 v0, v2  }
0x15f: {  	[tilespmem:s5+$0xC870] =	vst v3  }
0x160: {  	[tilespmem:s5+$0x10870] =	vst v0  }
0x161: {  	[hbm4b:s11+s18] =	stream.strided.scatter [tilespmem:s24], [sflag:$0x5], $0x8000, s23, s18, $0x38;
	[tilespmem:$0x1C800] =	vst v63  }
0x162: {  	_ =	swait.ge [sflag:s31], $0x8000  }
0x163: {  	[sflag:s31] =	ssyncset.done $0x0  }
0x164: {  	s0 =	simm.s32 $0x700;
	[sflag:s31] =	ssyncadd.s32 $0xFFFF8000  }
0x165: {  	[tilespmem:s24], [sflag:$0x2] =	stream.indirect.gather [hbm4b:s2+s20], $0x80, s0, s20, $0xb8;
	[tilespmem:$0x1C800] =	vst v63  }
0x166: {  	_ =	swait.ge [sflag:s17], $0x4000  }
0x167: {  	[sflag:s17] =	ssyncset.done $0x0  }
0x168: {  	[sflag:s17] =	ssyncadd.s32 $0xFFFFC000  }
0x169: {  	_ =	swait.ge [sflag:s17], $0x4000  }
0x16a: {  	[sflag:s17] =	ssyncset.done $0x0  }
0x16b: {  	s5 =	simm.s32 $0x0;
	[sflag:s17] =	ssyncadd.s32 $0xFFFFC000  }
0x16c: {  	v2 =	vld [tilespmem:s5+$0x800]  }
0x16d: {  	v5 =	vld [tilespmem:s5+$0x810]  }
0x16e: {  	v1 =	vld [tilespmem:s5+$0x820]  }
0x16f: {  	v4 =	vld [tilespmem:s5+$0x18800]  }
0x170: {  	v6 =	vld [tilespmem:s5+$0x14810]  }
0x171: {  	v3 =	vld [tilespmem:s5+$0x14800]  }
0x172: {  	v7 =	vld [tilespmem:s5+$0x18810]  }
0x173: {  	v8 =	vld [tilespmem:s5+$0x14820]  }
0x174: {  	v0 =	vld [tilespmem:s5+$0x830];
	v4 =	vmul.f32 $1.131370830e+01, v4  }
0x175: {  	v9 =	vld [tilespmem:s5+$0x18820];
	v10 =	vshll.u32 v2, $0x10;
	v6 =	vmul.f32 $1.131370830e+01, v6  }
0x176: {  	v11 =	vld [tilespmem:s5+$0x14830];
	v3 =	vmul.f32 $1.131370830e+01, v3;
	v2 =	vand.u32 $0xFFFF0000, v2;
	v4 =	vadd.f32 v10, v4  }
0x177: {  	v12 =	vld [tilespmem:s5+$0x18830];
	v7 =	vmul.f32 $1.131370830e+01, v7;
	v6 =	vadd.f32 v2, v6  }
0x178: {  	v13 =	vld [tilespmem:s5+$0x14840];
	v3 =	vadd.f32 v10, v3;
	[tilespmem:s5+$0x18800] =	vst v4;
	v4 =	vmul.f32 $1.131370830e+01, v8  }
0x179: {  	v14 =	vld [tilespmem:s5+$0x18840];
	v7 =	vadd.f32 v2, v7;
	[tilespmem:s5+$0x14810] =	vst v6;
	v6 =	vshll.u32 v5, $0x10  }
0x17a: {  	[tilespmem:s5+$0x14800] =	vst v3;
	v3 =	vld [tilespmem:s5+$0x14850];
	v8 =	vmul.f32 $1.131370830e+01, v9;
	v9 =	vadd.f32 v6, v4  }
0x17b: {  	v2 =	vld [tilespmem:s5+$0x18850];
	[tilespmem:s5+$0x18810] =	vst v7;
	v7 =	vmul.f32 $1.131370830e+01, v11  }
0x17c: {  	v4 =	vld [tilespmem:s5+$0x14860];
	v6 =	vadd.f32 v6, v8;
	v8 =	vand.u32 $0xFFFF0000, v5;
	[tilespmem:s5+$0x14820] =	vst v9;
	v9 =	vmul.f32 $1.131370830e+01, v12  }
0x17d: {  	v11 =	vmul.f32 $1.131370830e+01, v13;
	v5 =	vld [tilespmem:s5+$0x18860];
	v10 =	vadd.f32 v8, v7  }
0x17e: {  	s7 =	simm.s32 $0x200;
	v7 =	vshll.u32 v1, $0x10;
	[tilespmem:s5+$0x18820] =	vst v6;
	v6 =	vld [tilespmem:s5+$0x14870];
	v8 =	vadd.f32 v8, v9;
	v9 =	vmul.f32 $1.131370830e+01, v14  }
.LBB2_12:
0x17f: {  	s0 =	sshra.s32 s7, $0x2;
	p0 =	sne.s32 s7, $0xFE00;
	[tilespmem:s5+$0x14830] =	vst v10;
	v10 =	vadd.f32 v7, v11;
	v3 =	vmul.f32 $1.131370830e+01, v3;
	v11 =	vld [tilespmem:s5+$0x18870]  }
0x180: {  	v12 =	vld [tilespmem:s0+$0x800];
	[tilespmem:s5+$0x18830] =	vst v8;
	v8 =	vand.u32 $0xFFFF0000, v1;
	v7 =	vadd.f32 v7, v9;
	v2 =	vmul.f32 $1.131370830e+01, v2  }
0x181: {  	v9 =	vld [tilespmem:s0+$0x810];
	[tilespmem:s5+$0x14840] =	vst v10;
	v3 =	vadd.f32 v8, v3;
	v4 =	vmul.f32 $1.131370830e+01, v4  }
0x182: {  	v1 =	vld [tilespmem:s0+$0x820];
	[tilespmem:s5+$0x18840] =	vst v7;
	v2 =	vadd.f32 v8, v2;
	v7 =	vshll.u32 v0, $0x10;
	v5 =	vmul.f32 $1.131370830e+01, v5  }
0x183: {  	v8 =	vld [tilespmem:s0+$0x830];
	[tilespmem:s5+$0x14850] =	vst v3;
	v3 =	vadd.f32 v7, v4;
	v4 =	vmul.f32 $1.131370830e+01, v6  }
0x184: {  	v0 =	vand.u32 $0xFFFF0000, v0;
	v6 =	vld [tilespmem:s0+$0x14800];
	[tilespmem:s5+$0x18850] =	vst v2;
	v2 =	vadd.f32 v7, v5;
	v5 =	vmul.f32 $1.131370830e+01, v11  }
0x185: {  	v7 =	vld [tilespmem:s0+$0x18800];
	[tilespmem:s5+$0x14860] =	vst v3;
	v3 =	vadd.f32 v0, v4  }
0x186: {  	v4 =	vld [tilespmem:s0+$0x14810];
	[tilespmem:s5+$0x18860] =	vst v2;
	v5 =	vadd.f32 v0, v5  }
0x187: {  	v2 =	vld [tilespmem:s0+$0x18810];
	[tilespmem:s5+$0x14870] =	vst v3  }
0x188: {  	v3 =	vld [tilespmem:s0+$0x14820];
	[tilespmem:s5+$0x18870] =	vst v5;
	v0 =	vmov v8;
	s5 =	smov.u32 s0  }
0x189: {  	v5 =	vmul.f32 $1.131370830e+01, v6;
	v6 =	vld [tilespmem:s5+$0x18820]  }
0x18a: {  	v8 =	vshll.u32 v12, $0x10;
	v7 =	vmul.f32 $1.131370830e+01, v7;
	v10 =	vld [tilespmem:s5+$0x14830]  }
0x18b: {  	v5 =	vadd.f32 v8, v5;
	v4 =	vmul.f32 $1.131370830e+01, v4;
	v11 =	vld [tilespmem:s5+$0x18830]  }
0x18c: {  	v12 =	vand.u32 $0xFFFF0000, v12;
	v7 =	vadd.f32 v8, v7;
	v2 =	vmul.f32 $1.131370830e+01, v2;
	v8 =	vld [tilespmem:s5+$0x14840]  }
0x18d: {  	[tilespmem:s5+$0x14800] =	vst v5;
	v4 =	vadd.f32 v12, v4;
	v5 =	vmul.f32 $1.131370830e+01, v3;
	v13 =	vld [tilespmem:s5+$0x18840]  }
.Ltmp5:
0x18e: {  	[tilespmem:s5+$0x18800] =	vst v7;
	v7 =	vadd.f32 v12, v2;
	v12 =	vshll.u32 v9, $0x10;
	v6 =	vmul.f32 $1.131370830e+01, v6;
	v3 =	vld [tilespmem:s5+$0x14850];
	(pc) =	sbr.rel @p0 .LBB2_12-.Ltmp5, $4  }
0x18f: {  	[tilespmem:s5+$0x14810] =	vst v4;
	v5 =	vadd.f32 v12, v5;
	v10 =	vmul.f32 $1.131370830e+01, v10;
	v2 =	vld [tilespmem:s5+$0x18850]  }
0x190: {  	[tilespmem:s5+$0x18810] =	vst v7;
	v7 =	vand.u32 $0xFFFF0000, v9;
	v6 =	vadd.f32 v12, v6;
	v9 =	vmul.f32 $1.131370830e+01, v11;
	v4 =	vld [tilespmem:s5+$0x14860]  }
0x191: {  	[tilespmem:s5+$0x14820] =	vst v5;
	v10 =	vadd.f32 v7, v10;
	v11 =	vmul.f32 $1.131370830e+01, v8;
	v5 =	vld [tilespmem:s5+$0x18860]  }
0x192: {  	s7 =	sadd.s32 $0x200, s7;
	[tilespmem:s5+$0x18820] =	vst v6;
	v8 =	vadd.f32 v7, v9;
	v7 =	vshll.u32 v1, $0x10;
	v9 =	vmul.f32 $1.131370830e+01, v13;
	v6 =	vld [tilespmem:s5+$0x14870]  }
0x193: {  	[tilespmem:s5+$0x14830] =	vst v10;
	v10 =	vadd.f32 v7, v11;
	v3 =	vmul.f32 $1.131370830e+01, v3;
	v11 =	vld [tilespmem:s5+$0x18870]  }
0x194: {  	v1 =	vand.u32 $0xFFFF0000, v1;
	[tilespmem:s5+$0x18830] =	vst v8;
	v7 =	vadd.f32 v7, v9;
	v2 =	vmul.f32 $1.131370830e+01, v2  }
0x195: {  	[tilespmem:s5+$0x14840] =	vst v10;
	v3 =	vadd.f32 v1, v3;
	v4 =	vmul.f32 $1.131370830e+01, v4  }
0x196: {  	[tilespmem:s5+$0x18840] =	vst v7;
	v1 =	vadd.f32 v1, v2;
	v2 =	vshll.u32 v0, $0x10;
	v5 =	vmul.f32 $1.131370830e+01, v5  }
0x197: {  	[tilespmem:s5+$0x14850] =	vst v3;
	v3 =	vadd.f32 v2, v4;
	v4 =	vmul.f32 $1.131370830e+01, v6  }
0x198: {  	v0 =	vand.u32 $0xFFFF0000, v0;
	[tilespmem:s5+$0x18850] =	vst v1;
	v1 =	vadd.f32 v2, v5;
	v2 =	vmul.f32 $1.131370830e+01, v11  }
0x199: {  	[tilespmem:s5+$0x14860] =	vst v3;
	v3 =	vadd.f32 v0, v4  }
0x19a: {  	[tilespmem:s5+$0x18860] =	vst v1;
	v0 =	vadd.f32 v0, v2  }
0x19b: {  	[tilespmem:s5+$0x14870] =	vst v3  }
0x19c: {  	[tilespmem:s5+$0x18870] =	vst v0  }
0x19d: {  	[hbm4b:s12+s18] =	stream.strided.scatter [tilespmem:s30], [sflag:$0x6], $0x8000, s23, s18, $0x38;
	[tilespmem:$0x1C800] =	vst v63  }
0x19e: {  	_ =	swait.ge [sflag:s4], $0x8000  }
0x19f: {  	[sflag:s4] =	ssyncset.done $0x0  }
0x1a0: {  	s0 =	simm.s32 $0x780;
	[sflag:s4] =	ssyncadd.s32 $0xFFFF8000  }
0x1a1: {  	[tilespmem:s30], [sflag:$0x3] =	stream.indirect.gather [hbm4b:s2+s20], $0x80, s0, s20, $0xb8;
	[tilespmem:$0x1C800] =	vst v63  }
0x1a2: {  	_ =	swait.ge [sflag:s1], $0x4000  }
0x1a3: {  	[sflag:s1] =	ssyncset.done $0x0  }
0x1a4: {  	[sflag:s1] =	ssyncadd.s32 $0xFFFFC000  }
0x1a5: {  	_ =	swait.ge [sflag:s1], $0x4000  }
0x1a6: {  	[sflag:s1] =	ssyncset.done $0x0  }
0x1a7: {  	s5 =	simm.s32 $0x0;
	[sflag:s1] =	ssyncadd.s32 $0xFFFFC000  }
0x1a8: {  	v2 =	vld [tilespmem:s5+$0x800]  }
0x1a9: {  	v5 =	vld [tilespmem:s5+$0x810]  }
0x1aa: {  	v1 =	vld [tilespmem:s5+$0x820]  }
0x1ab: {  	v4 =	vld [tilespmem:s5+$0x8800]  }
0x1ac: {  	v6 =	vld [tilespmem:s5+$0x4810]  }
0x1ad: {  	v3 =	vld [tilespmem:s5+$0x4800]  }
0x1ae: {  	v7 =	vld [tilespmem:s5+$0x8810]  }
0x1af: {  	v8 =	vld [tilespmem:s5+$0x4820]  }
0x1b0: {  	v0 =	vld [tilespmem:s5+$0x830];
	v4 =	vmul.f32 $1.131370830e+01, v4  }
0x1b1: {  	v9 =	vld [tilespmem:s5+$0x8820];
	v10 =	vshll.u32 v2, $0x10;
	v6 =	vmul.f32 $1.131370830e+01, v6  }
0x1b2: {  	v11 =	vld [tilespmem:s5+$0x4830];
	v3 =	vmul.f32 $1.131370830e+01, v3;
	v2 =	vand.u32 $0xFFFF0000, v2;
	v4 =	vadd.f32 v10, v4  }
0x1b3: {  	v12 =	vld [tilespmem:s5+$0x8830];
	v7 =	vmul.f32 $1.131370830e+01, v7;
	v6 =	vadd.f32 v2, v6  }
0x1b4: {  	v13 =	vld [tilespmem:s5+$0x4840];
	v3 =	vadd.f32 v10, v3;
	[tilespmem:s5+$0x8800] =	vst v4;
	v4 =	vmul.f32 $1.131370830e+01, v8  }
0x1b5: {  	v14 =	vld [tilespmem:s5+$0x8840];
	v7 =	vadd.f32 v2, v7;
	[tilespmem:s5+$0x4810] =	vst v6;
	v6 =	vshll.u32 v5, $0x10  }
0x1b6: {  	[tilespmem:s5+$0x4800] =	vst v3;
	v3 =	vld [tilespmem:s5+$0x4850];
	v8 =	vmul.f32 $1.131370830e+01, v9;
	v9 =	vadd.f32 v6, v4  }
0x1b7: {  	v2 =	vld [tilespmem:s5+$0x8850];
	[tilespmem:s5+$0x8810] =	vst v7;
	v7 =	vmul.f32 $1.131370830e+01, v11  }
0x1b8: {  	v4 =	vld [tilespmem:s5+$0x4860];
	v6 =	vadd.f32 v6, v8;
	v8 =	vand.u32 $0xFFFF0000, v5;
	[tilespmem:s5+$0x4820] =	vst v9;
	v9 =	vmul.f32 $1.131370830e+01, v12  }
0x1b9: {  	v11 =	vmul.f32 $1.131370830e+01, v13;
	v5 =	vld [tilespmem:s5+$0x8860];
	v10 =	vadd.f32 v8, v7  }
0x1ba: {  	s7 =	simm.s32 $0x200;
	v7 =	vshll.u32 v1, $0x10;
	[tilespmem:s5+$0x8820] =	vst v6;
	v6 =	vld [tilespmem:s5+$0x4870];
	v8 =	vadd.f32 v8, v9;
	v9 =	vmul.f32 $1.131370830e+01, v14  }
.LBB2_14:
0x1bb: {  	s0 =	sshra.s32 s7, $0x2;
	p0 =	sne.s32 s7, $0xFE00;
	[tilespmem:s5+$0x4830] =	vst v10;
	v10 =	vadd.f32 v7, v11;
	v3 =	vmul.f32 $1.131370830e+01, v3;
	v11 =	vld [tilespmem:s5+$0x8870]  }
0x1bc: {  	v12 =	vld [tilespmem:s0+$0x800];
	[tilespmem:s5+$0x8830] =	vst v8;
	v8 =	vand.u32 $0xFFFF0000, v1;
	v7 =	vadd.f32 v7, v9;
	v2 =	vmul.f32 $1.131370830e+01, v2  }
0x1bd: {  	v9 =	vld [tilespmem:s0+$0x810];
	[tilespmem:s5+$0x4840] =	vst v10;
	v3 =	vadd.f32 v8, v3;
	v4 =	vmul.f32 $1.131370830e+01, v4  }
0x1be: {  	v1 =	vld [tilespmem:s0+$0x820];
	[tilespmem:s5+$0x8840] =	vst v7;
	v2 =	vadd.f32 v8, v2;
	v7 =	vshll.u32 v0, $0x10;
	v5 =	vmul.f32 $1.131370830e+01, v5  }
0x1bf: {  	v8 =	vld [tilespmem:s0+$0x830];
	[tilespmem:s5+$0x4850] =	vst v3;
	v3 =	vadd.f32 v7, v4;
	v4 =	vmul.f32 $1.131370830e+01, v6  }
0x1c0: {  	v0 =	vand.u32 $0xFFFF0000, v0;
	v6 =	vld [tilespmem:s0+$0x4800];
	[tilespmem:s5+$0x8850] =	vst v2;
	v2 =	vadd.f32 v7, v5;
	v5 =	vmul.f32 $1.131370830e+01, v11  }
0x1c1: {  	v7 =	vld [tilespmem:s0+$0x8800];
	[tilespmem:s5+$0x4860] =	vst v3;
	v3 =	vadd.f32 v0, v4  }
0x1c2: {  	v4 =	vld [tilespmem:s0+$0x4810];
	[tilespmem:s5+$0x8860] =	vst v2;
	v5 =	vadd.f32 v0, v5  }
0x1c3: {  	v2 =	vld [tilespmem:s0+$0x8810];
	[tilespmem:s5+$0x4870] =	vst v3  }
0x1c4: {  	v3 =	vld [tilespmem:s0+$0x4820];
	[tilespmem:s5+$0x8870] =	vst v5;
	v0 =	vmov v8;
	s5 =	smov.u32 s0  }
0x1c5: {  	v5 =	vmul.f32 $1.131370830e+01, v6;
	v6 =	vld [tilespmem:s5+$0x8820]  }
0x1c6: {  	v8 =	vshll.u32 v12, $0x10;
	v7 =	vmul.f32 $1.131370830e+01, v7;
	v10 =	vld [tilespmem:s5+$0x4830]  }
0x1c7: {  	v5 =	vadd.f32 v8, v5;
	v4 =	vmul.f32 $1.131370830e+01, v4;
	v11 =	vld [tilespmem:s5+$0x8830]  }
0x1c8: {  	v12 =	vand.u32 $0xFFFF0000, v12;
	v7 =	vadd.f32 v8, v7;
	v2 =	vmul.f32 $1.131370830e+01, v2;
	v8 =	vld [tilespmem:s5+$0x4840]  }
0x1c9: {  	[tilespmem:s5+$0x4800] =	vst v5;
	v4 =	vadd.f32 v12, v4;
	v5 =	vmul.f32 $1.131370830e+01, v3;
	v13 =	vld [tilespmem:s5+$0x8840]  }
.Ltmp6:
0x1ca: {  	[tilespmem:s5+$0x8800] =	vst v7;
	v7 =	vadd.f32 v12, v2;
	v12 =	vshll.u32 v9, $0x10;
	v6 =	vmul.f32 $1.131370830e+01, v6;
	v3 =	vld [tilespmem:s5+$0x4850];
	(pc) =	sbr.rel @p0 .LBB2_14-.Ltmp6, $4  }
0x1cb: {  	[tilespmem:s5+$0x4810] =	vst v4;
	v5 =	vadd.f32 v12, v5;
	v10 =	vmul.f32 $1.131370830e+01, v10;
	v2 =	vld [tilespmem:s5+$0x8850]  }
0x1cc: {  	[tilespmem:s5+$0x8810] =	vst v7;
	v7 =	vand.u32 $0xFFFF0000, v9;
	v6 =	vadd.f32 v12, v6;
	v9 =	vmul.f32 $1.131370830e+01, v11;
	v4 =	vld [tilespmem:s5+$0x4860]  }
0x1cd: {  	[tilespmem:s5+$0x4820] =	vst v5;
	v10 =	vadd.f32 v7, v10;
	v11 =	vmul.f32 $1.131370830e+01, v8;
	v5 =	vld [tilespmem:s5+$0x8860]  }
0x1ce: {  	s7 =	sadd.s32 $0x200, s7;
	[tilespmem:s5+$0x8820] =	vst v6;
	v8 =	vadd.f32 v7, v9;
	v7 =	vshll.u32 v1, $0x10;
	v9 =	vmul.f32 $1.131370830e+01, v13;
	v6 =	vld [tilespmem:s5+$0x4870]  }
0x1cf: {  	[tilespmem:s5+$0x4830] =	vst v10;
	v10 =	vadd.f32 v7, v11;
	v3 =	vmul.f32 $1.131370830e+01, v3;
	v11 =	vld [tilespmem:s5+$0x8870]  }
0x1d0: {  	v1 =	vand.u32 $0xFFFF0000, v1;
	[tilespmem:s5+$0x8830] =	vst v8;
	v7 =	vadd.f32 v7, v9;
	v2 =	vmul.f32 $1.131370830e+01, v2  }
0x1d1: {  	[tilespmem:s5+$0x4840] =	vst v10;
	v3 =	vadd.f32 v1, v3;
	v4 =	vmul.f32 $1.131370830e+01, v4  }
0x1d2: {  	[tilespmem:s5+$0x8840] =	vst v7;
	v1 =	vadd.f32 v1, v2;
	v2 =	vshll.u32 v0, $0x10;
	v5 =	vmul.f32 $1.131370830e+01, v5  }
0x1d3: {  	[tilespmem:s5+$0x4850] =	vst v3;
	v3 =	vadd.f32 v2, v4;
	v4 =	vmul.f32 $1.131370830e+01, v6  }
0x1d4: {  	v0 =	vand.u32 $0xFFFF0000, v0;
	[tilespmem:s5+$0x8850] =	vst v1;
	v1 =	vadd.f32 v2, v5;
	v2 =	vmul.f32 $1.131370830e+01, v11  }
0x1d5: {  	[tilespmem:s5+$0x4860] =	vst v3;
	v3 =	vadd.f32 v0, v4  }
0x1d6: {  	[tilespmem:s5+$0x8860] =	vst v1;
	v0 =	vadd.f32 v0, v2  }
0x1d7: {  	[tilespmem:s5+$0x4870] =	vst v3  }
0x1d8: {  	[tilespmem:s5+$0x8870] =	vst v0  }
0x1d9: {  	[hbm4b:s13+s18] =	stream.strided.scatter [tilespmem:s21], [sflag:$0x4], $0x8000, s23, s18, $0x38;
	[tilespmem:$0x1C800] =	vst v63  }
0x1da: {  	_ =	swait.ge [sflag:s29], $0x4000  }
0x1db: {  	[sflag:s29] =	ssyncset.done $0x0  }
0x1dc: {  	s5 =	simm.s32 $0x0;
	[sflag:s29] =	ssyncadd.s32 $0xFFFFC000  }
0x1dd: {  	v2 =	vld [tilespmem:s5+$0x800]  }
0x1de: {  	v1 =	vld [tilespmem:s5+$0x810]  }
0x1df: {  	v3 =	vld [tilespmem:s5+$0x820]  }
0x1e0: {  	v0 =	vld [tilespmem:s5+$0x830]  }
0x1e1: {  	v4 =	vld [tilespmem:s5+$0xC800]  }
0x1e2: {  	v9 =	vld [tilespmem:s5+$0xC810]  }
0x1e3: {  	v8 =	vld [tilespmem:s5+$0xC820]  }
0x1e4: {  	v7 =	vld [tilespmem:s5+$0xC830]  }
0x1e5: {  	v6 =	vld [tilespmem:s5+$0xC840]  }
0x1e6: {  	v5 =	vld [tilespmem:s5+$0xC850];
	v10 =	vmul.f32 $1.131370830e+01, v4  }
0x1e7: {  	s7 =	simm.s32 $0x200;
	v11 =	vshll.u32 v2, $0x10;
	v9 =	vmul.f32 $1.131370830e+01, v9;
	v4 =	vld [tilespmem:s5+$0xC860]  }
.LBB2_16:
0x1e8: {  	s0 =	sshra.s32 s7, $0x2;
	p0 =	sne.s32 s7, $0xFE00;
	v12 =	vand.u32 $0xFFFF0000, v2;
	v10 =	vadd.f32 v11, v10;
	v8 =	vmul.f32 $1.131370830e+01, v8;
	v11 =	vld [tilespmem:s5+$0xC870]  }
0x1e9: {  	v2 =	vld [tilespmem:s0+$0x800];
	v9 =	vadd.f32 v12, v9;
	v12 =	vshll.u32 v1, $0x10;
	v7 =	vmul.f32 $1.131370830e+01, v7  }
0x1ea: {  	[tilespmem:s5+$0xC800] =	vst v10;
	v10 =	vand.u32 $0xFFFF0000, v1;
	v1 =	vld [tilespmem:s0+$0x810];
	v8 =	vadd.f32 v12, v8;
	v6 =	vmul.f32 $1.131370830e+01, v6  }
0x1eb: {  	v12 =	vld [tilespmem:s0+$0x820];
	[tilespmem:s5+$0xC810] =	vst v9;
	v7 =	vadd.f32 v10, v7;
	v9 =	vshll.u32 v3, $0x10;
	v5 =	vmul.f32 $1.131370830e+01, v5  }
0x1ec: {  	v3 =	vand.u32 $0xFFFF0000, v3;
	v10 =	vld [tilespmem:s0+$0x830];
	[tilespmem:s5+$0xC820] =	vst v8;
	v6 =	vadd.f32 v9, v6;
	v4 =	vmul.f32 $1.131370830e+01, v4  }
0x1ed: {  	v9 =	vld [tilespmem:s0+$0xC800];
	[tilespmem:s5+$0xC830] =	vst v7;
	v14 =	vadd.f32 v3, v5;
	v5 =	vshll.u32 v0, $0x10;
	v7 =	vmul.f32 $1.131370830e+01, v11  }
0x1ee: {  	v0 =	vand.u32 $0xFFFF0000, v0;
	v13 =	vld [tilespmem:s0+$0xC810];
	[tilespmem:s5+$0xC840] =	vst v6;
	v4 =	vadd.f32 v5, v4  }
.Ltmp7:
0x1ef: {  	v8 =	vld [tilespmem:s0+$0xC820];
	[tilespmem:s5+$0xC850] =	vst v14;
	v5 =	vadd.f32 v0, v7;
	(pc) =	sbr.rel @p0 .LBB2_16-.Ltmp7, $4  }
0x1f0: {  	v7 =	vld [tilespmem:s0+$0xC830];
	[tilespmem:s5+$0xC860] =	vst v4;
	v3 =	vmov v12  }
0x1f1: {  	v6 =	vld [tilespmem:s0+$0xC840];
	[tilespmem:s5+$0xC870] =	vst v5;
	v0 =	vmov v10;
	s5 =	smov.u32 s0  }
0x1f2: {  	v10 =	vmul.f32 $1.131370830e+01, v9;
	v5 =	vld [tilespmem:s5+$0xC850]  }
0x1f3: {  	s7 =	sadd.s32 $0x200, s7;
	v11 =	vshll.u32 v2, $0x10;
	v9 =	vmul.f32 $1.131370830e+01, v13;
	v4 =	vld [tilespmem:s5+$0xC860]  }
0x1f4: {  	v2 =	vand.u32 $0xFFFF0000, v2;
	v10 =	vadd.f32 v11, v10;
	v8 =	vmul.f32 $1.131370830e+01, v8;
	v11 =	vld [tilespmem:s5+$0xC870]  }
0x1f5: {  	v2 =	vadd.f32 v2, v9;
	v9 =	vshll.u32 v1, $0x10;
	v7 =	vmul.f32 $1.131370830e+01, v7  }
0x1f6: {  	v1 =	vand.u32 $0xFFFF0000, v1;
	[tilespmem:s5+$0xC800] =	vst v10;
	v8 =	vadd.f32 v9, v8;
	v6 =	vmul.f32 $1.131370830e+01, v6  }
0x1f7: {  	[tilespmem:s5+$0xC810] =	vst v2;
	v1 =	vadd.f32 v1, v7;
	v2 =	vshll.u32 v3, $0x10;
	v5 =	vmul.f32 $1.131370830e+01, v5  }
0x1f8: {  	v3 =	vand.u32 $0xFFFF0000, v3;
	[tilespmem:s5+$0xC820] =	vst v8;
	v2 =	vadd.f32 v2, v6;
	v4 =	vmul.f32 $1.131370830e+01, v4  }
0x1f9: {  	[tilespmem:s5+$0xC830] =	vst v1;
	v1 =	vadd.f32 v3, v5;
	v3 =	vshll.u32 v0, $0x10;
	v5 =	vmul.f32 $1.131370830e+01, v11  }
0x1fa: {  	v0 =	vand.u32 $0xFFFF0000, v0;
	[tilespmem:s5+$0xC840] =	vst v2;
	v2 =	vadd.f32 v3, v4  }
0x1fb: {  	[tilespmem:s5+$0xC850] =	vst v1;
	v0 =	vadd.f32 v0, v5  }
0x1fc: {  	[tilespmem:s5+$0xC860] =	vst v2  }
0x1fd: {  	s0 =	simm.s32 $0x0;
	[tilespmem:s5+$0xC870] =	vst v0  }
0x1fe: {  	[hbm4b:s14+s0] =	stream.linear.scatter [tilespmem:s24], [sflag:$0x5], $0x4000, $0x38;
	[tilespmem:$0x1C800] =	vst v63  }
0x1ff: {  	_ =	swait.ge [sflag:s17], $0x4000  }
0x200: {  	[sflag:s17] =	ssyncset.done $0x0  }
0x201: {  	s5 =	simm.s32 $0x0;
	[sflag:s17] =	ssyncadd.s32 $0xFFFFC000  }
0x202: {  	v2 =	vld [tilespmem:s5+$0x800]  }
0x203: {  	v1 =	vld [tilespmem:s5+$0x810]  }
0x204: {  	v3 =	vld [tilespmem:s5+$0x820]  }
0x205: {  	v0 =	vld [tilespmem:s5+$0x830]  }
0x206: {  	v4 =	vld [tilespmem:s5+$0x14800]  }
0x207: {  	v9 =	vld [tilespmem:s5+$0x14810]  }
0x208: {  	v8 =	vld [tilespmem:s5+$0x14820]  }
0x209: {  	v7 =	vld [tilespmem:s5+$0x14830]  }
0x20a: {  	v6 =	vld [tilespmem:s5+$0x14840]  }
0x20b: {  	v5 =	vld [tilespmem:s5+$0x14850];
	v10 =	vmul.f32 $1.131370830e+01, v4  }
0x20c: {  	s7 =	simm.s32 $0x200;
	v11 =	vshll.u32 v2, $0x10;
	v9 =	vmul.f32 $1.131370830e+01, v9;
	v4 =	vld [tilespmem:s5+$0x14860]  }
.LBB2_18:
0x20d: {  	s0 =	sshra.s32 s7, $0x2;
	p0 =	sne.s32 s7, $0xFE00;
	v12 =	vand.u32 $0xFFFF0000, v2;
	v10 =	vadd.f32 v11, v10;
	v8 =	vmul.f32 $1.131370830e+01, v8;
	v11 =	vld [tilespmem:s5+$0x14870]  }
0x20e: {  	v2 =	vld [tilespmem:s0+$0x800];
	v9 =	vadd.f32 v12, v9;
	v12 =	vshll.u32 v1, $0x10;
	v7 =	vmul.f32 $1.131370830e+01, v7  }
0x20f: {  	[tilespmem:s5+$0x14800] =	vst v10;
	v10 =	vand.u32 $0xFFFF0000, v1;
	v1 =	vld [tilespmem:s0+$0x810];
	v8 =	vadd.f32 v12, v8;
	v6 =	vmul.f32 $1.131370830e+01, v6  }
0x210: {  	v12 =	vld [tilespmem:s0+$0x820];
	[tilespmem:s5+$0x14810] =	vst v9;
	v7 =	vadd.f32 v10, v7;
	v9 =	vshll.u32 v3, $0x10;
	v5 =	vmul.f32 $1.131370830e+01, v5  }
0x211: {  	v3 =	vand.u32 $0xFFFF0000, v3;
	v10 =	vld [tilespmem:s0+$0x830];
	[tilespmem:s5+$0x14820] =	vst v8;
	v6 =	vadd.f32 v9, v6;
	v4 =	vmul.f32 $1.131370830e+01, v4  }
0x212: {  	v9 =	vld [tilespmem:s0+$0x14800];
	[tilespmem:s5+$0x14830] =	vst v7;
	v14 =	vadd.f32 v3, v5;
	v5 =	vshll.u32 v0, $0x10;
	v7 =	vmul.f32 $1.131370830e+01, v11  }
0x213: {  	v0 =	vand.u32 $0xFFFF0000, v0;
	v13 =	vld [tilespmem:s0+$0x14810];
	[tilespmem:s5+$0x14840] =	vst v6;
	v4 =	vadd.f32 v5, v4  }
.Ltmp8:
0x214: {  	v8 =	vld [tilespmem:s0+$0x14820];
	[tilespmem:s5+$0x14850] =	vst v14;
	v5 =	vadd.f32 v0, v7;
	(pc) =	sbr.rel @p0 .LBB2_18-.Ltmp8, $4  }
0x215: {  	v7 =	vld [tilespmem:s0+$0x14830];
	[tilespmem:s5+$0x14860] =	vst v4;
	v3 =	vmov v12  }
0x216: {  	v6 =	vld [tilespmem:s0+$0x14840];
	[tilespmem:s5+$0x14870] =	vst v5;
	v0 =	vmov v10;
	s5 =	smov.u32 s0  }
0x217: {  	v10 =	vmul.f32 $1.131370830e+01, v9;
	v5 =	vld [tilespmem:s5+$0x14850]  }
0x218: {  	s7 =	sadd.s32 $0x200, s7;
	v11 =	vshll.u32 v2, $0x10;
	v9 =	vmul.f32 $1.131370830e+01, v13;
	v4 =	vld [tilespmem:s5+$0x14860]  }
0x219: {  	v2 =	vand.u32 $0xFFFF0000, v2;
	v10 =	vadd.f32 v11, v10;
	v8 =	vmul.f32 $1.131370830e+01, v8;
	v54 =	vld [tilespmem:s5+$0x14870]  }
0x21a: {  	v55 =	vshll.u32 v1, $0x10;
	v2 =	vadd.f32 v2, v9;
	v7 =	vmul.f32 $1.131370830e+01, v7  }
0x21b: {  	v56 =	vand.u32 $0xFFFF0000, v1;
	[tilespmem:s5+$0x14800] =	vst v10;
	v8 =	vadd.f32 v55, v8;
	v6 =	vmul.f32 $1.131370830e+01, v6  }
0x21c: {  	v57 =	vshll.u32 v3, $0x10;
	[tilespmem:s5+$0x14810] =	vst v2;
	v1 =	vadd.f32 v56, v7;
	v5 =	vmul.f32 $1.131370830e+01, v5  }
0x21d: {  	v58 =	vand.u32 $0xFFFF0000, v3;
	[tilespmem:s5+$0x14820] =	vst v8;
	v2 =	vadd.f32 v57, v6;
	v4 =	vmul.f32 $1.131370830e+01, v4  }
0x21e: {  	v60 =	vshll.u32 v0, $0x10;
	[tilespmem:s5+$0x14830] =	vst v1;
	v59 =	vadd.f32 v58, v5;
	v61 =	vmul.f32 $1.131370830e+01, v54  }
0x21f: {  	v62 =	vand.u32 $0xFFFF0000, v0;
	[tilespmem:s5+$0x14840] =	vst v2;
	v63 =	vadd.f32 v60, v4  }
0x220: {  	[tilespmem:s5+$0x14850] =	vst v59;
	v0 =	vadd.f32 v62, v61  }
0x221: {  	[tilespmem:s5+$0x14860] =	vst v63  }
0x222: {  	[tilespmem:s5+$0x14870] =	vst v0  }
0x223: {  	[hbm4b:s15+s3] =	stream.linear.scatter [tilespmem:s30], [sflag:$0x6], $0x4000, $0x38;
	[tilespmem:$0x1C800] =	vst v63  }
0x224: {  	_ =	swait.ge [sflag:s25], $0x8000  }
0x225: {  	[sflag:s25] =	ssyncset.done $0x0  }
0x226: {  	s26 =	sadd.s32 $0x1, s26;
	[sflag:s25] =	ssyncadd.s32 $0xFFFF8000  }
0x227: {  	p0 =	sne.s32 s26, s16;
	_ =	swait.ge [sflag:s31], $0x4000  }
.Ltmp9:
0x228: {  	[sflag:s31] =	ssyncset.done $0x0;
	(pc) =	sbr.rel @p0 .LBB2_1-.Ltmp9, $4  }
0x229: {  	[sflag:s31] =	ssyncadd.s32 $0xFFFFC000  }
0x22a: {  	_ =	swait.ge [sflag:s4], $0x4000  }
0x22b: {  	[sflag:s4] =	ssyncset.done $0x0  }
0x22c: {  	[sflag:s4] =	ssyncadd.s32 $0xFFFFC000  }
0x22d: {  	_ =	sfence.sel $0x180000  }
0x22e: {  	[bflag:$0x0] =	sbarrier.arrive $0xFFFF  }
0x22f: {  	_ =	strace $0x90000047  }
0x230: {  	s0 =	stileid.u32;
	[bflag:$0x2] =	sbarrier.arrive $0xFFFF  }
0x231: {  	p0 =	sne.s32 s0, $0x0;
	s0 =	rddreg [dreg:$0x4]  }
0x232: {  	s0 =	sadd.s32 @!p0 $0x100000, s0  }
0x233: {  	[sflag:s0] =	ssyncadd.tile.s32 @!p0 $0x1;
	_ =	shalt  }
.Lfunc_end2:
_tile_overlayer_lowered:
.L_overlay_start_2:
0x234: {  	(tag) =	ssettag $0x2  }
0x235: {  	s0 =	rddreg [dreg:$0x0];
	s2 =	stileid.u32  }
0x236: {  	s1 =	rddreg [dreg:$0x1];
	p0 =	sne.s32 s2, $0x0  }
0x237: {  	s3 =	rddreg [dreg:$0x2];
	[bflag:$0x3] =	sbarrier.arrive $0xFFFF;
	s2 =	simm.s32 @!p0 $0x1C09  }
0x238: {  	[timem:s3], [sflag:s2] =	dma.local @!p0 [hbm:s0], s1  }
0x239: {  	s0 =	simm.s32 @!p0 $0x9  }
0x23a: {  	_ =	swait.ge @!p0 [sflag:s0], s1  }
0x23b: {  	s1 =	ssub.s32 @!p0 $0x0, s1;
	[sflag:s0] =	ssyncset.done @!p0 $0x0  }
0x23c: {  	[sflag:s0] =	ssyncadd.s32 @!p0 s1  }
0x23d: {  	[bflag:$0x3] =	sbarrier.arrive $0xFFFF  }
0x23e: {  	_ =	shalt  }

</sc_bundles>
